<compile_context>
chip_gen: v7x
topology: tpu7x:2x2x1
jax: 0.10.2.dev20260603
libtpu: 0.0.44.dev20260713+nightly
codegen_flags: <defaults>
</compile_context>

<pallas_src>
import jax
import jax.numpy as jnp
from jax import lax
from jax.experimental import pallas as pl
from jax.experimental.pallas import tpu as pltpu
from jax.experimental.pallas import tpu_sc as plsc

VOCAB = 400000
EMB_DIM = 100
HIDDEN = 128
NUM_CLASSES = 4
BATCH = 16384
SEQ = 200

NC = 2
NS = 16
NW = NC * NS

EMB_PAD = 128
IDX_COLS = 128
BLOCKS = BATCH // IDX_COLS
BLK_PER_W = BLOCKS // NW
PHASES = 2
PH_BLK = BLK_PER_W // PHASES
PH_SAMP = PH_BLK * IDX_COLS
ACCUM_ROWS = NS * PH_SAMP


def _make_oidx():
    import numpy as np
    w = np.arange(NW)[:, None, None]
    s = w % NS
    j = np.arange(PH_BLK)[None, :, None]
    i = np.arange(IDX_COLS)[None, None, :]
    oidx = (s * PH_SAMP + j * IDX_COLS + i).astype(np.int32)
    return oidx.reshape(NW * PH_BLK, IDX_COLS)


_OIDX = _make_oidx()


def _sc_pool(xw, zeros, oidx, table):
    mesh = plsc.VectorSubcoreMesh(core_axis_name="c", subcore_axis_name="s")
    K = 50
    U = 5
    ITERS = 2 * K // U
    NKB = SEQ // K

    def body(xw_hbm, zeros_hbm, oidx_hbm, table_hbm, sums_hbm,
             accum_sh, idx_v, out_idx_v, b0, b1, b2, b3, b4,
             gs0, gs1, gs2, gs3, gs4, ss0, ss1, ss2, ss3, ss4):
        c = lax.axis_index("c")
        s = lax.axis_index("s")
        w = c * NS + s
        pltpu.sync_copy(oidx_hbm.at[pl.ds(w * PH_BLK, PH_BLK)], out_idx_v)
        bufs = (b0, b1, b2, b3, b4)
        gs = (gs0, gs1, gs2, gs3, gs4)
        ss = (ss0, ss1, ss2, ss3, ss4)
        zrow = zeros_hbm.at[pl.ds(0, IDX_COLS)]

        def gather_unit(row, b):
            pltpu.async_copy(table_hbm.at[idx_v.at[row]], bufs[b], gs[b])

        def drain(sem):
            pltpu.make_async_copy(zrow, bufs[0], sem).wait()

        for p in range(PHASES):
            pltpu.sync_copy(zeros_hbm,
                            accum_sh.at[pl.ds(s * PH_SAMP, PH_SAMP)])
            xrow0 = (w * BLK_PER_W + p * PH_BLK) * SEQ
            for kb in range(NKB):
                pltpu.sync_copy(xw_hbm.at[pl.ds(xrow0 + kb * K, K)],
                                idx_v.at[pl.ds(0, K)])
                pltpu.sync_copy(xw_hbm.at[pl.ds(xrow0 + SEQ + kb * K, K)],
                                idx_v.at[pl.ds(K, K)])
                for r in range(U - 1):
                    gather_unit((r % 2) * K + r // 2, r)

                def step(g, carry):
                    for u in range(U):
                        q = U * g + u
                        drain(gs[u])
                        jq = lax.rem(q, 2)
                        pltpu.async_copy(bufs[u],
                                         accum_sh.at[out_idx_v.at[jq]],
                                         ss[u], add=True)
                        r = q + U - 1
                        vb = (u - 1) % U
                        row = lax.rem(r, 2) * K + r // 2

                        if u == 0:
                            @pl.when(g > 0)
                            def _():
                                drain(ss[vb])
                            gather_unit(row, vb)
                        else:
                            @pl.when(g < ITERS - 1)
                            def _():
                                drain(ss[vb])
                                gather_unit(row, vb)
                    return carry

                lax.fori_loop(0, ITERS, step, 0)
                for u in range(U):
                    drain(ss[u])
            pltpu.sync_copy(
                accum_sh.at[pl.ds(s * PH_SAMP, PH_SAMP)],
                sums_hbm.at[pl.ds(w * BLK_PER_W * IDX_COLS + p * PH_SAMP,
                                  PH_SAMP)])

    fn = pl.kernel(
        body,
        out_type=jax.ShapeDtypeStruct((BATCH, EMB_PAD), jnp.float32),
        mesh=mesh,
        compiler_params=pltpu.CompilerParams(use_tc_tiling_on_sc=False),
        scratch_types=[
            pltpu.VMEM_SHARED((ACCUM_ROWS, EMB_PAD), jnp.float32),
            pltpu.VMEM((PH_BLK * SEQ // 4, IDX_COLS), jnp.int32),
            pltpu.VMEM((PH_BLK, IDX_COLS), jnp.int32),
            pltpu.VMEM((IDX_COLS, EMB_PAD), jnp.float32),
            pltpu.VMEM((IDX_COLS, EMB_PAD), jnp.float32),
            pltpu.VMEM((IDX_COLS, EMB_PAD), jnp.float32),
            pltpu.VMEM((IDX_COLS, EMB_PAD), jnp.float32),
            pltpu.VMEM((IDX_COLS, EMB_PAD), jnp.float32),
        ] + [pltpu.SemaphoreType.DMA] * 10,
    )
    return fn(xw, zeros, oidx, table)


def _mlp_body(h_ref, w1_ref, b1_ref, w2_ref, b2_ref, o_ref):
    h = h_ref[...] * (1.0 / SEQ)
    a = jnp.dot(h, w1_ref[...], preferred_element_type=jnp.float32,
                precision=lax.Precision.HIGHEST)
    a = jnp.maximum(a + b1_ref[...], 0.0)
    o_ref[...] = jnp.dot(a, w2_ref[...], preferred_element_type=jnp.float32,
                         precision=lax.Precision.HIGHEST) + b2_ref[...]


def _tc_mlp(sums, W1, b1, W2, b2):
    blk = 2048
    grid = (BATCH // blk,)
    return pl.pallas_call(
        _mlp_body,
        grid=grid,
        in_specs=[
            pl.BlockSpec((blk, EMB_PAD), lambda i: (i, 0)),
            pl.BlockSpec((EMB_PAD, HIDDEN), lambda i: (0, 0)),
            pl.BlockSpec((1, HIDDEN), lambda i: (0, 0)),
            pl.BlockSpec((HIDDEN, NUM_CLASSES), lambda i: (0, 0)),
            pl.BlockSpec((1, NUM_CLASSES), lambda i: (0, 0)),
        ],
        out_specs=pl.BlockSpec((blk, NUM_CLASSES), lambda i: (i, 0)),
        out_shape=jax.ShapeDtypeStruct((BATCH, NUM_CLASSES), jnp.float32),
    )(sums, W1, b1.reshape(1, HIDDEN), W2, b2.reshape(1, NUM_CLASSES))


def kernel(x, table, W1, b1, W2, b2):
    xw = x.T.reshape(SEQ, BLOCKS, IDX_COLS).transpose(1, 0, 2)
    xw = xw.reshape(BLOCKS * SEQ, IDX_COLS)
    zeros = jnp.zeros((PH_SAMP, EMB_PAD), jnp.float32)
    table_pad = jnp.pad(table, ((0, 0), (0, EMB_PAD - EMB_DIM)))
    sums = _sc_pool(xw, zeros, jnp.asarray(_OIDX), table_pad)
    W1_pad = jnp.pad(W1, ((0, EMB_PAD - EMB_DIM), (0, 0)))
    return _tc_mlp(sums, W1_pad, b1, W2, b2)

# --- scband reference (transcript-rebuilt; emitter-appended) ---
"""Pipeline reference for scband-text-classifier-4183298146662 (READ-ONLY COPY).

The authoritative reference and input builder live on the scoring server;
editing this copy changes nothing except your own understanding.
"""

import jax, jax.numpy as jnp
import numpy as np

VOCAB = 400000
EMB_DIM = 100
HIDDEN = 128
NUM_CLASSES = 4
BATCH = 16384
SEQ = 200

def setup_inputs(seed: int = 0) -> dict:
    key = jax.random.key(seed)
    k1, k2, k3, k4, k5, k6 = jax.random.split(key, 6)
    x = jax.random.randint(k1, (BATCH, SEQ), 0, VOCAB, dtype=jnp.int32)
    table = jax.random.normal(k2, (VOCAB, EMB_DIM), dtype=jnp.float32)
    W1 = jax.random.normal(k3, (EMB_DIM, HIDDEN), dtype=jnp.float32) * (1.0 / np.sqrt(EMB_DIM))
    b1 = jnp.zeros((HIDDEN,), dtype=jnp.float32)
    W2 = jax.random.normal(k4, (HIDDEN, NUM_CLASSES), dtype=jnp.float32) * (1.0 / np.sqrt(HIDDEN))
    b2 = jnp.zeros((NUM_CLASSES,), dtype=jnp.float32)
    return {"x": x, "table": table, "W1": W1, "b1": b1, "W2": W2, "b2": b2}

def reference(x, table, W1, b1, W2, b2):
    # embedding lookup (gather)
    emb = jnp.take(table, x, axis=0)            # [B, S, D]
    h = jnp.mean(emb, axis=1)                   # [B, D]
    h = jnp.maximum(h @ W1 + b1, 0.0)           # fc1 + relu
    out = h @ W2 + b2                           # fc2
    return out

if __name__ == "__main__":
    import jax
    _d = setup_inputs()
    print(jax.jit(kernel)(*tuple(_d.values())))

</pallas_src>

<mosaic_0001>
#map = affine_map<(d0, d1) -> (0, 0)>
module attributes {stable_mosaic.version = 14 : i64} {
  func.func @body(%arg0: i32, %arg1: i32, %arg2: memref<25600x128xi32, #tpu.memory_space<hbm>>, %arg3: memref<256x128xf32, #tpu.memory_space<hbm>>, %arg4: memref<64x128xi32, #tpu.memory_space<hbm>>, %arg5: memref<400000x128xf32, #tpu.memory_space<hbm>>, %arg6: memref<16384x128xf32, #tpu.memory_space<hbm>>, %arg7: memref<4096x128xf32, #tpu.memory_space<vmem_shared>>, %arg8: memref<100x128xi32, #tpu.memory_space<vmem>>, %arg9: memref<2x128xi32, #tpu.memory_space<vmem>>, %arg10: memref<128x128xf32, #tpu.memory_space<vmem>>, %arg11: memref<128x128xf32, #tpu.memory_space<vmem>>, %arg12: memref<128x128xf32, #tpu.memory_space<vmem>>, %arg13: memref<128x128xf32, #tpu.memory_space<vmem>>, %arg14: memref<128x128xf32, #tpu.memory_space<vmem>>, %arg15: memref<!tpu.dma_semaphore, #tpu.memory_space<semaphore_mem>>, %arg16: memref<!tpu.dma_semaphore, #tpu.memory_space<semaphore_mem>>, %arg17: memref<!tpu.dma_semaphore, #tpu.memory_space<semaphore_mem>>, %arg18: memref<!tpu.dma_semaphore, #tpu.memory_space<semaphore_mem>>, %arg19: memref<!tpu.dma_semaphore, #tpu.memory_space<semaphore_mem>>, %arg20: memref<!tpu.dma_semaphore, #tpu.memory_space<semaphore_mem>>, %arg21: memref<!tpu.dma_semaphore, #tpu.memory_space<semaphore_mem>>, %arg22: memref<!tpu.dma_semaphore, #tpu.memory_space<semaphore_mem>>, %arg23: memref<!tpu.dma_semaphore, #tpu.memory_space<semaphore_mem>>, %arg24: memref<!tpu.dma_semaphore, #tpu.memory_space<semaphore_mem>>) attributes {dimension_semantics = [#tpu.dimension_semantics<core_parallel>, #tpu.dimension_semantics<subcore_parallel>], iteration_bounds = array<i64: 2, 16>, scalar_prefetch = 0 : i64, scratch_operands = 18 : i64, tpu.core_type = #tpu.core_type<sc_vector_subcore>, window_params = [{transform_indices = #map}, {transform_indices = #map}, {transform_indices = #map}, {transform_indices = #map}, {transform_indices = #map}]} {
    %mul3A = arith.constant 16 : i32
    %mul3A_0 = arith.muli %arg0, %mul3A : i32
    %add3A = arith.addi %mul3A_0, %arg1 : i32
    %mul3A_1 = arith.constant 2 : i32
    %mul3A_2 = arith.muli %add3A, %mul3A_1 : i32
    "tpu.region"() ({
      %run_scoped3A = tpu.sem_alloc : memref<!tpu.dma_semaphore, #tpu.memory_space<semaphore_mem>>
      %dma_start3A_592 = arith.constant 0 : i32
      %dma_start3A_593 = tpu.memref_slice %arg4[%mul3A_2, %dma_start3A_592] : memref<64x128xi32, #tpu.memory_space<hbm>> -> memref<2x128xi32, #tpu.memory_space<hbm>>
      %dma_start3A_594 = arith.constant 0 : i32
      %dma_start3A_595 = tpu.memref_slice %arg4[%mul3A_2, %dma_start3A_594] : memref<64x128xi32, #tpu.memory_space<hbm>> -> memref<2x128xi32, #tpu.memory_space<hbm>>
      tpu.enqueue_dma source(%dma_start3A_595 : memref<2x128xi32, #tpu.memory_space<hbm>>) target(%arg9 : memref<2x128xi32, #tpu.memory_space<vmem>>) target_semaphore(%run_scoped3A : memref<!tpu.dma_semaphore, #tpu.memory_space<semaphore_mem>>)
      %dma_wait3A_596 = arith.constant 0 : i32
      %dma_wait3A_597 = tpu.memref_slice %arg4[%mul3A_2, %dma_wait3A_596] : memref<64x128xi32, #tpu.memory_space<hbm>> -> memref<2x128xi32, #tpu.memory_space<hbm>>
      %dma_wait3A_598 = arith.constant 0 : i32
      %dma_wait3A_599 = tpu.memref_slice %arg4[%mul3A_2, %dma_wait3A_598] : memref<64x128xi32, #tpu.memory_space<hbm>> -> memref<2x128xi32, #tpu.memory_space<hbm>>
      tpu.wait_dma2 semaphore(%run_scoped3A : memref<!tpu.dma_semaphore, #tpu.memory_space<semaphore_mem>>) src(%dma_wait3A_599 : memref<2x128xi32, #tpu.memory_space<hbm>>) dst(%arg9 : memref<2x128xi32, #tpu.memory_space<vmem>>)
      tpu.yield
    }) : () -> ()
    %mul3A_3 = arith.constant 256 : i32
    %mul3A_4 = arith.muli %arg1, %mul3A_3 : i32
    "tpu.region"() ({
      %run_scoped3A = tpu.sem_alloc : memref<!tpu.dma_semaphore, #tpu.memory_space<semaphore_mem>>
      %dma_start3A_592 = arith.constant 0 : i32
      %dma_start3A_593 = tpu.memref_slice %arg7[%mul3A_4, %dma_start3A_592] : memref<4096x128xf32, #tpu.memory_space<vmem_shared>> -> memref<256x128xf32, #tpu.memory_space<vmem_shared>>
      tpu.enqueue_dma source(%arg3 : memref<256x128xf32, #tpu.memory_space<hbm>>) target(%dma_start3A_593 : memref<256x128xf32, #tpu.memory_space<vmem_shared>>) target_semaphore(%run_scoped3A : memref<!tpu.dma_semaphore, #tpu.memory_space<semaphore_mem>>)
      %dma_wait3A_594 = arith.constant 0 : i32
      %dma_wait3A_595 = tpu.memref_slice %arg7[%mul3A_4, %dma_wait3A_594] : memref<4096x128xf32, #tpu.memory_space<vmem_shared>> -> memref<256x128xf32, #tpu.memory_space<vmem_shared>>
      tpu.wait_dma2 semaphore(%run_scoped3A : memref<!tpu.dma_semaphore, #tpu.memory_space<semaphore_mem>>) src(%arg3 : memref<256x128xf32, #tpu.memory_space<hbm>>) dst(%dma_wait3A_595 : memref<256x128xf32, #tpu.memory_space<vmem_shared>>)
      tpu.yield
    }) : () -> ()
    %mul3A_5 = arith.constant 4 : i32
    %mul3A_6 = arith.muli %add3A, %mul3A_5 : i32
    %add3A_7 = arith.constant 0 : i32
    %add3A_8 = arith.addi %mul3A_6, %add3A_7 : i32
    %mul3A_9 = arith.constant 200 : i32
    %mul3A_10 = arith.muli %add3A_8, %mul3A_9 : i32
    %add3A_11 = arith.constant 0 : i32
    %add3A_12 = arith.addi %mul3A_10, %add3A_11 : i32
    "tpu.region"() ({
      %run_scoped3A = tpu.sem_alloc : memref<!tpu.dma_semaphore, #tpu.memory_space<semaphore_mem>>
      %dma_start3A_592 = arith.constant 0 : i32
      %dma_start3A_593 = arith.constant 0 : i32
      %dma_start3A_594 = tpu.memref_slice %arg8[%dma_start3A_592, %dma_start3A_593] : memref<100x128xi32, #tpu.memory_space<vmem>> -> memref<50x128xi32, #tpu.memory_space<vmem>>
      %dma_start3A_595 = arith.constant 0 : i32
      %dma_start3A_596 = tpu.memref_slice %arg2[%add3A_12, %dma_start3A_595] : memref<25600x128xi32, #tpu.memory_space<hbm>> -> memref<50x128xi32, #tpu.memory_space<hbm>>
      %dma_start3A_597 = arith.constant 0 : i32
      %dma_start3A_598 = arith.constant 0 : i32
      %dma_start3A_599 = tpu.memref_slice %arg8[%dma_start3A_597, %dma_start3A_598] : memref<100x128xi32, #tpu.memory_space<vmem>> -> memref<50x128xi32, #tpu.memory_space<vmem>>
      %dma_start3A_600 = arith.constant 0 : i32
      %dma_start3A_601 = tpu.memref_slice %arg2[%add3A_12, %dma_start3A_600] : memref<25600x128xi32, #tpu.memory_space<hbm>> -> memref<50x128xi32, #tpu.memory_space<hbm>>
      tpu.enqueue_dma source(%dma_start3A_601 : memref<50x128xi32, #tpu.memory_space<hbm>>) target(%dma_start3A_599 : memref<50x128xi32, #tpu.memory_space<vmem>>) target_semaphore(%run_scoped3A : memref<!tpu.dma_semaphore, #tpu.memory_space<semaphore_mem>>)
      %dma_wait3A_602 = arith.constant 0 : i32
      %dma_wait3A_603 = arith.constant 0 : i32
      %dma_wait3A_604 = tpu.memref_slice %arg8[%dma_wait3A_602, %dma_wait3A_603] : memref<100x128xi32, #tpu.memory_space<vmem>> -> memref<50x128xi32, #tpu.memory_space<vmem>>
      %dma_wait3A_605 = arith.constant 0 : i32
      %dma_wait3A_606 = tpu.memref_slice %arg2[%add3A_12, %dma_wait3A_605] : memref<25600x128xi32, #tpu.memory_space<hbm>> -> memref<50x128xi32, #tpu.memory_space<hbm>>
      %dma_wait3A_607 = arith.constant 0 : i32
      %dma_wait3A_608 = arith.constant 0 : i32
      %dma_wait3A_609 = tpu.memref_slice %arg8[%dma_wait3A_607, %dma_wait3A_608] : memref<100x128xi32, #tpu.memory_space<vmem>> -> memref<50x128xi32, #tpu.memory_space<vmem>>
      %dma_wait3A_610 = arith.constant 0 : i32
      %dma_wait3A_611 = tpu.memref_slice %arg2[%add3A_12, %dma_wait3A_610] : memref<25600x128xi32, #tpu.memory_space<hbm>> -> memref<50x128xi32, #tpu.memory_space<hbm>>
      tpu.wait_dma2 semaphore(%run_scoped3A : memref<!tpu.dma_semaphore, #tpu.memory_space<semaphore_mem>>) src(%dma_wait3A_611 : memref<50x128xi32, #tpu.memory_space<hbm>>) dst(%dma_wait3A_609 : memref<50x128xi32, #tpu.memory_space<vmem>>)
      tpu.yield
    }) : () -> ()
    %add3A_13 = arith.constant 200 : i32
    %add3A_14 = arith.addi %mul3A_10, %add3A_13 : i32
    %add3A_15 = arith.constant 0 : i32
    %add3A_16 = arith.addi %add3A_14, %add3A_15 : i32
    "tpu.region"() ({
      %run_scoped3A = tpu.sem_alloc : memref<!tpu.dma_semaphore, #tpu.memory_space<semaphore_mem>>
      %dma_start3A_592 = arith.constant 50 : i32
      %dma_start3A_593 = arith.constant 0 : i32
      %dma_start3A_594 = tpu.memref_slice %arg8[%dma_start3A_592, %dma_start3A_593] : memref<100x128xi32, #tpu.memory_space<vmem>> -> memref<50x128xi32, #tpu.memory_space<vmem>>
      %dma_start3A_595 = arith.constant 0 : i32
      %dma_start3A_596 = tpu.memref_slice %arg2[%add3A_16, %dma_start3A_595] : memref<25600x128xi32, #tpu.memory_space<hbm>> -> memref<50x128xi32, #tpu.memory_space<hbm>>
      %dma_start3A_597 = arith.constant 50 : i32
      %dma_start3A_598 = arith.constant 0 : i32
      %dma_start3A_599 = tpu.memref_slice %arg8[%dma_start3A_597, %dma_start3A_598] : memref<100x128xi32, #tpu.memory_space<vmem>> -> memref<50x128xi32, #tpu.memory_space<vmem>>
      %dma_start3A_600 = arith.constant 0 : i32
      %dma_start3A_601 = tpu.memref_slice %arg2[%add3A_16, %dma_start3A_600] : memref<25600x128xi32, #tpu.memory_space<hbm>> -> memref<50x128xi32, #tpu.memory_space<hbm>>
      tpu.enqueue_dma source(%dma_start3A_601 : memref<50x128xi32, #tpu.memory_space<hbm>>) target(%dma_start3A_599 : memref<50x128xi32, #tpu.memory_space<vmem>>) target_semaphore(%run_scoped3A : memref<!tpu.dma_semaphore, #tpu.memory_space<semaphore_mem>>)
      %dma_wait3A_602 = arith.constant 50 : i32
      %dma_wait3A_603 = arith.constant 0 : i32
      %dma_wait3A_604 = tpu.memref_slice %arg8[%dma_wait3A_602, %dma_wait3A_603] : memref<100x128xi32, #tpu.memory_space<vmem>> -> memref<50x128xi32, #tpu.memory_space<vmem>>
      %dma_wait3A_605 = arith.constant 0 : i32
      %dma_wait3A_606 = tpu.memref_slice %arg2[%add3A_16, %dma_wait3A_605] : memref<25600x128xi32, #tpu.memory_space<hbm>> -> memref<50x128xi32, #tpu.memory_space<hbm>>
      %dma_wait3A_607 = arith.constant 50 : i32
      %dma_wait3A_608 = arith.constant 0 : i32
      %dma_wait3A_609 = tpu.memref_slice %arg8[%dma_wait3A_607, %dma_wait3A_608] : memref<100x128xi32, #tpu.memory_space<vmem>> -> memref<50x128xi32, #tpu.memory_space<vmem>>
      %dma_wait3A_610 = arith.constant 0 : i32
      %dma_wait3A_611 = tpu.memref_slice %arg2[%add3A_16, %dma_wait3A_610] : memref<25600x128xi32, #tpu.memory_space<hbm>> -> memref<50x128xi32, #tpu.memory_space<hbm>>
      tpu.wait_dma2 semaphore(%run_scoped3A : memref<!tpu.dma_semaphore, #tpu.memory_space<semaphore_mem>>) src(%dma_wait3A_611 : memref<50x128xi32, #tpu.memory_space<hbm>>) dst(%dma_wait3A_609 : memref<50x128xi32, #tpu.memory_space<vmem>>)
      tpu.yield
    }) : () -> ()
    %dma_start3A = arith.constant 0 : i32
    %dma_start3A_17 = arith.constant 0 : i32
    %dma_start3A_18 = tpu.memref_slice %arg8[%dma_start3A, %dma_start3A_17] : memref<100x128xi32, #tpu.memory_space<vmem>> -> memref<1x128xi32, #tpu.memory_space<vmem>>
    %dma_start3A_19 = tpu.memref_squeeze %dma_start3A_18 : memref<1x128xi32, #tpu.memory_space<vmem>> -> memref<128xi32, #tpu.memory_space<vmem>>
    %dma_start3A_20 = arith.constant 0 : i32
    %dma_start3A_21 = arith.constant 0 : i32
    %dma_start3A_22 = tpu.memref_slice %arg5[%dma_start3A_20, %dma_start3A_21] : memref<400000x128xf32, #tpu.memory_space<hbm>> -> memref<400000x128xf32, #tpu.memory_space<hbm>>
    tpu.enqueue_indirect_dma source(%dma_start3A_22 : memref<400000x128xf32, #tpu.memory_space<hbm>>) target(%arg10 : memref<128x128xf32, #tpu.memory_space<vmem>>) offsets(%dma_start3A_19 : memref<128xi32, #tpu.memory_space<vmem>>) semaphore(%arg15 : memref<!tpu.dma_semaphore, #tpu.memory_space<semaphore_mem>>)
    %dma_start3A_23 = arith.constant 50 : i32
    %dma_start3A_24 = arith.constant 0 : i32
    %dma_start3A_25 = tpu.memref_slice %arg8[%dma_start3A_23, %dma_start3A_24] : memref<100x128xi32, #tpu.memory_space<vmem>> -> memref<1x128xi32, #tpu.memory_space<vmem>>
    %dma_start3A_26 = tpu.memref_squeeze %dma_start3A_25 : memref<1x128xi32, #tpu.memory_space<vmem>> -> memref<128xi32, #tpu.memory_space<vmem>>
    %dma_start3A_27 = arith.constant 0 : i32
    %dma_start3A_28 = arith.constant 0 : i32
    %dma_start3A_29 = tpu.memref_slice %arg5[%dma_start3A_27, %dma_start3A_28] : memref<400000x128xf32, #tpu.memory_space<hbm>> -> memref<400000x128xf32, #tpu.memory_space<hbm>>
    tpu.enqueue_indirect_dma source(%dma_start3A_29 : memref<400000x128xf32, #tpu.memory_space<hbm>>) target(%arg11 : memref<128x128xf32, #tpu.memory_space<vmem>>) offsets(%dma_start3A_26 : memref<128xi32, #tpu.memory_space<vmem>>) semaphore(%arg16 : memref<!tpu.dma_semaphore, #tpu.memory_space<semaphore_mem>>)
    %dma_start3A_30 = arith.constant 1 : i32
    %dma_start3A_31 = arith.constant 0 : i32
    %dma_start3A_32 = tpu.memref_slice %arg8[%dma_start3A_30, %dma_start3A_31] : memref<100x128xi32, #tpu.memory_space<vmem>> -> memref<1x128xi32, #tpu.memory_space<vmem>>
    %dma_start3A_33 = tpu.memref_squeeze %dma_start3A_32 : memref<1x128xi32, #tpu.memory_space<vmem>> -> memref<128xi32, #tpu.memory_space<vmem>>
    %dma_start3A_34 = arith.constant 0 : i32
    %dma_start3A_35 = arith.constant 0 : i32
    %dma_start3A_36 = tpu.memref_slice %arg5[%dma_start3A_34, %dma_start3A_35] : memref<400000x128xf32, #tpu.memory_space<hbm>> -> memref<400000x128xf32, #tpu.memory_space<hbm>>
    tpu.enqueue_indirect_dma source(%dma_start3A_36 : memref<400000x128xf32, #tpu.memory_space<hbm>>) target(%arg12 : memref<128x128xf32, #tpu.memory_space<vmem>>) offsets(%dma_start3A_33 : memref<128xi32, #tpu.memory_space<vmem>>) semaphore(%arg17 : memref<!tpu.dma_semaphore, #tpu.memory_space<semaphore_mem>>)
    %dma_start3A_37 = arith.constant 51 : i32
    %dma_start3A_38 = arith.constant 0 : i32
    %dma_start3A_39 = tpu.memref_slice %arg8[%dma_start3A_37, %dma_start3A_38] : memref<100x128xi32, #tpu.memory_space<vmem>> -> memref<1x128xi32, #tpu.memory_space<vmem>>
    %dma_start3A_40 = tpu.memref_squeeze %dma_start3A_39 : memref<1x128xi32, #tpu.memory_space<vmem>> -> memref<128xi32, #tpu.memory_space<vmem>>
    %dma_start3A_41 = arith.constant 0 : i32
    %dma_start3A_42 = arith.constant 0 : i32
    %dma_start3A_43 = tpu.memref_slice %arg5[%dma_start3A_41, %dma_start3A_42] : memref<400000x128xf32, #tpu.memory_space<hbm>> -> memref<400000x128xf32, #tpu.memory_space<hbm>>
    tpu.enqueue_indirect_dma source(%dma_start3A_43 : memref<400000x128xf32, #tpu.memory_space<hbm>>) target(%arg13 : memref<128x128xf32, #tpu.memory_space<vmem>>) offsets(%dma_start3A_40 : memref<128xi32, #tpu.memory_space<vmem>>) semaphore(%arg18 : memref<!tpu.dma_semaphore, #tpu.memory_space<semaphore_mem>>)
    %scan3A = arith.constant 0 : i32
    %scan3A_44 = arith.constant 0 : i32
    %scan3A_45 = arith.constant 20 : i32
    %scan3A_46 = arith.addi %scan3A_44, %scan3A_45 : i32
    %scan3A_47 = arith.constant 1 : i32
    scf.for %scan3A_592 = %scan3A_44 to %scan3A_46 step %scan3A_47  : i32 {
      %mul3A_593 = arith.constant 5 : i32
      %mul3A_594 = arith.muli %mul3A_593, %scan3A_592 : i32
      %add3A_595 = arith.constant 0 : i32
      %add3A_596 = arith.addi %mul3A_594, %add3A_595 : i32
      %dma_wait3A_597 = arith.constant 0 : i32
      %dma_wait3A_598 = arith.constant 0 : i32
      %dma_wait3A_599 = tpu.memref_slice %arg3[%dma_wait3A_597, %dma_wait3A_598] : memref<256x128xf32, #tpu.memory_space<hbm>> -> memref<128x128xf32, #tpu.memory_space<hbm>>
      %dma_wait3A_600 = arith.constant 0 : i32
      %dma_wait3A_601 = arith.constant 0 : i32
      %dma_wait3A_602 = tpu.memref_slice %arg3[%dma_wait3A_600, %dma_wait3A_601] : memref<256x128xf32, #tpu.memory_space<hbm>> -> memref<128x128xf32, #tpu.memory_space<hbm>>
      tpu.wait_dma2 semaphore(%arg15 : memref<!tpu.dma_semaphore, #tpu.memory_space<semaphore_mem>>) src(%dma_wait3A_602 : memref<128x128xf32, #tpu.memory_space<hbm>>) dst(%arg10 : memref<128x128xf32, #tpu.memory_space<vmem>>)
      %rem3A = arith.constant 2 : i32
      %rem3A_603 = arith.remsi %add3A_596, %rem3A : i32
      %dma_start3A_604 = arith.constant 0 : i32
      %dma_start3A_605 = tpu.memref_slice %arg9[%rem3A_603, %dma_start3A_604] : memref<2x128xi32, #tpu.memory_space<vmem>> -> memref<1x128xi32, #tpu.memory_space<vmem>>
      %dma_start3A_606 = tpu.memref_squeeze %dma_start3A_605 : memref<1x128xi32, #tpu.memory_space<vmem>> -> memref<128xi32, #tpu.memory_space<vmem>>
      %dma_start3A_607 = arith.constant 0 : i32
      %dma_start3A_608 = arith.constant 0 : i32
      %dma_start3A_609 = tpu.memref_slice %arg7[%dma_start3A_607, %dma_start3A_608] : memref<4096x128xf32, #tpu.memory_space<vmem_shared>> -> memref<4096x128xf32, #tpu.memory_space<vmem_shared>>
      tpu.enqueue_indirect_dma source(%arg10 : memref<128x128xf32, #tpu.memory_space<vmem>>) target(%dma_start3A_609 : memref<4096x128xf32, #tpu.memory_space<vmem_shared>>) offsets(%dma_start3A_606 : memref<128xi32, #tpu.memory_space<vmem>>) semaphore(%arg20 : memref<!tpu.dma_semaphore, #tpu.memory_space<semaphore_mem>>) {add = true}
      %add3A_610 = arith.constant 5 : i32
      %add3A_611 = arith.addi %add3A_596, %add3A_610 : i32
      %sub3A = arith.constant 1 : i32
      %sub3A_612 = arith.subi %add3A_611, %sub3A : i32
      %rem3A_613 = arith.constant 2 : i32
      %rem3A_614 = arith.remsi %sub3A_612, %rem3A_613 : i32
      %mul3A_615 = arith.constant 50 : i32
      %mul3A_616 = arith.muli %rem3A_614, %mul3A_615 : i32
      %jit3A = arith.constant 2 : i32
      %div3A = arith.divsi %sub3A_612, %jit3A : i32
      %sign3A = arith.constant 0 : i32
      %sign3A_617 = arith.cmpi sgt, %sub3A_612, %sign3A : i32
      %sign3A_618 = arith.extui %sign3A_617 : i1 to i32
      %sign3A_619 = arith.constant 0 : i32
      %sign3A_620 = arith.cmpi slt, %sub3A_612, %sign3A_619 : i32
      %sign3A_621 = arith.extui %sign3A_620 : i1 to i32
      %sign3A_622 = arith.subi %sign3A_618, %sign3A_621 : i32
      %sign3A_623 = arith.constant 0 : i32
      %sign3A_624 = arith.cmpi sgt, %jit3A, %sign3A_623 : i32
      %sign3A_625 = arith.extui %sign3A_624 : i1 to i32
      %sign3A_626 = arith.constant 0 : i32
      %sign3A_627 = arith.cmpi slt, %jit3A, %sign3A_626 : i32
      %sign3A_628 = arith.extui %sign3A_627 : i1 to i32
      %sign3A_629 = arith.subi %sign3A_625, %sign3A_628 : i32
      %ne3A = arith.cmpi ne, %sign3A_622, %sign3A_629 : i32
      %rem3A_630 = arith.remsi %sub3A_612, %jit3A : i32
      %ne3A_631 = arith.constant 0 : i32
      %ne3A_632 = arith.cmpi ne, %rem3A_630, %ne3A_631 : i32
      %and3A = arith.andi %ne3A, %ne3A_632 : i1
      %sub3A_633 = arith.constant 1 : i32
      %sub3A_634 = arith.subi %div3A, %sub3A_633 : i32
      %select_n3A = arith.select %and3A, %sub3A_634, %div3A : i32
      %add3A_635 = arith.addi %mul3A_616, %select_n3A : i32
      %gt3A = arith.constant 0 : i32
      %gt3A_636 = arith.cmpi sgt, %scan3A_592, %gt3A : i32
      %convert_element_type3A = arith.extui %gt3A_636 : i1 to i32
      %cond3A = arith.constant 0 : i32
      %cond3A_637 = arith.cmpi ne, %convert_element_type3A, %cond3A : i32
      scf.if %cond3A_637 {
        %dma_wait3A_867 = arith.constant 0 : i32
        %dma_wait3A_868 = arith.constant 0 : i32
        %dma_wait3A_869 = tpu.memref_slice %arg3[%dma_wait3A_867, %dma_wait3A_868] : memref<256x128xf32, #tpu.memory_space<hbm>> -> memref<128x128xf32, #tpu.memory_space<hbm>>
        %dma_wait3A_870 = arith.constant 0 : i32
        %dma_wait3A_871 = arith.constant 0 : i32
        %dma_wait3A_872 = tpu.memref_slice %arg3[%dma_wait3A_870, %dma_wait3A_871] : memref<256x128xf32, #tpu.memory_space<hbm>> -> memref<128x128xf32, #tpu.memory_space<hbm>>
        tpu.wait_dma2 semaphore(%arg24 : memref<!tpu.dma_semaphore, #tpu.memory_space<semaphore_mem>>) src(%dma_wait3A_872 : memref<128x128xf32, #tpu.memory_space<hbm>>) dst(%arg10 : memref<128x128xf32, #tpu.memory_space<vmem>>)
      } else {
      }
      %dma_start3A_638 = arith.constant 0 : i32
      %dma_start3A_639 = tpu.memref_slice %arg8[%add3A_635, %dma_start3A_638] : memref<100x128xi32, #tpu.memory_space<vmem>> -> memref<1x128xi32, #tpu.memory_space<vmem>>
      %dma_start3A_640 = tpu.memref_squeeze %dma_start3A_639 : memref<1x128xi32, #tpu.memory_space<vmem>> -> memref<128xi32, #tpu.memory_space<vmem>>
      %dma_start3A_641 = arith.constant 0 : i32
      %dma_start3A_642 = arith.constant 0 : i32
      %dma_start3A_643 = tpu.memref_slice %arg5[%dma_start3A_641, %dma_start3A_642] : memref<400000x128xf32, #tpu.memory_space<hbm>> -> memref<400000x128xf32, #tpu.memory_space<hbm>>
      tpu.enqueue_indirect_dma source(%dma_start3A_643 : memref<400000x128xf32, #tpu.memory_space<hbm>>) target(%arg14 : memref<128x128xf32, #tpu.memory_space<vmem>>) offsets(%dma_start3A_640 : memref<128xi32, #tpu.memory_space<vmem>>) semaphore(%arg19 : memref<!tpu.dma_semaphore, #tpu.memory_space<semaphore_mem>>)
      %mul3A_644 = arith.constant 5 : i32
      %mul3A_645 = arith.muli %mul3A_644, %scan3A_592 : i32
      %add3A_646 = arith.constant 1 : i32
      %add3A_647 = arith.addi %mul3A_645, %add3A_646 : i32
      %dma_wait3A_648 = arith.constant 0 : i32
      %dma_wait3A_649 = arith.constant 0 : i32
      %dma_wait3A_650 = tpu.memref_slice %arg3[%dma_wait3A_648, %dma_wait3A_649] : memref<256x128xf32, #tpu.memory_space<hbm>> -> memref<128x128xf32, #tpu.memory_space<hbm>>
      %dma_wait3A_651 = arith.constant 0 : i32
      %dma_wait3A_652 = arith.constant 0 : i32
      %dma_wait3A_653 = tpu.memref_slice %arg3[%dma_wait3A_651, %dma_wait3A_652] : memref<256x128xf32, #tpu.memory_space<hbm>> -> memref<128x128xf32, #tpu.memory_space<hbm>>
      tpu.wait_dma2 semaphore(%arg16 : memref<!tpu.dma_semaphore, #tpu.memory_space<semaphore_mem>>) src(%dma_wait3A_653 : memref<128x128xf32, #tpu.memory_space<hbm>>) dst(%arg10 : memref<128x128xf32, #tpu.memory_space<vmem>>)
      %rem3A_654 = arith.constant 2 : i32
      %rem3A_655 = arith.remsi %add3A_647, %rem3A_654 : i32
      %dma_start3A_656 = arith.constant 0 : i32
      %dma_start3A_657 = tpu.memref_slice %arg9[%rem3A_655, %dma_start3A_656] : memref<2x128xi32, #tpu.memory_space<vmem>> -> memref<1x128xi32, #tpu.memory_space<vmem>>
      %dma_start3A_658 = tpu.memref_squeeze %dma_start3A_657 : memref<1x128xi32, #tpu.memory_space<vmem>> -> memref<128xi32, #tpu.memory_space<vmem>>
      %dma_start3A_659 = arith.constant 0 : i32
      %dma_start3A_660 = arith.constant 0 : i32
      %dma_start3A_661 = tpu.memref_slice %arg7[%dma_start3A_659, %dma_start3A_660] : memref<4096x128xf32, #tpu.memory_space<vmem_shared>> -> memref<4096x128xf32, #tpu.memory_space<vmem_shared>>
      tpu.enqueue_indirect_dma source(%arg11 : memref<128x128xf32, #tpu.memory_space<vmem>>) target(%dma_start3A_661 : memref<4096x128xf32, #tpu.memory_space<vmem_shared>>) offsets(%dma_start3A_658 : memref<128xi32, #tpu.memory_space<vmem>>) semaphore(%arg21 : memref<!tpu.dma_semaphore, #tpu.memory_space<semaphore_mem>>) {add = true}
      %add3A_662 = arith.constant 5 : i32
      %add3A_663 = arith.addi %add3A_647, %add3A_662 : i32
      %sub3A_664 = arith.constant 1 : i32
      %sub3A_665 = arith.subi %add3A_663, %sub3A_664 : i32
      %rem3A_666 = arith.constant 2 : i32
      %rem3A_667 = arith.remsi %sub3A_665, %rem3A_666 : i32
      %mul3A_668 = arith.constant 50 : i32
      %mul3A_669 = arith.muli %rem3A_667, %mul3A_668 : i32
      %jit3A_670 = arith.constant 2 : i32
      %div3A_671 = arith.divsi %sub3A_665, %jit3A_670 : i32
      %sign3A_672 = arith.constant 0 : i32
      %sign3A_673 = arith.cmpi sgt, %sub3A_665, %sign3A_672 : i32
      %sign3A_674 = arith.extui %sign3A_673 : i1 to i32
      %sign3A_675 = arith.constant 0 : i32
      %sign3A_676 = arith.cmpi slt, %sub3A_665, %sign3A_675 : i32
      %sign3A_677 = arith.extui %sign3A_676 : i1 to i32
      %sign3A_678 = arith.subi %sign3A_674, %sign3A_677 : i32
      %sign3A_679 = arith.constant 0 : i32
      %sign3A_680 = arith.cmpi sgt, %jit3A_670, %sign3A_679 : i32
      %sign3A_681 = arith.extui %sign3A_680 : i1 to i32
      %sign3A_682 = arith.constant 0 : i32
      %sign3A_683 = arith.cmpi slt, %jit3A_670, %sign3A_682 : i32
      %sign3A_684 = arith.extui %sign3A_683 : i1 to i32
      %sign3A_685 = arith.subi %sign3A_681, %sign3A_684 : i32
      %ne3A_686 = arith.cmpi ne, %sign3A_678, %sign3A_685 : i32
      %rem3A_687 = arith.remsi %sub3A_665, %jit3A_670 : i32
      %ne3A_688 = arith.constant 0 : i32
      %ne3A_689 = arith.cmpi ne, %rem3A_687, %ne3A_688 : i32
      %and3A_690 = arith.andi %ne3A_686, %ne3A_689 : i1
      %sub3A_691 = arith.constant 1 : i32
      %sub3A_692 = arith.subi %div3A_671, %sub3A_691 : i32
      %select_n3A_693 = arith.select %and3A_690, %sub3A_692, %div3A_671 : i32
      %add3A_694 = arith.addi %mul3A_669, %select_n3A_693 : i32
      %lt3A = arith.constant 19 : i32
      %lt3A_695 = arith.cmpi slt, %scan3A_592, %lt3A : i32
      %convert_element_type3A_696 = arith.extui %lt3A_695 : i1 to i32
      %cond3A_697 = arith.constant 0 : i32
      %cond3A_698 = arith.cmpi ne, %convert_element_type3A_696, %cond3A_697 : i32
      scf.if %cond3A_698 {
        %dma_wait3A_867 = arith.constant 0 : i32
        %dma_wait3A_868 = arith.constant 0 : i32
        %dma_wait3A_869 = tpu.memref_slice %arg3[%dma_wait3A_867, %dma_wait3A_868] : memref<256x128xf32, #tpu.memory_space<hbm>> -> memref<128x128xf32, #tpu.memory_space<hbm>>
        %dma_wait3A_870 = arith.constant 0 : i32
        %dma_wait3A_871 = arith.constant 0 : i32
        %dma_wait3A_872 = tpu.memref_slice %arg3[%dma_wait3A_870, %dma_wait3A_871] : memref<256x128xf32, #tpu.memory_space<hbm>> -> memref<128x128xf32, #tpu.memory_space<hbm>>
        tpu.wait_dma2 semaphore(%arg20 : memref<!tpu.dma_semaphore, #tpu.memory_space<semaphore_mem>>) src(%dma_wait3A_872 : memref<128x128xf32, #tpu.memory_space<hbm>>) dst(%arg10 : memref<128x128xf32, #tpu.memory_space<vmem>>)
        %dma_start3A_873 = arith.constant 0 : i32
        %dma_start3A_874 = tpu.memref_slice %arg8[%add3A_694, %dma_start3A_873] : memref<100x128xi32, #tpu.memory_space<vmem>> -> memref<1x128xi32, #tpu.memory_space<vmem>>
        %dma_start3A_875 = tpu.memref_squeeze %dma_start3A_874 : memref<1x128xi32, #tpu.memory_space<vmem>> -> memref<128xi32, #tpu.memory_space<vmem>>
        %dma_start3A_876 = arith.constant 0 : i32
        %dma_start3A_877 = arith.constant 0 : i32
        %dma_start3A_878 = tpu.memref_slice %arg5[%dma_start3A_876, %dma_start3A_877] : memref<400000x128xf32, #tpu.memory_space<hbm>> -> memref<400000x128xf32, #tpu.memory_space<hbm>>
        tpu.enqueue_indirect_dma source(%dma_start3A_878 : memref<400000x128xf32, #tpu.memory_space<hbm>>) target(%arg10 : memref<128x128xf32, #tpu.memory_space<vmem>>) offsets(%dma_start3A_875 : memref<128xi32, #tpu.memory_space<vmem>>) semaphore(%arg15 : memref<!tpu.dma_semaphore, #tpu.memory_space<semaphore_mem>>)
      } else {
      }
      %mul3A_699 = arith.constant 5 : i32
      %mul3A_700 = arith.muli %mul3A_699, %scan3A_592 : i32
      %add3A_701 = arith.constant 2 : i32
      %add3A_702 = arith.addi %mul3A_700, %add3A_701 : i32
      %dma_wait3A_703 = arith.constant 0 : i32
      %dma_wait3A_704 = arith.constant 0 : i32
      %dma_wait3A_705 = tpu.memref_slice %arg3[%dma_wait3A_703, %dma_wait3A_704] : memref<256x128xf32, #tpu.memory_space<hbm>> -> memref<128x128xf32, #tpu.memory_space<hbm>>
      %dma_wait3A_706 = arith.constant 0 : i32
      %dma_wait3A_707 = arith.constant 0 : i32
      %dma_wait3A_708 = tpu.memref_slice %arg3[%dma_wait3A_706, %dma_wait3A_707] : memref<256x128xf32, #tpu.memory_space<hbm>> -> memref<128x128xf32, #tpu.memory_space<hbm>>
      tpu.wait_dma2 semaphore(%arg17 : memref<!tpu.dma_semaphore, #tpu.memory_space<semaphore_mem>>) src(%dma_wait3A_708 : memref<128x128xf32, #tpu.memory_space<hbm>>) dst(%arg10 : memref<128x128xf32, #tpu.memory_space<vmem>>)
      %rem3A_709 = arith.constant 2 : i32
      %rem3A_710 = arith.remsi %add3A_702, %rem3A_709 : i32
      %dma_start3A_711 = arith.constant 0 : i32
      %dma_start3A_712 = tpu.memref_slice %arg9[%rem3A_710, %dma_start3A_711] : memref<2x128xi32, #tpu.memory_space<vmem>> -> memref<1x128xi32, #tpu.memory_space<vmem>>
      %dma_start3A_713 = tpu.memref_squeeze %dma_start3A_712 : memref<1x128xi32, #tpu.memory_space<vmem>> -> memref<128xi32, #tpu.memory_space<vmem>>
      %dma_start3A_714 = arith.constant 0 : i32
      %dma_start3A_715 = arith.constant 0 : i32
      %dma_start3A_716 = tpu.memref_slice %arg7[%dma_start3A_714, %dma_start3A_715] : memref<4096x128xf32, #tpu.memory_space<vmem_shared>> -> memref<4096x128xf32, #tpu.memory_space<vmem_shared>>
      tpu.enqueue_indirect_dma source(%arg12 : memref<128x128xf32, #tpu.memory_space<vmem>>) target(%dma_start3A_716 : memref<4096x128xf32, #tpu.memory_space<vmem_shared>>) offsets(%dma_start3A_713 : memref<128xi32, #tpu.memory_space<vmem>>) semaphore(%arg22 : memref<!tpu.dma_semaphore, #tpu.memory_space<semaphore_mem>>) {add = true}
      %add3A_717 = arith.constant 5 : i32
      %add3A_718 = arith.addi %add3A_702, %add3A_717 : i32
      %sub3A_719 = arith.constant 1 : i32
      %sub3A_720 = arith.subi %add3A_718, %sub3A_719 : i32
      %rem3A_721 = arith.constant 2 : i32
      %rem3A_722 = arith.remsi %sub3A_720, %rem3A_721 : i32
      %mul3A_723 = arith.constant 50 : i32
      %mul3A_724 = arith.muli %rem3A_722, %mul3A_723 : i32
      %jit3A_725 = arith.constant 2 : i32
      %div3A_726 = arith.divsi %sub3A_720, %jit3A_725 : i32
      %sign3A_727 = arith.constant 0 : i32
      %sign3A_728 = arith.cmpi sgt, %sub3A_720, %sign3A_727 : i32
      %sign3A_729 = arith.extui %sign3A_728 : i1 to i32
      %sign3A_730 = arith.constant 0 : i32
      %sign3A_731 = arith.cmpi slt, %sub3A_720, %sign3A_730 : i32
      %sign3A_732 = arith.extui %sign3A_731 : i1 to i32
      %sign3A_733 = arith.subi %sign3A_729, %sign3A_732 : i32
      %sign3A_734 = arith.constant 0 : i32
      %sign3A_735 = arith.cmpi sgt, %jit3A_725, %sign3A_734 : i32
      %sign3A_736 = arith.extui %sign3A_735 : i1 to i32
      %sign3A_737 = arith.constant 0 : i32
      %sign3A_738 = arith.cmpi slt, %jit3A_725, %sign3A_737 : i32
      %sign3A_739 = arith.extui %sign3A_738 : i1 to i32
      %sign3A_740 = arith.subi %sign3A_736, %sign3A_739 : i32
      %ne3A_741 = arith.cmpi ne, %sign3A_733, %sign3A_740 : i32
      %rem3A_742 = arith.remsi %sub3A_720, %jit3A_725 : i32
      %ne3A_743 = arith.constant 0 : i32
      %ne3A_744 = arith.cmpi ne, %rem3A_742, %ne3A_743 : i32
      %and3A_745 = arith.andi %ne3A_741, %ne3A_744 : i1
      %sub3A_746 = arith.constant 1 : i32
      %sub3A_747 = arith.subi %div3A_726, %sub3A_746 : i32
      %select_n3A_748 = arith.select %and3A_745, %sub3A_747, %div3A_726 : i32
      %add3A_749 = arith.addi %mul3A_724, %select_n3A_748 : i32
      %lt3A_750 = arith.constant 19 : i32
      %lt3A_751 = arith.cmpi slt, %scan3A_592, %lt3A_750 : i32
      %convert_element_type3A_752 = arith.extui %lt3A_751 : i1 to i32
      %cond3A_753 = arith.constant 0 : i32
      %cond3A_754 = arith.cmpi ne, %convert_element_type3A_752, %cond3A_753 : i32
      scf.if %cond3A_754 {
        %dma_wait3A_867 = arith.constant 0 : i32
        %dma_wait3A_868 = arith.constant 0 : i32
        %dma_wait3A_869 = tpu.memref_slice %arg3[%dma_wait3A_867, %dma_wait3A_868] : memref<256x128xf32, #tpu.memory_space<hbm>> -> memref<128x128xf32, #tpu.memory_space<hbm>>
        %dma_wait3A_870 = arith.constant 0 : i32
        %dma_wait3A_871 = arith.constant 0 : i32
        %dma_wait3A_872 = tpu.memref_slice %arg3[%dma_wait3A_870, %dma_wait3A_871] : memref<256x128xf32, #tpu.memory_space<hbm>> -> memref<128x128xf32, #tpu.memory_space<hbm>>
        tpu.wait_dma2 semaphore(%arg21 : memref<!tpu.dma_semaphore, #tpu.memory_space<semaphore_mem>>) src(%dma_wait3A_872 : memref<128x128xf32, #tpu.memory_space<hbm>>) dst(%arg10 : memref<128x128xf32, #tpu.memory_space<vmem>>)
        %dma_start3A_873 = arith.constant 0 : i32
        %dma_start3A_874 = tpu.memref_slice %arg8[%add3A_749, %dma_start3A_873] : memref<100x128xi32, #tpu.memory_space<vmem>> -> memref<1x128xi32, #tpu.memory_space<vmem>>
        %dma_start3A_875 = tpu.memref_squeeze %dma_start3A_874 : memref<1x128xi32, #tpu.memory_space<vmem>> -> memref<128xi32, #tpu.memory_space<vmem>>
        %dma_start3A_876 = arith.constant 0 : i32
        %dma_start3A_877 = arith.constant 0 : i32
        %dma_start3A_878 = tpu.memref_slice %arg5[%dma_start3A_876, %dma_start3A_877] : memref<400000x128xf32, #tpu.memory_space<hbm>> -> memref<400000x128xf32, #tpu.memory_space<hbm>>
        tpu.enqueue_indirect_dma source(%dma_start3A_878 : memref<400000x128xf32, #tpu.memory_space<hbm>>) target(%arg11 : memref<128x128xf32, #tpu.memory_space<vmem>>) offsets(%dma_start3A_875 : memref<128xi32, #tpu.memory_space<vmem>>) semaphore(%arg16 : memref<!tpu.dma_semaphore, #tpu.memory_space<semaphore_mem>>)
      } else {
      }
      %mul3A_755 = arith.constant 5 : i32
      %mul3A_756 = arith.muli %mul3A_755, %scan3A_592 : i32
      %add3A_757 = arith.constant 3 : i32
      %add3A_758 = arith.addi %mul3A_756, %add3A_757 : i32
      %dma_wait3A_759 = arith.constant 0 : i32
      %dma_wait3A_760 = arith.constant 0 : i32
      %dma_wait3A_761 = tpu.memref_slice %arg3[%dma_wait3A_759, %dma_wait3A_760] : memref<256x128xf32, #tpu.memory_space<hbm>> -> memref<128x128xf32, #tpu.memory_space<hbm>>
      %dma_wait3A_762 = arith.constant 0 : i32
      %dma_wait3A_763 = arith.constant 0 : i32
      %dma_wait3A_764 = tpu.memref_slice %arg3[%dma_wait3A_762, %dma_wait3A_763] : memref<256x128xf32, #tpu.memory_space<hbm>> -> memref<128x128xf32, #tpu.memory_space<hbm>>
      tpu.wait_dma2 semaphore(%arg18 : memref<!tpu.dma_semaphore, #tpu.memory_space<semaphore_mem>>) src(%dma_wait3A_764 : memref<128x128xf32, #tpu.memory_space<hbm>>) dst(%arg10 : memref<128x128xf32, #tpu.memory_space<vmem>>)
      %rem3A_765 = arith.constant 2 : i32
      %rem3A_766 = arith.remsi %add3A_758, %rem3A_765 : i32
      %dma_start3A_767 = arith.constant 0 : i32
      %dma_start3A_768 = tpu.memref_slice %arg9[%rem3A_766, %dma_start3A_767] : memref<2x128xi32, #tpu.memory_space<vmem>> -> memref<1x128xi32, #tpu.memory_space<vmem>>
      %dma_start3A_769 = tpu.memref_squeeze %dma_start3A_768 : memref<1x128xi32, #tpu.memory_space<vmem>> -> memref<128xi32, #tpu.memory_space<vmem>>
      %dma_start3A_770 = arith.constant 0 : i32
      %dma_start3A_771 = arith.constant 0 : i32
      %dma_start3A_772 = tpu.memref_slice %arg7[%dma_start3A_770, %dma_start3A_771] : memref<4096x128xf32, #tpu.memory_space<vmem_shared>> -> memref<4096x128xf32, #tpu.memory_space<vmem_shared>>
      tpu.enqueue_indirect_dma source(%arg13 : memref<128x128xf32, #tpu.memory_space<vmem>>) target(%dma_start3A_772 : memref<4096x128xf32, #tpu.memory_space<vmem_shared>>) offsets(%dma_start3A_769 : memref<128xi32, #tpu.memory_space<vmem>>) semaphore(%arg23 : memref<!tpu.dma_semaphore, #tpu.memory_space<semaphore_mem>>) {add = true}
      %add3A_773 = arith.constant 5 : i32
      %add3A_774 = arith.addi %add3A_758, %add3A_773 : i32
      %sub3A_775 = arith.constant 1 : i32
      %sub3A_776 = arith.subi %add3A_774, %sub3A_775 : i32
      %rem3A_777 = arith.constant 2 : i32
      %rem3A_778 = arith.remsi %sub3A_776, %rem3A_777 : i32
      %mul3A_779 = arith.constant 50 : i32
      %mul3A_780 = arith.muli %rem3A_778, %mul3A_779 : i32
      %jit3A_781 = arith.constant 2 : i32
      %div3A_782 = arith.divsi %sub3A_776, %jit3A_781 : i32
      %sign3A_783 = arith.constant 0 : i32
      %sign3A_784 = arith.cmpi sgt, %sub3A_776, %sign3A_783 : i32
      %sign3A_785 = arith.extui %sign3A_784 : i1 to i32
      %sign3A_786 = arith.constant 0 : i32
      %sign3A_787 = arith.cmpi slt, %sub3A_776, %sign3A_786 : i32
      %sign3A_788 = arith.extui %sign3A_787 : i1 to i32
      %sign3A_789 = arith.subi %sign3A_785, %sign3A_788 : i32
      %sign3A_790 = arith.constant 0 : i32
      %sign3A_791 = arith.cmpi sgt, %jit3A_781, %sign3A_790 : i32
      %sign3A_792 = arith.extui %sign3A_791 : i1 to i32
      %sign3A_793 = arith.constant 0 : i32
      %sign3A_794 = arith.cmpi slt, %jit3A_781, %sign3A_793 : i32
      %sign3A_795 = arith.extui %sign3A_794 : i1 to i32
      %sign3A_796 = arith.subi %sign3A_792, %sign3A_795 : i32
      %ne3A_797 = arith.cmpi ne, %sign3A_789, %sign3A_796 : i32
      %rem3A_798 = arith.remsi %sub3A_776, %jit3A_781 : i32
      %ne3A_799 = arith.constant 0 : i32
      %ne3A_800 = arith.cmpi ne, %rem3A_798, %ne3A_799 : i32
      %and3A_801 = arith.andi %ne3A_797, %ne3A_800 : i1
      %sub3A_802 = arith.constant 1 : i32
      %sub3A_803 = arith.subi %div3A_782, %sub3A_802 : i32
      %select_n3A_804 = arith.select %and3A_801, %sub3A_803, %div3A_782 : i32
      %add3A_805 = arith.addi %mul3A_780, %select_n3A_804 : i32
      %lt3A_806 = arith.constant 19 : i32
      %lt3A_807 = arith.cmpi slt, %scan3A_592, %lt3A_806 : i32
      %convert_element_type3A_808 = arith.extui %lt3A_807 : i1 to i32
      %cond3A_809 = arith.constant 0 : i32
      %cond3A_810 = arith.cmpi ne, %convert_element_type3A_808, %cond3A_809 : i32
      scf.if %cond3A_810 {
        %dma_wait3A_867 = arith.constant 0 : i32
        %dma_wait3A_868 = arith.constant 0 : i32
        %dma_wait3A_869 = tpu.memref_slice %arg3[%dma_wait3A_867, %dma_wait3A_868] : memref<256x128xf32, #tpu.memory_space<hbm>> -> memref<128x128xf32, #tpu.memory_space<hbm>>
        %dma_wait3A_870 = arith.constant 0 : i32
        %dma_wait3A_871 = arith.constant 0 : i32
        %dma_wait3A_872 = tpu.memref_slice %arg3[%dma_wait3A_870, %dma_wait3A_871] : memref<256x128xf32, #tpu.memory_space<hbm>> -> memref<128x128xf32, #tpu.memory_space<hbm>>
        tpu.wait_dma2 semaphore(%arg22 : memref<!tpu.dma_semaphore, #tpu.memory_space<semaphore_mem>>) src(%dma_wait3A_872 : memref<128x128xf32, #tpu.memory_space<hbm>>) dst(%arg10 : memref<128x128xf32, #tpu.memory_space<vmem>>)
        %dma_start3A_873 = arith.constant 0 : i32
        %dma_start3A_874 = tpu.memref_slice %arg8[%add3A_805, %dma_start3A_873] : memref<100x128xi32, #tpu.memory_space<vmem>> -> memref<1x128xi32, #tpu.memory_space<vmem>>
        %dma_start3A_875 = tpu.memref_squeeze %dma_start3A_874 : memref<1x128xi32, #tpu.memory_space<vmem>> -> memref<128xi32, #tpu.memory_space<vmem>>
        %dma_start3A_876 = arith.constant 0 : i32
        %dma_start3A_877 = arith.constant 0 : i32
        %dma_start3A_878 = tpu.memref_slice %arg5[%dma_start3A_876, %dma_start3A_877] : memref<400000x128xf32, #tpu.memory_space<hbm>> -> memref<400000x128xf32, #tpu.memory_space<hbm>>
        tpu.enqueue_indirect_dma source(%dma_start3A_878 : memref<400000x128xf32, #tpu.memory_space<hbm>>) target(%arg12 : memref<128x128xf32, #tpu.memory_space<vmem>>) offsets(%dma_start3A_875 : memref<128xi32, #tpu.memory_space<vmem>>) semaphore(%arg17 : memref<!tpu.dma_semaphore, #tpu.memory_space<semaphore_mem>>)
      } else {
      }
      %mul3A_811 = arith.constant 5 : i32
      %mul3A_812 = arith.muli %mul3A_811, %scan3A_592 : i32
      %add3A_813 = arith.constant 4 : i32
      %add3A_814 = arith.addi %mul3A_812, %add3A_813 : i32
      %dma_wait3A_815 = arith.constant 0 : i32
      %dma_wait3A_816 = arith.constant 0 : i32
      %dma_wait3A_817 = tpu.memref_slice %arg3[%dma_wait3A_815, %dma_wait3A_816] : memref<256x128xf32, #tpu.memory_space<hbm>> -> memref<128x128xf32, #tpu.memory_space<hbm>>
      %dma_wait3A_818 = arith.constant 0 : i32
      %dma_wait3A_819 = arith.constant 0 : i32
      %dma_wait3A_820 = tpu.memref_slice %arg3[%dma_wait3A_818, %dma_wait3A_819] : memref<256x128xf32, #tpu.memory_space<hbm>> -> memref<128x128xf32, #tpu.memory_space<hbm>>
      tpu.wait_dma2 semaphore(%arg19 : memref<!tpu.dma_semaphore, #tpu.memory_space<semaphore_mem>>) src(%dma_wait3A_820 : memref<128x128xf32, #tpu.memory_space<hbm>>) dst(%arg10 : memref<128x128xf32, #tpu.memory_space<vmem>>)
      %rem3A_821 = arith.constant 2 : i32
      %rem3A_822 = arith.remsi %add3A_814, %rem3A_821 : i32
      %dma_start3A_823 = arith.constant 0 : i32
      %dma_start3A_824 = tpu.memref_slice %arg9[%rem3A_822, %dma_start3A_823] : memref<2x128xi32, #tpu.memory_space<vmem>> -> memref<1x128xi32, #tpu.memory_space<vmem>>
      %dma_start3A_825 = tpu.memref_squeeze %dma_start3A_824 : memref<1x128xi32, #tpu.memory_space<vmem>> -> memref<128xi32, #tpu.memory_space<vmem>>
      %dma_start3A_826 = arith.constant 0 : i32
      %dma_start3A_827 = arith.constant 0 : i32
      %dma_start3A_828 = tpu.memref_slice %arg7[%dma_start3A_826, %dma_start3A_827] : memref<4096x128xf32, #tpu.memory_space<vmem_shared>> -> memref<4096x128xf32, #tpu.memory_space<vmem_shared>>
      tpu.enqueue_indirect_dma source(%arg14 : memref<128x128xf32, #tpu.memory_space<vmem>>) target(%dma_start3A_828 : memref<4096x128xf32, #tpu.memory_space<vmem_shared>>) offsets(%dma_start3A_825 : memref<128xi32, #tpu.memory_space<vmem>>) semaphore(%arg24 : memref<!tpu.dma_semaphore, #tpu.memory_space<semaphore_mem>>) {add = true}
      %add3A_829 = arith.constant 5 : i32
      %add3A_830 = arith.addi %add3A_814, %add3A_829 : i32
      %sub3A_831 = arith.constant 1 : i32
      %sub3A_832 = arith.subi %add3A_830, %sub3A_831 : i32
      %rem3A_833 = arith.constant 2 : i32
      %rem3A_834 = arith.remsi %sub3A_832, %rem3A_833 : i32
      %mul3A_835 = arith.constant 50 : i32
      %mul3A_836 = arith.muli %rem3A_834, %mul3A_835 : i32
      %jit3A_837 = arith.constant 2 : i32
      %div3A_838 = arith.divsi %sub3A_832, %jit3A_837 : i32
      %sign3A_839 = arith.constant 0 : i32
      %sign3A_840 = arith.cmpi sgt, %sub3A_832, %sign3A_839 : i32
      %sign3A_841 = arith.extui %sign3A_840 : i1 to i32
      %sign3A_842 = arith.constant 0 : i32
      %sign3A_843 = arith.cmpi slt, %sub3A_832, %sign3A_842 : i32
      %sign3A_844 = arith.extui %sign3A_843 : i1 to i32
      %sign3A_845 = arith.subi %sign3A_841, %sign3A_844 : i32
      %sign3A_846 = arith.constant 0 : i32
      %sign3A_847 = arith.cmpi sgt, %jit3A_837, %sign3A_846 : i32
      %sign3A_848 = arith.extui %sign3A_847 : i1 to i32
      %sign3A_849 = arith.constant 0 : i32
      %sign3A_850 = arith.cmpi slt, %jit3A_837, %sign3A_849 : i32
      %sign3A_851 = arith.extui %sign3A_850 : i1 to i32
      %sign3A_852 = arith.subi %sign3A_848, %sign3A_851 : i32
      %ne3A_853 = arith.cmpi ne, %sign3A_845, %sign3A_852 : i32
      %rem3A_854 = arith.remsi %sub3A_832, %jit3A_837 : i32
      %ne3A_855 = arith.constant 0 : i32
      %ne3A_856 = arith.cmpi ne, %rem3A_854, %ne3A_855 : i32
      %and3A_857 = arith.andi %ne3A_853, %ne3A_856 : i1
      %sub3A_858 = arith.constant 1 : i32
      %sub3A_859 = arith.subi %div3A_838, %sub3A_858 : i32
      %select_n3A_860 = arith.select %and3A_857, %sub3A_859, %div3A_838 : i32
      %add3A_861 = arith.addi %mul3A_836, %select_n3A_860 : i32
      %lt3A_862 = arith.constant 19 : i32
      %lt3A_863 = arith.cmpi slt, %scan3A_592, %lt3A_862 : i32
      %convert_element_type3A_864 = arith.extui %lt3A_863 : i1 to i32
      %cond3A_865 = arith.constant 0 : i32
      %cond3A_866 = arith.cmpi ne, %convert_element_type3A_864, %cond3A_865 : i32
      scf.if %cond3A_866 {
        %dma_wait3A_867 = arith.constant 0 : i32
        %dma_wait3A_868 = arith.constant 0 : i32
        %dma_wait3A_869 = tpu.memref_slice %arg3[%dma_wait3A_867, %dma_wait3A_868] : memref<256x128xf32, #tpu.memory_space<hbm>> -> memref<128x128xf32, #tpu.memory_space<hbm>>
        %dma_wait3A_870 = arith.constant 0 : i32
        %dma_wait3A_871 = arith.constant 0 : i32
        %dma_wait3A_872 = tpu.memref_slice %arg3[%dma_wait3A_870, %dma_wait3A_871] : memref<256x128xf32, #tpu.memory_space<hbm>> -> memref<128x128xf32, #tpu.memory_space<hbm>>
        tpu.wait_dma2 semaphore(%arg23 : memref<!tpu.dma_semaphore, #tpu.memory_space<semaphore_mem>>) src(%dma_wait3A_872 : memref<128x128xf32, #tpu.memory_space<hbm>>) dst(%arg10 : memref<128x128xf32, #tpu.memory_space<vmem>>)
        %dma_start3A_873 = arith.constant 0 : i32
        %dma_start3A_874 = tpu.memref_slice %arg8[%add3A_861, %dma_start3A_873] : memref<100x128xi32, #tpu.memory_space<vmem>> -> memref<1x128xi32, #tpu.memory_space<vmem>>
        %dma_start3A_875 = tpu.memref_squeeze %dma_start3A_874 : memref<1x128xi32, #tpu.memory_space<vmem>> -> memref<128xi32, #tpu.memory_space<vmem>>
        %dma_start3A_876 = arith.constant 0 : i32
        %dma_start3A_877 = arith.constant 0 : i32
        %dma_start3A_878 = tpu.memref_slice %arg5[%dma_start3A_876, %dma_start3A_877] : memref<400000x128xf32, #tpu.memory_space<hbm>> -> memref<400000x128xf32, #tpu.memory_space<hbm>>
        tpu.enqueue_indirect_dma source(%dma_start3A_878 : memref<400000x128xf32, #tpu.memory_space<hbm>>) target(%arg13 : memref<128x128xf32, #tpu.memory_space<vmem>>) offsets(%dma_start3A_875 : memref<128xi32, #tpu.memory_space<vmem>>) semaphore(%arg18 : memref<!tpu.dma_semaphore, #tpu.memory_space<semaphore_mem>>)
      } else {
      }
    }
    %scan3A_48 = arith.constant 20 : i32
    %dma_wait3A = arith.constant 0 : i32
    %dma_wait3A_49 = arith.constant 0 : i32
    %dma_wait3A_50 = tpu.memref_slice %arg3[%dma_wait3A, %dma_wait3A_49] : memref<256x128xf32, #tpu.memory_space<hbm>> -> memref<128x128xf32, #tpu.memory_space<hbm>>
    %dma_wait3A_51 = arith.constant 0 : i32
    %dma_wait3A_52 = arith.constant 0 : i32
    %dma_wait3A_53 = tpu.memref_slice %arg3[%dma_wait3A_51, %dma_wait3A_52] : memref<256x128xf32, #tpu.memory_space<hbm>> -> memref<128x128xf32, #tpu.memory_space<hbm>>
    tpu.wait_dma2 semaphore(%arg20 : memref<!tpu.dma_semaphore, #tpu.memory_space<semaphore_mem>>) src(%dma_wait3A_53 : memref<128x128xf32, #tpu.memory_space<hbm>>) dst(%arg10 : memref<128x128xf32, #tpu.memory_space<vmem>>)
    %dma_wait3A_54 = arith.constant 0 : i32
    %dma_wait3A_55 = arith.constant 0 : i32
    %dma_wait3A_56 = tpu.memref_slice %arg3[%dma_wait3A_54, %dma_wait3A_55] : memref<256x128xf32, #tpu.memory_space<hbm>> -> memref<128x128xf32, #tpu.memory_space<hbm>>
    %dma_wait3A_57 = arith.constant 0 : i32
    %dma_wait3A_58 = arith.constant 0 : i32
    %dma_wait3A_59 = tpu.memref_slice %arg3[%dma_wait3A_57, %dma_wait3A_58] : memref<256x128xf32, #tpu.memory_space<hbm>> -> memref<128x128xf32, #tpu.memory_space<hbm>>
    tpu.wait_dma2 semaphore(%arg21 : memref<!tpu.dma_semaphore, #tpu.memory_space<semaphore_mem>>) src(%dma_wait3A_59 : memref<128x128xf32, #tpu.memory_space<hbm>>) dst(%arg10 : memref<128x128xf32, #tpu.memory_space<vmem>>)
    %dma_wait3A_60 = arith.constant 0 : i32
    %dma_wait3A_61 = arith.constant 0 : i32
    %dma_wait3A_62 = tpu.memref_slice %arg3[%dma_wait3A_60, %dma_wait3A_61] : memref<256x128xf32, #tpu.memory_space<hbm>> -> memref<128x128xf32, #tpu.memory_space<hbm>>
    %dma_wait3A_63 = arith.constant 0 : i32
    %dma_wait3A_64 = arith.constant 0 : i32
    %dma_wait3A_65 = tpu.memref_slice %arg3[%dma_wait3A_63, %dma_wait3A_64] : memref<256x128xf32, #tpu.memory_space<hbm>> -> memref<128x128xf32, #tpu.memory_space<hbm>>
    tpu.wait_dma2 semaphore(%arg22 : memref<!tpu.dma_semaphore, #tpu.memory_space<semaphore_mem>>) src(%dma_wait3A_65 : memref<128x128xf32, #tpu.memory_space<hbm>>) dst(%arg10 : memref<128x128xf32, #tpu.memory_space<vmem>>)
    %dma_wait3A_66 = arith.constant 0 : i32
    %dma_wait3A_67 = arith.constant 0 : i32
    %dma_wait3A_68 = tpu.memref_slice %arg3[%dma_wait3A_66, %dma_wait3A_67] : memref<256x128xf32, #tpu.memory_space<hbm>> -> memref<128x128xf32, #tpu.memory_space<hbm>>
    %dma_wait3A_69 = arith.constant 0 : i32
    %dma_wait3A_70 = arith.constant 0 : i32
    %dma_wait3A_71 = tpu.memref_slice %arg3[%dma_wait3A_69, %dma_wait3A_70] : memref<256x128xf32, #tpu.memory_space<hbm>> -> memref<128x128xf32, #tpu.memory_space<hbm>>
    tpu.wait_dma2 semaphore(%arg23 : memref<!tpu.dma_semaphore, #tpu.memory_space<semaphore_mem>>) src(%dma_wait3A_71 : memref<128x128xf32, #tpu.memory_space<hbm>>) dst(%arg10 : memref<128x128xf32, #tpu.memory_space<vmem>>)
    %dma_wait3A_72 = arith.constant 0 : i32
    %dma_wait3A_73 = arith.constant 0 : i32
    %dma_wait3A_74 = tpu.memref_slice %arg3[%dma_wait3A_72, %dma_wait3A_73] : memref<256x128xf32, #tpu.memory_space<hbm>> -> memref<128x128xf32, #tpu.memory_space<hbm>>
    %dma_wait3A_75 = arith.constant 0 : i32
    %dma_wait3A_76 = arith.constant 0 : i32
    %dma_wait3A_77 = tpu.memref_slice %arg3[%dma_wait3A_75, %dma_wait3A_76] : memref<256x128xf32, #tpu.memory_space<hbm>> -> memref<128x128xf32, #tpu.memory_space<hbm>>
    tpu.wait_dma2 semaphore(%arg24 : memref<!tpu.dma_semaphore, #tpu.memory_space<semaphore_mem>>) src(%dma_wait3A_77 : memref<128x128xf32, #tpu.memory_space<hbm>>) dst(%arg10 : memref<128x128xf32, #tpu.memory_space<vmem>>)
    %add3A_78 = arith.constant 50 : i32
    %add3A_79 = arith.addi %mul3A_10, %add3A_78 : i32
    "tpu.region"() ({
      %run_scoped3A = tpu.sem_alloc : memref<!tpu.dma_semaphore, #tpu.memory_space<semaphore_mem>>
      %dma_start3A_592 = arith.constant 0 : i32
      %dma_start3A_593 = arith.constant 0 : i32
      %dma_start3A_594 = tpu.memref_slice %arg8[%dma_start3A_592, %dma_start3A_593] : memref<100x128xi32, #tpu.memory_space<vmem>> -> memref<50x128xi32, #tpu.memory_space<vmem>>
      %dma_start3A_595 = arith.constant 0 : i32
      %dma_start3A_596 = tpu.memref_slice %arg2[%add3A_79, %dma_start3A_595] : memref<25600x128xi32, #tpu.memory_space<hbm>> -> memref<50x128xi32, #tpu.memory_space<hbm>>
      %dma_start3A_597 = arith.constant 0 : i32
      %dma_start3A_598 = arith.constant 0 : i32
      %dma_start3A_599 = tpu.memref_slice %arg8[%dma_start3A_597, %dma_start3A_598] : memref<100x128xi32, #tpu.memory_space<vmem>> -> memref<50x128xi32, #tpu.memory_space<vmem>>
      %dma_start3A_600 = arith.constant 0 : i32
      %dma_start3A_601 = tpu.memref_slice %arg2[%add3A_79, %dma_start3A_600] : memref<25600x128xi32, #tpu.memory_space<hbm>> -> memref<50x128xi32, #tpu.memory_space<hbm>>
      tpu.enqueue_dma source(%dma_start3A_601 : memref<50x128xi32, #tpu.memory_space<hbm>>) target(%dma_start3A_599 : memref<50x128xi32, #tpu.memory_space<vmem>>) target_semaphore(%run_scoped3A : memref<!tpu.dma_semaphore, #tpu.memory_space<semaphore_mem>>)
      %dma_wait3A_602 = arith.constant 0 : i32
      %dma_wait3A_603 = arith.constant 0 : i32
      %dma_wait3A_604 = tpu.memref_slice %arg8[%dma_wait3A_602, %dma_wait3A_603] : memref<100x128xi32, #tpu.memory_space<vmem>> -> memref<50x128xi32, #tpu.memory_space<vmem>>
      %dma_wait3A_605 = arith.constant 0 : i32
      %dma_wait3A_606 = tpu.memref_slice %arg2[%add3A_79, %dma_wait3A_605] : memref<25600x128xi32, #tpu.memory_space<hbm>> -> memref<50x128xi32, #tpu.memory_space<hbm>>
      %dma_wait3A_607 = arith.constant 0 : i32
      %dma_wait3A_608 = arith.constant 0 : i32
      %dma_wait3A_609 = tpu.memref_slice %arg8[%dma_wait3A_607, %dma_wait3A_608] : memref<100x128xi32, #tpu.memory_space<vmem>> -> memref<50x128xi32, #tpu.memory_space<vmem>>
      %dma_wait3A_610 = arith.constant 0 : i32
      %dma_wait3A_611 = tpu.memref_slice %arg2[%add3A_79, %dma_wait3A_610] : memref<25600x128xi32, #tpu.memory_space<hbm>> -> memref<50x128xi32, #tpu.memory_space<hbm>>
      tpu.wait_dma2 semaphore(%run_scoped3A : memref<!tpu.dma_semaphore, #tpu.memory_space<semaphore_mem>>) src(%dma_wait3A_611 : memref<50x128xi32, #tpu.memory_space<hbm>>) dst(%dma_wait3A_609 : memref<50x128xi32, #tpu.memory_space<vmem>>)
      tpu.yield
    }) : () -> ()
    %add3A_80 = arith.constant 200 : i32
    %add3A_81 = arith.addi %mul3A_10, %add3A_80 : i32
    %add3A_82 = arith.constant 50 : i32
    %add3A_83 = arith.addi %add3A_81, %add3A_82 : i32
    "tpu.region"() ({
      %run_scoped3A = tpu.sem_alloc : memref<!tpu.dma_semaphore, #tpu.memory_space<semaphore_mem>>
      %dma_start3A_592 = arith.constant 50 : i32
      %dma_start3A_593 = arith.constant 0 : i32
      %dma_start3A_594 = tpu.memref_slice %arg8[%dma_start3A_592, %dma_start3A_593] : memref<100x128xi32, #tpu.memory_space<vmem>> -> memref<50x128xi32, #tpu.memory_space<vmem>>
      %dma_start3A_595 = arith.constant 0 : i32
      %dma_start3A_596 = tpu.memref_slice %arg2[%add3A_83, %dma_start3A_595] : memref<25600x128xi32, #tpu.memory_space<hbm>> -> memref<50x128xi32, #tpu.memory_space<hbm>>
      %dma_start3A_597 = arith.constant 50 : i32
      %dma_start3A_598 = arith.constant 0 : i32
      %dma_start3A_599 = tpu.memref_slice %arg8[%dma_start3A_597, %dma_start3A_598] : memref<100x128xi32, #tpu.memory_space<vmem>> -> memref<50x128xi32, #tpu.memory_space<vmem>>
      %dma_start3A_600 = arith.constant 0 : i32
      %dma_start3A_601 = tpu.memref_slice %arg2[%add3A_83, %dma_start3A_600] : memref<25600x128xi32, #tpu.memory_space<hbm>> -> memref<50x128xi32, #tpu.memory_space<hbm>>
      tpu.enqueue_dma source(%dma_start3A_601 : memref<50x128xi32, #tpu.memory_space<hbm>>) target(%dma_start3A_599 : memref<50x128xi32, #tpu.memory_space<vmem>>) target_semaphore(%run_scoped3A : memref<!tpu.dma_semaphore, #tpu.memory_space<semaphore_mem>>)
      %dma_wait3A_602 = arith.constant 50 : i32
      %dma_wait3A_603 = arith.constant 0 : i32
      %dma_wait3A_604 = tpu.memref_slice %arg8[%dma_wait3A_602, %dma_wait3A_603] : memref<100x128xi32, #tpu.memory_space<vmem>> -> memref<50x128xi32, #tpu.memory_space<vmem>>
      %dma_wait3A_605 = arith.constant 0 : i32
      %dma_wait3A_606 = tpu.memref_slice %arg2[%add3A_83, %dma_wait3A_605] : memref<25600x128xi32, #tpu.memory_space<hbm>> -> memref<50x128xi32, #tpu.memory_space<hbm>>
      %dma_wait3A_607 = arith.constant 50 : i32
      %dma_wait3A_608 = arith.constant 0 : i32
      %dma_wait3A_609 = tpu.memref_slice %arg8[%dma_wait3A_607, %dma_wait3A_608] : memref<100x128xi32, #tpu.memory_space<vmem>> -> memref<50x128xi32, #tpu.memory_space<vmem>>
      %dma_wait3A_610 = arith.constant 0 : i32
      %dma_wait3A_611 = tpu.memref_slice %arg2[%add3A_83, %dma_wait3A_610] : memref<25600x128xi32, #tpu.memory_space<hbm>> -> memref<50x128xi32, #tpu.memory_space<hbm>>
      tpu.wait_dma2 semaphore(%run_scoped3A : memref<!tpu.dma_semaphore, #tpu.memory_space<semaphore_mem>>) src(%dma_wait3A_611 : memref<50x128xi32, #tpu.memory_space<hbm>>) dst(%dma_wait3A_609 : memref<50x128xi32, #tpu.memory_space<vmem>>)
      tpu.yield
    }) : () -> ()
    %dma_start3A_84 = arith.constant 0 : i32
    %dma_start3A_85 = arith.constant 0 : i32
    %dma_start3A_86 = tpu.memref_slice %arg8[%dma_start3A_84, %dma_start3A_85] : memref<100x128xi32, #tpu.memory_space<vmem>> -> memref<1x128xi32, #tpu.memory_space<vmem>>
    %dma_start3A_87 = tpu.memref_squeeze %dma_start3A_86 : memref<1x128xi32, #tpu.memory_space<vmem>> -> memref<128xi32, #tpu.memory_space<vmem>>
    %dma_start3A_88 = arith.constant 0 : i32
    %dma_start3A_89 = arith.constant 0 : i32
    %dma_start3A_90 = tpu.memref_slice %arg5[%dma_start3A_88, %dma_start3A_89] : memref<400000x128xf32, #tpu.memory_space<hbm>> -> memref<400000x128xf32, #tpu.memory_space<hbm>>
    tpu.enqueue_indirect_dma source(%dma_start3A_90 : memref<400000x128xf32, #tpu.memory_space<hbm>>) target(%arg10 : memref<128x128xf32, #tpu.memory_space<vmem>>) offsets(%dma_start3A_87 : memref<128xi32, #tpu.memory_space<vmem>>) semaphore(%arg15 : memref<!tpu.dma_semaphore, #tpu.memory_space<semaphore_mem>>)
    %dma_start3A_91 = arith.constant 50 : i32
    %dma_start3A_92 = arith.constant 0 : i32
    %dma_start3A_93 = tpu.memref_slice %arg8[%dma_start3A_91, %dma_start3A_92] : memref<100x128xi32, #tpu.memory_space<vmem>> -> memref<1x128xi32, #tpu.memory_space<vmem>>
    %dma_start3A_94 = tpu.memref_squeeze %dma_start3A_93 : memref<1x128xi32, #tpu.memory_space<vmem>> -> memref<128xi32, #tpu.memory_space<vmem>>
    %dma_start3A_95 = arith.constant 0 : i32
    %dma_start3A_96 = arith.constant 0 : i32
    %dma_start3A_97 = tpu.memref_slice %arg5[%dma_start3A_95, %dma_start3A_96] : memref<400000x128xf32, #tpu.memory_space<hbm>> -> memref<400000x128xf32, #tpu.memory_space<hbm>>
    tpu.enqueue_indirect_dma source(%dma_start3A_97 : memref<400000x128xf32, #tpu.memory_space<hbm>>) target(%arg11 : memref<128x128xf32, #tpu.memory_space<vmem>>) offsets(%dma_start3A_94 : memref<128xi32, #tpu.memory_space<vmem>>) semaphore(%arg16 : memref<!tpu.dma_semaphore, #tpu.memory_space<semaphore_mem>>)
    %dma_start3A_98 = arith.constant 1 : i32
    %dma_start3A_99 = arith.constant 0 : i32
    %dma_start3A_100 = tpu.memref_slice %arg8[%dma_start3A_98, %dma_start3A_99] : memref<100x128xi32, #tpu.memory_space<vmem>> -> memref<1x128xi32, #tpu.memory_space<vmem>>
    %dma_start3A_101 = tpu.memref_squeeze %dma_start3A_100 : memref<1x128xi32, #tpu.memory_space<vmem>> -> memref<128xi32, #tpu.memory_space<vmem>>
    %dma_start3A_102 = arith.constant 0 : i32
    %dma_start3A_103 = arith.constant 0 : i32
    %dma_start3A_104 = tpu.memref_slice %arg5[%dma_start3A_102, %dma_start3A_103] : memref<400000x128xf32, #tpu.memory_space<hbm>> -> memref<400000x128xf32, #tpu.memory_space<hbm>>
    tpu.enqueue_indirect_dma source(%dma_start3A_104 : memref<400000x128xf32, #tpu.memory_space<hbm>>) target(%arg12 : memref<128x128xf32, #tpu.memory_space<vmem>>) offsets(%dma_start3A_101 : memref<128xi32, #tpu.memory_space<vmem>>) semaphore(%arg17 : memref<!tpu.dma_semaphore, #tpu.memory_space<semaphore_mem>>)
    %dma_start3A_105 = arith.constant 51 : i32
    %dma_start3A_106 = arith.constant 0 : i32
    %dma_start3A_107 = tpu.memref_slice %arg8[%dma_start3A_105, %dma_start3A_106] : memref<100x128xi32, #tpu.memory_space<vmem>> -> memref<1x128xi32, #tpu.memory_space<vmem>>
    %dma_start3A_108 = tpu.memref_squeeze %dma_start3A_107 : memref<1x128xi32, #tpu.memory_space<vmem>> -> memref<128xi32, #tpu.memory_space<vmem>>
    %dma_start3A_109 = arith.constant 0 : i32
    %dma_start3A_110 = arith.constant 0 : i32
    %dma_start3A_111 = tpu.memref_slice %arg5[%dma_start3A_109, %dma_start3A_110] : memref<400000x128xf32, #tpu.memory_space<hbm>> -> memref<400000x128xf32, #tpu.memory_space<hbm>>
    tpu.enqueue_indirect_dma source(%dma_start3A_111 : memref<400000x128xf32, #tpu.memory_space<hbm>>) target(%arg13 : memref<128x128xf32, #tpu.memory_space<vmem>>) offsets(%dma_start3A_108 : memref<128xi32, #tpu.memory_space<vmem>>) semaphore(%arg18 : memref<!tpu.dma_semaphore, #tpu.memory_space<semaphore_mem>>)
    %scan3A_112 = arith.constant 0 : i32
    %scan3A_113 = arith.constant 0 : i32
    %scan3A_114 = arith.constant 20 : i32
    %scan3A_115 = arith.addi %scan3A_113, %scan3A_114 : i32
    %scan3A_116 = arith.constant 1 : i32
    scf.for %scan3A_592 = %scan3A_113 to %scan3A_115 step %scan3A_116  : i32 {
      %mul3A_593 = arith.constant 5 : i32
      %mul3A_594 = arith.muli %mul3A_593, %scan3A_592 : i32
      %add3A_595 = arith.constant 0 : i32
      %add3A_596 = arith.addi %mul3A_594, %add3A_595 : i32
      %dma_wait3A_597 = arith.constant 0 : i32
      %dma_wait3A_598 = arith.constant 0 : i32
      %dma_wait3A_599 = tpu.memref_slice %arg3[%dma_wait3A_597, %dma_wait3A_598] : memref<256x128xf32, #tpu.memory_space<hbm>> -> memref<128x128xf32, #tpu.memory_space<hbm>>
      %dma_wait3A_600 = arith.constant 0 : i32
      %dma_wait3A_601 = arith.constant 0 : i32
      %dma_wait3A_602 = tpu.memref_slice %arg3[%dma_wait3A_600, %dma_wait3A_601] : memref<256x128xf32, #tpu.memory_space<hbm>> -> memref<128x128xf32, #tpu.memory_space<hbm>>
      tpu.wait_dma2 semaphore(%arg15 : memref<!tpu.dma_semaphore, #tpu.memory_space<semaphore_mem>>) src(%dma_wait3A_602 : memref<128x128xf32, #tpu.memory_space<hbm>>) dst(%arg10 : memref<128x128xf32, #tpu.memory_space<vmem>>)
      %rem3A = arith.constant 2 : i32
      %rem3A_603 = arith.remsi %add3A_596, %rem3A : i32
      %dma_start3A_604 = arith.constant 0 : i32
      %dma_start3A_605 = tpu.memref_slice %arg9[%rem3A_603, %dma_start3A_604] : memref<2x128xi32, #tpu.memory_space<vmem>> -> memref<1x128xi32, #tpu.memory_space<vmem>>
      %dma_start3A_606 = tpu.memref_squeeze %dma_start3A_605 : memref<1x128xi32, #tpu.memory_space<vmem>> -> memref<128xi32, #tpu.memory_space<vmem>>
      %dma_start3A_607 = arith.constant 0 : i32
      %dma_start3A_608 = arith.constant 0 : i32
      %dma_start3A_609 = tpu.memref_slice %arg7[%dma_start3A_607, %dma_start3A_608] : memref<4096x128xf32, #tpu.memory_space<vmem_shared>> -> memref<4096x128xf32, #tpu.memory_space<vmem_shared>>
      tpu.enqueue_indirect_dma source(%arg10 : memref<128x128xf32, #tpu.memory_space<vmem>>) target(%dma_start3A_609 : memref<4096x128xf32, #tpu.memory_space<vmem_shared>>) offsets(%dma_start3A_606 : memref<128xi32, #tpu.memory_space<vmem>>) semaphore(%arg20 : memref<!tpu.dma_semaphore, #tpu.memory_space<semaphore_mem>>) {add = true}
      %add3A_610 = arith.constant 5 : i32
      %add3A_611 = arith.addi %add3A_596, %add3A_610 : i32
      %sub3A = arith.constant 1 : i32
      %sub3A_612 = arith.subi %add3A_611, %sub3A : i32
      %rem3A_613 = arith.constant 2 : i32
      %rem3A_614 = arith.remsi %sub3A_612, %rem3A_613 : i32
      %mul3A_615 = arith.constant 50 : i32
      %mul3A_616 = arith.muli %rem3A_614, %mul3A_615 : i32
      %jit3A = arith.constant 2 : i32
      %div3A = arith.divsi %sub3A_612, %jit3A : i32
      %sign3A = arith.constant 0 : i32
      %sign3A_617 = arith.cmpi sgt, %sub3A_612, %sign3A : i32
      %sign3A_618 = arith.extui %sign3A_617 : i1 to i32
      %sign3A_619 = arith.constant 0 : i32
      %sign3A_620 = arith.cmpi slt, %sub3A_612, %sign3A_619 : i32
      %sign3A_621 = arith.extui %sign3A_620 : i1 to i32
      %sign3A_622 = arith.subi %sign3A_618, %sign3A_621 : i32
      %sign3A_623 = arith.constant 0 : i32
      %sign3A_624 = arith.cmpi sgt, %jit3A, %sign3A_623 : i32
      %sign3A_625 = arith.extui %sign3A_624 : i1 to i32
      %sign3A_626 = arith.constant 0 : i32
      %sign3A_627 = arith.cmpi slt, %jit3A, %sign3A_626 : i32
      %sign3A_628 = arith.extui %sign3A_627 : i1 to i32
      %sign3A_629 = arith.subi %sign3A_625, %sign3A_628 : i32
      %ne3A = arith.cmpi ne, %sign3A_622, %sign3A_629 : i32
      %rem3A_630 = arith.remsi %sub3A_612, %jit3A : i32
      %ne3A_631 = arith.constant 0 : i32
      %ne3A_632 = arith.cmpi ne, %rem3A_630, %ne3A_631 : i32
      %and3A = arith.andi %ne3A, %ne3A_632 : i1
      %sub3A_633 = arith.constant 1 : i32
      %sub3A_634 = arith.subi %div3A, %sub3A_633 : i32
      %select_n3A = arith.select %and3A, %sub3A_634, %div3A : i32
      %add3A_635 = arith.addi %mul3A_616, %select_n3A : i32
      %gt3A = arith.constant 0 : i32
      %gt3A_636 = arith.cmpi sgt, %scan3A_592, %gt3A : i32
      %convert_element_type3A = arith.extui %gt3A_636 : i1 to i32
      %cond3A = arith.constant 0 : i32
      %cond3A_637 = arith.cmpi ne, %convert_element_type3A, %cond3A : i32
      scf.if %cond3A_637 {
        %dma_wait3A_867 = arith.constant 0 : i32
        %dma_wait3A_868 = arith.constant 0 : i32
        %dma_wait3A_869 = tpu.memref_slice %arg3[%dma_wait3A_867, %dma_wait3A_868] : memref<256x128xf32, #tpu.memory_space<hbm>> -> memref<128x128xf32, #tpu.memory_space<hbm>>
        %dma_wait3A_870 = arith.constant 0 : i32
        %dma_wait3A_871 = arith.constant 0 : i32
        %dma_wait3A_872 = tpu.memref_slice %arg3[%dma_wait3A_870, %dma_wait3A_871] : memref<256x128xf32, #tpu.memory_space<hbm>> -> memref<128x128xf32, #tpu.memory_space<hbm>>
        tpu.wait_dma2 semaphore(%arg24 : memref<!tpu.dma_semaphore, #tpu.memory_space<semaphore_mem>>) src(%dma_wait3A_872 : memref<128x128xf32, #tpu.memory_space<hbm>>) dst(%arg10 : memref<128x128xf32, #tpu.memory_space<vmem>>)
      } else {
      }
      %dma_start3A_638 = arith.constant 0 : i32
      %dma_start3A_639 = tpu.memref_slice %arg8[%add3A_635, %dma_start3A_638] : memref<100x128xi32, #tpu.memory_space<vmem>> -> memref<1x128xi32, #tpu.memory_space<vmem>>
      %dma_start3A_640 = tpu.memref_squeeze %dma_start3A_639 : memref<1x128xi32, #tpu.memory_space<vmem>> -> memref<128xi32, #tpu.memory_space<vmem>>
      %dma_start3A_641 = arith.constant 0 : i32
      %dma_start3A_642 = arith.constant 0 : i32
      %dma_start3A_643 = tpu.memref_slice %arg5[%dma_start3A_641, %dma_start3A_642] : memref<400000x128xf32, #tpu.memory_space<hbm>> -> memref<400000x128xf32, #tpu.memory_space<hbm>>
      tpu.enqueue_indirect_dma source(%dma_start3A_643 : memref<400000x128xf32, #tpu.memory_space<hbm>>) target(%arg14 : memref<128x128xf32, #tpu.memory_space<vmem>>) offsets(%dma_start3A_640 : memref<128xi32, #tpu.memory_space<vmem>>) semaphore(%arg19 : memref<!tpu.dma_semaphore, #tpu.memory_space<semaphore_mem>>)
      %mul3A_644 = arith.constant 5 : i32
      %mul3A_645 = arith.muli %mul3A_644, %scan3A_592 : i32
      %add3A_646 = arith.constant 1 : i32
      %add3A_647 = arith.addi %mul3A_645, %add3A_646 : i32
      %dma_wait3A_648 = arith.constant 0 : i32
      %dma_wait3A_649 = arith.constant 0 : i32
      %dma_wait3A_650 = tpu.memref_slice %arg3[%dma_wait3A_648, %dma_wait3A_649] : memref<256x128xf32, #tpu.memory_space<hbm>> -> memref<128x128xf32, #tpu.memory_space<hbm>>
      %dma_wait3A_651 = arith.constant 0 : i32
      %dma_wait3A_652 = arith.constant 0 : i32
      %dma_wait3A_653 = tpu.memref_slice %arg3[%dma_wait3A_651, %dma_wait3A_652] : memref<256x128xf32, #tpu.memory_space<hbm>> -> memref<128x128xf32, #tpu.memory_space<hbm>>
      tpu.wait_dma2 semaphore(%arg16 : memref<!tpu.dma_semaphore, #tpu.memory_space<semaphore_mem>>) src(%dma_wait3A_653 : memref<128x128xf32, #tpu.memory_space<hbm>>) dst(%arg10 : memref<128x128xf32, #tpu.memory_space<vmem>>)
      %rem3A_654 = arith.constant 2 : i32
      %rem3A_655 = arith.remsi %add3A_647, %rem3A_654 : i32
      %dma_start3A_656 = arith.constant 0 : i32
      %dma_start3A_657 = tpu.memref_slice %arg9[%rem3A_655, %dma_start3A_656] : memref<2x128xi32, #tpu.memory_space<vmem>> -> memref<1x128xi32, #tpu.memory_space<vmem>>
      %dma_start3A_658 = tpu.memref_squeeze %dma_start3A_657 : memref<1x128xi32, #tpu.memory_space<vmem>> -> memref<128xi32, #tpu.memory_space<vmem>>
      %dma_start3A_659 = arith.constant 0 : i32
      %dma_start3A_660 = arith.constant 0 : i32
      %dma_start3A_661 = tpu.memref_slice %arg7[%dma_start3A_659, %dma_start3A_660] : memref<4096x128xf32, #tpu.memory_space<vmem_shared>> -> memref<4096x128xf32, #tpu.memory_space<vmem_shared>>
      tpu.enqueue_indirect_dma source(%arg11 : memref<128x128xf32, #tpu.memory_space<vmem>>) target(%dma_start3A_661 : memref<4096x128xf32, #tpu.memory_space<vmem_shared>>) offsets(%dma_start3A_658 : memref<128xi32, #tpu.memory_space<vmem>>) semaphore(%arg21 : memref<!tpu.dma_semaphore, #tpu.memory_space<semaphore_mem>>) {add = true}
      %add3A_662 = arith.constant 5 : i32
      %add3A_663 = arith.addi %add3A_647, %add3A_662 : i32
      %sub3A_664 = arith.constant 1 : i32
      %sub3A_665 = arith.subi %add3A_663, %sub3A_664 : i32
      %rem3A_666 = arith.constant 2 : i32
      %rem3A_667 = arith.remsi %sub3A_665, %rem3A_666 : i32
      %mul3A_668 = arith.constant 50 : i32
      %mul3A_669 = arith.muli %rem3A_667, %mul3A_668 : i32
      %jit3A_670 = arith.constant 2 : i32
      %div3A_671 = arith.divsi %sub3A_665, %jit3A_670 : i32
      %sign3A_672 = arith.constant 0 : i32
      %sign3A_673 = arith.cmpi sgt, %sub3A_665, %sign3A_672 : i32
      %sign3A_674 = arith.extui %sign3A_673 : i1 to i32
      %sign3A_675 = arith.constant 0 : i32
      %sign3A_676 = arith.cmpi slt, %sub3A_665, %sign3A_675 : i32
      %sign3A_677 = arith.extui %sign3A_676 : i1 to i32
      %sign3A_678 = arith.subi %sign3A_674, %sign3A_677 : i32
      %sign3A_679 = arith.constant 0 : i32
      %sign3A_680 = arith.cmpi sgt, %jit3A_670, %sign3A_679 : i32
      %sign3A_681 = arith.extui %sign3A_680 : i1 to i32
      %sign3A_682 = arith.constant 0 : i32
      %sign3A_683 = arith.cmpi slt, %jit3A_670, %sign3A_682 : i32
      %sign3A_684 = arith.extui %sign3A_683 : i1 to i32
      %sign3A_685 = arith.subi %sign3A_681, %sign3A_684 : i32
      %ne3A_686 = arith.cmpi ne, %sign3A_678, %sign3A_685 : i32
      %rem3A_687 = arith.remsi %sub3A_665, %jit3A_670 : i32
      %ne3A_688 = arith.constant 0 : i32
      %ne3A_689 = arith.cmpi ne, %rem3A_687, %ne3A_688 : i32
      %and3A_690 = arith.andi %ne3A_686, %ne3A_689 : i1
      %sub3A_691 = arith.constant 1 : i32
      %sub3A_692 = arith.subi %div3A_671, %sub3A_691 : i32
      %select_n3A_693 = arith.select %and3A_690, %sub3A_692, %div3A_671 : i32
      %add3A_694 = arith.addi %mul3A_669, %select_n3A_693 : i32
      %lt3A = arith.constant 19 : i32
      %lt3A_695 = arith.cmpi slt, %scan3A_592, %lt3A : i32
      %convert_element_type3A_696 = arith.extui %lt3A_695 : i1 to i32
      %cond3A_697 = arith.constant 0 : i32
      %cond3A_698 = arith.cmpi ne, %convert_element_type3A_696, %cond3A_697 : i32
      scf.if %cond3A_698 {
        %dma_wait3A_867 = arith.constant 0 : i32
        %dma_wait3A_868 = arith.constant 0 : i32
        %dma_wait3A_869 = tpu.memref_slice %arg3[%dma_wait3A_867, %dma_wait3A_868] : memref<256x128xf32, #tpu.memory_space<hbm>> -> memref<128x128xf32, #tpu.memory_space<hbm>>
        %dma_wait3A_870 = arith.constant 0 : i32
        %dma_wait3A_871 = arith.constant 0 : i32
        %dma_wait3A_872 = tpu.memref_slice %arg3[%dma_wait3A_870, %dma_wait3A_871] : memref<256x128xf32, #tpu.memory_space<hbm>> -> memref<128x128xf32, #tpu.memory_space<hbm>>
        tpu.wait_dma2 semaphore(%arg20 : memref<!tpu.dma_semaphore, #tpu.memory_space<semaphore_mem>>) src(%dma_wait3A_872 : memref<128x128xf32, #tpu.memory_space<hbm>>) dst(%arg10 : memref<128x128xf32, #tpu.memory_space<vmem>>)
        %dma_start3A_873 = arith.constant 0 : i32
        %dma_start3A_874 = tpu.memref_slice %arg8[%add3A_694, %dma_start3A_873] : memref<100x128xi32, #tpu.memory_space<vmem>> -> memref<1x128xi32, #tpu.memory_space<vmem>>
        %dma_start3A_875 = tpu.memref_squeeze %dma_start3A_874 : memref<1x128xi32, #tpu.memory_space<vmem>> -> memref<128xi32, #tpu.memory_space<vmem>>
        %dma_start3A_876 = arith.constant 0 : i32
        %dma_start3A_877 = arith.constant 0 : i32
        %dma_start3A_878 = tpu.memref_slice %arg5[%dma_start3A_876, %dma_start3A_877] : memref<400000x128xf32, #tpu.memory_space<hbm>> -> memref<400000x128xf32, #tpu.memory_space<hbm>>
        tpu.enqueue_indirect_dma source(%dma_start3A_878 : memref<400000x128xf32, #tpu.memory_space<hbm>>) target(%arg10 : memref<128x128xf32, #tpu.memory_space<vmem>>) offsets(%dma_start3A_875 : memref<128xi32, #tpu.memory_space<vmem>>) semaphore(%arg15 : memref<!tpu.dma_semaphore, #tpu.memory_space<semaphore_mem>>)
      } else {
      }
      %mul3A_699 = arith.constant 5 : i32
      %mul3A_700 = arith.muli %mul3A_699, %scan3A_592 : i32
      %add3A_701 = arith.constant 2 : i32
      %add3A_702 = arith.addi %mul3A_700, %add3A_701 : i32
      %dma_wait3A_703 = arith.constant 0 : i32
      %dma_wait3A_704 = arith.constant 0 : i32
      %dma_wait3A_705 = tpu.memref_slice %arg3[%dma_wait3A_703, %dma_wait3A_704] : memref<256x128xf32, #tpu.memory_space<hbm>> -> memref<128x128xf32, #tpu.memory_space<hbm>>
      %dma_wait3A_706 = arith.constant 0 : i32
      %dma_wait3A_707 = arith.constant 0 : i32
      %dma_wait3A_708 = tpu.memref_slice %arg3[%dma_wait3A_706, %dma_wait3A_707] : memref<256x128xf32, #tpu.memory_space<hbm>> -> memref<128x128xf32, #tpu.memory_space<hbm>>
      tpu.wait_dma2 semaphore(%arg17 : memref<!tpu.dma_semaphore, #tpu.memory_space<semaphore_mem>>) src(%dma_wait3A_708 : memref<128x128xf32, #tpu.memory_space<hbm>>) dst(%arg10 : memref<128x128xf32, #tpu.memory_space<vmem>>)
      %rem3A_709 = arith.constant 2 : i32
      %rem3A_710 = arith.remsi %add3A_702, %rem3A_709 : i32
      %dma_start3A_711 = arith.constant 0 : i32
      %dma_start3A_712 = tpu.memref_slice %arg9[%rem3A_710, %dma_start3A_711] : memref<2x128xi32, #tpu.memory_space<vmem>> -> memref<1x128xi32, #tpu.memory_space<vmem>>
      %dma_start3A_713 = tpu.memref_squeeze %dma_start3A_712 : memref<1x128xi32, #tpu.memory_space<vmem>> -> memref<128xi32, #tpu.memory_space<vmem>>
      %dma_start3A_714 = arith.constant 0 : i32
      %dma_start3A_715 = arith.constant 0 : i32
      %dma_start3A_716 = tpu.memref_slice %arg7[%dma_start3A_714, %dma_start3A_715] : memref<4096x128xf32, #tpu.memory_space<vmem_shared>> -> memref<4096x128xf32, #tpu.memory_space<vmem_shared>>
      tpu.enqueue_indirect_dma source(%arg12 : memref<128x128xf32, #tpu.memory_space<vmem>>) target(%dma_start3A_716 : memref<4096x128xf32, #tpu.memory_space<vmem_shared>>) offsets(%dma_start3A_713 : memref<128xi32, #tpu.memory_space<vmem>>) semaphore(%arg22 : memref<!tpu.dma_semaphore, #tpu.memory_space<semaphore_mem>>) {add = true}
      %add3A_717 = arith.constant 5 : i32
      %add3A_718 = arith.addi %add3A_702, %add3A_717 : i32
      %sub3A_719 = arith.constant 1 : i32
      %sub3A_720 = arith.subi %add3A_718, %sub3A_719 : i32
      %rem3A_721 = arith.constant 2 : i32
      %rem3A_722 = arith.remsi %sub3A_720, %rem3A_721 : i32
      %mul3A_723 = arith.constant 50 : i32
      %mul3A_724 = arith.muli %rem3A_722, %mul3A_723 : i32
      %jit3A_725 = arith.constant 2 : i32
      %div3A_726 = arith.divsi %sub3A_720, %jit3A_725 : i32
      %sign3A_727 = arith.constant 0 : i32
      %sign3A_728 = arith.cmpi sgt, %sub3A_720, %sign3A_727 : i32
      %sign3A_729 = arith.extui %sign3A_728 : i1 to i32
      %sign3A_730 = arith.constant 0 : i32
      %sign3A_731 = arith.cmpi slt, %sub3A_720, %sign3A_730 : i32
      %sign3A_732 = arith.extui %sign3A_731 : i1 to i32
      %sign3A_733 = arith.subi %sign3A_729, %sign3A_732 : i32
      %sign3A_734 = arith.constant 0 : i32
      %sign3A_735 = arith.cmpi sgt, %jit3A_725, %sign3A_734 : i32
      %sign3A_736 = arith.extui %sign3A_735 : i1 to i32
      %sign3A_737 = arith.constant 0 : i32
      %sign3A_738 = arith.cmpi slt, %jit3A_725, %sign3A_737 : i32
      %sign3A_739 = arith.extui %sign3A_738 : i1 to i32
      %sign3A_740 = arith.subi %sign3A_736, %sign3A_739 : i32
      %ne3A_741 = arith.cmpi ne, %sign3A_733, %sign3A_740 : i32
      %rem3A_742 = arith.remsi %sub3A_720, %jit3A_725 : i32
      %ne3A_743 = arith.constant 0 : i32
      %ne3A_744 = arith.cmpi ne, %rem3A_742, %ne3A_743 : i32
      %and3A_745 = arith.andi %ne3A_741, %ne3A_744 : i1
      %sub3A_746 = arith.constant 1 : i32
      %sub3A_747 = arith.subi %div3A_726, %sub3A_746 : i32
      %select_n3A_748 = arith.select %and3A_745, %sub3A_747, %div3A_726 : i32
      %add3A_749 = arith.addi %mul3A_724, %select_n3A_748 : i32
      %lt3A_750 = arith.constant 19 : i32
      %lt3A_751 = arith.cmpi slt, %scan3A_592, %lt3A_750 : i32
      %convert_element_type3A_752 = arith.extui %lt3A_751 : i1 to i32
      %cond3A_753 = arith.constant 0 : i32
      %cond3A_754 = arith.cmpi ne, %convert_element_type3A_752, %cond3A_753 : i32
      scf.if %cond3A_754 {
        %dma_wait3A_867 = arith.constant 0 : i32
        %dma_wait3A_868 = arith.constant 0 : i32
        %dma_wait3A_869 = tpu.memref_slice %arg3[%dma_wait3A_867, %dma_wait3A_868] : memref<256x128xf32, #tpu.memory_space<hbm>> -> memref<128x128xf32, #tpu.memory_space<hbm>>
        %dma_wait3A_870 = arith.constant 0 : i32
        %dma_wait3A_871 = arith.constant 0 : i32
        %dma_wait3A_872 = tpu.memref_slice %arg3[%dma_wait3A_870, %dma_wait3A_871] : memref<256x128xf32, #tpu.memory_space<hbm>> -> memref<128x128xf32, #tpu.memory_space<hbm>>
        tpu.wait_dma2 semaphore(%arg21 : memref<!tpu.dma_semaphore, #tpu.memory_space<semaphore_mem>>) src(%dma_wait3A_872 : memref<128x128xf32, #tpu.memory_space<hbm>>) dst(%arg10 : memref<128x128xf32, #tpu.memory_space<vmem>>)
        %dma_start3A_873 = arith.constant 0 : i32
        %dma_start3A_874 = tpu.memref_slice %arg8[%add3A_749, %dma_start3A_873] : memref<100x128xi32, #tpu.memory_space<vmem>> -> memref<1x128xi32, #tpu.memory_space<vmem>>
        %dma_start3A_875 = tpu.memref_squeeze %dma_start3A_874 : memref<1x128xi32, #tpu.memory_space<vmem>> -> memref<128xi32, #tpu.memory_space<vmem>>
        %dma_start3A_876 = arith.constant 0 : i32
        %dma_start3A_877 = arith.constant 0 : i32
        %dma_start3A_878 = tpu.memref_slice %arg5[%dma_start3A_876, %dma_start3A_877] : memref<400000x128xf32, #tpu.memory_space<hbm>> -> memref<400000x128xf32, #tpu.memory_space<hbm>>
        tpu.enqueue_indirect_dma source(%dma_start3A_878 : memref<400000x128xf32, #tpu.memory_space<hbm>>) target(%arg11 : memref<128x128xf32, #tpu.memory_space<vmem>>) offsets(%dma_start3A_875 : memref<128xi32, #tpu.memory_space<vmem>>) semaphore(%arg16 : memref<!tpu.dma_semaphore, #tpu.memory_space<semaphore_mem>>)
      } else {
      }
      %mul3A_755 = arith.constant 5 : i32
      %mul3A_756 = arith.muli %mul3A_755, %scan3A_592 : i32
      %add3A_757 = arith.constant 3 : i32
      %add3A_758 = arith.addi %mul3A_756, %add3A_757 : i32
      %dma_wait3A_759 = arith.constant 0 : i32
      %dma_wait3A_760 = arith.constant 0 : i32
      %dma_wait3A_761 = tpu.memref_slice %arg3[%dma_wait3A_759, %dma_wait3A_760] : memref<256x128xf32, #tpu.memory_space<hbm>> -> memref<128x128xf32, #tpu.memory_space<hbm>>
      %dma_wait3A_762 = arith.constant 0 : i32
      %dma_wait3A_763 = arith.constant 0 : i32
      %dma_wait3A_764 = tpu.memref_slice %arg3[%dma_wait3A_762, %dma_wait3A_763] : memref<256x128xf32, #tpu.memory_space<hbm>> -> memref<128x128xf32, #tpu.memory_space<hbm>>
      tpu.wait_dma2 semaphore(%arg18 : memref<!tpu.dma_semaphore, #tpu.memory_space<semaphore_mem>>) src(%dma_wait3A_764 : memref<128x128xf32, #tpu.memory_space<hbm>>) dst(%arg10 : memref<128x128xf32, #tpu.memory_space<vmem>>)
      %rem3A_765 = arith.constant 2 : i32
      %rem3A_766 = arith.remsi %add3A_758, %rem3A_765 : i32
      %dma_start3A_767 = arith.constant 0 : i32
      %dma_start3A_768 = tpu.memref_slice %arg9[%rem3A_766, %dma_start3A_767] : memref<2x128xi32, #tpu.memory_space<vmem>> -> memref<1x128xi32, #tpu.memory_space<vmem>>
      %dma_start3A_769 = tpu.memref_squeeze %dma_start3A_768 : memref<1x128xi32, #tpu.memory_space<vmem>> -> memref<128xi32, #tpu.memory_space<vmem>>
      %dma_start3A_770 = arith.constant 0 : i32
      %dma_start3A_771 = arith.constant 0 : i32
      %dma_start3A_772 = tpu.memref_slice %arg7[%dma_start3A_770, %dma_start3A_771] : memref<4096x128xf32, #tpu.memory_space<vmem_shared>> -> memref<4096x128xf32, #tpu.memory_space<vmem_shared>>
      tpu.enqueue_indirect_dma source(%arg13 : memref<128x128xf32, #tpu.memory_space<vmem>>) target(%dma_start3A_772 : memref<4096x128xf32, #tpu.memory_space<vmem_shared>>) offsets(%dma_start3A_769 : memref<128xi32, #tpu.memory_space<vmem>>) semaphore(%arg23 : memref<!tpu.dma_semaphore, #tpu.memory_space<semaphore_mem>>) {add = true}
      %add3A_773 = arith.constant 5 : i32
      %add3A_774 = arith.addi %add3A_758, %add3A_773 : i32
      %sub3A_775 = arith.constant 1 : i32
      %sub3A_776 = arith.subi %add3A_774, %sub3A_775 : i32
      %rem3A_777 = arith.constant 2 : i32
      %rem3A_778 = arith.remsi %sub3A_776, %rem3A_777 : i32
      %mul3A_779 = arith.constant 50 : i32
      %mul3A_780 = arith.muli %rem3A_778, %mul3A_779 : i32
      %jit3A_781 = arith.constant 2 : i32
      %div3A_782 = arith.divsi %sub3A_776, %jit3A_781 : i32
      %sign3A_783 = arith.constant 0 : i32
      %sign3A_784 = arith.cmpi sgt, %sub3A_776, %sign3A_783 : i32
      %sign3A_785 = arith.extui %sign3A_784 : i1 to i32
      %sign3A_786 = arith.constant 0 : i32
      %sign3A_787 = arith.cmpi slt, %sub3A_776, %sign3A_786 : i32
      %sign3A_788 = arith.extui %sign3A_787 : i1 to i32
      %sign3A_789 = arith.subi %sign3A_785, %sign3A_788 : i32
      %sign3A_790 = arith.constant 0 : i32
      %sign3A_791 = arith.cmpi sgt, %jit3A_781, %sign3A_790 : i32
      %sign3A_792 = arith.extui %sign3A_791 : i1 to i32
      %sign3A_793 = arith.constant 0 : i32
      %sign3A_794 = arith.cmpi slt, %jit3A_781, %sign3A_793 : i32
      %sign3A_795 = arith.extui %sign3A_794 : i1 to i32
      %sign3A_796 = arith.subi %sign3A_792, %sign3A_795 : i32
      %ne3A_797 = arith.cmpi ne, %sign3A_789, %sign3A_796 : i32
      %rem3A_798 = arith.remsi %sub3A_776, %jit3A_781 : i32
      %ne3A_799 = arith.constant 0 : i32
      %ne3A_800 = arith.cmpi ne, %rem3A_798, %ne3A_799 : i32
      %and3A_801 = arith.andi %ne3A_797, %ne3A_800 : i1
      %sub3A_802 = arith.constant 1 : i32
      %sub3A_803 = arith.subi %div3A_782, %sub3A_802 : i32
      %select_n3A_804 = arith.select %and3A_801, %sub3A_803, %div3A_782 : i32
      %add3A_805 = arith.addi %mul3A_780, %select_n3A_804 : i32
      %lt3A_806 = arith.constant 19 : i32
      %lt3A_807 = arith.cmpi slt, %scan3A_592, %lt3A_806 : i32
      %convert_element_type3A_808 = arith.extui %lt3A_807 : i1 to i32
      %cond3A_809 = arith.constant 0 : i32
      %cond3A_810 = arith.cmpi ne, %convert_element_type3A_808, %cond3A_809 : i32
      scf.if %cond3A_810 {
        %dma_wait3A_867 = arith.constant 0 : i32
        %dma_wait3A_868 = arith.constant 0 : i32
        %dma_wait3A_869 = tpu.memref_slice %arg3[%dma_wait3A_867, %dma_wait3A_868] : memref<256x128xf32, #tpu.memory_space<hbm>> -> memref<128x128xf32, #tpu.memory_space<hbm>>
        %dma_wait3A_870 = arith.constant 0 : i32
        %dma_wait3A_871 = arith.constant 0 : i32
        %dma_wait3A_872 = tpu.memref_slice %arg3[%dma_wait3A_870, %dma_wait3A_871] : memref<256x128xf32, #tpu.memory_space<hbm>> -> memref<128x128xf32, #tpu.memory_space<hbm>>
        tpu.wait_dma2 semaphore(%arg22 : memref<!tpu.dma_semaphore, #tpu.memory_space<semaphore_mem>>) src(%dma_wait3A_872 : memref<128x128xf32, #tpu.memory_space<hbm>>) dst(%arg10 : memref<128x128xf32, #tpu.memory_space<vmem>>)
        %dma_start3A_873 = arith.constant 0 : i32
        %dma_start3A_874 = tpu.memref_slice %arg8[%add3A_805, %dma_start3A_873] : memref<100x128xi32, #tpu.memory_space<vmem>> -> memref<1x128xi32, #tpu.memory_space<vmem>>
        %dma_start3A_875 = tpu.memref_squeeze %dma_start3A_874 : memref<1x128xi32, #tpu.memory_space<vmem>> -> memref<128xi32, #tpu.memory_space<vmem>>
        %dma_start3A_876 = arith.constant 0 : i32
        %dma_start3A_877 = arith.constant 0 : i32
        %dma_start3A_878 = tpu.memref_slice %arg5[%dma_start3A_876, %dma_start3A_877] : memref<400000x128xf32, #tpu.memory_space<hbm>> -> memref<400000x128xf32, #tpu.memory_space<hbm>>
        tpu.enqueue_indirect_dma source(%dma_start3A_878 : memref<400000x128xf32, #tpu.memory_space<hbm>>) target(%arg12 : memref<128x128xf32, #tpu.memory_space<vmem>>) offsets(%dma_start3A_875 : memref<128xi32, #tpu.memory_space<vmem>>) semaphore(%arg17 : memref<!tpu.dma_semaphore, #tpu.memory_space<semaphore_mem>>)
      } else {
      }
      %mul3A_811 = arith.constant 5 : i32
      %mul3A_812 = arith.muli %mul3A_811, %scan3A_592 : i32
      %add3A_813 = arith.constant 4 : i32
      %add3A_814 = arith.addi %mul3A_812, %add3A_813 : i32
      %dma_wait3A_815 = arith.constant 0 : i32
      %dma_wait3A_816 = arith.constant 0 : i32
      %dma_wait3A_817 = tpu.memref_slice %arg3[%dma_wait3A_815, %dma_wait3A_816] : memref<256x128xf32, #tpu.memory_space<hbm>> -> memref<128x128xf32, #tpu.memory_space<hbm>>
      %dma_wait3A_818 = arith.constant 0 : i32
      %dma_wait3A_819 = arith.constant 0 : i32
      %dma_wait3A_820 = tpu.memref_slice %arg3[%dma_wait3A_818, %dma_wait3A_819] : memref<256x128xf32, #tpu.memory_space<hbm>> -> memref<128x128xf32, #tpu.memory_space<hbm>>
      tpu.wait_dma2 semaphore(%arg19 : memref<!tpu.dma_semaphore, #tpu.memory_space<semaphore_mem>>) src(%dma_wait3A_820 : memref<128x128xf32, #tpu.memory_space<hbm>>) dst(%arg10 : memref<128x128xf32, #tpu.memory_space<vmem>>)
      %rem3A_821 = arith.constant 2 : i32
      %rem3A_822 = arith.remsi %add3A_814, %rem3A_821 : i32
      %dma_start3A_823 = arith.constant 0 : i32
      %dma_start3A_824 = tpu.memref_slice %arg9[%rem3A_822, %dma_start3A_823] : memref<2x128xi32, #tpu.memory_space<vmem>> -> memref<1x128xi32, #tpu.memory_space<vmem>>
      %dma_start3A_825 = tpu.memref_squeeze %dma_start3A_824 : memref<1x128xi32, #tpu.memory_space<vmem>> -> memref<128xi32, #tpu.memory_space<vmem>>
      %dma_start3A_826 = arith.constant 0 : i32
      %dma_start3A_827 = arith.constant 0 : i32
      %dma_start3A_828 = tpu.memref_slice %arg7[%dma_start3A_826, %dma_start3A_827] : memref<4096x128xf32, #tpu.memory_space<vmem_shared>> -> memref<4096x128xf32, #tpu.memory_space<vmem_shared>>
      tpu.enqueue_indirect_dma source(%arg14 : memref<128x128xf32, #tpu.memory_space<vmem>>) target(%dma_start3A_828 : memref<4096x128xf32, #tpu.memory_space<vmem_shared>>) offsets(%dma_start3A_825 : memref<128xi32, #tpu.memory_space<vmem>>) semaphore(%arg24 : memref<!tpu.dma_semaphore, #tpu.memory_space<semaphore_mem>>) {add = true}
      %add3A_829 = arith.constant 5 : i32
      %add3A_830 = arith.addi %add3A_814, %add3A_829 : i32
      %sub3A_831 = arith.constant 1 : i32
      %sub3A_832 = arith.subi %add3A_830, %sub3A_831 : i32
      %rem3A_833 = arith.constant 2 : i32
      %rem3A_834 = arith.remsi %sub3A_832, %rem3A_833 : i32
      %mul3A_835 = arith.constant 50 : i32
      %mul3A_836 = arith.muli %rem3A_834, %mul3A_835 : i32
      %jit3A_837 = arith.constant 2 : i32
      %div3A_838 = arith.divsi %sub3A_832, %jit3A_837 : i32
      %sign3A_839 = arith.constant 0 : i32
      %sign3A_840 = arith.cmpi sgt, %sub3A_832, %sign3A_839 : i32
      %sign3A_841 = arith.extui %sign3A_840 : i1 to i32
      %sign3A_842 = arith.constant 0 : i32
      %sign3A_843 = arith.cmpi slt, %sub3A_832, %sign3A_842 : i32
      %sign3A_844 = arith.extui %sign3A_843 : i1 to i32
      %sign3A_845 = arith.subi %sign3A_841, %sign3A_844 : i32
      %sign3A_846 = arith.constant 0 : i32
      %sign3A_847 = arith.cmpi sgt, %jit3A_837, %sign3A_846 : i32
      %sign3A_848 = arith.extui %sign3A_847 : i1 to i32
      %sign3A_849 = arith.constant 0 : i32
      %sign3A_850 = arith.cmpi slt, %jit3A_837, %sign3A_849 : i32
      %sign3A_851 = arith.extui %sign3A_850 : i1 to i32
      %sign3A_852 = arith.subi %sign3A_848, %sign3A_851 : i32
      %ne3A_853 = arith.cmpi ne, %sign3A_845, %sign3A_852 : i32
      %rem3A_854 = arith.remsi %sub3A_832, %jit3A_837 : i32
      %ne3A_855 = arith.constant 0 : i32
      %ne3A_856 = arith.cmpi ne, %rem3A_854, %ne3A_855 : i32
      %and3A_857 = arith.andi %ne3A_853, %ne3A_856 : i1
      %sub3A_858 = arith.constant 1 : i32
      %sub3A_859 = arith.subi %div3A_838, %sub3A_858 : i32
      %select_n3A_860 = arith.select %and3A_857, %sub3A_859, %div3A_838 : i32
      %add3A_861 = arith.addi %mul3A_836, %select_n3A_860 : i32
      %lt3A_862 = arith.constant 19 : i32
      %lt3A_863 = arith.cmpi slt, %scan3A_592, %lt3A_862 : i32
      %convert_element_type3A_864 = arith.extui %lt3A_863 : i1 to i32
      %cond3A_865 = arith.constant 0 : i32
      %cond3A_866 = arith.cmpi ne, %convert_element_type3A_864, %cond3A_865 : i32
      scf.if %cond3A_866 {
        %dma_wait3A_867 = arith.constant 0 : i32
        %dma_wait3A_868 = arith.constant 0 : i32
        %dma_wait3A_869 = tpu.memref_slice %arg3[%dma_wait3A_867, %dma_wait3A_868] : memref<256x128xf32, #tpu.memory_space<hbm>> -> memref<128x128xf32, #tpu.memory_space<hbm>>
        %dma_wait3A_870 = arith.constant 0 : i32
        %dma_wait3A_871 = arith.constant 0 : i32
        %dma_wait3A_872 = tpu.memref_slice %arg3[%dma_wait3A_870, %dma_wait3A_871] : memref<256x128xf32, #tpu.memory_space<hbm>> -> memref<128x128xf32, #tpu.memory_space<hbm>>
        tpu.wait_dma2 semaphore(%arg23 : memref<!tpu.dma_semaphore, #tpu.memory_space<semaphore_mem>>) src(%dma_wait3A_872 : memref<128x128xf32, #tpu.memory_space<hbm>>) dst(%arg10 : memref<128x128xf32, #tpu.memory_space<vmem>>)
        %dma_start3A_873 = arith.constant 0 : i32
        %dma_start3A_874 = tpu.memref_slice %arg8[%add3A_861, %dma_start3A_873] : memref<100x128xi32, #tpu.memory_space<vmem>> -> memref<1x128xi32, #tpu.memory_space<vmem>>
        %dma_start3A_875 = tpu.memref_squeeze %dma_start3A_874 : memref<1x128xi32, #tpu.memory_space<vmem>> -> memref<128xi32, #tpu.memory_space<vmem>>
        %dma_start3A_876 = arith.constant 0 : i32
        %dma_start3A_877 = arith.constant 0 : i32
        %dma_start3A_878 = tpu.memref_slice %arg5[%dma_start3A_876, %dma_start3A_877] : memref<400000x128xf32, #tpu.memory_space<hbm>> -> memref<400000x128xf32, #tpu.memory_space<hbm>>
        tpu.enqueue_indirect_dma source(%dma_start3A_878 : memref<400000x128xf32, #tpu.memory_space<hbm>>) target(%arg13 : memref<128x128xf32, #tpu.memory_space<vmem>>) offsets(%dma_start3A_875 : memref<128xi32, #tpu.memory_space<vmem>>) semaphore(%arg18 : memref<!tpu.dma_semaphore, #tpu.memory_space<semaphore_mem>>)
      } else {
      }
    }
    %scan3A_117 = arith.constant 20 : i32
    %dma_wait3A_118 = arith.constant 0 : i32
    %dma_wait3A_119 = arith.constant 0 : i32
    %dma_wait3A_120 = tpu.memref_slice %arg3[%dma_wait3A_118, %dma_wait3A_119] : memref<256x128xf32, #tpu.memory_space<hbm>> -> memref<128x128xf32, #tpu.memory_space<hbm>>
    %dma_wait3A_121 = arith.constant 0 : i32
    %dma_wait3A_122 = arith.constant 0 : i32
    %dma_wait3A_123 = tpu.memref_slice %arg3[%dma_wait3A_121, %dma_wait3A_122] : memref<256x128xf32, #tpu.memory_space<hbm>> -> memref<128x128xf32, #tpu.memory_space<hbm>>
    tpu.wait_dma2 semaphore(%arg20 : memref<!tpu.dma_semaphore, #tpu.memory_space<semaphore_mem>>) src(%dma_wait3A_123 : memref<128x128xf32, #tpu.memory_space<hbm>>) dst(%arg10 : memref<128x128xf32, #tpu.memory_space<vmem>>)
    %dma_wait3A_124 = arith.constant 0 : i32
    %dma_wait3A_125 = arith.constant 0 : i32
    %dma_wait3A_126 = tpu.memref_slice %arg3[%dma_wait3A_124, %dma_wait3A_125] : memref<256x128xf32, #tpu.memory_space<hbm>> -> memref<128x128xf32, #tpu.memory_space<hbm>>
    %dma_wait3A_127 = arith.constant 0 : i32
    %dma_wait3A_128 = arith.constant 0 : i32
    %dma_wait3A_129 = tpu.memref_slice %arg3[%dma_wait3A_127, %dma_wait3A_128] : memref<256x128xf32, #tpu.memory_space<hbm>> -> memref<128x128xf32, #tpu.memory_space<hbm>>
    tpu.wait_dma2 semaphore(%arg21 : memref<!tpu.dma_semaphore, #tpu.memory_space<semaphore_mem>>) src(%dma_wait3A_129 : memref<128x128xf32, #tpu.memory_space<hbm>>) dst(%arg10 : memref<128x128xf32, #tpu.memory_space<vmem>>)
    %dma_wait3A_130 = arith.constant 0 : i32
    %dma_wait3A_131 = arith.constant 0 : i32
    %dma_wait3A_132 = tpu.memref_slice %arg3[%dma_wait3A_130, %dma_wait3A_131] : memref<256x128xf32, #tpu.memory_space<hbm>> -> memref<128x128xf32, #tpu.memory_space<hbm>>
    %dma_wait3A_133 = arith.constant 0 : i32
    %dma_wait3A_134 = arith.constant 0 : i32
    %dma_wait3A_135 = tpu.memref_slice %arg3[%dma_wait3A_133, %dma_wait3A_134] : memref<256x128xf32, #tpu.memory_space<hbm>> -> memref<128x128xf32, #tpu.memory_space<hbm>>
    tpu.wait_dma2 semaphore(%arg22 : memref<!tpu.dma_semaphore, #tpu.memory_space<semaphore_mem>>) src(%dma_wait3A_135 : memref<128x128xf32, #tpu.memory_space<hbm>>) dst(%arg10 : memref<128x128xf32, #tpu.memory_space<vmem>>)
    %dma_wait3A_136 = arith.constant 0 : i32
    %dma_wait3A_137 = arith.constant 0 : i32
    %dma_wait3A_138 = tpu.memref_slice %arg3[%dma_wait3A_136, %dma_wait3A_137] : memref<256x128xf32, #tpu.memory_space<hbm>> -> memref<128x128xf32, #tpu.memory_space<hbm>>
    %dma_wait3A_139 = arith.constant 0 : i32
    %dma_wait3A_140 = arith.constant 0 : i32
    %dma_wait3A_141 = tpu.memref_slice %arg3[%dma_wait3A_139, %dma_wait3A_140] : memref<256x128xf32, #tpu.memory_space<hbm>> -> memref<128x128xf32, #tpu.memory_space<hbm>>
    tpu.wait_dma2 semaphore(%arg23 : memref<!tpu.dma_semaphore, #tpu.memory_space<semaphore_mem>>) src(%dma_wait3A_141 : memref<128x128xf32, #tpu.memory_space<hbm>>) dst(%arg10 : memref<128x128xf32, #tpu.memory_space<vmem>>)
    %dma_wait3A_142 = arith.constant 0 : i32
    %dma_wait3A_143 = arith.constant 0 : i32
    %dma_wait3A_144 = tpu.memref_slice %arg3[%dma_wait3A_142, %dma_wait3A_143] : memref<256x128xf32, #tpu.memory_space<hbm>> -> memref<128x128xf32, #tpu.memory_space<hbm>>
    %dma_wait3A_145 = arith.constant 0 : i32
    %dma_wait3A_146 = arith.constant 0 : i32
    %dma_wait3A_147 = tpu.memref_slice %arg3[%dma_wait3A_145, %dma_wait3A_146] : memref<256x128xf32, #tpu.memory_space<hbm>> -> memref<128x128xf32, #tpu.memory_space<hbm>>
    tpu.wait_dma2 semaphore(%arg24 : memref<!tpu.dma_semaphore, #tpu.memory_space<semaphore_mem>>) src(%dma_wait3A_147 : memref<128x128xf32, #tpu.memory_space<hbm>>) dst(%arg10 : memref<128x128xf32, #tpu.memory_space<vmem>>)
    %add3A_148 = arith.constant 100 : i32
    %add3A_149 = arith.addi %mul3A_10, %add3A_148 : i32
    "tpu.region"() ({
      %run_scoped3A = tpu.sem_alloc : memref<!tpu.dma_semaphore, #tpu.memory_space<semaphore_mem>>
      %dma_start3A_592 = arith.constant 0 : i32
      %dma_start3A_593 = arith.constant 0 : i32
      %dma_start3A_594 = tpu.memref_slice %arg8[%dma_start3A_592, %dma_start3A_593] : memref<100x128xi32, #tpu.memory_space<vmem>> -> memref<50x128xi32, #tpu.memory_space<vmem>>
      %dma_start3A_595 = arith.constant 0 : i32
      %dma_start3A_596 = tpu.memref_slice %arg2[%add3A_149, %dma_start3A_595] : memref<25600x128xi32, #tpu.memory_space<hbm>> -> memref<50x128xi32, #tpu.memory_space<hbm>>
      %dma_start3A_597 = arith.constant 0 : i32
      %dma_start3A_598 = arith.constant 0 : i32
      %dma_start3A_599 = tpu.memref_slice %arg8[%dma_start3A_597, %dma_start3A_598] : memref<100x128xi32, #tpu.memory_space<vmem>> -> memref<50x128xi32, #tpu.memory_space<vmem>>
      %dma_start3A_600 = arith.constant 0 : i32
      %dma_start3A_601 = tpu.memref_slice %arg2[%add3A_149, %dma_start3A_600] : memref<25600x128xi32, #tpu.memory_space<hbm>> -> memref<50x128xi32, #tpu.memory_space<hbm>>
      tpu.enqueue_dma source(%dma_start3A_601 : memref<50x128xi32, #tpu.memory_space<hbm>>) target(%dma_start3A_599 : memref<50x128xi32, #tpu.memory_space<vmem>>) target_semaphore(%run_scoped3A : memref<!tpu.dma_semaphore, #tpu.memory_space<semaphore_mem>>)
      %dma_wait3A_602 = arith.constant 0 : i32
      %dma_wait3A_603 = arith.constant 0 : i32
      %dma_wait3A_604 = tpu.memref_slice %arg8[%dma_wait3A_602, %dma_wait3A_603] : memref<100x128xi32, #tpu.memory_space<vmem>> -> memref<50x128xi32, #tpu.memory_space<vmem>>
      %dma_wait3A_605 = arith.constant 0 : i32
      %dma_wait3A_606 = tpu.memref_slice %arg2[%add3A_149, %dma_wait3A_605] : memref<25600x128xi32, #tpu.memory_space<hbm>> -> memref<50x128xi32, #tpu.memory_space<hbm>>
      %dma_wait3A_607 = arith.constant 0 : i32
      %dma_wait3A_608 = arith.constant 0 : i32
      %dma_wait3A_609 = tpu.memref_slice %arg8[%dma_wait3A_607, %dma_wait3A_608] : memref<100x128xi32, #tpu.memory_space<vmem>> -> memref<50x128xi32, #tpu.memory_space<vmem>>
      %dma_wait3A_610 = arith.constant 0 : i32
      %dma_wait3A_611 = tpu.memref_slice %arg2[%add3A_149, %dma_wait3A_610] : memref<25600x128xi32, #tpu.memory_space<hbm>> -> memref<50x128xi32, #tpu.memory_space<hbm>>
      tpu.wait_dma2 semaphore(%run_scoped3A : memref<!tpu.dma_semaphore, #tpu.memory_space<semaphore_mem>>) src(%dma_wait3A_611 : memref<50x128xi32, #tpu.memory_space<hbm>>) dst(%dma_wait3A_609 : memref<50x128xi32, #tpu.memory_space<vmem>>)
      tpu.yield
    }) : () -> ()
    %add3A_150 = arith.constant 200 : i32
    %add3A_151 = arith.addi %mul3A_10, %add3A_150 : i32
    %add3A_152 = arith.constant 100 : i32
    %add3A_153 = arith.addi %add3A_151, %add3A_152 : i32
    "tpu.region"() ({
      %run_scoped3A = tpu.sem_alloc : memref<!tpu.dma_semaphore, #tpu.memory_space<semaphore_mem>>
      %dma_start3A_592 = arith.constant 50 : i32
      %dma_start3A_593 = arith.constant 0 : i32
      %dma_start3A_594 = tpu.memref_slice %arg8[%dma_start3A_592, %dma_start3A_593] : memref<100x128xi32, #tpu.memory_space<vmem>> -> memref<50x128xi32, #tpu.memory_space<vmem>>
      %dma_start3A_595 = arith.constant 0 : i32
      %dma_start3A_596 = tpu.memref_slice %arg2[%add3A_153, %dma_start3A_595] : memref<25600x128xi32, #tpu.memory_space<hbm>> -> memref<50x128xi32, #tpu.memory_space<hbm>>
      %dma_start3A_597 = arith.constant 50 : i32
      %dma_start3A_598 = arith.constant 0 : i32
      %dma_start3A_599 = tpu.memref_slice %arg8[%dma_start3A_597, %dma_start3A_598] : memref<100x128xi32, #tpu.memory_space<vmem>> -> memref<50x128xi32, #tpu.memory_space<vmem>>
      %dma_start3A_600 = arith.constant 0 : i32
      %dma_start3A_601 = tpu.memref_slice %arg2[%add3A_153, %dma_start3A_600] : memref<25600x128xi32, #tpu.memory_space<hbm>> -> memref<50x128xi32, #tpu.memory_space<hbm>>
      tpu.enqueue_dma source(%dma_start3A_601 : memref<50x128xi32, #tpu.memory_space<hbm>>) target(%dma_start3A_599 : memref<50x128xi32, #tpu.memory_space<vmem>>) target_semaphore(%run_scoped3A : memref<!tpu.dma_semaphore, #tpu.memory_space<semaphore_mem>>)
      %dma_wait3A_602 = arith.constant 50 : i32
      %dma_wait3A_603 = arith.constant 0 : i32
      %dma_wait3A_604 = tpu.memref_slice %arg8[%dma_wait3A_602, %dma_wait3A_603] : memref<100x128xi32, #tpu.memory_space<vmem>> -> memref<50x128xi32, #tpu.memory_space<vmem>>
      %dma_wait3A_605 = arith.constant 0 : i32
      %dma_wait3A_606 = tpu.memref_slice %arg2[%add3A_153, %dma_wait3A_605] : memref<25600x128xi32, #tpu.memory_space<hbm>> -> memref<50x128xi32, #tpu.memory_space<hbm>>
      %dma_wait3A_607 = arith.constant 50 : i32
      %dma_wait3A_608 = arith.constant 0 : i32
      %dma_wait3A_609 = tpu.memref_slice %arg8[%dma_wait3A_607, %dma_wait3A_608] : memref<100x128xi32, #tpu.memory_space<vmem>> -> memref<50x128xi32, #tpu.memory_space<vmem>>
      %dma_wait3A_610 = arith.constant 0 : i32
      %dma_wait3A_611 = tpu.memref_slice %arg2[%add3A_153, %dma_wait3A_610] : memref<25600x128xi32, #tpu.memory_space<hbm>> -> memref<50x128xi32, #tpu.memory_space<hbm>>
      tpu.wait_dma2 semaphore(%run_scoped3A : memref<!tpu.dma_semaphore, #tpu.memory_space<semaphore_mem>>) src(%dma_wait3A_611 : memref<50x128xi32, #tpu.memory_space<hbm>>) dst(%dma_wait3A_609 : memref<50x128xi32, #tpu.memory_space<vmem>>)
      tpu.yield
    }) : () -> ()
    %dma_start3A_154 = arith.constant 0 : i32
    %dma_start3A_155 = arith.constant 0 : i32
    %dma_start3A_156 = tpu.memref_slice %arg8[%dma_start3A_154, %dma_start3A_155] : memref<100x128xi32, #tpu.memory_space<vmem>> -> memref<1x128xi32, #tpu.memory_space<vmem>>
    %dma_start3A_157 = tpu.memref_squeeze %dma_start3A_156 : memref<1x128xi32, #tpu.memory_space<vmem>> -> memref<128xi32, #tpu.memory_space<vmem>>
    %dma_start3A_158 = arith.constant 0 : i32
    %dma_start3A_159 = arith.constant 0 : i32
    %dma_start3A_160 = tpu.memref_slice %arg5[%dma_start3A_158, %dma_start3A_159] : memref<400000x128xf32, #tpu.memory_space<hbm>> -> memref<400000x128xf32, #tpu.memory_space<hbm>>
    tpu.enqueue_indirect_dma source(%dma_start3A_160 : memref<400000x128xf32, #tpu.memory_space<hbm>>) target(%arg10 : memref<128x128xf32, #tpu.memory_space<vmem>>) offsets(%dma_start3A_157 : memref<128xi32, #tpu.memory_space<vmem>>) semaphore(%arg15 : memref<!tpu.dma_semaphore, #tpu.memory_space<semaphore_mem>>)
    %dma_start3A_161 = arith.constant 50 : i32
    %dma_start3A_162 = arith.constant 0 : i32
    %dma_start3A_163 = tpu.memref_slice %arg8[%dma_start3A_161, %dma_start3A_162] : memref<100x128xi32, #tpu.memory_space<vmem>> -> memref<1x128xi32, #tpu.memory_space<vmem>>
    %dma_start3A_164 = tpu.memref_squeeze %dma_start3A_163 : memref<1x128xi32, #tpu.memory_space<vmem>> -> memref<128xi32, #tpu.memory_space<vmem>>
    %dma_start3A_165 = arith.constant 0 : i32
    %dma_start3A_166 = arith.constant 0 : i32
    %dma_start3A_167 = tpu.memref_slice %arg5[%dma_start3A_165, %dma_start3A_166] : memref<400000x128xf32, #tpu.memory_space<hbm>> -> memref<400000x128xf32, #tpu.memory_space<hbm>>
    tpu.enqueue_indirect_dma source(%dma_start3A_167 : memref<400000x128xf32, #tpu.memory_space<hbm>>) target(%arg11 : memref<128x128xf32, #tpu.memory_space<vmem>>) offsets(%dma_start3A_164 : memref<128xi32, #tpu.memory_space<vmem>>) semaphore(%arg16 : memref<!tpu.dma_semaphore, #tpu.memory_space<semaphore_mem>>)
    %dma_start3A_168 = arith.constant 1 : i32
    %dma_start3A_169 = arith.constant 0 : i32
    %dma_start3A_170 = tpu.memref_slice %arg8[%dma_start3A_168, %dma_start3A_169] : memref<100x128xi32, #tpu.memory_space<vmem>> -> memref<1x128xi32, #tpu.memory_space<vmem>>
    %dma_start3A_171 = tpu.memref_squeeze %dma_start3A_170 : memref<1x128xi32, #tpu.memory_space<vmem>> -> memref<128xi32, #tpu.memory_space<vmem>>
    %dma_start3A_172 = arith.constant 0 : i32
    %dma_start3A_173 = arith.constant 0 : i32
    %dma_start3A_174 = tpu.memref_slice %arg5[%dma_start3A_172, %dma_start3A_173] : memref<400000x128xf32, #tpu.memory_space<hbm>> -> memref<400000x128xf32, #tpu.memory_space<hbm>>
    tpu.enqueue_indirect_dma source(%dma_start3A_174 : memref<400000x128xf32, #tpu.memory_space<hbm>>) target(%arg12 : memref<128x128xf32, #tpu.memory_space<vmem>>) offsets(%dma_start3A_171 : memref<128xi32, #tpu.memory_space<vmem>>) semaphore(%arg17 : memref<!tpu.dma_semaphore, #tpu.memory_space<semaphore_mem>>)
    %dma_start3A_175 = arith.constant 51 : i32
    %dma_start3A_176 = arith.constant 0 : i32
    %dma_start3A_177 = tpu.memref_slice %arg8[%dma_start3A_175, %dma_start3A_176] : memref<100x128xi32, #tpu.memory_space<vmem>> -> memref<1x128xi32, #tpu.memory_space<vmem>>
    %dma_start3A_178 = tpu.memref_squeeze %dma_start3A_177 : memref<1x128xi32, #tpu.memory_space<vmem>> -> memref<128xi32, #tpu.memory_space<vmem>>
    %dma_start3A_179 = arith.constant 0 : i32
    %dma_start3A_180 = arith.constant 0 : i32
    %dma_start3A_181 = tpu.memref_slice %arg5[%dma_start3A_179, %dma_start3A_180] : memref<400000x128xf32, #tpu.memory_space<hbm>> -> memref<400000x128xf32, #tpu.memory_space<hbm>>
    tpu.enqueue_indirect_dma source(%dma_start3A_181 : memref<400000x128xf32, #tpu.memory_space<hbm>>) target(%arg13 : memref<128x128xf32, #tpu.memory_space<vmem>>) offsets(%dma_start3A_178 : memref<128xi32, #tpu.memory_space<vmem>>) semaphore(%arg18 : memref<!tpu.dma_semaphore, #tpu.memory_space<semaphore_mem>>)
    %scan3A_182 = arith.constant 0 : i32
    %scan3A_183 = arith.constant 0 : i32
    %scan3A_184 = arith.constant 20 : i32
    %scan3A_185 = arith.addi %scan3A_183, %scan3A_184 : i32
    %scan3A_186 = arith.constant 1 : i32
    scf.for %scan3A_592 = %scan3A_183 to %scan3A_185 step %scan3A_186  : i32 {
      %mul3A_593 = arith.constant 5 : i32
      %mul3A_594 = arith.muli %mul3A_593, %scan3A_592 : i32
      %add3A_595 = arith.constant 0 : i32
      %add3A_596 = arith.addi %mul3A_594, %add3A_595 : i32
      %dma_wait3A_597 = arith.constant 0 : i32
      %dma_wait3A_598 = arith.constant 0 : i32
      %dma_wait3A_599 = tpu.memref_slice %arg3[%dma_wait3A_597, %dma_wait3A_598] : memref<256x128xf32, #tpu.memory_space<hbm>> -> memref<128x128xf32, #tpu.memory_space<hbm>>
      %dma_wait3A_600 = arith.constant 0 : i32
      %dma_wait3A_601 = arith.constant 0 : i32
      %dma_wait3A_602 = tpu.memref_slice %arg3[%dma_wait3A_600, %dma_wait3A_601] : memref<256x128xf32, #tpu.memory_space<hbm>> -> memref<128x128xf32, #tpu.memory_space<hbm>>
      tpu.wait_dma2 semaphore(%arg15 : memref<!tpu.dma_semaphore, #tpu.memory_space<semaphore_mem>>) src(%dma_wait3A_602 : memref<128x128xf32, #tpu.memory_space<hbm>>) dst(%arg10 : memref<128x128xf32, #tpu.memory_space<vmem>>)
      %rem3A = arith.constant 2 : i32
      %rem3A_603 = arith.remsi %add3A_596, %rem3A : i32
      %dma_start3A_604 = arith.constant 0 : i32
      %dma_start3A_605 = tpu.memref_slice %arg9[%rem3A_603, %dma_start3A_604] : memref<2x128xi32, #tpu.memory_space<vmem>> -> memref<1x128xi32, #tpu.memory_space<vmem>>
      %dma_start3A_606 = tpu.memref_squeeze %dma_start3A_605 : memref<1x128xi32, #tpu.memory_space<vmem>> -> memref<128xi32, #tpu.memory_space<vmem>>
      %dma_start3A_607 = arith.constant 0 : i32
      %dma_start3A_608 = arith.constant 0 : i32
      %dma_start3A_609 = tpu.memref_slice %arg7[%dma_start3A_607, %dma_start3A_608] : memref<4096x128xf32, #tpu.memory_space<vmem_shared>> -> memref<4096x128xf32, #tpu.memory_space<vmem_shared>>
      tpu.enqueue_indirect_dma source(%arg10 : memref<128x128xf32, #tpu.memory_space<vmem>>) target(%dma_start3A_609 : memref<4096x128xf32, #tpu.memory_space<vmem_shared>>) offsets(%dma_start3A_606 : memref<128xi32, #tpu.memory_space<vmem>>) semaphore(%arg20 : memref<!tpu.dma_semaphore, #tpu.memory_space<semaphore_mem>>) {add = true}
      %add3A_610 = arith.constant 5 : i32
      %add3A_611 = arith.addi %add3A_596, %add3A_610 : i32
      %sub3A = arith.constant 1 : i32
      %sub3A_612 = arith.subi %add3A_611, %sub3A : i32
      %rem3A_613 = arith.constant 2 : i32
      %rem3A_614 = arith.remsi %sub3A_612, %rem3A_613 : i32
      %mul3A_615 = arith.constant 50 : i32
      %mul3A_616 = arith.muli %rem3A_614, %mul3A_615 : i32
      %jit3A = arith.constant 2 : i32
      %div3A = arith.divsi %sub3A_612, %jit3A : i32
      %sign3A = arith.constant 0 : i32
      %sign3A_617 = arith.cmpi sgt, %sub3A_612, %sign3A : i32
      %sign3A_618 = arith.extui %sign3A_617 : i1 to i32
      %sign3A_619 = arith.constant 0 : i32
      %sign3A_620 = arith.cmpi slt, %sub3A_612, %sign3A_619 : i32
      %sign3A_621 = arith.extui %sign3A_620 : i1 to i32
      %sign3A_622 = arith.subi %sign3A_618, %sign3A_621 : i32
      %sign3A_623 = arith.constant 0 : i32
      %sign3A_624 = arith.cmpi sgt, %jit3A, %sign3A_623 : i32
      %sign3A_625 = arith.extui %sign3A_624 : i1 to i32
      %sign3A_626 = arith.constant 0 : i32
      %sign3A_627 = arith.cmpi slt, %jit3A, %sign3A_626 : i32
      %sign3A_628 = arith.extui %sign3A_627 : i1 to i32
      %sign3A_629 = arith.subi %sign3A_625, %sign3A_628 : i32
      %ne3A = arith.cmpi ne, %sign3A_622, %sign3A_629 : i32
      %rem3A_630 = arith.remsi %sub3A_612, %jit3A : i32
      %ne3A_631 = arith.constant 0 : i32
      %ne3A_632 = arith.cmpi ne, %rem3A_630, %ne3A_631 : i32
      %and3A = arith.andi %ne3A, %ne3A_632 : i1
      %sub3A_633 = arith.constant 1 : i32
      %sub3A_634 = arith.subi %div3A, %sub3A_633 : i32
      %select_n3A = arith.select %and3A, %sub3A_634, %div3A : i32
      %add3A_635 = arith.addi %mul3A_616, %select_n3A : i32
      %gt3A = arith.constant 0 : i32
      %gt3A_636 = arith.cmpi sgt, %scan3A_592, %gt3A : i32
      %convert_element_type3A = arith.extui %gt3A_636 : i1 to i32
      %cond3A = arith.constant 0 : i32
      %cond3A_637 = arith.cmpi ne, %convert_element_type3A, %cond3A : i32
      scf.if %cond3A_637 {
        %dma_wait3A_867 = arith.constant 0 : i32
        %dma_wait3A_868 = arith.constant 0 : i32
        %dma_wait3A_869 = tpu.memref_slice %arg3[%dma_wait3A_867, %dma_wait3A_868] : memref<256x128xf32, #tpu.memory_space<hbm>> -> memref<128x128xf32, #tpu.memory_space<hbm>>
        %dma_wait3A_870 = arith.constant 0 : i32
        %dma_wait3A_871 = arith.constant 0 : i32
        %dma_wait3A_872 = tpu.memref_slice %arg3[%dma_wait3A_870, %dma_wait3A_871] : memref<256x128xf32, #tpu.memory_space<hbm>> -> memref<128x128xf32, #tpu.memory_space<hbm>>
        tpu.wait_dma2 semaphore(%arg24 : memref<!tpu.dma_semaphore, #tpu.memory_space<semaphore_mem>>) src(%dma_wait3A_872 : memref<128x128xf32, #tpu.memory_space<hbm>>) dst(%arg10 : memref<128x128xf32, #tpu.memory_space<vmem>>)
      } else {
      }
      %dma_start3A_638 = arith.constant 0 : i32
      %dma_start3A_639 = tpu.memref_slice %arg8[%add3A_635, %dma_start3A_638] : memref<100x128xi32, #tpu.memory_space<vmem>> -> memref<1x128xi32, #tpu.memory_space<vmem>>
      %dma_start3A_640 = tpu.memref_squeeze %dma_start3A_639 : memref<1x128xi32, #tpu.memory_space<vmem>> -> memref<128xi32, #tpu.memory_space<vmem>>
      %dma_start3A_641 = arith.constant 0 : i32
      %dma_start3A_642 = arith.constant 0 : i32
      %dma_start3A_643 = tpu.memref_slice %arg5[%dma_start3A_641, %dma_start3A_642] : memref<400000x128xf32, #tpu.memory_space<hbm>> -> memref<400000x128xf32, #tpu.memory_space<hbm>>
      tpu.enqueue_indirect_dma source(%dma_start3A_643 : memref<400000x128xf32, #tpu.memory_space<hbm>>) target(%arg14 : memref<128x128xf32, #tpu.memory_space<vmem>>) offsets(%dma_start3A_640 : memref<128xi32, #tpu.memory_space<vmem>>) semaphore(%arg19 : memref<!tpu.dma_semaphore, #tpu.memory_space<semaphore_mem>>)
      %mul3A_644 = arith.constant 5 : i32
      %mul3A_645 = arith.muli %mul3A_644, %scan3A_592 : i32
      %add3A_646 = arith.constant 1 : i32
      %add3A_647 = arith.addi %mul3A_645, %add3A_646 : i32
      %dma_wait3A_648 = arith.constant 0 : i32
      %dma_wait3A_649 = arith.constant 0 : i32
      %dma_wait3A_650 = tpu.memref_slice %arg3[%dma_wait3A_648, %dma_wait3A_649] : memref<256x128xf32, #tpu.memory_space<hbm>> -> memref<128x128xf32, #tpu.memory_space<hbm>>
      %dma_wait3A_651 = arith.constant 0 : i32
      %dma_wait3A_652 = arith.constant 0 : i32
      %dma_wait3A_653 = tpu.memref_slice %arg3[%dma_wait3A_651, %dma_wait3A_652] : memref<256x128xf32, #tpu.memory_space<hbm>> -> memref<128x128xf32, #tpu.memory_space<hbm>>
      tpu.wait_dma2 semaphore(%arg16 : memref<!tpu.dma_semaphore, #tpu.memory_space<semaphore_mem>>) src(%dma_wait3A_653 : memref<128x128xf32, #tpu.memory_space<hbm>>) dst(%arg10 : memref<128x128xf32, #tpu.memory_space<vmem>>)
      %rem3A_654 = arith.constant 2 : i32
      %rem3A_655 = arith.remsi %add3A_647, %rem3A_654 : i32
      %dma_start3A_656 = arith.constant 0 : i32
      %dma_start3A_657 = tpu.memref_slice %arg9[%rem3A_655, %dma_start3A_656] : memref<2x128xi32, #tpu.memory_space<vmem>> -> memref<1x128xi32, #tpu.memory_space<vmem>>
      %dma_start3A_658 = tpu.memref_squeeze %dma_start3A_657 : memref<1x128xi32, #tpu.memory_space<vmem>> -> memref<128xi32, #tpu.memory_space<vmem>>
      %dma_start3A_659 = arith.constant 0 : i32
      %dma_start3A_660 = arith.constant 0 : i32
      %dma_start3A_661 = tpu.memref_slice %arg7[%dma_start3A_659, %dma_start3A_660] : memref<4096x128xf32, #tpu.memory_space<vmem_shared>> -> memref<4096x128xf32, #tpu.memory_space<vmem_shared>>
      tpu.enqueue_indirect_dma source(%arg11 : memref<128x128xf32, #tpu.memory_space<vmem>>) target(%dma_start3A_661 : memref<4096x128xf32, #tpu.memory_space<vmem_shared>>) offsets(%dma_start3A_658 : memref<128xi32, #tpu.memory_space<vmem>>) semaphore(%arg21 : memref<!tpu.dma_semaphore, #tpu.memory_space<semaphore_mem>>) {add = true}
      %add3A_662 = arith.constant 5 : i32
      %add3A_663 = arith.addi %add3A_647, %add3A_662 : i32
      %sub3A_664 = arith.constant 1 : i32
      %sub3A_665 = arith.subi %add3A_663, %sub3A_664 : i32
      %rem3A_666 = arith.constant 2 : i32
      %rem3A_667 = arith.remsi %sub3A_665, %rem3A_666 : i32
      %mul3A_668 = arith.constant 50 : i32
      %mul3A_669 = arith.muli %rem3A_667, %mul3A_668 : i32
      %jit3A_670 = arith.constant 2 : i32
      %div3A_671 = arith.divsi %sub3A_665, %jit3A_670 : i32
      %sign3A_672 = arith.constant 0 : i32
      %sign3A_673 = arith.cmpi sgt, %sub3A_665, %sign3A_672 : i32
      %sign3A_674 = arith.extui %sign3A_673 : i1 to i32
      %sign3A_675 = arith.constant 0 : i32
      %sign3A_676 = arith.cmpi slt, %sub3A_665, %sign3A_675 : i32
      %sign3A_677 = arith.extui %sign3A_676 : i1 to i32
      %sign3A_678 = arith.subi %sign3A_674, %sign3A_677 : i32
      %sign3A_679 = arith.constant 0 : i32
      %sign3A_680 = arith.cmpi sgt, %jit3A_670, %sign3A_679 : i32
      %sign3A_681 = arith.extui %sign3A_680 : i1 to i32
      %sign3A_682 = arith.constant 0 : i32
      %sign3A_683 = arith.cmpi slt, %jit3A_670, %sign3A_682 : i32
      %sign3A_684 = arith.extui %sign3A_683 : i1 to i32
      %sign3A_685 = arith.subi %sign3A_681, %sign3A_684 : i32
      %ne3A_686 = arith.cmpi ne, %sign3A_678, %sign3A_685 : i32
      %rem3A_687 = arith.remsi %sub3A_665, %jit3A_670 : i32
      %ne3A_688 = arith.constant 0 : i32
      %ne3A_689 = arith.cmpi ne, %rem3A_687, %ne3A_688 : i32
      %and3A_690 = arith.andi %ne3A_686, %ne3A_689 : i1
      %sub3A_691 = arith.constant 1 : i32
      %sub3A_692 = arith.subi %div3A_671, %sub3A_691 : i32
      %select_n3A_693 = arith.select %and3A_690, %sub3A_692, %div3A_671 : i32
      %add3A_694 = arith.addi %mul3A_669, %select_n3A_693 : i32
      %lt3A = arith.constant 19 : i32
      %lt3A_695 = arith.cmpi slt, %scan3A_592, %lt3A : i32
      %convert_element_type3A_696 = arith.extui %lt3A_695 : i1 to i32
      %cond3A_697 = arith.constant 0 : i32
      %cond3A_698 = arith.cmpi ne, %convert_element_type3A_696, %cond3A_697 : i32
      scf.if %cond3A_698 {
        %dma_wait3A_867 = arith.constant 0 : i32
        %dma_wait3A_868 = arith.constant 0 : i32
        %dma_wait3A_869 = tpu.memref_slice %arg3[%dma_wait3A_867, %dma_wait3A_868] : memref<256x128xf32, #tpu.memory_space<hbm>> -> memref<128x128xf32, #tpu.memory_space<hbm>>
        %dma_wait3A_870 = arith.constant 0 : i32
        %dma_wait3A_871 = arith.constant 0 : i32
        %dma_wait3A_872 = tpu.memref_slice %arg3[%dma_wait3A_870, %dma_wait3A_871] : memref<256x128xf32, #tpu.memory_space<hbm>> -> memref<128x128xf32, #tpu.memory_space<hbm>>
        tpu.wait_dma2 semaphore(%arg20 : memref<!tpu.dma_semaphore, #tpu.memory_space<semaphore_mem>>) src(%dma_wait3A_872 : memref<128x128xf32, #tpu.memory_space<hbm>>) dst(%arg10 : memref<128x128xf32, #tpu.memory_space<vmem>>)
        %dma_start3A_873 = arith.constant 0 : i32
        %dma_start3A_874 = tpu.memref_slice %arg8[%add3A_694, %dma_start3A_873] : memref<100x128xi32, #tpu.memory_space<vmem>> -> memref<1x128xi32, #tpu.memory_space<vmem>>
        %dma_start3A_875 = tpu.memref_squeeze %dma_start3A_874 : memref<1x128xi32, #tpu.memory_space<vmem>> -> memref<128xi32, #tpu.memory_space<vmem>>
        %dma_start3A_876 = arith.constant 0 : i32
        %dma_start3A_877 = arith.constant 0 : i32
        %dma_start3A_878 = tpu.memref_slice %arg5[%dma_start3A_876, %dma_start3A_877] : memref<400000x128xf32, #tpu.memory_space<hbm>> -> memref<400000x128xf32, #tpu.memory_space<hbm>>
        tpu.enqueue_indirect_dma source(%dma_start3A_878 : memref<400000x128xf32, #tpu.memory_space<hbm>>) target(%arg10 : memref<128x128xf32, #tpu.memory_space<vmem>>) offsets(%dma_start3A_875 : memref<128xi32, #tpu.memory_space<vmem>>) semaphore(%arg15 : memref<!tpu.dma_semaphore, #tpu.memory_space<semaphore_mem>>)
      } else {
      }
      %mul3A_699 = arith.constant 5 : i32
      %mul3A_700 = arith.muli %mul3A_699, %scan3A_592 : i32
      %add3A_701 = arith.constant 2 : i32
      %add3A_702 = arith.addi %mul3A_700, %add3A_701 : i32
      %dma_wait3A_703 = arith.constant 0 : i32
      %dma_wait3A_704 = arith.constant 0 : i32
      %dma_wait3A_705 = tpu.memref_slice %arg3[%dma_wait3A_703, %dma_wait3A_704] : memref<256x128xf32, #tpu.memory_space<hbm>> -> memref<128x128xf32, #tpu.memory_space<hbm>>
      %dma_wait3A_706 = arith.constant 0 : i32
      %dma_wait3A_707 = arith.constant 0 : i32
      %dma_wait3A_708 = tpu.memref_slice %arg3[%dma_wait3A_706, %dma_wait3A_707] : memref<256x128xf32, #tpu.memory_space<hbm>> -> memref<128x128xf32, #tpu.memory_space<hbm>>
      tpu.wait_dma2 semaphore(%arg17 : memref<!tpu.dma_semaphore, #tpu.memory_space<semaphore_mem>>) src(%dma_wait3A_708 : memref<128x128xf32, #tpu.memory_space<hbm>>) dst(%arg10 : memref<128x128xf32, #tpu.memory_space<vmem>>)
      %rem3A_709 = arith.constant 2 : i32
      %rem3A_710 = arith.remsi %add3A_702, %rem3A_709 : i32
      %dma_start3A_711 = arith.constant 0 : i32
      %dma_start3A_712 = tpu.memref_slice %arg9[%rem3A_710, %dma_start3A_711] : memref<2x128xi32, #tpu.memory_space<vmem>> -> memref<1x128xi32, #tpu.memory_space<vmem>>
      %dma_start3A_713 = tpu.memref_squeeze %dma_start3A_712 : memref<1x128xi32, #tpu.memory_space<vmem>> -> memref<128xi32, #tpu.memory_space<vmem>>
      %dma_start3A_714 = arith.constant 0 : i32
      %dma_start3A_715 = arith.constant 0 : i32
      %dma_start3A_716 = tpu.memref_slice %arg7[%dma_start3A_714, %dma_start3A_715] : memref<4096x128xf32, #tpu.memory_space<vmem_shared>> -> memref<4096x128xf32, #tpu.memory_space<vmem_shared>>
      tpu.enqueue_indirect_dma source(%arg12 : memref<128x128xf32, #tpu.memory_space<vmem>>) target(%dma_start3A_716 : memref<4096x128xf32, #tpu.memory_space<vmem_shared>>) offsets(%dma_start3A_713 : memref<128xi32, #tpu.memory_space<vmem>>) semaphore(%arg22 : memref<!tpu.dma_semaphore, #tpu.memory_space<semaphore_mem>>) {add = true}
      %add3A_717 = arith.constant 5 : i32
      %add3A_718 = arith.addi %add3A_702, %add3A_717 : i32
      %sub3A_719 = arith.constant 1 : i32
      %sub3A_720 = arith.subi %add3A_718, %sub3A_719 : i32
      %rem3A_721 = arith.constant 2 : i32
      %rem3A_722 = arith.remsi %sub3A_720, %rem3A_721 : i32
      %mul3A_723 = arith.constant 50 : i32
      %mul3A_724 = arith.muli %rem3A_722, %mul3A_723 : i32
      %jit3A_725 = arith.constant 2 : i32
      %div3A_726 = arith.divsi %sub3A_720, %jit3A_725 : i32
      %sign3A_727 = arith.constant 0 : i32
      %sign3A_728 = arith.cmpi sgt, %sub3A_720, %sign3A_727 : i32
      %sign3A_729 = arith.extui %sign3A_728 : i1 to i32
      %sign3A_730 = arith.constant 0 : i32
      %sign3A_731 = arith.cmpi slt, %sub3A_720, %sign3A_730 : i32
      %sign3A_732 = arith.extui %sign3A_731 : i1 to i32
      %sign3A_733 = arith.subi %sign3A_729, %sign3A_732 : i32
      %sign3A_734 = arith.constant 0 : i32
      %sign3A_735 = arith.cmpi sgt, %jit3A_725, %sign3A_734 : i32
      %sign3A_736 = arith.extui %sign3A_735 : i1 to i32
      %sign3A_737 = arith.constant 0 : i32
      %sign3A_738 = arith.cmpi slt, %jit3A_725, %sign3A_737 : i32
      %sign3A_739 = arith.extui %sign3A_738 : i1 to i32
      %sign3A_740 = arith.subi %sign3A_736, %sign3A_739 : i32
      %ne3A_741 = arith.cmpi ne, %sign3A_733, %sign3A_740 : i32
      %rem3A_742 = arith.remsi %sub3A_720, %jit3A_725 : i32
      %ne3A_743 = arith.constant 0 : i32
      %ne3A_744 = arith.cmpi ne, %rem3A_742, %ne3A_743 : i32
      %and3A_745 = arith.andi %ne3A_741, %ne3A_744 : i1
      %sub3A_746 = arith.constant 1 : i32
      %sub3A_747 = arith.subi %div3A_726, %sub3A_746 : i32
      %select_n3A_748 = arith.select %and3A_745, %sub3A_747, %div3A_726 : i32
      %add3A_749 = arith.addi %mul3A_724, %select_n3A_748 : i32
      %lt3A_750 = arith.constant 19 : i32
      %lt3A_751 = arith.cmpi slt, %scan3A_592, %lt3A_750 : i32
      %convert_element_type3A_752 = arith.extui %lt3A_751 : i1 to i32
      %cond3A_753 = arith.constant 0 : i32
      %cond3A_754 = arith.cmpi ne, %convert_element_type3A_752, %cond3A_753 : i32
      scf.if %cond3A_754 {
        %dma_wait3A_867 = arith.constant 0 : i32
        %dma_wait3A_868 = arith.constant 0 : i32
        %dma_wait3A_869 = tpu.memref_slice %arg3[%dma_wait3A_867, %dma_wait3A_868] : memref<256x128xf32, #tpu.memory_space<hbm>> -> memref<128x128xf32, #tpu.memory_space<hbm>>
        %dma_wait3A_870 = arith.constant 0 : i32
        %dma_wait3A_871 = arith.constant 0 : i32
        %dma_wait3A_872 = tpu.memref_slice %arg3[%dma_wait3A_870, %dma_wait3A_871] : memref<256x128xf32, #tpu.memory_space<hbm>> -> memref<128x128xf32, #tpu.memory_space<hbm>>
        tpu.wait_dma2 semaphore(%arg21 : memref<!tpu.dma_semaphore, #tpu.memory_space<semaphore_mem>>) src(%dma_wait3A_872 : memref<128x128xf32, #tpu.memory_space<hbm>>) dst(%arg10 : memref<128x128xf32, #tpu.memory_space<vmem>>)
        %dma_start3A_873 = arith.constant 0 : i32
        %dma_start3A_874 = tpu.memref_slice %arg8[%add3A_749, %dma_start3A_873] : memref<100x128xi32, #tpu.memory_space<vmem>> -> memref<1x128xi32, #tpu.memory_space<vmem>>
        %dma_start3A_875 = tpu.memref_squeeze %dma_start3A_874 : memref<1x128xi32, #tpu.memory_space<vmem>> -> memref<128xi32, #tpu.memory_space<vmem>>
        %dma_start3A_876 = arith.constant 0 : i32
        %dma_start3A_877 = arith.constant 0 : i32
        %dma_start3A_878 = tpu.memref_slice %arg5[%dma_start3A_876, %dma_start3A_877] : memref<400000x128xf32, #tpu.memory_space<hbm>> -> memref<400000x128xf32, #tpu.memory_space<hbm>>
        tpu.enqueue_indirect_dma source(%dma_start3A_878 : memref<400000x128xf32, #tpu.memory_space<hbm>>) target(%arg11 : memref<128x128xf32, #tpu.memory_space<vmem>>) offsets(%dma_start3A_875 : memref<128xi32, #tpu.memory_space<vmem>>) semaphore(%arg16 : memref<!tpu.dma_semaphore, #tpu.memory_space<semaphore_mem>>)
      } else {
      }
      %mul3A_755 = arith.constant 5 : i32
      %mul3A_756 = arith.muli %mul3A_755, %scan3A_592 : i32
      %add3A_757 = arith.constant 3 : i32
      %add3A_758 = arith.addi %mul3A_756, %add3A_757 : i32
      %dma_wait3A_759 = arith.constant 0 : i32
      %dma_wait3A_760 = arith.constant 0 : i32
      %dma_wait3A_761 = tpu.memref_slice %arg3[%dma_wait3A_759, %dma_wait3A_760] : memref<256x128xf32, #tpu.memory_space<hbm>> -> memref<128x128xf32, #tpu.memory_space<hbm>>
      %dma_wait3A_762 = arith.constant 0 : i32
      %dma_wait3A_763 = arith.constant 0 : i32
      %dma_wait3A_764 = tpu.memref_slice %arg3[%dma_wait3A_762, %dma_wait3A_763] : memref<256x128xf32, #tpu.memory_space<hbm>> -> memref<128x128xf32, #tpu.memory_space<hbm>>
      tpu.wait_dma2 semaphore(%arg18 : memref<!tpu.dma_semaphore, #tpu.memory_space<semaphore_mem>>) src(%dma_wait3A_764 : memref<128x128xf32, #tpu.memory_space<hbm>>) dst(%arg10 : memref<128x128xf32, #tpu.memory_space<vmem>>)
      %rem3A_765 = arith.constant 2 : i32
      %rem3A_766 = arith.remsi %add3A_758, %rem3A_765 : i32
      %dma_start3A_767 = arith.constant 0 : i32
      %dma_start3A_768 = tpu.memref_slice %arg9[%rem3A_766, %dma_start3A_767] : memref<2x128xi32, #tpu.memory_space<vmem>> -> memref<1x128xi32, #tpu.memory_space<vmem>>
      %dma_start3A_769 = tpu.memref_squeeze %dma_start3A_768 : memref<1x128xi32, #tpu.memory_space<vmem>> -> memref<128xi32, #tpu.memory_space<vmem>>
      %dma_start3A_770 = arith.constant 0 : i32
      %dma_start3A_771 = arith.constant 0 : i32
      %dma_start3A_772 = tpu.memref_slice %arg7[%dma_start3A_770, %dma_start3A_771] : memref<4096x128xf32, #tpu.memory_space<vmem_shared>> -> memref<4096x128xf32, #tpu.memory_space<vmem_shared>>
      tpu.enqueue_indirect_dma source(%arg13 : memref<128x128xf32, #tpu.memory_space<vmem>>) target(%dma_start3A_772 : memref<4096x128xf32, #tpu.memory_space<vmem_shared>>) offsets(%dma_start3A_769 : memref<128xi32, #tpu.memory_space<vmem>>) semaphore(%arg23 : memref<!tpu.dma_semaphore, #tpu.memory_space<semaphore_mem>>) {add = true}
      %add3A_773 = arith.constant 5 : i32
      %add3A_774 = arith.addi %add3A_758, %add3A_773 : i32
      %sub3A_775 = arith.constant 1 : i32
      %sub3A_776 = arith.subi %add3A_774, %sub3A_775 : i32
      %rem3A_777 = arith.constant 2 : i32
      %rem3A_778 = arith.remsi %sub3A_776, %rem3A_777 : i32
      %mul3A_779 = arith.constant 50 : i32
      %mul3A_780 = arith.muli %rem3A_778, %mul3A_779 : i32
      %jit3A_781 = arith.constant 2 : i32
      %div3A_782 = arith.divsi %sub3A_776, %jit3A_781 : i32
      %sign3A_783 = arith.constant 0 : i32
      %sign3A_784 = arith.cmpi sgt, %sub3A_776, %sign3A_783 : i32
      %sign3A_785 = arith.extui %sign3A_784 : i1 to i32
      %sign3A_786 = arith.constant 0 : i32
      %sign3A_787 = arith.cmpi slt, %sub3A_776, %sign3A_786 : i32
      %sign3A_788 = arith.extui %sign3A_787 : i1 to i32
      %sign3A_789 = arith.subi %sign3A_785, %sign3A_788 : i32
      %sign3A_790 = arith.constant 0 : i32
      %sign3A_791 = arith.cmpi sgt, %jit3A_781, %sign3A_790 : i32
      %sign3A_792 = arith.extui %sign3A_791 : i1 to i32
      %sign3A_793 = arith.constant 0 : i32
      %sign3A_794 = arith.cmpi slt, %jit3A_781, %sign3A_793 : i32
      %sign3A_795 = arith.extui %sign3A_794 : i1 to i32
      %sign3A_796 = arith.subi %sign3A_792, %sign3A_795 : i32
      %ne3A_797 = arith.cmpi ne, %sign3A_789, %sign3A_796 : i32
      %rem3A_798 = arith.remsi %sub3A_776, %jit3A_781 : i32
      %ne3A_799 = arith.constant 0 : i32
      %ne3A_800 = arith.cmpi ne, %rem3A_798, %ne3A_799 : i32
      %and3A_801 = arith.andi %ne3A_797, %ne3A_800 : i1
      %sub3A_802 = arith.constant 1 : i32
      %sub3A_803 = arith.subi %div3A_782, %sub3A_802 : i32
      %select_n3A_804 = arith.select %and3A_801, %sub3A_803, %div3A_782 : i32
      %add3A_805 = arith.addi %mul3A_780, %select_n3A_804 : i32
      %lt3A_806 = arith.constant 19 : i32
      %lt3A_807 = arith.cmpi slt, %scan3A_592, %lt3A_806 : i32
      %convert_element_type3A_808 = arith.extui %lt3A_807 : i1 to i32
      %cond3A_809 = arith.constant 0 : i32
      %cond3A_810 = arith.cmpi ne, %convert_element_type3A_808, %cond3A_809 : i32
      scf.if %cond3A_810 {
        %dma_wait3A_867 = arith.constant 0 : i32
        %dma_wait3A_868 = arith.constant 0 : i32
        %dma_wait3A_869 = tpu.memref_slice %arg3[%dma_wait3A_867, %dma_wait3A_868] : memref<256x128xf32, #tpu.memory_space<hbm>> -> memref<128x128xf32, #tpu.memory_space<hbm>>
        %dma_wait3A_870 = arith.constant 0 : i32
        %dma_wait3A_871 = arith.constant 0 : i32
        %dma_wait3A_872 = tpu.memref_slice %arg3[%dma_wait3A_870, %dma_wait3A_871] : memref<256x128xf32, #tpu.memory_space<hbm>> -> memref<128x128xf32, #tpu.memory_space<hbm>>
        tpu.wait_dma2 semaphore(%arg22 : memref<!tpu.dma_semaphore, #tpu.memory_space<semaphore_mem>>) src(%dma_wait3A_872 : memref<128x128xf32, #tpu.memory_space<hbm>>) dst(%arg10 : memref<128x128xf32, #tpu.memory_space<vmem>>)
        %dma_start3A_873 = arith.constant 0 : i32
        %dma_start3A_874 = tpu.memref_slice %arg8[%add3A_805, %dma_start3A_873] : memref<100x128xi32, #tpu.memory_space<vmem>> -> memref<1x128xi32, #tpu.memory_space<vmem>>
        %dma_start3A_875 = tpu.memref_squeeze %dma_start3A_874 : memref<1x128xi32, #tpu.memory_space<vmem>> -> memref<128xi32, #tpu.memory_space<vmem>>
        %dma_start3A_876 = arith.constant 0 : i32
        %dma_start3A_877 = arith.constant 0 : i32
        %dma_start3A_878 = tpu.memref_slice %arg5[%dma_start3A_876, %dma_start3A_877] : memref<400000x128xf32, #tpu.memory_space<hbm>> -> memref<400000x128xf32, #tpu.memory_space<hbm>>
        tpu.enqueue_indirect_dma source(%dma_start3A_878 : memref<400000x128xf32, #tpu.memory_space<hbm>>) target(%arg12 : memref<128x128xf32, #tpu.memory_space<vmem>>) offsets(%dma_start3A_875 : memref<128xi32, #tpu.memory_space<vmem>>) semaphore(%arg17 : memref<!tpu.dma_semaphore, #tpu.memory_space<semaphore_mem>>)
      } else {
      }
      %mul3A_811 = arith.constant 5 : i32
      %mul3A_812 = arith.muli %mul3A_811, %scan3A_592 : i32
      %add3A_813 = arith.constant 4 : i32
      %add3A_814 = arith.addi %mul3A_812, %add3A_813 : i32
      %dma_wait3A_815 = arith.constant 0 : i32
      %dma_wait3A_816 = arith.constant 0 : i32
      %dma_wait3A_817 = tpu.memref_slice %arg3[%dma_wait3A_815, %dma_wait3A_816] : memref<256x128xf32, #tpu.memory_space<hbm>> -> memref<128x128xf32, #tpu.memory_space<hbm>>
      %dma_wait3A_818 = arith.constant 0 : i32
      %dma_wait3A_819 = arith.constant 0 : i32
      %dma_wait3A_820 = tpu.memref_slice %arg3[%dma_wait3A_818, %dma_wait3A_819] : memref<256x128xf32, #tpu.memory_space<hbm>> -> memref<128x128xf32, #tpu.memory_space<hbm>>
      tpu.wait_dma2 semaphore(%arg19 : memref<!tpu.dma_semaphore, #tpu.memory_space<semaphore_mem>>) src(%dma_wait3A_820 : memref<128x128xf32, #tpu.memory_space<hbm>>) dst(%arg10 : memref<128x128xf32, #tpu.memory_space<vmem>>)
      %rem3A_821 = arith.constant 2 : i32
      %rem3A_822 = arith.remsi %add3A_814, %rem3A_821 : i32
      %dma_start3A_823 = arith.constant 0 : i32
      %dma_start3A_824 = tpu.memref_slice %arg9[%rem3A_822, %dma_start3A_823] : memref<2x128xi32, #tpu.memory_space<vmem>> -> memref<1x128xi32, #tpu.memory_space<vmem>>
      %dma_start3A_825 = tpu.memref_squeeze %dma_start3A_824 : memref<1x128xi32, #tpu.memory_space<vmem>> -> memref<128xi32, #tpu.memory_space<vmem>>
      %dma_start3A_826 = arith.constant 0 : i32
      %dma_start3A_827 = arith.constant 0 : i32
      %dma_start3A_828 = tpu.memref_slice %arg7[%dma_start3A_826, %dma_start3A_827] : memref<4096x128xf32, #tpu.memory_space<vmem_shared>> -> memref<4096x128xf32, #tpu.memory_space<vmem_shared>>
      tpu.enqueue_indirect_dma source(%arg14 : memref<128x128xf32, #tpu.memory_space<vmem>>) target(%dma_start3A_828 : memref<4096x128xf32, #tpu.memory_space<vmem_shared>>) offsets(%dma_start3A_825 : memref<128xi32, #tpu.memory_space<vmem>>) semaphore(%arg24 : memref<!tpu.dma_semaphore, #tpu.memory_space<semaphore_mem>>) {add = true}
      %add3A_829 = arith.constant 5 : i32
      %add3A_830 = arith.addi %add3A_814, %add3A_829 : i32
      %sub3A_831 = arith.constant 1 : i32
      %sub3A_832 = arith.subi %add3A_830, %sub3A_831 : i32
      %rem3A_833 = arith.constant 2 : i32
      %rem3A_834 = arith.remsi %sub3A_832, %rem3A_833 : i32
      %mul3A_835 = arith.constant 50 : i32
      %mul3A_836 = arith.muli %rem3A_834, %mul3A_835 : i32
      %jit3A_837 = arith.constant 2 : i32
      %div3A_838 = arith.divsi %sub3A_832, %jit3A_837 : i32
      %sign3A_839 = arith.constant 0 : i32
      %sign3A_840 = arith.cmpi sgt, %sub3A_832, %sign3A_839 : i32
      %sign3A_841 = arith.extui %sign3A_840 : i1 to i32
      %sign3A_842 = arith.constant 0 : i32
      %sign3A_843 = arith.cmpi slt, %sub3A_832, %sign3A_842 : i32
      %sign3A_844 = arith.extui %sign3A_843 : i1 to i32
      %sign3A_845 = arith.subi %sign3A_841, %sign3A_844 : i32
      %sign3A_846 = arith.constant 0 : i32
      %sign3A_847 = arith.cmpi sgt, %jit3A_837, %sign3A_846 : i32
      %sign3A_848 = arith.extui %sign3A_847 : i1 to i32
      %sign3A_849 = arith.constant 0 : i32
      %sign3A_850 = arith.cmpi slt, %jit3A_837, %sign3A_849 : i32
      %sign3A_851 = arith.extui %sign3A_850 : i1 to i32
      %sign3A_852 = arith.subi %sign3A_848, %sign3A_851 : i32
      %ne3A_853 = arith.cmpi ne, %sign3A_845, %sign3A_852 : i32
      %rem3A_854 = arith.remsi %sub3A_832, %jit3A_837 : i32
      %ne3A_855 = arith.constant 0 : i32
      %ne3A_856 = arith.cmpi ne, %rem3A_854, %ne3A_855 : i32
      %and3A_857 = arith.andi %ne3A_853, %ne3A_856 : i1
      %sub3A_858 = arith.constant 1 : i32
      %sub3A_859 = arith.subi %div3A_838, %sub3A_858 : i32
      %select_n3A_860 = arith.select %and3A_857, %sub3A_859, %div3A_838 : i32
      %add3A_861 = arith.addi %mul3A_836, %select_n3A_860 : i32
      %lt3A_862 = arith.constant 19 : i32
      %lt3A_863 = arith.cmpi slt, %scan3A_592, %lt3A_862 : i32
      %convert_element_type3A_864 = arith.extui %lt3A_863 : i1 to i32
      %cond3A_865 = arith.constant 0 : i32
      %cond3A_866 = arith.cmpi ne, %convert_element_type3A_864, %cond3A_865 : i32
      scf.if %cond3A_866 {
        %dma_wait3A_867 = arith.constant 0 : i32
        %dma_wait3A_868 = arith.constant 0 : i32
        %dma_wait3A_869 = tpu.memref_slice %arg3[%dma_wait3A_867, %dma_wait3A_868] : memref<256x128xf32, #tpu.memory_space<hbm>> -> memref<128x128xf32, #tpu.memory_space<hbm>>
        %dma_wait3A_870 = arith.constant 0 : i32
        %dma_wait3A_871 = arith.constant 0 : i32
        %dma_wait3A_872 = tpu.memref_slice %arg3[%dma_wait3A_870, %dma_wait3A_871] : memref<256x128xf32, #tpu.memory_space<hbm>> -> memref<128x128xf32, #tpu.memory_space<hbm>>
        tpu.wait_dma2 semaphore(%arg23 : memref<!tpu.dma_semaphore, #tpu.memory_space<semaphore_mem>>) src(%dma_wait3A_872 : memref<128x128xf32, #tpu.memory_space<hbm>>) dst(%arg10 : memref<128x128xf32, #tpu.memory_space<vmem>>)
        %dma_start3A_873 = arith.constant 0 : i32
        %dma_start3A_874 = tpu.memref_slice %arg8[%add3A_861, %dma_start3A_873] : memref<100x128xi32, #tpu.memory_space<vmem>> -> memref<1x128xi32, #tpu.memory_space<vmem>>
        %dma_start3A_875 = tpu.memref_squeeze %dma_start3A_874 : memref<1x128xi32, #tpu.memory_space<vmem>> -> memref<128xi32, #tpu.memory_space<vmem>>
        %dma_start3A_876 = arith.constant 0 : i32
        %dma_start3A_877 = arith.constant 0 : i32
        %dma_start3A_878 = tpu.memref_slice %arg5[%dma_start3A_876, %dma_start3A_877] : memref<400000x128xf32, #tpu.memory_space<hbm>> -> memref<400000x128xf32, #tpu.memory_space<hbm>>
        tpu.enqueue_indirect_dma source(%dma_start3A_878 : memref<400000x128xf32, #tpu.memory_space<hbm>>) target(%arg13 : memref<128x128xf32, #tpu.memory_space<vmem>>) offsets(%dma_start3A_875 : memref<128xi32, #tpu.memory_space<vmem>>) semaphore(%arg18 : memref<!tpu.dma_semaphore, #tpu.memory_space<semaphore_mem>>)
      } else {
      }
    }
    %scan3A_187 = arith.constant 20 : i32
    %dma_wait3A_188 = arith.constant 0 : i32
    %dma_wait3A_189 = arith.constant 0 : i32
    %dma_wait3A_190 = tpu.memref_slice %arg3[%dma_wait3A_188, %dma_wait3A_189] : memref<256x128xf32, #tpu.memory_space<hbm>> -> memref<128x128xf32, #tpu.memory_space<hbm>>
    %dma_wait3A_191 = arith.constant 0 : i32
    %dma_wait3A_192 = arith.constant 0 : i32
    %dma_wait3A_193 = tpu.memref_slice %arg3[%dma_wait3A_191, %dma_wait3A_192] : memref<256x128xf32, #tpu.memory_space<hbm>> -> memref<128x128xf32, #tpu.memory_space<hbm>>
    tpu.wait_dma2 semaphore(%arg20 : memref<!tpu.dma_semaphore, #tpu.memory_space<semaphore_mem>>) src(%dma_wait3A_193 : memref<128x128xf32, #tpu.memory_space<hbm>>) dst(%arg10 : memref<128x128xf32, #tpu.memory_space<vmem>>)
    %dma_wait3A_194 = arith.constant 0 : i32
    %dma_wait3A_195 = arith.constant 0 : i32
    %dma_wait3A_196 = tpu.memref_slice %arg3[%dma_wait3A_194, %dma_wait3A_195] : memref<256x128xf32, #tpu.memory_space<hbm>> -> memref<128x128xf32, #tpu.memory_space<hbm>>
    %dma_wait3A_197 = arith.constant 0 : i32
    %dma_wait3A_198 = arith.constant 0 : i32
    %dma_wait3A_199 = tpu.memref_slice %arg3[%dma_wait3A_197, %dma_wait3A_198] : memref<256x128xf32, #tpu.memory_space<hbm>> -> memref<128x128xf32, #tpu.memory_space<hbm>>
    tpu.wait_dma2 semaphore(%arg21 : memref<!tpu.dma_semaphore, #tpu.memory_space<semaphore_mem>>) src(%dma_wait3A_199 : memref<128x128xf32, #tpu.memory_space<hbm>>) dst(%arg10 : memref<128x128xf32, #tpu.memory_space<vmem>>)
    %dma_wait3A_200 = arith.constant 0 : i32
    %dma_wait3A_201 = arith.constant 0 : i32
    %dma_wait3A_202 = tpu.memref_slice %arg3[%dma_wait3A_200, %dma_wait3A_201] : memref<256x128xf32, #tpu.memory_space<hbm>> -> memref<128x128xf32, #tpu.memory_space<hbm>>
    %dma_wait3A_203 = arith.constant 0 : i32
    %dma_wait3A_204 = arith.constant 0 : i32
    %dma_wait3A_205 = tpu.memref_slice %arg3[%dma_wait3A_203, %dma_wait3A_204] : memref<256x128xf32, #tpu.memory_space<hbm>> -> memref<128x128xf32, #tpu.memory_space<hbm>>
    tpu.wait_dma2 semaphore(%arg22 : memref<!tpu.dma_semaphore, #tpu.memory_space<semaphore_mem>>) src(%dma_wait3A_205 : memref<128x128xf32, #tpu.memory_space<hbm>>) dst(%arg10 : memref<128x128xf32, #tpu.memory_space<vmem>>)
    %dma_wait3A_206 = arith.constant 0 : i32
    %dma_wait3A_207 = arith.constant 0 : i32
    %dma_wait3A_208 = tpu.memref_slice %arg3[%dma_wait3A_206, %dma_wait3A_207] : memref<256x128xf32, #tpu.memory_space<hbm>> -> memref<128x128xf32, #tpu.memory_space<hbm>>
    %dma_wait3A_209 = arith.constant 0 : i32
    %dma_wait3A_210 = arith.constant 0 : i32
    %dma_wait3A_211 = tpu.memref_slice %arg3[%dma_wait3A_209, %dma_wait3A_210] : memref<256x128xf32, #tpu.memory_space<hbm>> -> memref<128x128xf32, #tpu.memory_space<hbm>>
    tpu.wait_dma2 semaphore(%arg23 : memref<!tpu.dma_semaphore, #tpu.memory_space<semaphore_mem>>) src(%dma_wait3A_211 : memref<128x128xf32, #tpu.memory_space<hbm>>) dst(%arg10 : memref<128x128xf32, #tpu.memory_space<vmem>>)
    %dma_wait3A_212 = arith.constant 0 : i32
    %dma_wait3A_213 = arith.constant 0 : i32
    %dma_wait3A_214 = tpu.memref_slice %arg3[%dma_wait3A_212, %dma_wait3A_213] : memref<256x128xf32, #tpu.memory_space<hbm>> -> memref<128x128xf32, #tpu.memory_space<hbm>>
    %dma_wait3A_215 = arith.constant 0 : i32
    %dma_wait3A_216 = arith.constant 0 : i32
    %dma_wait3A_217 = tpu.memref_slice %arg3[%dma_wait3A_215, %dma_wait3A_216] : memref<256x128xf32, #tpu.memory_space<hbm>> -> memref<128x128xf32, #tpu.memory_space<hbm>>
    tpu.wait_dma2 semaphore(%arg24 : memref<!tpu.dma_semaphore, #tpu.memory_space<semaphore_mem>>) src(%dma_wait3A_217 : memref<128x128xf32, #tpu.memory_space<hbm>>) dst(%arg10 : memref<128x128xf32, #tpu.memory_space<vmem>>)
    %add3A_218 = arith.constant 150 : i32
    %add3A_219 = arith.addi %mul3A_10, %add3A_218 : i32
    "tpu.region"() ({
      %run_scoped3A = tpu.sem_alloc : memref<!tpu.dma_semaphore, #tpu.memory_space<semaphore_mem>>
      %dma_start3A_592 = arith.constant 0 : i32
      %dma_start3A_593 = arith.constant 0 : i32
      %dma_start3A_594 = tpu.memref_slice %arg8[%dma_start3A_592, %dma_start3A_593] : memref<100x128xi32, #tpu.memory_space<vmem>> -> memref<50x128xi32, #tpu.memory_space<vmem>>
      %dma_start3A_595 = arith.constant 0 : i32
      %dma_start3A_596 = tpu.memref_slice %arg2[%add3A_219, %dma_start3A_595] : memref<25600x128xi32, #tpu.memory_space<hbm>> -> memref<50x128xi32, #tpu.memory_space<hbm>>
      %dma_start3A_597 = arith.constant 0 : i32
      %dma_start3A_598 = arith.constant 0 : i32
      %dma_start3A_599 = tpu.memref_slice %arg8[%dma_start3A_597, %dma_start3A_598] : memref<100x128xi32, #tpu.memory_space<vmem>> -> memref<50x128xi32, #tpu.memory_space<vmem>>
      %dma_start3A_600 = arith.constant 0 : i32
      %dma_start3A_601 = tpu.memref_slice %arg2[%add3A_219, %dma_start3A_600] : memref<25600x128xi32, #tpu.memory_space<hbm>> -> memref<50x128xi32, #tpu.memory_space<hbm>>
      tpu.enqueue_dma source(%dma_start3A_601 : memref<50x128xi32, #tpu.memory_space<hbm>>) target(%dma_start3A_599 : memref<50x128xi32, #tpu.memory_space<vmem>>) target_semaphore(%run_scoped3A : memref<!tpu.dma_semaphore, #tpu.memory_space<semaphore_mem>>)
      %dma_wait3A_602 = arith.constant 0 : i32
      %dma_wait3A_603 = arith.constant 0 : i32
      %dma_wait3A_604 = tpu.memref_slice %arg8[%dma_wait3A_602, %dma_wait3A_603] : memref<100x128xi32, #tpu.memory_space<vmem>> -> memref<50x128xi32, #tpu.memory_space<vmem>>
      %dma_wait3A_605 = arith.constant 0 : i32
      %dma_wait3A_606 = tpu.memref_slice %arg2[%add3A_219, %dma_wait3A_605] : memref<25600x128xi32, #tpu.memory_space<hbm>> -> memref<50x128xi32, #tpu.memory_space<hbm>>
      %dma_wait3A_607 = arith.constant 0 : i32
      %dma_wait3A_608 = arith.constant 0 : i32
      %dma_wait3A_609 = tpu.memref_slice %arg8[%dma_wait3A_607, %dma_wait3A_608] : memref<100x128xi32, #tpu.memory_space<vmem>> -> memref<50x128xi32, #tpu.memory_space<vmem>>
      %dma_wait3A_610 = arith.constant 0 : i32
      %dma_wait3A_611 = tpu.memref_slice %arg2[%add3A_219, %dma_wait3A_610] : memref<25600x128xi32, #tpu.memory_space<hbm>> -> memref<50x128xi32, #tpu.memory_space<hbm>>
      tpu.wait_dma2 semaphore(%run_scoped3A : memref<!tpu.dma_semaphore, #tpu.memory_space<semaphore_mem>>) src(%dma_wait3A_611 : memref<50x128xi32, #tpu.memory_space<hbm>>) dst(%dma_wait3A_609 : memref<50x128xi32, #tpu.memory_space<vmem>>)
      tpu.yield
    }) : () -> ()
    %add3A_220 = arith.constant 200 : i32
    %add3A_221 = arith.addi %mul3A_10, %add3A_220 : i32
    %add3A_222 = arith.constant 150 : i32
    %add3A_223 = arith.addi %add3A_221, %add3A_222 : i32
    "tpu.region"() ({
      %run_scoped3A = tpu.sem_alloc : memref<!tpu.dma_semaphore, #tpu.memory_space<semaphore_mem>>
      %dma_start3A_592 = arith.constant 50 : i32
      %dma_start3A_593 = arith.constant 0 : i32
      %dma_start3A_594 = tpu.memref_slice %arg8[%dma_start3A_592, %dma_start3A_593] : memref<100x128xi32, #tpu.memory_space<vmem>> -> memref<50x128xi32, #tpu.memory_space<vmem>>
      %dma_start3A_595 = arith.constant 0 : i32
      %dma_start3A_596 = tpu.memref_slice %arg2[%add3A_223, %dma_start3A_595] : memref<25600x128xi32, #tpu.memory_space<hbm>> -> memref<50x128xi32, #tpu.memory_space<hbm>>
      %dma_start3A_597 = arith.constant 50 : i32
      %dma_start3A_598 = arith.constant 0 : i32
      %dma_start3A_599 = tpu.memref_slice %arg8[%dma_start3A_597, %dma_start3A_598] : memref<100x128xi32, #tpu.memory_space<vmem>> -> memref<50x128xi32, #tpu.memory_space<vmem>>
      %dma_start3A_600 = arith.constant 0 : i32
      %dma_start3A_601 = tpu.memref_slice %arg2[%add3A_223, %dma_start3A_600] : memref<25600x128xi32, #tpu.memory_space<hbm>> -> memref<50x128xi32, #tpu.memory_space<hbm>>
      tpu.enqueue_dma source(%dma_start3A_601 : memref<50x128xi32, #tpu.memory_space<hbm>>) target(%dma_start3A_599 : memref<50x128xi32, #tpu.memory_space<vmem>>) target_semaphore(%run_scoped3A : memref<!tpu.dma_semaphore, #tpu.memory_space<semaphore_mem>>)
      %dma_wait3A_602 = arith.constant 50 : i32
      %dma_wait3A_603 = arith.constant 0 : i32
      %dma_wait3A_604 = tpu.memref_slice %arg8[%dma_wait3A_602, %dma_wait3A_603] : memref<100x128xi32, #tpu.memory_space<vmem>> -> memref<50x128xi32, #tpu.memory_space<vmem>>
      %dma_wait3A_605 = arith.constant 0 : i32
      %dma_wait3A_606 = tpu.memref_slice %arg2[%add3A_223, %dma_wait3A_605] : memref<25600x128xi32, #tpu.memory_space<hbm>> -> memref<50x128xi32, #tpu.memory_space<hbm>>
      %dma_wait3A_607 = arith.constant 50 : i32
      %dma_wait3A_608 = arith.constant 0 : i32
      %dma_wait3A_609 = tpu.memref_slice %arg8[%dma_wait3A_607, %dma_wait3A_608] : memref<100x128xi32, #tpu.memory_space<vmem>> -> memref<50x128xi32, #tpu.memory_space<vmem>>
      %dma_wait3A_610 = arith.constant 0 : i32
      %dma_wait3A_611 = tpu.memref_slice %arg2[%add3A_223, %dma_wait3A_610] : memref<25600x128xi32, #tpu.memory_space<hbm>> -> memref<50x128xi32, #tpu.memory_space<hbm>>
      tpu.wait_dma2 semaphore(%run_scoped3A : memref<!tpu.dma_semaphore, #tpu.memory_space<semaphore_mem>>) src(%dma_wait3A_611 : memref<50x128xi32, #tpu.memory_space<hbm>>) dst(%dma_wait3A_609 : memref<50x128xi32, #tpu.memory_space<vmem>>)
      tpu.yield
    }) : () -> ()
    %dma_start3A_224 = arith.constant 0 : i32
    %dma_start3A_225 = arith.constant 0 : i32
    %dma_start3A_226 = tpu.memref_slice %arg8[%dma_start3A_224, %dma_start3A_225] : memref<100x128xi32, #tpu.memory_space<vmem>> -> memref<1x128xi32, #tpu.memory_space<vmem>>
    %dma_start3A_227 = tpu.memref_squeeze %dma_start3A_226 : memref<1x128xi32, #tpu.memory_space<vmem>> -> memref<128xi32, #tpu.memory_space<vmem>>
    %dma_start3A_228 = arith.constant 0 : i32
    %dma_start3A_229 = arith.constant 0 : i32
    %dma_start3A_230 = tpu.memref_slice %arg5[%dma_start3A_228, %dma_start3A_229] : memref<400000x128xf32, #tpu.memory_space<hbm>> -> memref<400000x128xf32, #tpu.memory_space<hbm>>
    tpu.enqueue_indirect_dma source(%dma_start3A_230 : memref<400000x128xf32, #tpu.memory_space<hbm>>) target(%arg10 : memref<128x128xf32, #tpu.memory_space<vmem>>) offsets(%dma_start3A_227 : memref<128xi32, #tpu.memory_space<vmem>>) semaphore(%arg15 : memref<!tpu.dma_semaphore, #tpu.memory_space<semaphore_mem>>)
    %dma_start3A_231 = arith.constant 50 : i32
    %dma_start3A_232 = arith.constant 0 : i32
    %dma_start3A_233 = tpu.memref_slice %arg8[%dma_start3A_231, %dma_start3A_232] : memref<100x128xi32, #tpu.memory_space<vmem>> -> memref<1x128xi32, #tpu.memory_space<vmem>>
    %dma_start3A_234 = tpu.memref_squeeze %dma_start3A_233 : memref<1x128xi32, #tpu.memory_space<vmem>> -> memref<128xi32, #tpu.memory_space<vmem>>
    %dma_start3A_235 = arith.constant 0 : i32
    %dma_start3A_236 = arith.constant 0 : i32
    %dma_start3A_237 = tpu.memref_slice %arg5[%dma_start3A_235, %dma_start3A_236] : memref<400000x128xf32, #tpu.memory_space<hbm>> -> memref<400000x128xf32, #tpu.memory_space<hbm>>
    tpu.enqueue_indirect_dma source(%dma_start3A_237 : memref<400000x128xf32, #tpu.memory_space<hbm>>) target(%arg11 : memref<128x128xf32, #tpu.memory_space<vmem>>) offsets(%dma_start3A_234 : memref<128xi32, #tpu.memory_space<vmem>>) semaphore(%arg16 : memref<!tpu.dma_semaphore, #tpu.memory_space<semaphore_mem>>)
    %dma_start3A_238 = arith.constant 1 : i32
    %dma_start3A_239 = arith.constant 0 : i32
    %dma_start3A_240 = tpu.memref_slice %arg8[%dma_start3A_238, %dma_start3A_239] : memref<100x128xi32, #tpu.memory_space<vmem>> -> memref<1x128xi32, #tpu.memory_space<vmem>>
    %dma_start3A_241 = tpu.memref_squeeze %dma_start3A_240 : memref<1x128xi32, #tpu.memory_space<vmem>> -> memref<128xi32, #tpu.memory_space<vmem>>
    %dma_start3A_242 = arith.constant 0 : i32
    %dma_start3A_243 = arith.constant 0 : i32
    %dma_start3A_244 = tpu.memref_slice %arg5[%dma_start3A_242, %dma_start3A_243] : memref<400000x128xf32, #tpu.memory_space<hbm>> -> memref<400000x128xf32, #tpu.memory_space<hbm>>
    tpu.enqueue_indirect_dma source(%dma_start3A_244 : memref<400000x128xf32, #tpu.memory_space<hbm>>) target(%arg12 : memref<128x128xf32, #tpu.memory_space<vmem>>) offsets(%dma_start3A_241 : memref<128xi32, #tpu.memory_space<vmem>>) semaphore(%arg17 : memref<!tpu.dma_semaphore, #tpu.memory_space<semaphore_mem>>)
    %dma_start3A_245 = arith.constant 51 : i32
    %dma_start3A_246 = arith.constant 0 : i32
    %dma_start3A_247 = tpu.memref_slice %arg8[%dma_start3A_245, %dma_start3A_246] : memref<100x128xi32, #tpu.memory_space<vmem>> -> memref<1x128xi32, #tpu.memory_space<vmem>>
    %dma_start3A_248 = tpu.memref_squeeze %dma_start3A_247 : memref<1x128xi32, #tpu.memory_space<vmem>> -> memref<128xi32, #tpu.memory_space<vmem>>
    %dma_start3A_249 = arith.constant 0 : i32
    %dma_start3A_250 = arith.constant 0 : i32
    %dma_start3A_251 = tpu.memref_slice %arg5[%dma_start3A_249, %dma_start3A_250] : memref<400000x128xf32, #tpu.memory_space<hbm>> -> memref<400000x128xf32, #tpu.memory_space<hbm>>
    tpu.enqueue_indirect_dma source(%dma_start3A_251 : memref<400000x128xf32, #tpu.memory_space<hbm>>) target(%arg13 : memref<128x128xf32, #tpu.memory_space<vmem>>) offsets(%dma_start3A_248 : memref<128xi32, #tpu.memory_space<vmem>>) semaphore(%arg18 : memref<!tpu.dma_semaphore, #tpu.memory_space<semaphore_mem>>)
    %scan3A_252 = arith.constant 0 : i32
    %scan3A_253 = arith.constant 0 : i32
    %scan3A_254 = arith.constant 20 : i32
    %scan3A_255 = arith.addi %scan3A_253, %scan3A_254 : i32
    %scan3A_256 = arith.constant 1 : i32
    scf.for %scan3A_592 = %scan3A_253 to %scan3A_255 step %scan3A_256  : i32 {
      %mul3A_593 = arith.constant 5 : i32
      %mul3A_594 = arith.muli %mul3A_593, %scan3A_592 : i32
      %add3A_595 = arith.constant 0 : i32
      %add3A_596 = arith.addi %mul3A_594, %add3A_595 : i32
      %dma_wait3A_597 = arith.constant 0 : i32
      %dma_wait3A_598 = arith.constant 0 : i32
      %dma_wait3A_599 = tpu.memref_slice %arg3[%dma_wait3A_597, %dma_wait3A_598] : memref<256x128xf32, #tpu.memory_space<hbm>> -> memref<128x128xf32, #tpu.memory_space<hbm>>
      %dma_wait3A_600 = arith.constant 0 : i32
      %dma_wait3A_601 = arith.constant 0 : i32
      %dma_wait3A_602 = tpu.memref_slice %arg3[%dma_wait3A_600, %dma_wait3A_601] : memref<256x128xf32, #tpu.memory_space<hbm>> -> memref<128x128xf32, #tpu.memory_space<hbm>>
      tpu.wait_dma2 semaphore(%arg15 : memref<!tpu.dma_semaphore, #tpu.memory_space<semaphore_mem>>) src(%dma_wait3A_602 : memref<128x128xf32, #tpu.memory_space<hbm>>) dst(%arg10 : memref<128x128xf32, #tpu.memory_space<vmem>>)
      %rem3A = arith.constant 2 : i32
      %rem3A_603 = arith.remsi %add3A_596, %rem3A : i32
      %dma_start3A_604 = arith.constant 0 : i32
      %dma_start3A_605 = tpu.memref_slice %arg9[%rem3A_603, %dma_start3A_604] : memref<2x128xi32, #tpu.memory_space<vmem>> -> memref<1x128xi32, #tpu.memory_space<vmem>>
      %dma_start3A_606 = tpu.memref_squeeze %dma_start3A_605 : memref<1x128xi32, #tpu.memory_space<vmem>> -> memref<128xi32, #tpu.memory_space<vmem>>
      %dma_start3A_607 = arith.constant 0 : i32
      %dma_start3A_608 = arith.constant 0 : i32
      %dma_start3A_609 = tpu.memref_slice %arg7[%dma_start3A_607, %dma_start3A_608] : memref<4096x128xf32, #tpu.memory_space<vmem_shared>> -> memref<4096x128xf32, #tpu.memory_space<vmem_shared>>
      tpu.enqueue_indirect_dma source(%arg10 : memref<128x128xf32, #tpu.memory_space<vmem>>) target(%dma_start3A_609 : memref<4096x128xf32, #tpu.memory_space<vmem_shared>>) offsets(%dma_start3A_606 : memref<128xi32, #tpu.memory_space<vmem>>) semaphore(%arg20 : memref<!tpu.dma_semaphore, #tpu.memory_space<semaphore_mem>>) {add = true}
      %add3A_610 = arith.constant 5 : i32
      %add3A_611 = arith.addi %add3A_596, %add3A_610 : i32
      %sub3A = arith.constant 1 : i32
      %sub3A_612 = arith.subi %add3A_611, %sub3A : i32
      %rem3A_613 = arith.constant 2 : i32
      %rem3A_614 = arith.remsi %sub3A_612, %rem3A_613 : i32
      %mul3A_615 = arith.constant 50 : i32
      %mul3A_616 = arith.muli %rem3A_614, %mul3A_615 : i32
      %jit3A = arith.constant 2 : i32
      %div3A = arith.divsi %sub3A_612, %jit3A : i32
      %sign3A = arith.constant 0 : i32
      %sign3A_617 = arith.cmpi sgt, %sub3A_612, %sign3A : i32
      %sign3A_618 = arith.extui %sign3A_617 : i1 to i32
      %sign3A_619 = arith.constant 0 : i32
      %sign3A_620 = arith.cmpi slt, %sub3A_612, %sign3A_619 : i32
      %sign3A_621 = arith.extui %sign3A_620 : i1 to i32
      %sign3A_622 = arith.subi %sign3A_618, %sign3A_621 : i32
      %sign3A_623 = arith.constant 0 : i32
      %sign3A_624 = arith.cmpi sgt, %jit3A, %sign3A_623 : i32
      %sign3A_625 = arith.extui %sign3A_624 : i1 to i32
      %sign3A_626 = arith.constant 0 : i32
      %sign3A_627 = arith.cmpi slt, %jit3A, %sign3A_626 : i32
      %sign3A_628 = arith.extui %sign3A_627 : i1 to i32
      %sign3A_629 = arith.subi %sign3A_625, %sign3A_628 : i32
      %ne3A = arith.cmpi ne, %sign3A_622, %sign3A_629 : i32
      %rem3A_630 = arith.remsi %sub3A_612, %jit3A : i32
      %ne3A_631 = arith.constant 0 : i32
      %ne3A_632 = arith.cmpi ne, %rem3A_630, %ne3A_631 : i32
      %and3A = arith.andi %ne3A, %ne3A_632 : i1
      %sub3A_633 = arith.constant 1 : i32
      %sub3A_634 = arith.subi %div3A, %sub3A_633 : i32
      %select_n3A = arith.select %and3A, %sub3A_634, %div3A : i32
      %add3A_635 = arith.addi %mul3A_616, %select_n3A : i32
      %gt3A = arith.constant 0 : i32
      %gt3A_636 = arith.cmpi sgt, %scan3A_592, %gt3A : i32
      %convert_element_type3A = arith.extui %gt3A_636 : i1 to i32
      %cond3A = arith.constant 0 : i32
      %cond3A_637 = arith.cmpi ne, %convert_element_type3A, %cond3A : i32
      scf.if %cond3A_637 {
        %dma_wait3A_867 = arith.constant 0 : i32
        %dma_wait3A_868 = arith.constant 0 : i32
        %dma_wait3A_869 = tpu.memref_slice %arg3[%dma_wait3A_867, %dma_wait3A_868] : memref<256x128xf32, #tpu.memory_space<hbm>> -> memref<128x128xf32, #tpu.memory_space<hbm>>
        %dma_wait3A_870 = arith.constant 0 : i32
        %dma_wait3A_871 = arith.constant 0 : i32
        %dma_wait3A_872 = tpu.memref_slice %arg3[%dma_wait3A_870, %dma_wait3A_871] : memref<256x128xf32, #tpu.memory_space<hbm>> -> memref<128x128xf32, #tpu.memory_space<hbm>>
        tpu.wait_dma2 semaphore(%arg24 : memref<!tpu.dma_semaphore, #tpu.memory_space<semaphore_mem>>) src(%dma_wait3A_872 : memref<128x128xf32, #tpu.memory_space<hbm>>) dst(%arg10 : memref<128x128xf32, #tpu.memory_space<vmem>>)
      } else {
      }
      %dma_start3A_638 = arith.constant 0 : i32
      %dma_start3A_639 = tpu.memref_slice %arg8[%add3A_635, %dma_start3A_638] : memref<100x128xi32, #tpu.memory_space<vmem>> -> memref<1x128xi32, #tpu.memory_space<vmem>>
      %dma_start3A_640 = tpu.memref_squeeze %dma_start3A_639 : memref<1x128xi32, #tpu.memory_space<vmem>> -> memref<128xi32, #tpu.memory_space<vmem>>
      %dma_start3A_641 = arith.constant 0 : i32
      %dma_start3A_642 = arith.constant 0 : i32
      %dma_start3A_643 = tpu.memref_slice %arg5[%dma_start3A_641, %dma_start3A_642] : memref<400000x128xf32, #tpu.memory_space<hbm>> -> memref<400000x128xf32, #tpu.memory_space<hbm>>
      tpu.enqueue_indirect_dma source(%dma_start3A_643 : memref<400000x128xf32, #tpu.memory_space<hbm>>) target(%arg14 : memref<128x128xf32, #tpu.memory_space<vmem>>) offsets(%dma_start3A_640 : memref<128xi32, #tpu.memory_space<vmem>>) semaphore(%arg19 : memref<!tpu.dma_semaphore, #tpu.memory_space<semaphore_mem>>)
      %mul3A_644 = arith.constant 5 : i32
      %mul3A_645 = arith.muli %mul3A_644, %scan3A_592 : i32
      %add3A_646 = arith.constant 1 : i32
      %add3A_647 = arith.addi %mul3A_645, %add3A_646 : i32
      %dma_wait3A_648 = arith.constant 0 : i32
      %dma_wait3A_649 = arith.constant 0 : i32
      %dma_wait3A_650 = tpu.memref_slice %arg3[%dma_wait3A_648, %dma_wait3A_649] : memref<256x128xf32, #tpu.memory_space<hbm>> -> memref<128x128xf32, #tpu.memory_space<hbm>>
      %dma_wait3A_651 = arith.constant 0 : i32
      %dma_wait3A_652 = arith.constant 0 : i32
      %dma_wait3A_653 = tpu.memref_slice %arg3[%dma_wait3A_651, %dma_wait3A_652] : memref<256x128xf32, #tpu.memory_space<hbm>> -> memref<128x128xf32, #tpu.memory_space<hbm>>
      tpu.wait_dma2 semaphore(%arg16 : memref<!tpu.dma_semaphore, #tpu.memory_space<semaphore_mem>>) src(%dma_wait3A_653 : memref<128x128xf32, #tpu.memory_space<hbm>>) dst(%arg10 : memref<128x128xf32, #tpu.memory_space<vmem>>)
      %rem3A_654 = arith.constant 2 : i32
      %rem3A_655 = arith.remsi %add3A_647, %rem3A_654 : i32
      %dma_start3A_656 = arith.constant 0 : i32
      %dma_start3A_657 = tpu.memref_slice %arg9[%rem3A_655, %dma_start3A_656] : memref<2x128xi32, #tpu.memory_space<vmem>> -> memref<1x128xi32, #tpu.memory_space<vmem>>
      %dma_start3A_658 = tpu.memref_squeeze %dma_start3A_657 : memref<1x128xi32, #tpu.memory_space<vmem>> -> memref<128xi32, #tpu.memory_space<vmem>>
      %dma_start3A_659 = arith.constant 0 : i32
      %dma_start3A_660 = arith.constant 0 : i32
      %dma_start3A_661 = tpu.memref_slice %arg7[%dma_start3A_659, %dma_start3A_660] : memref<4096x128xf32, #tpu.memory_space<vmem_shared>> -> memref<4096x128xf32, #tpu.memory_space<vmem_shared>>
      tpu.enqueue_indirect_dma source(%arg11 : memref<128x128xf32, #tpu.memory_space<vmem>>) target(%dma_start3A_661 : memref<4096x128xf32, #tpu.memory_space<vmem_shared>>) offsets(%dma_start3A_658 : memref<128xi32, #tpu.memory_space<vmem>>) semaphore(%arg21 : memref<!tpu.dma_semaphore, #tpu.memory_space<semaphore_mem>>) {add = true}
      %add3A_662 = arith.constant 5 : i32
      %add3A_663 = arith.addi %add3A_647, %add3A_662 : i32
      %sub3A_664 = arith.constant 1 : i32
      %sub3A_665 = arith.subi %add3A_663, %sub3A_664 : i32
      %rem3A_666 = arith.constant 2 : i32
      %rem3A_667 = arith.remsi %sub3A_665, %rem3A_666 : i32
      %mul3A_668 = arith.constant 50 : i32
      %mul3A_669 = arith.muli %rem3A_667, %mul3A_668 : i32
      %jit3A_670 = arith.constant 2 : i32
      %div3A_671 = arith.divsi %sub3A_665, %jit3A_670 : i32
      %sign3A_672 = arith.constant 0 : i32
      %sign3A_673 = arith.cmpi sgt, %sub3A_665, %sign3A_672 : i32
      %sign3A_674 = arith.extui %sign3A_673 : i1 to i32
      %sign3A_675 = arith.constant 0 : i32
      %sign3A_676 = arith.cmpi slt, %sub3A_665, %sign3A_675 : i32
      %sign3A_677 = arith.extui %sign3A_676 : i1 to i32
      %sign3A_678 = arith.subi %sign3A_674, %sign3A_677 : i32
      %sign3A_679 = arith.constant 0 : i32
      %sign3A_680 = arith.cmpi sgt, %jit3A_670, %sign3A_679 : i32
      %sign3A_681 = arith.extui %sign3A_680 : i1 to i32
      %sign3A_682 = arith.constant 0 : i32
      %sign3A_683 = arith.cmpi slt, %jit3A_670, %sign3A_682 : i32
      %sign3A_684 = arith.extui %sign3A_683 : i1 to i32
      %sign3A_685 = arith.subi %sign3A_681, %sign3A_684 : i32
      %ne3A_686 = arith.cmpi ne, %sign3A_678, %sign3A_685 : i32
      %rem3A_687 = arith.remsi %sub3A_665, %jit3A_670 : i32
      %ne3A_688 = arith.constant 0 : i32
      %ne3A_689 = arith.cmpi ne, %rem3A_687, %ne3A_688 : i32
      %and3A_690 = arith.andi %ne3A_686, %ne3A_689 : i1
      %sub3A_691 = arith.constant 1 : i32
      %sub3A_692 = arith.subi %div3A_671, %sub3A_691 : i32
      %select_n3A_693 = arith.select %and3A_690, %sub3A_692, %div3A_671 : i32
      %add3A_694 = arith.addi %mul3A_669, %select_n3A_693 : i32
      %lt3A = arith.constant 19 : i32
      %lt3A_695 = arith.cmpi slt, %scan3A_592, %lt3A : i32
      %convert_element_type3A_696 = arith.extui %lt3A_695 : i1 to i32
      %cond3A_697 = arith.constant 0 : i32
      %cond3A_698 = arith.cmpi ne, %convert_element_type3A_696, %cond3A_697 : i32
      scf.if %cond3A_698 {
        %dma_wait3A_867 = arith.constant 0 : i32
        %dma_wait3A_868 = arith.constant 0 : i32
        %dma_wait3A_869 = tpu.memref_slice %arg3[%dma_wait3A_867, %dma_wait3A_868] : memref<256x128xf32, #tpu.memory_space<hbm>> -> memref<128x128xf32, #tpu.memory_space<hbm>>
        %dma_wait3A_870 = arith.constant 0 : i32
        %dma_wait3A_871 = arith.constant 0 : i32
        %dma_wait3A_872 = tpu.memref_slice %arg3[%dma_wait3A_870, %dma_wait3A_871] : memref<256x128xf32, #tpu.memory_space<hbm>> -> memref<128x128xf32, #tpu.memory_space<hbm>>
        tpu.wait_dma2 semaphore(%arg20 : memref<!tpu.dma_semaphore, #tpu.memory_space<semaphore_mem>>) src(%dma_wait3A_872 : memref<128x128xf32, #tpu.memory_space<hbm>>) dst(%arg10 : memref<128x128xf32, #tpu.memory_space<vmem>>)
        %dma_start3A_873 = arith.constant 0 : i32
        %dma_start3A_874 = tpu.memref_slice %arg8[%add3A_694, %dma_start3A_873] : memref<100x128xi32, #tpu.memory_space<vmem>> -> memref<1x128xi32, #tpu.memory_space<vmem>>
        %dma_start3A_875 = tpu.memref_squeeze %dma_start3A_874 : memref<1x128xi32, #tpu.memory_space<vmem>> -> memref<128xi32, #tpu.memory_space<vmem>>
        %dma_start3A_876 = arith.constant 0 : i32
        %dma_start3A_877 = arith.constant 0 : i32
        %dma_start3A_878 = tpu.memref_slice %arg5[%dma_start3A_876, %dma_start3A_877] : memref<400000x128xf32, #tpu.memory_space<hbm>> -> memref<400000x128xf32, #tpu.memory_space<hbm>>
        tpu.enqueue_indirect_dma source(%dma_start3A_878 : memref<400000x128xf32, #tpu.memory_space<hbm>>) target(%arg10 : memref<128x128xf32, #tpu.memory_space<vmem>>) offsets(%dma_start3A_875 : memref<128xi32, #tpu.memory_space<vmem>>) semaphore(%arg15 : memref<!tpu.dma_semaphore, #tpu.memory_space<semaphore_mem>>)
      } else {
      }
      %mul3A_699 = arith.constant 5 : i32
      %mul3A_700 = arith.muli %mul3A_699, %scan3A_592 : i32
      %add3A_701 = arith.constant 2 : i32
      %add3A_702 = arith.addi %mul3A_700, %add3A_701 : i32
      %dma_wait3A_703 = arith.constant 0 : i32
      %dma_wait3A_704 = arith.constant 0 : i32
      %dma_wait3A_705 = tpu.memref_slice %arg3[%dma_wait3A_703, %dma_wait3A_704] : memref<256x128xf32, #tpu.memory_space<hbm>> -> memref<128x128xf32, #tpu.memory_space<hbm>>
      %dma_wait3A_706 = arith.constant 0 : i32
      %dma_wait3A_707 = arith.constant 0 : i32
      %dma_wait3A_708 = tpu.memref_slice %arg3[%dma_wait3A_706, %dma_wait3A_707] : memref<256x128xf32, #tpu.memory_space<hbm>> -> memref<128x128xf32, #tpu.memory_space<hbm>>
      tpu.wait_dma2 semaphore(%arg17 : memref<!tpu.dma_semaphore, #tpu.memory_space<semaphore_mem>>) src(%dma_wait3A_708 : memref<128x128xf32, #tpu.memory_space<hbm>>) dst(%arg10 : memref<128x128xf32, #tpu.memory_space<vmem>>)
      %rem3A_709 = arith.constant 2 : i32
      %rem3A_710 = arith.remsi %add3A_702, %rem3A_709 : i32
      %dma_start3A_711 = arith.constant 0 : i32
      %dma_start3A_712 = tpu.memref_slice %arg9[%rem3A_710, %dma_start3A_711] : memref<2x128xi32, #tpu.memory_space<vmem>> -> memref<1x128xi32, #tpu.memory_space<vmem>>
      %dma_start3A_713 = tpu.memref_squeeze %dma_start3A_712 : memref<1x128xi32, #tpu.memory_space<vmem>> -> memref<128xi32, #tpu.memory_space<vmem>>
      %dma_start3A_714 = arith.constant 0 : i32
      %dma_start3A_715 = arith.constant 0 : i32
      %dma_start3A_716 = tpu.memref_slice %arg7[%dma_start3A_714, %dma_start3A_715] : memref<4096x128xf32, #tpu.memory_space<vmem_shared>> -> memref<4096x128xf32, #tpu.memory_space<vmem_shared>>
      tpu.enqueue_indirect_dma source(%arg12 : memref<128x128xf32, #tpu.memory_space<vmem>>) target(%dma_start3A_716 : memref<4096x128xf32, #tpu.memory_space<vmem_shared>>) offsets(%dma_start3A_713 : memref<128xi32, #tpu.memory_space<vmem>>) semaphore(%arg22 : memref<!tpu.dma_semaphore, #tpu.memory_space<semaphore_mem>>) {add = true}
      %add3A_717 = arith.constant 5 : i32
      %add3A_718 = arith.addi %add3A_702, %add3A_717 : i32
      %sub3A_719 = arith.constant 1 : i32
      %sub3A_720 = arith.subi %add3A_718, %sub3A_719 : i32
      %rem3A_721 = arith.constant 2 : i32
      %rem3A_722 = arith.remsi %sub3A_720, %rem3A_721 : i32
      %mul3A_723 = arith.constant 50 : i32
      %mul3A_724 = arith.muli %rem3A_722, %mul3A_723 : i32
      %jit3A_725 = arith.constant 2 : i32
      %div3A_726 = arith.divsi %sub3A_720, %jit3A_725 : i32
      %sign3A_727 = arith.constant 0 : i32
      %sign3A_728 = arith.cmpi sgt, %sub3A_720, %sign3A_727 : i32
      %sign3A_729 = arith.extui %sign3A_728 : i1 to i32
      %sign3A_730 = arith.constant 0 : i32
      %sign3A_731 = arith.cmpi slt, %sub3A_720, %sign3A_730 : i32
      %sign3A_732 = arith.extui %sign3A_731 : i1 to i32
      %sign3A_733 = arith.subi %sign3A_729, %sign3A_732 : i32
      %sign3A_734 = arith.constant 0 : i32
      %sign3A_735 = arith.cmpi sgt, %jit3A_725, %sign3A_734 : i32
      %sign3A_736 = arith.extui %sign3A_735 : i1 to i32
      %sign3A_737 = arith.constant 0 : i32
      %sign3A_738 = arith.cmpi slt, %jit3A_725, %sign3A_737 : i32
      %sign3A_739 = arith.extui %sign3A_738 : i1 to i32
      %sign3A_740 = arith.subi %sign3A_736, %sign3A_739 : i32
      %ne3A_741 = arith.cmpi ne, %sign3A_733, %sign3A_740 : i32
      %rem3A_742 = arith.remsi %sub3A_720, %jit3A_725 : i32
      %ne3A_743 = arith.constant 0 : i32
      %ne3A_744 = arith.cmpi ne, %rem3A_742, %ne3A_743 : i32
      %and3A_745 = arith.andi %ne3A_741, %ne3A_744 : i1
      %sub3A_746 = arith.constant 1 : i32
      %sub3A_747 = arith.subi %div3A_726, %sub3A_746 : i32
      %select_n3A_748 = arith.select %and3A_745, %sub3A_747, %div3A_726 : i32
      %add3A_749 = arith.addi %mul3A_724, %select_n3A_748 : i32
      %lt3A_750 = arith.constant 19 : i32
      %lt3A_751 = arith.cmpi slt, %scan3A_592, %lt3A_750 : i32
      %convert_element_type3A_752 = arith.extui %lt3A_751 : i1 to i32
      %cond3A_753 = arith.constant 0 : i32
      %cond3A_754 = arith.cmpi ne, %convert_element_type3A_752, %cond3A_753 : i32
      scf.if %cond3A_754 {
        %dma_wait3A_867 = arith.constant 0 : i32
        %dma_wait3A_868 = arith.constant 0 : i32
        %dma_wait3A_869 = tpu.memref_slice %arg3[%dma_wait3A_867, %dma_wait3A_868] : memref<256x128xf32, #tpu.memory_space<hbm>> -> memref<128x128xf32, #tpu.memory_space<hbm>>
        %dma_wait3A_870 = arith.constant 0 : i32
        %dma_wait3A_871 = arith.constant 0 : i32
        %dma_wait3A_872 = tpu.memref_slice %arg3[%dma_wait3A_870, %dma_wait3A_871] : memref<256x128xf32, #tpu.memory_space<hbm>> -> memref<128x128xf32, #tpu.memory_space<hbm>>
        tpu.wait_dma2 semaphore(%arg21 : memref<!tpu.dma_semaphore, #tpu.memory_space<semaphore_mem>>) src(%dma_wait3A_872 : memref<128x128xf32, #tpu.memory_space<hbm>>) dst(%arg10 : memref<128x128xf32, #tpu.memory_space<vmem>>)
        %dma_start3A_873 = arith.constant 0 : i32
        %dma_start3A_874 = tpu.memref_slice %arg8[%add3A_749, %dma_start3A_873] : memref<100x128xi32, #tpu.memory_space<vmem>> -> memref<1x128xi32, #tpu.memory_space<vmem>>
        %dma_start3A_875 = tpu.memref_squeeze %dma_start3A_874 : memref<1x128xi32, #tpu.memory_space<vmem>> -> memref<128xi32, #tpu.memory_space<vmem>>
        %dma_start3A_876 = arith.constant 0 : i32
        %dma_start3A_877 = arith.constant 0 : i32
        %dma_start3A_878 = tpu.memref_slice %arg5[%dma_start3A_876, %dma_start3A_877] : memref<400000x128xf32, #tpu.memory_space<hbm>> -> memref<400000x128xf32, #tpu.memory_space<hbm>>
        tpu.enqueue_indirect_dma source(%dma_start3A_878 : memref<400000x128xf32, #tpu.memory_space<hbm>>) target(%arg11 : memref<128x128xf32, #tpu.memory_space<vmem>>) offsets(%dma_start3A_875 : memref<128xi32, #tpu.memory_space<vmem>>) semaphore(%arg16 : memref<!tpu.dma_semaphore, #tpu.memory_space<semaphore_mem>>)
      } else {
      }
      %mul3A_755 = arith.constant 5 : i32
      %mul3A_756 = arith.muli %mul3A_755, %scan3A_592 : i32
      %add3A_757 = arith.constant 3 : i32
      %add3A_758 = arith.addi %mul3A_756, %add3A_757 : i32
      %dma_wait3A_759 = arith.constant 0 : i32
      %dma_wait3A_760 = arith.constant 0 : i32
      %dma_wait3A_761 = tpu.memref_slice %arg3[%dma_wait3A_759, %dma_wait3A_760] : memref<256x128xf32, #tpu.memory_space<hbm>> -> memref<128x128xf32, #tpu.memory_space<hbm>>
      %dma_wait3A_762 = arith.constant 0 : i32
      %dma_wait3A_763 = arith.constant 0 : i32
      %dma_wait3A_764 = tpu.memref_slice %arg3[%dma_wait3A_762, %dma_wait3A_763] : memref<256x128xf32, #tpu.memory_space<hbm>> -> memref<128x128xf32, #tpu.memory_space<hbm>>
      tpu.wait_dma2 semaphore(%arg18 : memref<!tpu.dma_semaphore, #tpu.memory_space<semaphore_mem>>) src(%dma_wait3A_764 : memref<128x128xf32, #tpu.memory_space<hbm>>) dst(%arg10 : memref<128x128xf32, #tpu.memory_space<vmem>>)
      %rem3A_765 = arith.constant 2 : i32
      %rem3A_766 = arith.remsi %add3A_758, %rem3A_765 : i32
      %dma_start3A_767 = arith.constant 0 : i32
      %dma_start3A_768 = tpu.memref_slice %arg9[%rem3A_766, %dma_start3A_767] : memref<2x128xi32, #tpu.memory_space<vmem>> -> memref<1x128xi32, #tpu.memory_space<vmem>>
      %dma_start3A_769 = tpu.memref_squeeze %dma_start3A_768 : memref<1x128xi32, #tpu.memory_space<vmem>> -> memref<128xi32, #tpu.memory_space<vmem>>
      %dma_start3A_770 = arith.constant 0 : i32
      %dma_start3A_771 = arith.constant 0 : i32
      %dma_start3A_772 = tpu.memref_slice %arg7[%dma_start3A_770, %dma_start3A_771] : memref<4096x128xf32, #tpu.memory_space<vmem_shared>> -> memref<4096x128xf32, #tpu.memory_space<vmem_shared>>
      tpu.enqueue_indirect_dma source(%arg13 : memref<128x128xf32, #tpu.memory_space<vmem>>) target(%dma_start3A_772 : memref<4096x128xf32, #tpu.memory_space<vmem_shared>>) offsets(%dma_start3A_769 : memref<128xi32, #tpu.memory_space<vmem>>) semaphore(%arg23 : memref<!tpu.dma_semaphore, #tpu.memory_space<semaphore_mem>>) {add = true}
      %add3A_773 = arith.constant 5 : i32
      %add3A_774 = arith.addi %add3A_758, %add3A_773 : i32
      %sub3A_775 = arith.constant 1 : i32
      %sub3A_776 = arith.subi %add3A_774, %sub3A_775 : i32
      %rem3A_777 = arith.constant 2 : i32
      %rem3A_778 = arith.remsi %sub3A_776, %rem3A_777 : i32
      %mul3A_779 = arith.constant 50 : i32
      %mul3A_780 = arith.muli %rem3A_778, %mul3A_779 : i32
      %jit3A_781 = arith.constant 2 : i32
      %div3A_782 = arith.divsi %sub3A_776, %jit3A_781 : i32
      %sign3A_783 = arith.constant 0 : i32
      %sign3A_784 = arith.cmpi sgt, %sub3A_776, %sign3A_783 : i32
      %sign3A_785 = arith.extui %sign3A_784 : i1 to i32
      %sign3A_786 = arith.constant 0 : i32
      %sign3A_787 = arith.cmpi slt, %sub3A_776, %sign3A_786 : i32
      %sign3A_788 = arith.extui %sign3A_787 : i1 to i32
      %sign3A_789 = arith.subi %sign3A_785, %sign3A_788 : i32
      %sign3A_790 = arith.constant 0 : i32
      %sign3A_791 = arith.cmpi sgt, %jit3A_781, %sign3A_790 : i32
      %sign3A_792 = arith.extui %sign3A_791 : i1 to i32
      %sign3A_793 = arith.constant 0 : i32
      %sign3A_794 = arith.cmpi slt, %jit3A_781, %sign3A_793 : i32
      %sign3A_795 = arith.extui %sign3A_794 : i1 to i32
      %sign3A_796 = arith.subi %sign3A_792, %sign3A_795 : i32
      %ne3A_797 = arith.cmpi ne, %sign3A_789, %sign3A_796 : i32
      %rem3A_798 = arith.remsi %sub3A_776, %jit3A_781 : i32
      %ne3A_799 = arith.constant 0 : i32
      %ne3A_800 = arith.cmpi ne, %rem3A_798, %ne3A_799 : i32
      %and3A_801 = arith.andi %ne3A_797, %ne3A_800 : i1
      %sub3A_802 = arith.constant 1 : i32
      %sub3A_803 = arith.subi %div3A_782, %sub3A_802 : i32
      %select_n3A_804 = arith.select %and3A_801, %sub3A_803, %div3A_782 : i32
      %add3A_805 = arith.addi %mul3A_780, %select_n3A_804 : i32
      %lt3A_806 = arith.constant 19 : i32
      %lt3A_807 = arith.cmpi slt, %scan3A_592, %lt3A_806 : i32
      %convert_element_type3A_808 = arith.extui %lt3A_807 : i1 to i32
      %cond3A_809 = arith.constant 0 : i32
      %cond3A_810 = arith.cmpi ne, %convert_element_type3A_808, %cond3A_809 : i32
      scf.if %cond3A_810 {
        %dma_wait3A_867 = arith.constant 0 : i32
        %dma_wait3A_868 = arith.constant 0 : i32
        %dma_wait3A_869 = tpu.memref_slice %arg3[%dma_wait3A_867, %dma_wait3A_868] : memref<256x128xf32, #tpu.memory_space<hbm>> -> memref<128x128xf32, #tpu.memory_space<hbm>>
        %dma_wait3A_870 = arith.constant 0 : i32
        %dma_wait3A_871 = arith.constant 0 : i32
        %dma_wait3A_872 = tpu.memref_slice %arg3[%dma_wait3A_870, %dma_wait3A_871] : memref<256x128xf32, #tpu.memory_space<hbm>> -> memref<128x128xf32, #tpu.memory_space<hbm>>
        tpu.wait_dma2 semaphore(%arg22 : memref<!tpu.dma_semaphore, #tpu.memory_space<semaphore_mem>>) src(%dma_wait3A_872 : memref<128x128xf32, #tpu.memory_space<hbm>>) dst(%arg10 : memref<128x128xf32, #tpu.memory_space<vmem>>)
        %dma_start3A_873 = arith.constant 0 : i32
        %dma_start3A_874 = tpu.memref_slice %arg8[%add3A_805, %dma_start3A_873] : memref<100x128xi32, #tpu.memory_space<vmem>> -> memref<1x128xi32, #tpu.memory_space<vmem>>
        %dma_start3A_875 = tpu.memref_squeeze %dma_start3A_874 : memref<1x128xi32, #tpu.memory_space<vmem>> -> memref<128xi32, #tpu.memory_space<vmem>>
        %dma_start3A_876 = arith.constant 0 : i32
        %dma_start3A_877 = arith.constant 0 : i32
        %dma_start3A_878 = tpu.memref_slice %arg5[%dma_start3A_876, %dma_start3A_877] : memref<400000x128xf32, #tpu.memory_space<hbm>> -> memref<400000x128xf32, #tpu.memory_space<hbm>>
        tpu.enqueue_indirect_dma source(%dma_start3A_878 : memref<400000x128xf32, #tpu.memory_space<hbm>>) target(%arg12 : memref<128x128xf32, #tpu.memory_space<vmem>>) offsets(%dma_start3A_875 : memref<128xi32, #tpu.memory_space<vmem>>) semaphore(%arg17 : memref<!tpu.dma_semaphore, #tpu.memory_space<semaphore_mem>>)
      } else {
      }
      %mul3A_811 = arith.constant 5 : i32
      %mul3A_812 = arith.muli %mul3A_811, %scan3A_592 : i32
      %add3A_813 = arith.constant 4 : i32
      %add3A_814 = arith.addi %mul3A_812, %add3A_813 : i32
      %dma_wait3A_815 = arith.constant 0 : i32
      %dma_wait3A_816 = arith.constant 0 : i32
      %dma_wait3A_817 = tpu.memref_slice %arg3[%dma_wait3A_815, %dma_wait3A_816] : memref<256x128xf32, #tpu.memory_space<hbm>> -> memref<128x128xf32, #tpu.memory_space<hbm>>
      %dma_wait3A_818 = arith.constant 0 : i32
      %dma_wait3A_819 = arith.constant 0 : i32
      %dma_wait3A_820 = tpu.memref_slice %arg3[%dma_wait3A_818, %dma_wait3A_819] : memref<256x128xf32, #tpu.memory_space<hbm>> -> memref<128x128xf32, #tpu.memory_space<hbm>>
      tpu.wait_dma2 semaphore(%arg19 : memref<!tpu.dma_semaphore, #tpu.memory_space<semaphore_mem>>) src(%dma_wait3A_820 : memref<128x128xf32, #tpu.memory_space<hbm>>) dst(%arg10 : memref<128x128xf32, #tpu.memory_space<vmem>>)
      %rem3A_821 = arith.constant 2 : i32
      %rem3A_822 = arith.remsi %add3A_814, %rem3A_821 : i32
      %dma_start3A_823 = arith.constant 0 : i32
      %dma_start3A_824 = tpu.memref_slice %arg9[%rem3A_822, %dma_start3A_823] : memref<2x128xi32, #tpu.memory_space<vmem>> -> memref<1x128xi32, #tpu.memory_space<vmem>>
      %dma_start3A_825 = tpu.memref_squeeze %dma_start3A_824 : memref<1x128xi32, #tpu.memory_space<vmem>> -> memref<128xi32, #tpu.memory_space<vmem>>
      %dma_start3A_826 = arith.constant 0 : i32
      %dma_start3A_827 = arith.constant 0 : i32
      %dma_start3A_828 = tpu.memref_slice %arg7[%dma_start3A_826, %dma_start3A_827] : memref<4096x128xf32, #tpu.memory_space<vmem_shared>> -> memref<4096x128xf32, #tpu.memory_space<vmem_shared>>
      tpu.enqueue_indirect_dma source(%arg14 : memref<128x128xf32, #tpu.memory_space<vmem>>) target(%dma_start3A_828 : memref<4096x128xf32, #tpu.memory_space<vmem_shared>>) offsets(%dma_start3A_825 : memref<128xi32, #tpu.memory_space<vmem>>) semaphore(%arg24 : memref<!tpu.dma_semaphore, #tpu.memory_space<semaphore_mem>>) {add = true}
      %add3A_829 = arith.constant 5 : i32
      %add3A_830 = arith.addi %add3A_814, %add3A_829 : i32
      %sub3A_831 = arith.constant 1 : i32
      %sub3A_832 = arith.subi %add3A_830, %sub3A_831 : i32
      %rem3A_833 = arith.constant 2 : i32
      %rem3A_834 = arith.remsi %sub3A_832, %rem3A_833 : i32
      %mul3A_835 = arith.constant 50 : i32
      %mul3A_836 = arith.muli %rem3A_834, %mul3A_835 : i32
      %jit3A_837 = arith.constant 2 : i32
      %div3A_838 = arith.divsi %sub3A_832, %jit3A_837 : i32
      %sign3A_839 = arith.constant 0 : i32
      %sign3A_840 = arith.cmpi sgt, %sub3A_832, %sign3A_839 : i32
      %sign3A_841 = arith.extui %sign3A_840 : i1 to i32
      %sign3A_842 = arith.constant 0 : i32
      %sign3A_843 = arith.cmpi slt, %sub3A_832, %sign3A_842 : i32
      %sign3A_844 = arith.extui %sign3A_843 : i1 to i32
      %sign3A_845 = arith.subi %sign3A_841, %sign3A_844 : i32
      %sign3A_846 = arith.constant 0 : i32
      %sign3A_847 = arith.cmpi sgt, %jit3A_837, %sign3A_846 : i32
      %sign3A_848 = arith.extui %sign3A_847 : i1 to i32
      %sign3A_849 = arith.constant 0 : i32
      %sign3A_850 = arith.cmpi slt, %jit3A_837, %sign3A_849 : i32
      %sign3A_851 = arith.extui %sign3A_850 : i1 to i32
      %sign3A_852 = arith.subi %sign3A_848, %sign3A_851 : i32
      %ne3A_853 = arith.cmpi ne, %sign3A_845, %sign3A_852 : i32
      %rem3A_854 = arith.remsi %sub3A_832, %jit3A_837 : i32
      %ne3A_855 = arith.constant 0 : i32
      %ne3A_856 = arith.cmpi ne, %rem3A_854, %ne3A_855 : i32
      %and3A_857 = arith.andi %ne3A_853, %ne3A_856 : i1
      %sub3A_858 = arith.constant 1 : i32
      %sub3A_859 = arith.subi %div3A_838, %sub3A_858 : i32
      %select_n3A_860 = arith.select %and3A_857, %sub3A_859, %div3A_838 : i32
      %add3A_861 = arith.addi %mul3A_836, %select_n3A_860 : i32
      %lt3A_862 = arith.constant 19 : i32
      %lt3A_863 = arith.cmpi slt, %scan3A_592, %lt3A_862 : i32
      %convert_element_type3A_864 = arith.extui %lt3A_863 : i1 to i32
      %cond3A_865 = arith.constant 0 : i32
      %cond3A_866 = arith.cmpi ne, %convert_element_type3A_864, %cond3A_865 : i32
      scf.if %cond3A_866 {
        %dma_wait3A_867 = arith.constant 0 : i32
        %dma_wait3A_868 = arith.constant 0 : i32
        %dma_wait3A_869 = tpu.memref_slice %arg3[%dma_wait3A_867, %dma_wait3A_868] : memref<256x128xf32, #tpu.memory_space<hbm>> -> memref<128x128xf32, #tpu.memory_space<hbm>>
        %dma_wait3A_870 = arith.constant 0 : i32
        %dma_wait3A_871 = arith.constant 0 : i32
        %dma_wait3A_872 = tpu.memref_slice %arg3[%dma_wait3A_870, %dma_wait3A_871] : memref<256x128xf32, #tpu.memory_space<hbm>> -> memref<128x128xf32, #tpu.memory_space<hbm>>
        tpu.wait_dma2 semaphore(%arg23 : memref<!tpu.dma_semaphore, #tpu.memory_space<semaphore_mem>>) src(%dma_wait3A_872 : memref<128x128xf32, #tpu.memory_space<hbm>>) dst(%arg10 : memref<128x128xf32, #tpu.memory_space<vmem>>)
        %dma_start3A_873 = arith.constant 0 : i32
        %dma_start3A_874 = tpu.memref_slice %arg8[%add3A_861, %dma_start3A_873] : memref<100x128xi32, #tpu.memory_space<vmem>> -> memref<1x128xi32, #tpu.memory_space<vmem>>
        %dma_start3A_875 = tpu.memref_squeeze %dma_start3A_874 : memref<1x128xi32, #tpu.memory_space<vmem>> -> memref<128xi32, #tpu.memory_space<vmem>>
        %dma_start3A_876 = arith.constant 0 : i32
        %dma_start3A_877 = arith.constant 0 : i32
        %dma_start3A_878 = tpu.memref_slice %arg5[%dma_start3A_876, %dma_start3A_877] : memref<400000x128xf32, #tpu.memory_space<hbm>> -> memref<400000x128xf32, #tpu.memory_space<hbm>>
        tpu.enqueue_indirect_dma source(%dma_start3A_878 : memref<400000x128xf32, #tpu.memory_space<hbm>>) target(%arg13 : memref<128x128xf32, #tpu.memory_space<vmem>>) offsets(%dma_start3A_875 : memref<128xi32, #tpu.memory_space<vmem>>) semaphore(%arg18 : memref<!tpu.dma_semaphore, #tpu.memory_space<semaphore_mem>>)
      } else {
      }
    }
    %scan3A_257 = arith.constant 20 : i32
    %dma_wait3A_258 = arith.constant 0 : i32
    %dma_wait3A_259 = arith.constant 0 : i32
    %dma_wait3A_260 = tpu.memref_slice %arg3[%dma_wait3A_258, %dma_wait3A_259] : memref<256x128xf32, #tpu.memory_space<hbm>> -> memref<128x128xf32, #tpu.memory_space<hbm>>
    %dma_wait3A_261 = arith.constant 0 : i32
    %dma_wait3A_262 = arith.constant 0 : i32
    %dma_wait3A_263 = tpu.memref_slice %arg3[%dma_wait3A_261, %dma_wait3A_262] : memref<256x128xf32, #tpu.memory_space<hbm>> -> memref<128x128xf32, #tpu.memory_space<hbm>>
    tpu.wait_dma2 semaphore(%arg20 : memref<!tpu.dma_semaphore, #tpu.memory_space<semaphore_mem>>) src(%dma_wait3A_263 : memref<128x128xf32, #tpu.memory_space<hbm>>) dst(%arg10 : memref<128x128xf32, #tpu.memory_space<vmem>>)
    %dma_wait3A_264 = arith.constant 0 : i32
    %dma_wait3A_265 = arith.constant 0 : i32
    %dma_wait3A_266 = tpu.memref_slice %arg3[%dma_wait3A_264, %dma_wait3A_265] : memref<256x128xf32, #tpu.memory_space<hbm>> -> memref<128x128xf32, #tpu.memory_space<hbm>>
    %dma_wait3A_267 = arith.constant 0 : i32
    %dma_wait3A_268 = arith.constant 0 : i32
    %dma_wait3A_269 = tpu.memref_slice %arg3[%dma_wait3A_267, %dma_wait3A_268] : memref<256x128xf32, #tpu.memory_space<hbm>> -> memref<128x128xf32, #tpu.memory_space<hbm>>
    tpu.wait_dma2 semaphore(%arg21 : memref<!tpu.dma_semaphore, #tpu.memory_space<semaphore_mem>>) src(%dma_wait3A_269 : memref<128x128xf32, #tpu.memory_space<hbm>>) dst(%arg10 : memref<128x128xf32, #tpu.memory_space<vmem>>)
    %dma_wait3A_270 = arith.constant 0 : i32
    %dma_wait3A_271 = arith.constant 0 : i32
    %dma_wait3A_272 = tpu.memref_slice %arg3[%dma_wait3A_270, %dma_wait3A_271] : memref<256x128xf32, #tpu.memory_space<hbm>> -> memref<128x128xf32, #tpu.memory_space<hbm>>
    %dma_wait3A_273 = arith.constant 0 : i32
    %dma_wait3A_274 = arith.constant 0 : i32
    %dma_wait3A_275 = tpu.memref_slice %arg3[%dma_wait3A_273, %dma_wait3A_274] : memref<256x128xf32, #tpu.memory_space<hbm>> -> memref<128x128xf32, #tpu.memory_space<hbm>>
    tpu.wait_dma2 semaphore(%arg22 : memref<!tpu.dma_semaphore, #tpu.memory_space<semaphore_mem>>) src(%dma_wait3A_275 : memref<128x128xf32, #tpu.memory_space<hbm>>) dst(%arg10 : memref<128x128xf32, #tpu.memory_space<vmem>>)
    %dma_wait3A_276 = arith.constant 0 : i32
    %dma_wait3A_277 = arith.constant 0 : i32
    %dma_wait3A_278 = tpu.memref_slice %arg3[%dma_wait3A_276, %dma_wait3A_277] : memref<256x128xf32, #tpu.memory_space<hbm>> -> memref<128x128xf32, #tpu.memory_space<hbm>>
    %dma_wait3A_279 = arith.constant 0 : i32
    %dma_wait3A_280 = arith.constant 0 : i32
    %dma_wait3A_281 = tpu.memref_slice %arg3[%dma_wait3A_279, %dma_wait3A_280] : memref<256x128xf32, #tpu.memory_space<hbm>> -> memref<128x128xf32, #tpu.memory_space<hbm>>
    tpu.wait_dma2 semaphore(%arg23 : memref<!tpu.dma_semaphore, #tpu.memory_space<semaphore_mem>>) src(%dma_wait3A_281 : memref<128x128xf32, #tpu.memory_space<hbm>>) dst(%arg10 : memref<128x128xf32, #tpu.memory_space<vmem>>)
    %dma_wait3A_282 = arith.constant 0 : i32
    %dma_wait3A_283 = arith.constant 0 : i32
    %dma_wait3A_284 = tpu.memref_slice %arg3[%dma_wait3A_282, %dma_wait3A_283] : memref<256x128xf32, #tpu.memory_space<hbm>> -> memref<128x128xf32, #tpu.memory_space<hbm>>
    %dma_wait3A_285 = arith.constant 0 : i32
    %dma_wait3A_286 = arith.constant 0 : i32
    %dma_wait3A_287 = tpu.memref_slice %arg3[%dma_wait3A_285, %dma_wait3A_286] : memref<256x128xf32, #tpu.memory_space<hbm>> -> memref<128x128xf32, #tpu.memory_space<hbm>>
    tpu.wait_dma2 semaphore(%arg24 : memref<!tpu.dma_semaphore, #tpu.memory_space<semaphore_mem>>) src(%dma_wait3A_287 : memref<128x128xf32, #tpu.memory_space<hbm>>) dst(%arg10 : memref<128x128xf32, #tpu.memory_space<vmem>>)
    %mul3A_288 = arith.constant 256 : i32
    %mul3A_289 = arith.muli %arg1, %mul3A_288 : i32
    %mul3A_290 = arith.constant 4 : i32
    %mul3A_291 = arith.muli %add3A, %mul3A_290 : i32
    %mul3A_292 = arith.constant 128 : i32
    %mul3A_293 = arith.muli %mul3A_291, %mul3A_292 : i32
    %add3A_294 = arith.constant 0 : i32
    %add3A_295 = arith.addi %mul3A_293, %add3A_294 : i32
    "tpu.region"() ({
      %run_scoped3A = tpu.sem_alloc : memref<!tpu.dma_semaphore, #tpu.memory_space<semaphore_mem>>
      %dma_start3A_592 = arith.constant 0 : i32
      %dma_start3A_593 = tpu.memref_slice %arg6[%add3A_295, %dma_start3A_592] : memref<16384x128xf32, #tpu.memory_space<hbm>> -> memref<256x128xf32, #tpu.memory_space<hbm>>
      %dma_start3A_594 = arith.constant 0 : i32
      %dma_start3A_595 = tpu.memref_slice %arg7[%mul3A_289, %dma_start3A_594] : memref<4096x128xf32, #tpu.memory_space<vmem_shared>> -> memref<256x128xf32, #tpu.memory_space<vmem_shared>>
      tpu.enqueue_dma source(%dma_start3A_595 : memref<256x128xf32, #tpu.memory_space<vmem_shared>>) target(%dma_start3A_593 : memref<256x128xf32, #tpu.memory_space<hbm>>) target_semaphore(%run_scoped3A : memref<!tpu.dma_semaphore, #tpu.memory_space<semaphore_mem>>)
      %dma_wait3A_596 = arith.constant 0 : i32
      %dma_wait3A_597 = tpu.memref_slice %arg6[%add3A_295, %dma_wait3A_596] : memref<16384x128xf32, #tpu.memory_space<hbm>> -> memref<256x128xf32, #tpu.memory_space<hbm>>
      %dma_wait3A_598 = arith.constant 0 : i32
      %dma_wait3A_599 = tpu.memref_slice %arg7[%mul3A_289, %dma_wait3A_598] : memref<4096x128xf32, #tpu.memory_space<vmem_shared>> -> memref<256x128xf32, #tpu.memory_space<vmem_shared>>
      tpu.wait_dma2 semaphore(%run_scoped3A : memref<!tpu.dma_semaphore, #tpu.memory_space<semaphore_mem>>) src(%dma_wait3A_599 : memref<256x128xf32, #tpu.memory_space<vmem_shared>>) dst(%dma_wait3A_597 : memref<256x128xf32, #tpu.memory_space<hbm>>)
      tpu.yield
    }) : () -> ()
    %mul3A_296 = arith.constant 256 : i32
    %mul3A_297 = arith.muli %arg1, %mul3A_296 : i32
    "tpu.region"() ({
      %run_scoped3A = tpu.sem_alloc : memref<!tpu.dma_semaphore, #tpu.memory_space<semaphore_mem>>
      %dma_start3A_592 = arith.constant 0 : i32
      %dma_start3A_593 = tpu.memref_slice %arg7[%mul3A_297, %dma_start3A_592] : memref<4096x128xf32, #tpu.memory_space<vmem_shared>> -> memref<256x128xf32, #tpu.memory_space<vmem_shared>>
      tpu.enqueue_dma source(%arg3 : memref<256x128xf32, #tpu.memory_space<hbm>>) target(%dma_start3A_593 : memref<256x128xf32, #tpu.memory_space<vmem_shared>>) target_semaphore(%run_scoped3A : memref<!tpu.dma_semaphore, #tpu.memory_space<semaphore_mem>>)
      %dma_wait3A_594 = arith.constant 0 : i32
      %dma_wait3A_595 = tpu.memref_slice %arg7[%mul3A_297, %dma_wait3A_594] : memref<4096x128xf32, #tpu.memory_space<vmem_shared>> -> memref<256x128xf32, #tpu.memory_space<vmem_shared>>
      tpu.wait_dma2 semaphore(%run_scoped3A : memref<!tpu.dma_semaphore, #tpu.memory_space<semaphore_mem>>) src(%arg3 : memref<256x128xf32, #tpu.memory_space<hbm>>) dst(%dma_wait3A_595 : memref<256x128xf32, #tpu.memory_space<vmem_shared>>)
      tpu.yield
    }) : () -> ()
    %mul3A_298 = arith.constant 4 : i32
    %mul3A_299 = arith.muli %add3A, %mul3A_298 : i32
    %add3A_300 = arith.constant 2 : i32
    %add3A_301 = arith.addi %mul3A_299, %add3A_300 : i32
    %mul3A_302 = arith.constant 200 : i32
    %mul3A_303 = arith.muli %add3A_301, %mul3A_302 : i32
    %add3A_304 = arith.constant 0 : i32
    %add3A_305 = arith.addi %mul3A_303, %add3A_304 : i32
    "tpu.region"() ({
      %run_scoped3A = tpu.sem_alloc : memref<!tpu.dma_semaphore, #tpu.memory_space<semaphore_mem>>
      %dma_start3A_592 = arith.constant 0 : i32
      %dma_start3A_593 = arith.constant 0 : i32
      %dma_start3A_594 = tpu.memref_slice %arg8[%dma_start3A_592, %dma_start3A_593] : memref<100x128xi32, #tpu.memory_space<vmem>> -> memref<50x128xi32, #tpu.memory_space<vmem>>
      %dma_start3A_595 = arith.constant 0 : i32
      %dma_start3A_596 = tpu.memref_slice %arg2[%add3A_305, %dma_start3A_595] : memref<25600x128xi32, #tpu.memory_space<hbm>> -> memref<50x128xi32, #tpu.memory_space<hbm>>
      %dma_start3A_597 = arith.constant 0 : i32
      %dma_start3A_598 = arith.constant 0 : i32
      %dma_start3A_599 = tpu.memref_slice %arg8[%dma_start3A_597, %dma_start3A_598] : memref<100x128xi32, #tpu.memory_space<vmem>> -> memref<50x128xi32, #tpu.memory_space<vmem>>
      %dma_start3A_600 = arith.constant 0 : i32
      %dma_start3A_601 = tpu.memref_slice %arg2[%add3A_305, %dma_start3A_600] : memref<25600x128xi32, #tpu.memory_space<hbm>> -> memref<50x128xi32, #tpu.memory_space<hbm>>
      tpu.enqueue_dma source(%dma_start3A_601 : memref<50x128xi32, #tpu.memory_space<hbm>>) target(%dma_start3A_599 : memref<50x128xi32, #tpu.memory_space<vmem>>) target_semaphore(%run_scoped3A : memref<!tpu.dma_semaphore, #tpu.memory_space<semaphore_mem>>)
      %dma_wait3A_602 = arith.constant 0 : i32
      %dma_wait3A_603 = arith.constant 0 : i32
      %dma_wait3A_604 = tpu.memref_slice %arg8[%dma_wait3A_602, %dma_wait3A_603] : memref<100x128xi32, #tpu.memory_space<vmem>> -> memref<50x128xi32, #tpu.memory_space<vmem>>
      %dma_wait3A_605 = arith.constant 0 : i32
      %dma_wait3A_606 = tpu.memref_slice %arg2[%add3A_305, %dma_wait3A_605] : memref<25600x128xi32, #tpu.memory_space<hbm>> -> memref<50x128xi32, #tpu.memory_space<hbm>>
      %dma_wait3A_607 = arith.constant 0 : i32
      %dma_wait3A_608 = arith.constant 0 : i32
      %dma_wait3A_609 = tpu.memref_slice %arg8[%dma_wait3A_607, %dma_wait3A_608] : memref<100x128xi32, #tpu.memory_space<vmem>> -> memref<50x128xi32, #tpu.memory_space<vmem>>
      %dma_wait3A_610 = arith.constant 0 : i32
      %dma_wait3A_611 = tpu.memref_slice %arg2[%add3A_305, %dma_wait3A_610] : memref<25600x128xi32, #tpu.memory_space<hbm>> -> memref<50x128xi32, #tpu.memory_space<hbm>>
      tpu.wait_dma2 semaphore(%run_scoped3A : memref<!tpu.dma_semaphore, #tpu.memory_space<semaphore_mem>>) src(%dma_wait3A_611 : memref<50x128xi32, #tpu.memory_space<hbm>>) dst(%dma_wait3A_609 : memref<50x128xi32, #tpu.memory_space<vmem>>)
      tpu.yield
    }) : () -> ()
    %add3A_306 = arith.constant 200 : i32
    %add3A_307 = arith.addi %mul3A_303, %add3A_306 : i32
    %add3A_308 = arith.constant 0 : i32
    %add3A_309 = arith.addi %add3A_307, %add3A_308 : i32
    "tpu.region"() ({
      %run_scoped3A = tpu.sem_alloc : memref<!tpu.dma_semaphore, #tpu.memory_space<semaphore_mem>>
      %dma_start3A_592 = arith.constant 50 : i32
      %dma_start3A_593 = arith.constant 0 : i32
      %dma_start3A_594 = tpu.memref_slice %arg8[%dma_start3A_592, %dma_start3A_593] : memref<100x128xi32, #tpu.memory_space<vmem>> -> memref<50x128xi32, #tpu.memory_space<vmem>>
      %dma_start3A_595 = arith.constant 0 : i32
      %dma_start3A_596 = tpu.memref_slice %arg2[%add3A_309, %dma_start3A_595] : memref<25600x128xi32, #tpu.memory_space<hbm>> -> memref<50x128xi32, #tpu.memory_space<hbm>>
      %dma_start3A_597 = arith.constant 50 : i32
      %dma_start3A_598 = arith.constant 0 : i32
      %dma_start3A_599 = tpu.memref_slice %arg8[%dma_start3A_597, %dma_start3A_598] : memref<100x128xi32, #tpu.memory_space<vmem>> -> memref<50x128xi32, #tpu.memory_space<vmem>>
      %dma_start3A_600 = arith.constant 0 : i32
      %dma_start3A_601 = tpu.memref_slice %arg2[%add3A_309, %dma_start3A_600] : memref<25600x128xi32, #tpu.memory_space<hbm>> -> memref<50x128xi32, #tpu.memory_space<hbm>>
      tpu.enqueue_dma source(%dma_start3A_601 : memref<50x128xi32, #tpu.memory_space<hbm>>) target(%dma_start3A_599 : memref<50x128xi32, #tpu.memory_space<vmem>>) target_semaphore(%run_scoped3A : memref<!tpu.dma_semaphore, #tpu.memory_space<semaphore_mem>>)
      %dma_wait3A_602 = arith.constant 50 : i32
      %dma_wait3A_603 = arith.constant 0 : i32
      %dma_wait3A_604 = tpu.memref_slice %arg8[%dma_wait3A_602, %dma_wait3A_603] : memref<100x128xi32, #tpu.memory_space<vmem>> -> memref<50x128xi32, #tpu.memory_space<vmem>>
      %dma_wait3A_605 = arith.constant 0 : i32
      %dma_wait3A_606 = tpu.memref_slice %arg2[%add3A_309, %dma_wait3A_605] : memref<25600x128xi32, #tpu.memory_space<hbm>> -> memref<50x128xi32, #tpu.memory_space<hbm>>
      %dma_wait3A_607 = arith.constant 50 : i32
      %dma_wait3A_608 = arith.constant 0 : i32
      %dma_wait3A_609 = tpu.memref_slice %arg8[%dma_wait3A_607, %dma_wait3A_608] : memref<100x128xi32, #tpu.memory_space<vmem>> -> memref<50x128xi32, #tpu.memory_space<vmem>>
      %dma_wait3A_610 = arith.constant 0 : i32
      %dma_wait3A_611 = tpu.memref_slice %arg2[%add3A_309, %dma_wait3A_610] : memref<25600x128xi32, #tpu.memory_space<hbm>> -> memref<50x128xi32, #tpu.memory_space<hbm>>
      tpu.wait_dma2 semaphore(%run_scoped3A : memref<!tpu.dma_semaphore, #tpu.memory_space<semaphore_mem>>) src(%dma_wait3A_611 : memref<50x128xi32, #tpu.memory_space<hbm>>) dst(%dma_wait3A_609 : memref<50x128xi32, #tpu.memory_space<vmem>>)
      tpu.yield
    }) : () -> ()
    %dma_start3A_310 = arith.constant 0 : i32
    %dma_start3A_311 = arith.constant 0 : i32
    %dma_start3A_312 = tpu.memref_slice %arg8[%dma_start3A_310, %dma_start3A_311] : memref<100x128xi32, #tpu.memory_space<vmem>> -> memref<1x128xi32, #tpu.memory_space<vmem>>
    %dma_start3A_313 = tpu.memref_squeeze %dma_start3A_312 : memref<1x128xi32, #tpu.memory_space<vmem>> -> memref<128xi32, #tpu.memory_space<vmem>>
    %dma_start3A_314 = arith.constant 0 : i32
    %dma_start3A_315 = arith.constant 0 : i32
    %dma_start3A_316 = tpu.memref_slice %arg5[%dma_start3A_314, %dma_start3A_315] : memref<400000x128xf32, #tpu.memory_space<hbm>> -> memref<400000x128xf32, #tpu.memory_space<hbm>>
    tpu.enqueue_indirect_dma source(%dma_start3A_316 : memref<400000x128xf32, #tpu.memory_space<hbm>>) target(%arg10 : memref<128x128xf32, #tpu.memory_space<vmem>>) offsets(%dma_start3A_313 : memref<128xi32, #tpu.memory_space<vmem>>) semaphore(%arg15 : memref<!tpu.dma_semaphore, #tpu.memory_space<semaphore_mem>>)
    %dma_start3A_317 = arith.constant 50 : i32
    %dma_start3A_318 = arith.constant 0 : i32
    %dma_start3A_319 = tpu.memref_slice %arg8[%dma_start3A_317, %dma_start3A_318] : memref<100x128xi32, #tpu.memory_space<vmem>> -> memref<1x128xi32, #tpu.memory_space<vmem>>
    %dma_start3A_320 = tpu.memref_squeeze %dma_start3A_319 : memref<1x128xi32, #tpu.memory_space<vmem>> -> memref<128xi32, #tpu.memory_space<vmem>>
    %dma_start3A_321 = arith.constant 0 : i32
    %dma_start3A_322 = arith.constant 0 : i32
    %dma_start3A_323 = tpu.memref_slice %arg5[%dma_start3A_321, %dma_start3A_322] : memref<400000x128xf32, #tpu.memory_space<hbm>> -> memref<400000x128xf32, #tpu.memory_space<hbm>>
    tpu.enqueue_indirect_dma source(%dma_start3A_323 : memref<400000x128xf32, #tpu.memory_space<hbm>>) target(%arg11 : memref<128x128xf32, #tpu.memory_space<vmem>>) offsets(%dma_start3A_320 : memref<128xi32, #tpu.memory_space<vmem>>) semaphore(%arg16 : memref<!tpu.dma_semaphore, #tpu.memory_space<semaphore_mem>>)
    %dma_start3A_324 = arith.constant 1 : i32
    %dma_start3A_325 = arith.constant 0 : i32
    %dma_start3A_326 = tpu.memref_slice %arg8[%dma_start3A_324, %dma_start3A_325] : memref<100x128xi32, #tpu.memory_space<vmem>> -> memref<1x128xi32, #tpu.memory_space<vmem>>
    %dma_start3A_327 = tpu.memref_squeeze %dma_start3A_326 : memref<1x128xi32, #tpu.memory_space<vmem>> -> memref<128xi32, #tpu.memory_space<vmem>>
    %dma_start3A_328 = arith.constant 0 : i32
    %dma_start3A_329 = arith.constant 0 : i32
    %dma_start3A_330 = tpu.memref_slice %arg5[%dma_start3A_328, %dma_start3A_329] : memref<400000x128xf32, #tpu.memory_space<hbm>> -> memref<400000x128xf32, #tpu.memory_space<hbm>>
    tpu.enqueue_indirect_dma source(%dma_start3A_330 : memref<400000x128xf32, #tpu.memory_space<hbm>>) target(%arg12 : memref<128x128xf32, #tpu.memory_space<vmem>>) offsets(%dma_start3A_327 : memref<128xi32, #tpu.memory_space<vmem>>) semaphore(%arg17 : memref<!tpu.dma_semaphore, #tpu.memory_space<semaphore_mem>>)
    %dma_start3A_331 = arith.constant 51 : i32
    %dma_start3A_332 = arith.constant 0 : i32
    %dma_start3A_333 = tpu.memref_slice %arg8[%dma_start3A_331, %dma_start3A_332] : memref<100x128xi32, #tpu.memory_space<vmem>> -> memref<1x128xi32, #tpu.memory_space<vmem>>
    %dma_start3A_334 = tpu.memref_squeeze %dma_start3A_333 : memref<1x128xi32, #tpu.memory_space<vmem>> -> memref<128xi32, #tpu.memory_space<vmem>>
    %dma_start3A_335 = arith.constant 0 : i32
    %dma_start3A_336 = arith.constant 0 : i32
    %dma_start3A_337 = tpu.memref_slice %arg5[%dma_start3A_335, %dma_start3A_336] : memref<400000x128xf32, #tpu.memory_space<hbm>> -> memref<400000x128xf32, #tpu.memory_space<hbm>>
    tpu.enqueue_indirect_dma source(%dma_start3A_337 : memref<400000x128xf32, #tpu.memory_space<hbm>>) target(%arg13 : memref<128x128xf32, #tpu.memory_space<vmem>>) offsets(%dma_start3A_334 : memref<128xi32, #tpu.memory_space<vmem>>) semaphore(%arg18 : memref<!tpu.dma_semaphore, #tpu.memory_space<semaphore_mem>>)
    %scan3A_338 = arith.constant 0 : i32
    %scan3A_339 = arith.constant 0 : i32
    %scan3A_340 = arith.constant 20 : i32
    %scan3A_341 = arith.addi %scan3A_339, %scan3A_340 : i32
    %scan3A_342 = arith.constant 1 : i32
    scf.for %scan3A_592 = %scan3A_339 to %scan3A_341 step %scan3A_342  : i32 {
      %mul3A_593 = arith.constant 5 : i32
      %mul3A_594 = arith.muli %mul3A_593, %scan3A_592 : i32
      %add3A_595 = arith.constant 0 : i32
      %add3A_596 = arith.addi %mul3A_594, %add3A_595 : i32
      %dma_wait3A_597 = arith.constant 0 : i32
      %dma_wait3A_598 = arith.constant 0 : i32
      %dma_wait3A_599 = tpu.memref_slice %arg3[%dma_wait3A_597, %dma_wait3A_598] : memref<256x128xf32, #tpu.memory_space<hbm>> -> memref<128x128xf32, #tpu.memory_space<hbm>>
      %dma_wait3A_600 = arith.constant 0 : i32
      %dma_wait3A_601 = arith.constant 0 : i32
      %dma_wait3A_602 = tpu.memref_slice %arg3[%dma_wait3A_600, %dma_wait3A_601] : memref<256x128xf32, #tpu.memory_space<hbm>> -> memref<128x128xf32, #tpu.memory_space<hbm>>
      tpu.wait_dma2 semaphore(%arg15 : memref<!tpu.dma_semaphore, #tpu.memory_space<semaphore_mem>>) src(%dma_wait3A_602 : memref<128x128xf32, #tpu.memory_space<hbm>>) dst(%arg10 : memref<128x128xf32, #tpu.memory_space<vmem>>)
      %rem3A = arith.constant 2 : i32
      %rem3A_603 = arith.remsi %add3A_596, %rem3A : i32
      %dma_start3A_604 = arith.constant 0 : i32
      %dma_start3A_605 = tpu.memref_slice %arg9[%rem3A_603, %dma_start3A_604] : memref<2x128xi32, #tpu.memory_space<vmem>> -> memref<1x128xi32, #tpu.memory_space<vmem>>
      %dma_start3A_606 = tpu.memref_squeeze %dma_start3A_605 : memref<1x128xi32, #tpu.memory_space<vmem>> -> memref<128xi32, #tpu.memory_space<vmem>>
      %dma_start3A_607 = arith.constant 0 : i32
      %dma_start3A_608 = arith.constant 0 : i32
      %dma_start3A_609 = tpu.memref_slice %arg7[%dma_start3A_607, %dma_start3A_608] : memref<4096x128xf32, #tpu.memory_space<vmem_shared>> -> memref<4096x128xf32, #tpu.memory_space<vmem_shared>>
      tpu.enqueue_indirect_dma source(%arg10 : memref<128x128xf32, #tpu.memory_space<vmem>>) target(%dma_start3A_609 : memref<4096x128xf32, #tpu.memory_space<vmem_shared>>) offsets(%dma_start3A_606 : memref<128xi32, #tpu.memory_space<vmem>>) semaphore(%arg20 : memref<!tpu.dma_semaphore, #tpu.memory_space<semaphore_mem>>) {add = true}
      %add3A_610 = arith.constant 5 : i32
      %add3A_611 = arith.addi %add3A_596, %add3A_610 : i32
      %sub3A = arith.constant 1 : i32
      %sub3A_612 = arith.subi %add3A_611, %sub3A : i32
      %rem3A_613 = arith.constant 2 : i32
      %rem3A_614 = arith.remsi %sub3A_612, %rem3A_613 : i32
      %mul3A_615 = arith.constant 50 : i32
      %mul3A_616 = arith.muli %rem3A_614, %mul3A_615 : i32
      %jit3A = arith.constant 2 : i32
      %div3A = arith.divsi %sub3A_612, %jit3A : i32
      %sign3A = arith.constant 0 : i32
      %sign3A_617 = arith.cmpi sgt, %sub3A_612, %sign3A : i32
      %sign3A_618 = arith.extui %sign3A_617 : i1 to i32
      %sign3A_619 = arith.constant 0 : i32
      %sign3A_620 = arith.cmpi slt, %sub3A_612, %sign3A_619 : i32
      %sign3A_621 = arith.extui %sign3A_620 : i1 to i32
      %sign3A_622 = arith.subi %sign3A_618, %sign3A_621 : i32
      %sign3A_623 = arith.constant 0 : i32
      %sign3A_624 = arith.cmpi sgt, %jit3A, %sign3A_623 : i32
      %sign3A_625 = arith.extui %sign3A_624 : i1 to i32
      %sign3A_626 = arith.constant 0 : i32
      %sign3A_627 = arith.cmpi slt, %jit3A, %sign3A_626 : i32
      %sign3A_628 = arith.extui %sign3A_627 : i1 to i32
      %sign3A_629 = arith.subi %sign3A_625, %sign3A_628 : i32
      %ne3A = arith.cmpi ne, %sign3A_622, %sign3A_629 : i32
      %rem3A_630 = arith.remsi %sub3A_612, %jit3A : i32
      %ne3A_631 = arith.constant 0 : i32
      %ne3A_632 = arith.cmpi ne, %rem3A_630, %ne3A_631 : i32
      %and3A = arith.andi %ne3A, %ne3A_632 : i1
      %sub3A_633 = arith.constant 1 : i32
      %sub3A_634 = arith.subi %div3A, %sub3A_633 : i32
      %select_n3A = arith.select %and3A, %sub3A_634, %div3A : i32
      %add3A_635 = arith.addi %mul3A_616, %select_n3A : i32
      %gt3A = arith.constant 0 : i32
      %gt3A_636 = arith.cmpi sgt, %scan3A_592, %gt3A : i32
      %convert_element_type3A = arith.extui %gt3A_636 : i1 to i32
      %cond3A = arith.constant 0 : i32
      %cond3A_637 = arith.cmpi ne, %convert_element_type3A, %cond3A : i32
      scf.if %cond3A_637 {
        %dma_wait3A_867 = arith.constant 0 : i32
        %dma_wait3A_868 = arith.constant 0 : i32
        %dma_wait3A_869 = tpu.memref_slice %arg3[%dma_wait3A_867, %dma_wait3A_868] : memref<256x128xf32, #tpu.memory_space<hbm>> -> memref<128x128xf32, #tpu.memory_space<hbm>>
        %dma_wait3A_870 = arith.constant 0 : i32
        %dma_wait3A_871 = arith.constant 0 : i32
        %dma_wait3A_872 = tpu.memref_slice %arg3[%dma_wait3A_870, %dma_wait3A_871] : memref<256x128xf32, #tpu.memory_space<hbm>> -> memref<128x128xf32, #tpu.memory_space<hbm>>
        tpu.wait_dma2 semaphore(%arg24 : memref<!tpu.dma_semaphore, #tpu.memory_space<semaphore_mem>>) src(%dma_wait3A_872 : memref<128x128xf32, #tpu.memory_space<hbm>>) dst(%arg10 : memref<128x128xf32, #tpu.memory_space<vmem>>)
      } else {
      }
      %dma_start3A_638 = arith.constant 0 : i32
      %dma_start3A_639 = tpu.memref_slice %arg8[%add3A_635, %dma_start3A_638] : memref<100x128xi32, #tpu.memory_space<vmem>> -> memref<1x128xi32, #tpu.memory_space<vmem>>
      %dma_start3A_640 = tpu.memref_squeeze %dma_start3A_639 : memref<1x128xi32, #tpu.memory_space<vmem>> -> memref<128xi32, #tpu.memory_space<vmem>>
      %dma_start3A_641 = arith.constant 0 : i32
      %dma_start3A_642 = arith.constant 0 : i32
      %dma_start3A_643 = tpu.memref_slice %arg5[%dma_start3A_641, %dma_start3A_642] : memref<400000x128xf32, #tpu.memory_space<hbm>> -> memref<400000x128xf32, #tpu.memory_space<hbm>>
      tpu.enqueue_indirect_dma source(%dma_start3A_643 : memref<400000x128xf32, #tpu.memory_space<hbm>>) target(%arg14 : memref<128x128xf32, #tpu.memory_space<vmem>>) offsets(%dma_start3A_640 : memref<128xi32, #tpu.memory_space<vmem>>) semaphore(%arg19 : memref<!tpu.dma_semaphore, #tpu.memory_space<semaphore_mem>>)
      %mul3A_644 = arith.constant 5 : i32
      %mul3A_645 = arith.muli %mul3A_644, %scan3A_592 : i32
      %add3A_646 = arith.constant 1 : i32
      %add3A_647 = arith.addi %mul3A_645, %add3A_646 : i32
      %dma_wait3A_648 = arith.constant 0 : i32
      %dma_wait3A_649 = arith.constant 0 : i32
      %dma_wait3A_650 = tpu.memref_slice %arg3[%dma_wait3A_648, %dma_wait3A_649] : memref<256x128xf32, #tpu.memory_space<hbm>> -> memref<128x128xf32, #tpu.memory_space<hbm>>
      %dma_wait3A_651 = arith.constant 0 : i32
      %dma_wait3A_652 = arith.constant 0 : i32
      %dma_wait3A_653 = tpu.memref_slice %arg3[%dma_wait3A_651, %dma_wait3A_652] : memref<256x128xf32, #tpu.memory_space<hbm>> -> memref<128x128xf32, #tpu.memory_space<hbm>>
      tpu.wait_dma2 semaphore(%arg16 : memref<!tpu.dma_semaphore, #tpu.memory_space<semaphore_mem>>) src(%dma_wait3A_653 : memref<128x128xf32, #tpu.memory_space<hbm>>) dst(%arg10 : memref<128x128xf32, #tpu.memory_space<vmem>>)
      %rem3A_654 = arith.constant 2 : i32
      %rem3A_655 = arith.remsi %add3A_647, %rem3A_654 : i32
      %dma_start3A_656 = arith.constant 0 : i32
      %dma_start3A_657 = tpu.memref_slice %arg9[%rem3A_655, %dma_start3A_656] : memref<2x128xi32, #tpu.memory_space<vmem>> -> memref<1x128xi32, #tpu.memory_space<vmem>>
      %dma_start3A_658 = tpu.memref_squeeze %dma_start3A_657 : memref<1x128xi32, #tpu.memory_space<vmem>> -> memref<128xi32, #tpu.memory_space<vmem>>
      %dma_start3A_659 = arith.constant 0 : i32
      %dma_start3A_660 = arith.constant 0 : i32
      %dma_start3A_661 = tpu.memref_slice %arg7[%dma_start3A_659, %dma_start3A_660] : memref<4096x128xf32, #tpu.memory_space<vmem_shared>> -> memref<4096x128xf32, #tpu.memory_space<vmem_shared>>
      tpu.enqueue_indirect_dma source(%arg11 : memref<128x128xf32, #tpu.memory_space<vmem>>) target(%dma_start3A_661 : memref<4096x128xf32, #tpu.memory_space<vmem_shared>>) offsets(%dma_start3A_658 : memref<128xi32, #tpu.memory_space<vmem>>) semaphore(%arg21 : memref<!tpu.dma_semaphore, #tpu.memory_space<semaphore_mem>>) {add = true}
      %add3A_662 = arith.constant 5 : i32
      %add3A_663 = arith.addi %add3A_647, %add3A_662 : i32
      %sub3A_664 = arith.constant 1 : i32
      %sub3A_665 = arith.subi %add3A_663, %sub3A_664 : i32
      %rem3A_666 = arith.constant 2 : i32
      %rem3A_667 = arith.remsi %sub3A_665, %rem3A_666 : i32
      %mul3A_668 = arith.constant 50 : i32
      %mul3A_669 = arith.muli %rem3A_667, %mul3A_668 : i32
      %jit3A_670 = arith.constant 2 : i32
      %div3A_671 = arith.divsi %sub3A_665, %jit3A_670 : i32
      %sign3A_672 = arith.constant 0 : i32
      %sign3A_673 = arith.cmpi sgt, %sub3A_665, %sign3A_672 : i32
      %sign3A_674 = arith.extui %sign3A_673 : i1 to i32
      %sign3A_675 = arith.constant 0 : i32
      %sign3A_676 = arith.cmpi slt, %sub3A_665, %sign3A_675 : i32
      %sign3A_677 = arith.extui %sign3A_676 : i1 to i32
      %sign3A_678 = arith.subi %sign3A_674, %sign3A_677 : i32
      %sign3A_679 = arith.constant 0 : i32
      %sign3A_680 = arith.cmpi sgt, %jit3A_670, %sign3A_679 : i32
      %sign3A_681 = arith.extui %sign3A_680 : i1 to i32
      %sign3A_682 = arith.constant 0 : i32
      %sign3A_683 = arith.cmpi slt, %jit3A_670, %sign3A_682 : i32
      %sign3A_684 = arith.extui %sign3A_683 : i1 to i32
      %sign3A_685 = arith.subi %sign3A_681, %sign3A_684 : i32
      %ne3A_686 = arith.cmpi ne, %sign3A_678, %sign3A_685 : i32
      %rem3A_687 = arith.remsi %sub3A_665, %jit3A_670 : i32
      %ne3A_688 = arith.constant 0 : i32
      %ne3A_689 = arith.cmpi ne, %rem3A_687, %ne3A_688 : i32
      %and3A_690 = arith.andi %ne3A_686, %ne3A_689 : i1
      %sub3A_691 = arith.constant 1 : i32
      %sub3A_692 = arith.subi %div3A_671, %sub3A_691 : i32
      %select_n3A_693 = arith.select %and3A_690, %sub3A_692, %div3A_671 : i32
      %add3A_694 = arith.addi %mul3A_669, %select_n3A_693 : i32
      %lt3A = arith.constant 19 : i32
      %lt3A_695 = arith.cmpi slt, %scan3A_592, %lt3A : i32
      %convert_element_type3A_696 = arith.extui %lt3A_695 : i1 to i32
      %cond3A_697 = arith.constant 0 : i32
      %cond3A_698 = arith.cmpi ne, %convert_element_type3A_696, %cond3A_697 : i32
      scf.if %cond3A_698 {
        %dma_wait3A_867 = arith.constant 0 : i32
        %dma_wait3A_868 = arith.constant 0 : i32
        %dma_wait3A_869 = tpu.memref_slice %arg3[%dma_wait3A_867, %dma_wait3A_868] : memref<256x128xf32, #tpu.memory_space<hbm>> -> memref<128x128xf32, #tpu.memory_space<hbm>>
        %dma_wait3A_870 = arith.constant 0 : i32
        %dma_wait3A_871 = arith.constant 0 : i32
        %dma_wait3A_872 = tpu.memref_slice %arg3[%dma_wait3A_870, %dma_wait3A_871] : memref<256x128xf32, #tpu.memory_space<hbm>> -> memref<128x128xf32, #tpu.memory_space<hbm>>
        tpu.wait_dma2 semaphore(%arg20 : memref<!tpu.dma_semaphore, #tpu.memory_space<semaphore_mem>>) src(%dma_wait3A_872 : memref<128x128xf32, #tpu.memory_space<hbm>>) dst(%arg10 : memref<128x128xf32, #tpu.memory_space<vmem>>)
        %dma_start3A_873 = arith.constant 0 : i32
        %dma_start3A_874 = tpu.memref_slice %arg8[%add3A_694, %dma_start3A_873] : memref<100x128xi32, #tpu.memory_space<vmem>> -> memref<1x128xi32, #tpu.memory_space<vmem>>
        %dma_start3A_875 = tpu.memref_squeeze %dma_start3A_874 : memref<1x128xi32, #tpu.memory_space<vmem>> -> memref<128xi32, #tpu.memory_space<vmem>>
        %dma_start3A_876 = arith.constant 0 : i32
        %dma_start3A_877 = arith.constant 0 : i32
        %dma_start3A_878 = tpu.memref_slice %arg5[%dma_start3A_876, %dma_start3A_877] : memref<400000x128xf32, #tpu.memory_space<hbm>> -> memref<400000x128xf32, #tpu.memory_space<hbm>>
        tpu.enqueue_indirect_dma source(%dma_start3A_878 : memref<400000x128xf32, #tpu.memory_space<hbm>>) target(%arg10 : memref<128x128xf32, #tpu.memory_space<vmem>>) offsets(%dma_start3A_875 : memref<128xi32, #tpu.memory_space<vmem>>) semaphore(%arg15 : memref<!tpu.dma_semaphore, #tpu.memory_space<semaphore_mem>>)
      } else {
      }
      %mul3A_699 = arith.constant 5 : i32
      %mul3A_700 = arith.muli %mul3A_699, %scan3A_592 : i32
      %add3A_701 = arith.constant 2 : i32
      %add3A_702 = arith.addi %mul3A_700, %add3A_701 : i32
      %dma_wait3A_703 = arith.constant 0 : i32
      %dma_wait3A_704 = arith.constant 0 : i32
      %dma_wait3A_705 = tpu.memref_slice %arg3[%dma_wait3A_703, %dma_wait3A_704] : memref<256x128xf32, #tpu.memory_space<hbm>> -> memref<128x128xf32, #tpu.memory_space<hbm>>
      %dma_wait3A_706 = arith.constant 0 : i32
      %dma_wait3A_707 = arith.constant 0 : i32
      %dma_wait3A_708 = tpu.memref_slice %arg3[%dma_wait3A_706, %dma_wait3A_707] : memref<256x128xf32, #tpu.memory_space<hbm>> -> memref<128x128xf32, #tpu.memory_space<hbm>>
      tpu.wait_dma2 semaphore(%arg17 : memref<!tpu.dma_semaphore, #tpu.memory_space<semaphore_mem>>) src(%dma_wait3A_708 : memref<128x128xf32, #tpu.memory_space<hbm>>) dst(%arg10 : memref<128x128xf32, #tpu.memory_space<vmem>>)
      %rem3A_709 = arith.constant 2 : i32
      %rem3A_710 = arith.remsi %add3A_702, %rem3A_709 : i32
      %dma_start3A_711 = arith.constant 0 : i32
      %dma_start3A_712 = tpu.memref_slice %arg9[%rem3A_710, %dma_start3A_711] : memref<2x128xi32, #tpu.memory_space<vmem>> -> memref<1x128xi32, #tpu.memory_space<vmem>>
      %dma_start3A_713 = tpu.memref_squeeze %dma_start3A_712 : memref<1x128xi32, #tpu.memory_space<vmem>> -> memref<128xi32, #tpu.memory_space<vmem>>
      %dma_start3A_714 = arith.constant 0 : i32
      %dma_start3A_715 = arith.constant 0 : i32
      %dma_start3A_716 = tpu.memref_slice %arg7[%dma_start3A_714, %dma_start3A_715] : memref<4096x128xf32, #tpu.memory_space<vmem_shared>> -> memref<4096x128xf32, #tpu.memory_space<vmem_shared>>
      tpu.enqueue_indirect_dma source(%arg12 : memref<128x128xf32, #tpu.memory_space<vmem>>) target(%dma_start3A_716 : memref<4096x128xf32, #tpu.memory_space<vmem_shared>>) offsets(%dma_start3A_713 : memref<128xi32, #tpu.memory_space<vmem>>) semaphore(%arg22 : memref<!tpu.dma_semaphore, #tpu.memory_space<semaphore_mem>>) {add = true}
      %add3A_717 = arith.constant 5 : i32
      %add3A_718 = arith.addi %add3A_702, %add3A_717 : i32
      %sub3A_719 = arith.constant 1 : i32
      %sub3A_720 = arith.subi %add3A_718, %sub3A_719 : i32
      %rem3A_721 = arith.constant 2 : i32
      %rem3A_722 = arith.remsi %sub3A_720, %rem3A_721 : i32
      %mul3A_723 = arith.constant 50 : i32
      %mul3A_724 = arith.muli %rem3A_722, %mul3A_723 : i32
      %jit3A_725 = arith.constant 2 : i32
      %div3A_726 = arith.divsi %sub3A_720, %jit3A_725 : i32
      %sign3A_727 = arith.constant 0 : i32
      %sign3A_728 = arith.cmpi sgt, %sub3A_720, %sign3A_727 : i32
      %sign3A_729 = arith.extui %sign3A_728 : i1 to i32
      %sign3A_730 = arith.constant 0 : i32
      %sign3A_731 = arith.cmpi slt, %sub3A_720, %sign3A_730 : i32
      %sign3A_732 = arith.extui %sign3A_731 : i1 to i32
      %sign3A_733 = arith.subi %sign3A_729, %sign3A_732 : i32
      %sign3A_734 = arith.constant 0 : i32
      %sign3A_735 = arith.cmpi sgt, %jit3A_725, %sign3A_734 : i32
      %sign3A_736 = arith.extui %sign3A_735 : i1 to i32
      %sign3A_737 = arith.constant 0 : i32
      %sign3A_738 = arith.cmpi slt, %jit3A_725, %sign3A_737 : i32
      %sign3A_739 = arith.extui %sign3A_738 : i1 to i32
      %sign3A_740 = arith.subi %sign3A_736, %sign3A_739 : i32
      %ne3A_741 = arith.cmpi ne, %sign3A_733, %sign3A_740 : i32
      %rem3A_742 = arith.remsi %sub3A_720, %jit3A_725 : i32
      %ne3A_743 = arith.constant 0 : i32
      %ne3A_744 = arith.cmpi ne, %rem3A_742, %ne3A_743 : i32
      %and3A_745 = arith.andi %ne3A_741, %ne3A_744 : i1
      %sub3A_746 = arith.constant 1 : i32
      %sub3A_747 = arith.subi %div3A_726, %sub3A_746 : i32
      %select_n3A_748 = arith.select %and3A_745, %sub3A_747, %div3A_726 : i32
      %add3A_749 = arith.addi %mul3A_724, %select_n3A_748 : i32
      %lt3A_750 = arith.constant 19 : i32
      %lt3A_751 = arith.cmpi slt, %scan3A_592, %lt3A_750 : i32
      %convert_element_type3A_752 = arith.extui %lt3A_751 : i1 to i32
      %cond3A_753 = arith.constant 0 : i32
      %cond3A_754 = arith.cmpi ne, %convert_element_type3A_752, %cond3A_753 : i32
      scf.if %cond3A_754 {
        %dma_wait3A_867 = arith.constant 0 : i32
        %dma_wait3A_868 = arith.constant 0 : i32
        %dma_wait3A_869 = tpu.memref_slice %arg3[%dma_wait3A_867, %dma_wait3A_868] : memref<256x128xf32, #tpu.memory_space<hbm>> -> memref<128x128xf32, #tpu.memory_space<hbm>>
        %dma_wait3A_870 = arith.constant 0 : i32
        %dma_wait3A_871 = arith.constant 0 : i32
        %dma_wait3A_872 = tpu.memref_slice %arg3[%dma_wait3A_870, %dma_wait3A_871] : memref<256x128xf32, #tpu.memory_space<hbm>> -> memref<128x128xf32, #tpu.memory_space<hbm>>
        tpu.wait_dma2 semaphore(%arg21 : memref<!tpu.dma_semaphore, #tpu.memory_space<semaphore_mem>>) src(%dma_wait3A_872 : memref<128x128xf32, #tpu.memory_space<hbm>>) dst(%arg10 : memref<128x128xf32, #tpu.memory_space<vmem>>)
        %dma_start3A_873 = arith.constant 0 : i32
        %dma_start3A_874 = tpu.memref_slice %arg8[%add3A_749, %dma_start3A_873] : memref<100x128xi32, #tpu.memory_space<vmem>> -> memref<1x128xi32, #tpu.memory_space<vmem>>
        %dma_start3A_875 = tpu.memref_squeeze %dma_start3A_874 : memref<1x128xi32, #tpu.memory_space<vmem>> -> memref<128xi32, #tpu.memory_space<vmem>>
        %dma_start3A_876 = arith.constant 0 : i32
        %dma_start3A_877 = arith.constant 0 : i32
        %dma_start3A_878 = tpu.memref_slice %arg5[%dma_start3A_876, %dma_start3A_877] : memref<400000x128xf32, #tpu.memory_space<hbm>> -> memref<400000x128xf32, #tpu.memory_space<hbm>>
        tpu.enqueue_indirect_dma source(%dma_start3A_878 : memref<400000x128xf32, #tpu.memory_space<hbm>>) target(%arg11 : memref<128x128xf32, #tpu.memory_space<vmem>>) offsets(%dma_start3A_875 : memref<128xi32, #tpu.memory_space<vmem>>) semaphore(%arg16 : memref<!tpu.dma_semaphore, #tpu.memory_space<semaphore_mem>>)
      } else {
      }
      %mul3A_755 = arith.constant 5 : i32
      %mul3A_756 = arith.muli %mul3A_755, %scan3A_592 : i32
      %add3A_757 = arith.constant 3 : i32
      %add3A_758 = arith.addi %mul3A_756, %add3A_757 : i32
      %dma_wait3A_759 = arith.constant 0 : i32
      %dma_wait3A_760 = arith.constant 0 : i32
      %dma_wait3A_761 = tpu.memref_slice %arg3[%dma_wait3A_759, %dma_wait3A_760] : memref<256x128xf32, #tpu.memory_space<hbm>> -> memref<128x128xf32, #tpu.memory_space<hbm>>
      %dma_wait3A_762 = arith.constant 0 : i32
      %dma_wait3A_763 = arith.constant 0 : i32
      %dma_wait3A_764 = tpu.memref_slice %arg3[%dma_wait3A_762, %dma_wait3A_763] : memref<256x128xf32, #tpu.memory_space<hbm>> -> memref<128x128xf32, #tpu.memory_space<hbm>>
      tpu.wait_dma2 semaphore(%arg18 : memref<!tpu.dma_semaphore, #tpu.memory_space<semaphore_mem>>) src(%dma_wait3A_764 : memref<128x128xf32, #tpu.memory_space<hbm>>) dst(%arg10 : memref<128x128xf32, #tpu.memory_space<vmem>>)
      %rem3A_765 = arith.constant 2 : i32
      %rem3A_766 = arith.remsi %add3A_758, %rem3A_765 : i32
      %dma_start3A_767 = arith.constant 0 : i32
      %dma_start3A_768 = tpu.memref_slice %arg9[%rem3A_766, %dma_start3A_767] : memref<2x128xi32, #tpu.memory_space<vmem>> -> memref<1x128xi32, #tpu.memory_space<vmem>>
      %dma_start3A_769 = tpu.memref_squeeze %dma_start3A_768 : memref<1x128xi32, #tpu.memory_space<vmem>> -> memref<128xi32, #tpu.memory_space<vmem>>
      %dma_start3A_770 = arith.constant 0 : i32
      %dma_start3A_771 = arith.constant 0 : i32
      %dma_start3A_772 = tpu.memref_slice %arg7[%dma_start3A_770, %dma_start3A_771] : memref<4096x128xf32, #tpu.memory_space<vmem_shared>> -> memref<4096x128xf32, #tpu.memory_space<vmem_shared>>
      tpu.enqueue_indirect_dma source(%arg13 : memref<128x128xf32, #tpu.memory_space<vmem>>) target(%dma_start3A_772 : memref<4096x128xf32, #tpu.memory_space<vmem_shared>>) offsets(%dma_start3A_769 : memref<128xi32, #tpu.memory_space<vmem>>) semaphore(%arg23 : memref<!tpu.dma_semaphore, #tpu.memory_space<semaphore_mem>>) {add = true}
      %add3A_773 = arith.constant 5 : i32
      %add3A_774 = arith.addi %add3A_758, %add3A_773 : i32
      %sub3A_775 = arith.constant 1 : i32
      %sub3A_776 = arith.subi %add3A_774, %sub3A_775 : i32
      %rem3A_777 = arith.constant 2 : i32
      %rem3A_778 = arith.remsi %sub3A_776, %rem3A_777 : i32
      %mul3A_779 = arith.constant 50 : i32
      %mul3A_780 = arith.muli %rem3A_778, %mul3A_779 : i32
      %jit3A_781 = arith.constant 2 : i32
      %div3A_782 = arith.divsi %sub3A_776, %jit3A_781 : i32
      %sign3A_783 = arith.constant 0 : i32
      %sign3A_784 = arith.cmpi sgt, %sub3A_776, %sign3A_783 : i32
      %sign3A_785 = arith.extui %sign3A_784 : i1 to i32
      %sign3A_786 = arith.constant 0 : i32
      %sign3A_787 = arith.cmpi slt, %sub3A_776, %sign3A_786 : i32
      %sign3A_788 = arith.extui %sign3A_787 : i1 to i32
      %sign3A_789 = arith.subi %sign3A_785, %sign3A_788 : i32
      %sign3A_790 = arith.constant 0 : i32
      %sign3A_791 = arith.cmpi sgt, %jit3A_781, %sign3A_790 : i32
      %sign3A_792 = arith.extui %sign3A_791 : i1 to i32
      %sign3A_793 = arith.constant 0 : i32
      %sign3A_794 = arith.cmpi slt, %jit3A_781, %sign3A_793 : i32
      %sign3A_795 = arith.extui %sign3A_794 : i1 to i32
      %sign3A_796 = arith.subi %sign3A_792, %sign3A_795 : i32
      %ne3A_797 = arith.cmpi ne, %sign3A_789, %sign3A_796 : i32
      %rem3A_798 = arith.remsi %sub3A_776, %jit3A_781 : i32
      %ne3A_799 = arith.constant 0 : i32
      %ne3A_800 = arith.cmpi ne, %rem3A_798, %ne3A_799 : i32
      %and3A_801 = arith.andi %ne3A_797, %ne3A_800 : i1
      %sub3A_802 = arith.constant 1 : i32
      %sub3A_803 = arith.subi %div3A_782, %sub3A_802 : i32
      %select_n3A_804 = arith.select %and3A_801, %sub3A_803, %div3A_782 : i32
      %add3A_805 = arith.addi %mul3A_780, %select_n3A_804 : i32
      %lt3A_806 = arith.constant 19 : i32
      %lt3A_807 = arith.cmpi slt, %scan3A_592, %lt3A_806 : i32
      %convert_element_type3A_808 = arith.extui %lt3A_807 : i1 to i32
      %cond3A_809 = arith.constant 0 : i32
      %cond3A_810 = arith.cmpi ne, %convert_element_type3A_808, %cond3A_809 : i32
      scf.if %cond3A_810 {
        %dma_wait3A_867 = arith.constant 0 : i32
        %dma_wait3A_868 = arith.constant 0 : i32
        %dma_wait3A_869 = tpu.memref_slice %arg3[%dma_wait3A_867, %dma_wait3A_868] : memref<256x128xf32, #tpu.memory_space<hbm>> -> memref<128x128xf32, #tpu.memory_space<hbm>>
        %dma_wait3A_870 = arith.constant 0 : i32
        %dma_wait3A_871 = arith.constant 0 : i32
        %dma_wait3A_872 = tpu.memref_slice %arg3[%dma_wait3A_870, %dma_wait3A_871] : memref<256x128xf32, #tpu.memory_space<hbm>> -> memref<128x128xf32, #tpu.memory_space<hbm>>
        tpu.wait_dma2 semaphore(%arg22 : memref<!tpu.dma_semaphore, #tpu.memory_space<semaphore_mem>>) src(%dma_wait3A_872 : memref<128x128xf32, #tpu.memory_space<hbm>>) dst(%arg10 : memref<128x128xf32, #tpu.memory_space<vmem>>)
        %dma_start3A_873 = arith.constant 0 : i32
        %dma_start3A_874 = tpu.memref_slice %arg8[%add3A_805, %dma_start3A_873] : memref<100x128xi32, #tpu.memory_space<vmem>> -> memref<1x128xi32, #tpu.memory_space<vmem>>
        %dma_start3A_875 = tpu.memref_squeeze %dma_start3A_874 : memref<1x128xi32, #tpu.memory_space<vmem>> -> memref<128xi32, #tpu.memory_space<vmem>>
        %dma_start3A_876 = arith.constant 0 : i32
        %dma_start3A_877 = arith.constant 0 : i32
        %dma_start3A_878 = tpu.memref_slice %arg5[%dma_start3A_876, %dma_start3A_877] : memref<400000x128xf32, #tpu.memory_space<hbm>> -> memref<400000x128xf32, #tpu.memory_space<hbm>>
        tpu.enqueue_indirect_dma source(%dma_start3A_878 : memref<400000x128xf32, #tpu.memory_space<hbm>>) target(%arg12 : memref<128x128xf32, #tpu.memory_space<vmem>>) offsets(%dma_start3A_875 : memref<128xi32, #tpu.memory_space<vmem>>) semaphore(%arg17 : memref<!tpu.dma_semaphore, #tpu.memory_space<semaphore_mem>>)
      } else {
      }
      %mul3A_811 = arith.constant 5 : i32
      %mul3A_812 = arith.muli %mul3A_811, %scan3A_592 : i32
      %add3A_813 = arith.constant 4 : i32
      %add3A_814 = arith.addi %mul3A_812, %add3A_813 : i32
      %dma_wait3A_815 = arith.constant 0 : i32
      %dma_wait3A_816 = arith.constant 0 : i32
      %dma_wait3A_817 = tpu.memref_slice %arg3[%dma_wait3A_815, %dma_wait3A_816] : memref<256x128xf32, #tpu.memory_space<hbm>> -> memref<128x128xf32, #tpu.memory_space<hbm>>
      %dma_wait3A_818 = arith.constant 0 : i32
      %dma_wait3A_819 = arith.constant 0 : i32
      %dma_wait3A_820 = tpu.memref_slice %arg3[%dma_wait3A_818, %dma_wait3A_819] : memref<256x128xf32, #tpu.memory_space<hbm>> -> memref<128x128xf32, #tpu.memory_space<hbm>>
      tpu.wait_dma2 semaphore(%arg19 : memref<!tpu.dma_semaphore, #tpu.memory_space<semaphore_mem>>) src(%dma_wait3A_820 : memref<128x128xf32, #tpu.memory_space<hbm>>) dst(%arg10 : memref<128x128xf32, #tpu.memory_space<vmem>>)
      %rem3A_821 = arith.constant 2 : i32
      %rem3A_822 = arith.remsi %add3A_814, %rem3A_821 : i32
      %dma_start3A_823 = arith.constant 0 : i32
      %dma_start3A_824 = tpu.memref_slice %arg9[%rem3A_822, %dma_start3A_823] : memref<2x128xi32, #tpu.memory_space<vmem>> -> memref<1x128xi32, #tpu.memory_space<vmem>>
      %dma_start3A_825 = tpu.memref_squeeze %dma_start3A_824 : memref<1x128xi32, #tpu.memory_space<vmem>> -> memref<128xi32, #tpu.memory_space<vmem>>
      %dma_start3A_826 = arith.constant 0 : i32
      %dma_start3A_827 = arith.constant 0 : i32
      %dma_start3A_828 = tpu.memref_slice %arg7[%dma_start3A_826, %dma_start3A_827] : memref<4096x128xf32, #tpu.memory_space<vmem_shared>> -> memref<4096x128xf32, #tpu.memory_space<vmem_shared>>
      tpu.enqueue_indirect_dma source(%arg14 : memref<128x128xf32, #tpu.memory_space<vmem>>) target(%dma_start3A_828 : memref<4096x128xf32, #tpu.memory_space<vmem_shared>>) offsets(%dma_start3A_825 : memref<128xi32, #tpu.memory_space<vmem>>) semaphore(%arg24 : memref<!tpu.dma_semaphore, #tpu.memory_space<semaphore_mem>>) {add = true}
      %add3A_829 = arith.constant 5 : i32
      %add3A_830 = arith.addi %add3A_814, %add3A_829 : i32
      %sub3A_831 = arith.constant 1 : i32
      %sub3A_832 = arith.subi %add3A_830, %sub3A_831 : i32
      %rem3A_833 = arith.constant 2 : i32
      %rem3A_834 = arith.remsi %sub3A_832, %rem3A_833 : i32
      %mul3A_835 = arith.constant 50 : i32
      %mul3A_836 = arith.muli %rem3A_834, %mul3A_835 : i32
      %jit3A_837 = arith.constant 2 : i32
      %div3A_838 = arith.divsi %sub3A_832, %jit3A_837 : i32
      %sign3A_839 = arith.constant 0 : i32
      %sign3A_840 = arith.cmpi sgt, %sub3A_832, %sign3A_839 : i32
      %sign3A_841 = arith.extui %sign3A_840 : i1 to i32
      %sign3A_842 = arith.constant 0 : i32
      %sign3A_843 = arith.cmpi slt, %sub3A_832, %sign3A_842 : i32
      %sign3A_844 = arith.extui %sign3A_843 : i1 to i32
      %sign3A_845 = arith.subi %sign3A_841, %sign3A_844 : i32
      %sign3A_846 = arith.constant 0 : i32
      %sign3A_847 = arith.cmpi sgt, %jit3A_837, %sign3A_846 : i32
      %sign3A_848 = arith.extui %sign3A_847 : i1 to i32
      %sign3A_849 = arith.constant 0 : i32
      %sign3A_850 = arith.cmpi slt, %jit3A_837, %sign3A_849 : i32
      %sign3A_851 = arith.extui %sign3A_850 : i1 to i32
      %sign3A_852 = arith.subi %sign3A_848, %sign3A_851 : i32
      %ne3A_853 = arith.cmpi ne, %sign3A_845, %sign3A_852 : i32
      %rem3A_854 = arith.remsi %sub3A_832, %jit3A_837 : i32
      %ne3A_855 = arith.constant 0 : i32
      %ne3A_856 = arith.cmpi ne, %rem3A_854, %ne3A_855 : i32
      %and3A_857 = arith.andi %ne3A_853, %ne3A_856 : i1
      %sub3A_858 = arith.constant 1 : i32
      %sub3A_859 = arith.subi %div3A_838, %sub3A_858 : i32
      %select_n3A_860 = arith.select %and3A_857, %sub3A_859, %div3A_838 : i32
      %add3A_861 = arith.addi %mul3A_836, %select_n3A_860 : i32
      %lt3A_862 = arith.constant 19 : i32
      %lt3A_863 = arith.cmpi slt, %scan3A_592, %lt3A_862 : i32
      %convert_element_type3A_864 = arith.extui %lt3A_863 : i1 to i32
      %cond3A_865 = arith.constant 0 : i32
      %cond3A_866 = arith.cmpi ne, %convert_element_type3A_864, %cond3A_865 : i32
      scf.if %cond3A_866 {
        %dma_wait3A_867 = arith.constant 0 : i32
        %dma_wait3A_868 = arith.constant 0 : i32
        %dma_wait3A_869 = tpu.memref_slice %arg3[%dma_wait3A_867, %dma_wait3A_868] : memref<256x128xf32, #tpu.memory_space<hbm>> -> memref<128x128xf32, #tpu.memory_space<hbm>>
        %dma_wait3A_870 = arith.constant 0 : i32
        %dma_wait3A_871 = arith.constant 0 : i32
        %dma_wait3A_872 = tpu.memref_slice %arg3[%dma_wait3A_870, %dma_wait3A_871] : memref<256x128xf32, #tpu.memory_space<hbm>> -> memref<128x128xf32, #tpu.memory_space<hbm>>
        tpu.wait_dma2 semaphore(%arg23 : memref<!tpu.dma_semaphore, #tpu.memory_space<semaphore_mem>>) src(%dma_wait3A_872 : memref<128x128xf32, #tpu.memory_space<hbm>>) dst(%arg10 : memref<128x128xf32, #tpu.memory_space<vmem>>)
        %dma_start3A_873 = arith.constant 0 : i32
        %dma_start3A_874 = tpu.memref_slice %arg8[%add3A_861, %dma_start3A_873] : memref<100x128xi32, #tpu.memory_space<vmem>> -> memref<1x128xi32, #tpu.memory_space<vmem>>
        %dma_start3A_875 = tpu.memref_squeeze %dma_start3A_874 : memref<1x128xi32, #tpu.memory_space<vmem>> -> memref<128xi32, #tpu.memory_space<vmem>>
        %dma_start3A_876 = arith.constant 0 : i32
        %dma_start3A_877 = arith.constant 0 : i32
        %dma_start3A_878 = tpu.memref_slice %arg5[%dma_start3A_876, %dma_start3A_877] : memref<400000x128xf32, #tpu.memory_space<hbm>> -> memref<400000x128xf32, #tpu.memory_space<hbm>>
        tpu.enqueue_indirect_dma source(%dma_start3A_878 : memref<400000x128xf32, #tpu.memory_space<hbm>>) target(%arg13 : memref<128x128xf32, #tpu.memory_space<vmem>>) offsets(%dma_start3A_875 : memref<128xi32, #tpu.memory_space<vmem>>) semaphore(%arg18 : memref<!tpu.dma_semaphore, #tpu.memory_space<semaphore_mem>>)
      } else {
      }
    }
    %scan3A_343 = arith.constant 20 : i32
    %dma_wait3A_344 = arith.constant 0 : i32
    %dma_wait3A_345 = arith.constant 0 : i32
    %dma_wait3A_346 = tpu.memref_slice %arg3[%dma_wait3A_344, %dma_wait3A_345] : memref<256x128xf32, #tpu.memory_space<hbm>> -> memref<128x128xf32, #tpu.memory_space<hbm>>
    %dma_wait3A_347 = arith.constant 0 : i32
    %dma_wait3A_348 = arith.constant 0 : i32
    %dma_wait3A_349 = tpu.memref_slice %arg3[%dma_wait3A_347, %dma_wait3A_348] : memref<256x128xf32, #tpu.memory_space<hbm>> -> memref<128x128xf32, #tpu.memory_space<hbm>>
    tpu.wait_dma2 semaphore(%arg20 : memref<!tpu.dma_semaphore, #tpu.memory_space<semaphore_mem>>) src(%dma_wait3A_349 : memref<128x128xf32, #tpu.memory_space<hbm>>) dst(%arg10 : memref<128x128xf32, #tpu.memory_space<vmem>>)
    %dma_wait3A_350 = arith.constant 0 : i32
    %dma_wait3A_351 = arith.constant 0 : i32
    %dma_wait3A_352 = tpu.memref_slice %arg3[%dma_wait3A_350, %dma_wait3A_351] : memref<256x128xf32, #tpu.memory_space<hbm>> -> memref<128x128xf32, #tpu.memory_space<hbm>>
    %dma_wait3A_353 = arith.constant 0 : i32
    %dma_wait3A_354 = arith.constant 0 : i32
    %dma_wait3A_355 = tpu.memref_slice %arg3[%dma_wait3A_353, %dma_wait3A_354] : memref<256x128xf32, #tpu.memory_space<hbm>> -> memref<128x128xf32, #tpu.memory_space<hbm>>
    tpu.wait_dma2 semaphore(%arg21 : memref<!tpu.dma_semaphore, #tpu.memory_space<semaphore_mem>>) src(%dma_wait3A_355 : memref<128x128xf32, #tpu.memory_space<hbm>>) dst(%arg10 : memref<128x128xf32, #tpu.memory_space<vmem>>)
    %dma_wait3A_356 = arith.constant 0 : i32
    %dma_wait3A_357 = arith.constant 0 : i32
    %dma_wait3A_358 = tpu.memref_slice %arg3[%dma_wait3A_356, %dma_wait3A_357] : memref<256x128xf32, #tpu.memory_space<hbm>> -> memref<128x128xf32, #tpu.memory_space<hbm>>
    %dma_wait3A_359 = arith.constant 0 : i32
    %dma_wait3A_360 = arith.constant 0 : i32
    %dma_wait3A_361 = tpu.memref_slice %arg3[%dma_wait3A_359, %dma_wait3A_360] : memref<256x128xf32, #tpu.memory_space<hbm>> -> memref<128x128xf32, #tpu.memory_space<hbm>>
    tpu.wait_dma2 semaphore(%arg22 : memref<!tpu.dma_semaphore, #tpu.memory_space<semaphore_mem>>) src(%dma_wait3A_361 : memref<128x128xf32, #tpu.memory_space<hbm>>) dst(%arg10 : memref<128x128xf32, #tpu.memory_space<vmem>>)
    %dma_wait3A_362 = arith.constant 0 : i32
    %dma_wait3A_363 = arith.constant 0 : i32
    %dma_wait3A_364 = tpu.memref_slice %arg3[%dma_wait3A_362, %dma_wait3A_363] : memref<256x128xf32, #tpu.memory_space<hbm>> -> memref<128x128xf32, #tpu.memory_space<hbm>>
    %dma_wait3A_365 = arith.constant 0 : i32
    %dma_wait3A_366 = arith.constant 0 : i32
    %dma_wait3A_367 = tpu.memref_slice %arg3[%dma_wait3A_365, %dma_wait3A_366] : memref<256x128xf32, #tpu.memory_space<hbm>> -> memref<128x128xf32, #tpu.memory_space<hbm>>
    tpu.wait_dma2 semaphore(%arg23 : memref<!tpu.dma_semaphore, #tpu.memory_space<semaphore_mem>>) src(%dma_wait3A_367 : memref<128x128xf32, #tpu.memory_space<hbm>>) dst(%arg10 : memref<128x128xf32, #tpu.memory_space<vmem>>)
    %dma_wait3A_368 = arith.constant 0 : i32
    %dma_wait3A_369 = arith.constant 0 : i32
    %dma_wait3A_370 = tpu.memref_slice %arg3[%dma_wait3A_368, %dma_wait3A_369] : memref<256x128xf32, #tpu.memory_space<hbm>> -> memref<128x128xf32, #tpu.memory_space<hbm>>
    %dma_wait3A_371 = arith.constant 0 : i32
    %dma_wait3A_372 = arith.constant 0 : i32
    %dma_wait3A_373 = tpu.memref_slice %arg3[%dma_wait3A_371, %dma_wait3A_372] : memref<256x128xf32, #tpu.memory_space<hbm>> -> memref<128x128xf32, #tpu.memory_space<hbm>>
    tpu.wait_dma2 semaphore(%arg24 : memref<!tpu.dma_semaphore, #tpu.memory_space<semaphore_mem>>) src(%dma_wait3A_373 : memref<128x128xf32, #tpu.memory_space<hbm>>) dst(%arg10 : memref<128x128xf32, #tpu.memory_space<vmem>>)
    %add3A_374 = arith.constant 50 : i32
    %add3A_375 = arith.addi %mul3A_303, %add3A_374 : i32
    "tpu.region"() ({
      %run_scoped3A = tpu.sem_alloc : memref<!tpu.dma_semaphore, #tpu.memory_space<semaphore_mem>>
      %dma_start3A_592 = arith.constant 0 : i32
      %dma_start3A_593 = arith.constant 0 : i32
      %dma_start3A_594 = tpu.memref_slice %arg8[%dma_start3A_592, %dma_start3A_593] : memref<100x128xi32, #tpu.memory_space<vmem>> -> memref<50x128xi32, #tpu.memory_space<vmem>>
      %dma_start3A_595 = arith.constant 0 : i32
      %dma_start3A_596 = tpu.memref_slice %arg2[%add3A_375, %dma_start3A_595] : memref<25600x128xi32, #tpu.memory_space<hbm>> -> memref<50x128xi32, #tpu.memory_space<hbm>>
      %dma_start3A_597 = arith.constant 0 : i32
      %dma_start3A_598 = arith.constant 0 : i32
      %dma_start3A_599 = tpu.memref_slice %arg8[%dma_start3A_597, %dma_start3A_598] : memref<100x128xi32, #tpu.memory_space<vmem>> -> memref<50x128xi32, #tpu.memory_space<vmem>>
      %dma_start3A_600 = arith.constant 0 : i32
      %dma_start3A_601 = tpu.memref_slice %arg2[%add3A_375, %dma_start3A_600] : memref<25600x128xi32, #tpu.memory_space<hbm>> -> memref<50x128xi32, #tpu.memory_space<hbm>>
      tpu.enqueue_dma source(%dma_start3A_601 : memref<50x128xi32, #tpu.memory_space<hbm>>) target(%dma_start3A_599 : memref<50x128xi32, #tpu.memory_space<vmem>>) target_semaphore(%run_scoped3A : memref<!tpu.dma_semaphore, #tpu.memory_space<semaphore_mem>>)
      %dma_wait3A_602 = arith.constant 0 : i32
      %dma_wait3A_603 = arith.constant 0 : i32
      %dma_wait3A_604 = tpu.memref_slice %arg8[%dma_wait3A_602, %dma_wait3A_603] : memref<100x128xi32, #tpu.memory_space<vmem>> -> memref<50x128xi32, #tpu.memory_space<vmem>>
      %dma_wait3A_605 = arith.constant 0 : i32
      %dma_wait3A_606 = tpu.memref_slice %arg2[%add3A_375, %dma_wait3A_605] : memref<25600x128xi32, #tpu.memory_space<hbm>> -> memref<50x128xi32, #tpu.memory_space<hbm>>
      %dma_wait3A_607 = arith.constant 0 : i32
      %dma_wait3A_608 = arith.constant 0 : i32
      %dma_wait3A_609 = tpu.memref_slice %arg8[%dma_wait3A_607, %dma_wait3A_608] : memref<100x128xi32, #tpu.memory_space<vmem>> -> memref<50x128xi32, #tpu.memory_space<vmem>>
      %dma_wait3A_610 = arith.constant 0 : i32
      %dma_wait3A_611 = tpu.memref_slice %arg2[%add3A_375, %dma_wait3A_610] : memref<25600x128xi32, #tpu.memory_space<hbm>> -> memref<50x128xi32, #tpu.memory_space<hbm>>
      tpu.wait_dma2 semaphore(%run_scoped3A : memref<!tpu.dma_semaphore, #tpu.memory_space<semaphore_mem>>) src(%dma_wait3A_611 : memref<50x128xi32, #tpu.memory_space<hbm>>) dst(%dma_wait3A_609 : memref<50x128xi32, #tpu.memory_space<vmem>>)
      tpu.yield
    }) : () -> ()
    %add3A_376 = arith.constant 200 : i32
    %add3A_377 = arith.addi %mul3A_303, %add3A_376 : i32
    %add3A_378 = arith.constant 50 : i32
    %add3A_379 = arith.addi %add3A_377, %add3A_378 : i32
    "tpu.region"() ({
      %run_scoped3A = tpu.sem_alloc : memref<!tpu.dma_semaphore, #tpu.memory_space<semaphore_mem>>
      %dma_start3A_592 = arith.constant 50 : i32
      %dma_start3A_593 = arith.constant 0 : i32
      %dma_start3A_594 = tpu.memref_slice %arg8[%dma_start3A_592, %dma_start3A_593] : memref<100x128xi32, #tpu.memory_space<vmem>> -> memref<50x128xi32, #tpu.memory_space<vmem>>
      %dma_start3A_595 = arith.constant 0 : i32
      %dma_start3A_596 = tpu.memref_slice %arg2[%add3A_379, %dma_start3A_595] : memref<25600x128xi32, #tpu.memory_space<hbm>> -> memref<50x128xi32, #tpu.memory_space<hbm>>
      %dma_start3A_597 = arith.constant 50 : i32
      %dma_start3A_598 = arith.constant 0 : i32
      %dma_start3A_599 = tpu.memref_slice %arg8[%dma_start3A_597, %dma_start3A_598] : memref<100x128xi32, #tpu.memory_space<vmem>> -> memref<50x128xi32, #tpu.memory_space<vmem>>
      %dma_start3A_600 = arith.constant 0 : i32
      %dma_start3A_601 = tpu.memref_slice %arg2[%add3A_379, %dma_start3A_600] : memref<25600x128xi32, #tpu.memory_space<hbm>> -> memref<50x128xi32, #tpu.memory_space<hbm>>
      tpu.enqueue_dma source(%dma_start3A_601 : memref<50x128xi32, #tpu.memory_space<hbm>>) target(%dma_start3A_599 : memref<50x128xi32, #tpu.memory_space<vmem>>) target_semaphore(%run_scoped3A : memref<!tpu.dma_semaphore, #tpu.memory_space<semaphore_mem>>)
      %dma_wait3A_602 = arith.constant 50 : i32
      %dma_wait3A_603 = arith.constant 0 : i32
      %dma_wait3A_604 = tpu.memref_slice %arg8[%dma_wait3A_602, %dma_wait3A_603] : memref<100x128xi32, #tpu.memory_space<vmem>> -> memref<50x128xi32, #tpu.memory_space<vmem>>
      %dma_wait3A_605 = arith.constant 0 : i32
      %dma_wait3A_606 = tpu.memref_slice %arg2[%add3A_379, %dma_wait3A_605] : memref<25600x128xi32, #tpu.memory_space<hbm>> -> memref<50x128xi32, #tpu.memory_space<hbm>>
      %dma_wait3A_607 = arith.constant 50 : i32
      %dma_wait3A_608 = arith.constant 0 : i32
      %dma_wait3A_609 = tpu.memref_slice %arg8[%dma_wait3A_607, %dma_wait3A_608] : memref<100x128xi32, #tpu.memory_space<vmem>> -> memref<50x128xi32, #tpu.memory_space<vmem>>
      %dma_wait3A_610 = arith.constant 0 : i32
      %dma_wait3A_611 = tpu.memref_slice %arg2[%add3A_379, %dma_wait3A_610] : memref<25600x128xi32, #tpu.memory_space<hbm>> -> memref<50x128xi32, #tpu.memory_space<hbm>>
      tpu.wait_dma2 semaphore(%run_scoped3A : memref<!tpu.dma_semaphore, #tpu.memory_space<semaphore_mem>>) src(%dma_wait3A_611 : memref<50x128xi32, #tpu.memory_space<hbm>>) dst(%dma_wait3A_609 : memref<50x128xi32, #tpu.memory_space<vmem>>)
      tpu.yield
    }) : () -> ()
    %dma_start3A_380 = arith.constant 0 : i32
    %dma_start3A_381 = arith.constant 0 : i32
    %dma_start3A_382 = tpu.memref_slice %arg8[%dma_start3A_380, %dma_start3A_381] : memref<100x128xi32, #tpu.memory_space<vmem>> -> memref<1x128xi32, #tpu.memory_space<vmem>>
    %dma_start3A_383 = tpu.memref_squeeze %dma_start3A_382 : memref<1x128xi32, #tpu.memory_space<vmem>> -> memref<128xi32, #tpu.memory_space<vmem>>
    %dma_start3A_384 = arith.constant 0 : i32
    %dma_start3A_385 = arith.constant 0 : i32
    %dma_start3A_386 = tpu.memref_slice %arg5[%dma_start3A_384, %dma_start3A_385] : memref<400000x128xf32, #tpu.memory_space<hbm>> -> memref<400000x128xf32, #tpu.memory_space<hbm>>
    tpu.enqueue_indirect_dma source(%dma_start3A_386 : memref<400000x128xf32, #tpu.memory_space<hbm>>) target(%arg10 : memref<128x128xf32, #tpu.memory_space<vmem>>) offsets(%dma_start3A_383 : memref<128xi32, #tpu.memory_space<vmem>>) semaphore(%arg15 : memref<!tpu.dma_semaphore, #tpu.memory_space<semaphore_mem>>)
    %dma_start3A_387 = arith.constant 50 : i32
    %dma_start3A_388 = arith.constant 0 : i32
    %dma_start3A_389 = tpu.memref_slice %arg8[%dma_start3A_387, %dma_start3A_388] : memref<100x128xi32, #tpu.memory_space<vmem>> -> memref<1x128xi32, #tpu.memory_space<vmem>>
    %dma_start3A_390 = tpu.memref_squeeze %dma_start3A_389 : memref<1x128xi32, #tpu.memory_space<vmem>> -> memref<128xi32, #tpu.memory_space<vmem>>
    %dma_start3A_391 = arith.constant 0 : i32
    %dma_start3A_392 = arith.constant 0 : i32
    %dma_start3A_393 = tpu.memref_slice %arg5[%dma_start3A_391, %dma_start3A_392] : memref<400000x128xf32, #tpu.memory_space<hbm>> -> memref<400000x128xf32, #tpu.memory_space<hbm>>
    tpu.enqueue_indirect_dma source(%dma_start3A_393 : memref<400000x128xf32, #tpu.memory_space<hbm>>) target(%arg11 : memref<128x128xf32, #tpu.memory_space<vmem>>) offsets(%dma_start3A_390 : memref<128xi32, #tpu.memory_space<vmem>>) semaphore(%arg16 : memref<!tpu.dma_semaphore, #tpu.memory_space<semaphore_mem>>)
    %dma_start3A_394 = arith.constant 1 : i32
    %dma_start3A_395 = arith.constant 0 : i32
    %dma_start3A_396 = tpu.memref_slice %arg8[%dma_start3A_394, %dma_start3A_395] : memref<100x128xi32, #tpu.memory_space<vmem>> -> memref<1x128xi32, #tpu.memory_space<vmem>>
    %dma_start3A_397 = tpu.memref_squeeze %dma_start3A_396 : memref<1x128xi32, #tpu.memory_space<vmem>> -> memref<128xi32, #tpu.memory_space<vmem>>
    %dma_start3A_398 = arith.constant 0 : i32
    %dma_start3A_399 = arith.constant 0 : i32
    %dma_start3A_400 = tpu.memref_slice %arg5[%dma_start3A_398, %dma_start3A_399] : memref<400000x128xf32, #tpu.memory_space<hbm>> -> memref<400000x128xf32, #tpu.memory_space<hbm>>
    tpu.enqueue_indirect_dma source(%dma_start3A_400 : memref<400000x128xf32, #tpu.memory_space<hbm>>) target(%arg12 : memref<128x128xf32, #tpu.memory_space<vmem>>) offsets(%dma_start3A_397 : memref<128xi32, #tpu.memory_space<vmem>>) semaphore(%arg17 : memref<!tpu.dma_semaphore, #tpu.memory_space<semaphore_mem>>)
    %dma_start3A_401 = arith.constant 51 : i32
    %dma_start3A_402 = arith.constant 0 : i32
    %dma_start3A_403 = tpu.memref_slice %arg8[%dma_start3A_401, %dma_start3A_402] : memref<100x128xi32, #tpu.memory_space<vmem>> -> memref<1x128xi32, #tpu.memory_space<vmem>>
    %dma_start3A_404 = tpu.memref_squeeze %dma_start3A_403 : memref<1x128xi32, #tpu.memory_space<vmem>> -> memref<128xi32, #tpu.memory_space<vmem>>
    %dma_start3A_405 = arith.constant 0 : i32
    %dma_start3A_406 = arith.constant 0 : i32
    %dma_start3A_407 = tpu.memref_slice %arg5[%dma_start3A_405, %dma_start3A_406] : memref<400000x128xf32, #tpu.memory_space<hbm>> -> memref<400000x128xf32, #tpu.memory_space<hbm>>
    tpu.enqueue_indirect_dma source(%dma_start3A_407 : memref<400000x128xf32, #tpu.memory_space<hbm>>) target(%arg13 : memref<128x128xf32, #tpu.memory_space<vmem>>) offsets(%dma_start3A_404 : memref<128xi32, #tpu.memory_space<vmem>>) semaphore(%arg18 : memref<!tpu.dma_semaphore, #tpu.memory_space<semaphore_mem>>)
    %scan3A_408 = arith.constant 0 : i32
    %scan3A_409 = arith.constant 0 : i32
    %scan3A_410 = arith.constant 20 : i32
    %scan3A_411 = arith.addi %scan3A_409, %scan3A_410 : i32
    %scan3A_412 = arith.constant 1 : i32
    scf.for %scan3A_592 = %scan3A_409 to %scan3A_411 step %scan3A_412  : i32 {
      %mul3A_593 = arith.constant 5 : i32
      %mul3A_594 = arith.muli %mul3A_593, %scan3A_592 : i32
      %add3A_595 = arith.constant 0 : i32
      %add3A_596 = arith.addi %mul3A_594, %add3A_595 : i32
      %dma_wait3A_597 = arith.constant 0 : i32
      %dma_wait3A_598 = arith.constant 0 : i32
      %dma_wait3A_599 = tpu.memref_slice %arg3[%dma_wait3A_597, %dma_wait3A_598] : memref<256x128xf32, #tpu.memory_space<hbm>> -> memref<128x128xf32, #tpu.memory_space<hbm>>
      %dma_wait3A_600 = arith.constant 0 : i32
      %dma_wait3A_601 = arith.constant 0 : i32
      %dma_wait3A_602 = tpu.memref_slice %arg3[%dma_wait3A_600, %dma_wait3A_601] : memref<256x128xf32, #tpu.memory_space<hbm>> -> memref<128x128xf32, #tpu.memory_space<hbm>>
      tpu.wait_dma2 semaphore(%arg15 : memref<!tpu.dma_semaphore, #tpu.memory_space<semaphore_mem>>) src(%dma_wait3A_602 : memref<128x128xf32, #tpu.memory_space<hbm>>) dst(%arg10 : memref<128x128xf32, #tpu.memory_space<vmem>>)
      %rem3A = arith.constant 2 : i32
      %rem3A_603 = arith.remsi %add3A_596, %rem3A : i32
      %dma_start3A_604 = arith.constant 0 : i32
      %dma_start3A_605 = tpu.memref_slice %arg9[%rem3A_603, %dma_start3A_604] : memref<2x128xi32, #tpu.memory_space<vmem>> -> memref<1x128xi32, #tpu.memory_space<vmem>>
      %dma_start3A_606 = tpu.memref_squeeze %dma_start3A_605 : memref<1x128xi32, #tpu.memory_space<vmem>> -> memref<128xi32, #tpu.memory_space<vmem>>
      %dma_start3A_607 = arith.constant 0 : i32
      %dma_start3A_608 = arith.constant 0 : i32
      %dma_start3A_609 = tpu.memref_slice %arg7[%dma_start3A_607, %dma_start3A_608] : memref<4096x128xf32, #tpu.memory_space<vmem_shared>> -> memref<4096x128xf32, #tpu.memory_space<vmem_shared>>
      tpu.enqueue_indirect_dma source(%arg10 : memref<128x128xf32, #tpu.memory_space<vmem>>) target(%dma_start3A_609 : memref<4096x128xf32, #tpu.memory_space<vmem_shared>>) offsets(%dma_start3A_606 : memref<128xi32, #tpu.memory_space<vmem>>) semaphore(%arg20 : memref<!tpu.dma_semaphore, #tpu.memory_space<semaphore_mem>>) {add = true}
      %add3A_610 = arith.constant 5 : i32
      %add3A_611 = arith.addi %add3A_596, %add3A_610 : i32
      %sub3A = arith.constant 1 : i32
      %sub3A_612 = arith.subi %add3A_611, %sub3A : i32
      %rem3A_613 = arith.constant 2 : i32
      %rem3A_614 = arith.remsi %sub3A_612, %rem3A_613 : i32
      %mul3A_615 = arith.constant 50 : i32
      %mul3A_616 = arith.muli %rem3A_614, %mul3A_615 : i32
      %jit3A = arith.constant 2 : i32
      %div3A = arith.divsi %sub3A_612, %jit3A : i32
      %sign3A = arith.constant 0 : i32
      %sign3A_617 = arith.cmpi sgt, %sub3A_612, %sign3A : i32
      %sign3A_618 = arith.extui %sign3A_617 : i1 to i32
      %sign3A_619 = arith.constant 0 : i32
      %sign3A_620 = arith.cmpi slt, %sub3A_612, %sign3A_619 : i32
      %sign3A_621 = arith.extui %sign3A_620 : i1 to i32
      %sign3A_622 = arith.subi %sign3A_618, %sign3A_621 : i32
      %sign3A_623 = arith.constant 0 : i32
      %sign3A_624 = arith.cmpi sgt, %jit3A, %sign3A_623 : i32
      %sign3A_625 = arith.extui %sign3A_624 : i1 to i32
      %sign3A_626 = arith.constant 0 : i32
      %sign3A_627 = arith.cmpi slt, %jit3A, %sign3A_626 : i32
      %sign3A_628 = arith.extui %sign3A_627 : i1 to i32
      %sign3A_629 = arith.subi %sign3A_625, %sign3A_628 : i32
      %ne3A = arith.cmpi ne, %sign3A_622, %sign3A_629 : i32
      %rem3A_630 = arith.remsi %sub3A_612, %jit3A : i32
      %ne3A_631 = arith.constant 0 : i32
      %ne3A_632 = arith.cmpi ne, %rem3A_630, %ne3A_631 : i32
      %and3A = arith.andi %ne3A, %ne3A_632 : i1
      %sub3A_633 = arith.constant 1 : i32
      %sub3A_634 = arith.subi %div3A, %sub3A_633 : i32
      %select_n3A = arith.select %and3A, %sub3A_634, %div3A : i32
      %add3A_635 = arith.addi %mul3A_616, %select_n3A : i32
      %gt3A = arith.constant 0 : i32
      %gt3A_636 = arith.cmpi sgt, %scan3A_592, %gt3A : i32
      %convert_element_type3A = arith.extui %gt3A_636 : i1 to i32
      %cond3A = arith.constant 0 : i32
      %cond3A_637 = arith.cmpi ne, %convert_element_type3A, %cond3A : i32
      scf.if %cond3A_637 {
        %dma_wait3A_867 = arith.constant 0 : i32
        %dma_wait3A_868 = arith.constant 0 : i32
        %dma_wait3A_869 = tpu.memref_slice %arg3[%dma_wait3A_867, %dma_wait3A_868] : memref<256x128xf32, #tpu.memory_space<hbm>> -> memref<128x128xf32, #tpu.memory_space<hbm>>
        %dma_wait3A_870 = arith.constant 0 : i32
        %dma_wait3A_871 = arith.constant 0 : i32
        %dma_wait3A_872 = tpu.memref_slice %arg3[%dma_wait3A_870, %dma_wait3A_871] : memref<256x128xf32, #tpu.memory_space<hbm>> -> memref<128x128xf32, #tpu.memory_space<hbm>>
        tpu.wait_dma2 semaphore(%arg24 : memref<!tpu.dma_semaphore, #tpu.memory_space<semaphore_mem>>) src(%dma_wait3A_872 : memref<128x128xf32, #tpu.memory_space<hbm>>) dst(%arg10 : memref<128x128xf32, #tpu.memory_space<vmem>>)
      } else {
      }
      %dma_start3A_638 = arith.constant 0 : i32
      %dma_start3A_639 = tpu.memref_slice %arg8[%add3A_635, %dma_start3A_638] : memref<100x128xi32, #tpu.memory_space<vmem>> -> memref<1x128xi32, #tpu.memory_space<vmem>>
      %dma_start3A_640 = tpu.memref_squeeze %dma_start3A_639 : memref<1x128xi32, #tpu.memory_space<vmem>> -> memref<128xi32, #tpu.memory_space<vmem>>
      %dma_start3A_641 = arith.constant 0 : i32
      %dma_start3A_642 = arith.constant 0 : i32
      %dma_start3A_643 = tpu.memref_slice %arg5[%dma_start3A_641, %dma_start3A_642] : memref<400000x128xf32, #tpu.memory_space<hbm>> -> memref<400000x128xf32, #tpu.memory_space<hbm>>
      tpu.enqueue_indirect_dma source(%dma_start3A_643 : memref<400000x128xf32, #tpu.memory_space<hbm>>) target(%arg14 : memref<128x128xf32, #tpu.memory_space<vmem>>) offsets(%dma_start3A_640 : memref<128xi32, #tpu.memory_space<vmem>>) semaphore(%arg19 : memref<!tpu.dma_semaphore, #tpu.memory_space<semaphore_mem>>)
      %mul3A_644 = arith.constant 5 : i32
      %mul3A_645 = arith.muli %mul3A_644, %scan3A_592 : i32
      %add3A_646 = arith.constant 1 : i32
      %add3A_647 = arith.addi %mul3A_645, %add3A_646 : i32
      %dma_wait3A_648 = arith.constant 0 : i32
      %dma_wait3A_649 = arith.constant 0 : i32
      %dma_wait3A_650 = tpu.memref_slice %arg3[%dma_wait3A_648, %dma_wait3A_649] : memref<256x128xf32, #tpu.memory_space<hbm>> -> memref<128x128xf32, #tpu.memory_space<hbm>>
      %dma_wait3A_651 = arith.constant 0 : i32
      %dma_wait3A_652 = arith.constant 0 : i32
      %dma_wait3A_653 = tpu.memref_slice %arg3[%dma_wait3A_651, %dma_wait3A_652] : memref<256x128xf32, #tpu.memory_space<hbm>> -> memref<128x128xf32, #tpu.memory_space<hbm>>
      tpu.wait_dma2 semaphore(%arg16 : memref<!tpu.dma_semaphore, #tpu.memory_space<semaphore_mem>>) src(%dma_wait3A_653 : memref<128x128xf32, #tpu.memory_space<hbm>>) dst(%arg10 : memref<128x128xf32, #tpu.memory_space<vmem>>)
      %rem3A_654 = arith.constant 2 : i32
      %rem3A_655 = arith.remsi %add3A_647, %rem3A_654 : i32
      %dma_start3A_656 = arith.constant 0 : i32
      %dma_start3A_657 = tpu.memref_slice %arg9[%rem3A_655, %dma_start3A_656] : memref<2x128xi32, #tpu.memory_space<vmem>> -> memref<1x128xi32, #tpu.memory_space<vmem>>
      %dma_start3A_658 = tpu.memref_squeeze %dma_start3A_657 : memref<1x128xi32, #tpu.memory_space<vmem>> -> memref<128xi32, #tpu.memory_space<vmem>>
      %dma_start3A_659 = arith.constant 0 : i32
      %dma_start3A_660 = arith.constant 0 : i32
      %dma_start3A_661 = tpu.memref_slice %arg7[%dma_start3A_659, %dma_start3A_660] : memref<4096x128xf32, #tpu.memory_space<vmem_shared>> -> memref<4096x128xf32, #tpu.memory_space<vmem_shared>>
      tpu.enqueue_indirect_dma source(%arg11 : memref<128x128xf32, #tpu.memory_space<vmem>>) target(%dma_start3A_661 : memref<4096x128xf32, #tpu.memory_space<vmem_shared>>) offsets(%dma_start3A_658 : memref<128xi32, #tpu.memory_space<vmem>>) semaphore(%arg21 : memref<!tpu.dma_semaphore, #tpu.memory_space<semaphore_mem>>) {add = true}
      %add3A_662 = arith.constant 5 : i32
      %add3A_663 = arith.addi %add3A_647, %add3A_662 : i32
      %sub3A_664 = arith.constant 1 : i32
      %sub3A_665 = arith.subi %add3A_663, %sub3A_664 : i32
      %rem3A_666 = arith.constant 2 : i32
      %rem3A_667 = arith.remsi %sub3A_665, %rem3A_666 : i32
      %mul3A_668 = arith.constant 50 : i32
      %mul3A_669 = arith.muli %rem3A_667, %mul3A_668 : i32
      %jit3A_670 = arith.constant 2 : i32
      %div3A_671 = arith.divsi %sub3A_665, %jit3A_670 : i32
      %sign3A_672 = arith.constant 0 : i32
      %sign3A_673 = arith.cmpi sgt, %sub3A_665, %sign3A_672 : i32
      %sign3A_674 = arith.extui %sign3A_673 : i1 to i32
      %sign3A_675 = arith.constant 0 : i32
      %sign3A_676 = arith.cmpi slt, %sub3A_665, %sign3A_675 : i32
      %sign3A_677 = arith.extui %sign3A_676 : i1 to i32
      %sign3A_678 = arith.subi %sign3A_674, %sign3A_677 : i32
      %sign3A_679 = arith.constant 0 : i32
      %sign3A_680 = arith.cmpi sgt, %jit3A_670, %sign3A_679 : i32
      %sign3A_681 = arith.extui %sign3A_680 : i1 to i32
      %sign3A_682 = arith.constant 0 : i32
      %sign3A_683 = arith.cmpi slt, %jit3A_670, %sign3A_682 : i32
      %sign3A_684 = arith.extui %sign3A_683 : i1 to i32
      %sign3A_685 = arith.subi %sign3A_681, %sign3A_684 : i32
      %ne3A_686 = arith.cmpi ne, %sign3A_678, %sign3A_685 : i32
      %rem3A_687 = arith.remsi %sub3A_665, %jit3A_670 : i32
      %ne3A_688 = arith.constant 0 : i32
      %ne3A_689 = arith.cmpi ne, %rem3A_687, %ne3A_688 : i32
      %and3A_690 = arith.andi %ne3A_686, %ne3A_689 : i1
      %sub3A_691 = arith.constant 1 : i32
      %sub3A_692 = arith.subi %div3A_671, %sub3A_691 : i32
      %select_n3A_693 = arith.select %and3A_690, %sub3A_692, %div3A_671 : i32
      %add3A_694 = arith.addi %mul3A_669, %select_n3A_693 : i32
      %lt3A = arith.constant 19 : i32
      %lt3A_695 = arith.cmpi slt, %scan3A_592, %lt3A : i32
      %convert_element_type3A_696 = arith.extui %lt3A_695 : i1 to i32
      %cond3A_697 = arith.constant 0 : i32
      %cond3A_698 = arith.cmpi ne, %convert_element_type3A_696, %cond3A_697 : i32
      scf.if %cond3A_698 {
        %dma_wait3A_867 = arith.constant 0 : i32
        %dma_wait3A_868 = arith.constant 0 : i32
        %dma_wait3A_869 = tpu.memref_slice %arg3[%dma_wait3A_867, %dma_wait3A_868] : memref<256x128xf32, #tpu.memory_space<hbm>> -> memref<128x128xf32, #tpu.memory_space<hbm>>
        %dma_wait3A_870 = arith.constant 0 : i32
        %dma_wait3A_871 = arith.constant 0 : i32
        %dma_wait3A_872 = tpu.memref_slice %arg3[%dma_wait3A_870, %dma_wait3A_871] : memref<256x128xf32, #tpu.memory_space<hbm>> -> memref<128x128xf32, #tpu.memory_space<hbm>>
        tpu.wait_dma2 semaphore(%arg20 : memref<!tpu.dma_semaphore, #tpu.memory_space<semaphore_mem>>) src(%dma_wait3A_872 : memref<128x128xf32, #tpu.memory_space<hbm>>) dst(%arg10 : memref<128x128xf32, #tpu.memory_space<vmem>>)
        %dma_start3A_873 = arith.constant 0 : i32
        %dma_start3A_874 = tpu.memref_slice %arg8[%add3A_694, %dma_start3A_873] : memref<100x128xi32, #tpu.memory_space<vmem>> -> memref<1x128xi32, #tpu.memory_space<vmem>>
        %dma_start3A_875 = tpu.memref_squeeze %dma_start3A_874 : memref<1x128xi32, #tpu.memory_space<vmem>> -> memref<128xi32, #tpu.memory_space<vmem>>
        %dma_start3A_876 = arith.constant 0 : i32
        %dma_start3A_877 = arith.constant 0 : i32
        %dma_start3A_878 = tpu.memref_slice %arg5[%dma_start3A_876, %dma_start3A_877] : memref<400000x128xf32, #tpu.memory_space<hbm>> -> memref<400000x128xf32, #tpu.memory_space<hbm>>
        tpu.enqueue_indirect_dma source(%dma_start3A_878 : memref<400000x128xf32, #tpu.memory_space<hbm>>) target(%arg10 : memref<128x128xf32, #tpu.memory_space<vmem>>) offsets(%dma_start3A_875 : memref<128xi32, #tpu.memory_space<vmem>>) semaphore(%arg15 : memref<!tpu.dma_semaphore, #tpu.memory_space<semaphore_mem>>)
      } else {
      }
      %mul3A_699 = arith.constant 5 : i32
      %mul3A_700 = arith.muli %mul3A_699, %scan3A_592 : i32
      %add3A_701 = arith.constant 2 : i32
      %add3A_702 = arith.addi %mul3A_700, %add3A_701 : i32
      %dma_wait3A_703 = arith.constant 0 : i32
      %dma_wait3A_704 = arith.constant 0 : i32
      %dma_wait3A_705 = tpu.memref_slice %arg3[%dma_wait3A_703, %dma_wait3A_704] : memref<256x128xf32, #tpu.memory_space<hbm>> -> memref<128x128xf32, #tpu.memory_space<hbm>>
      %dma_wait3A_706 = arith.constant 0 : i32
      %dma_wait3A_707 = arith.constant 0 : i32
      %dma_wait3A_708 = tpu.memref_slice %arg3[%dma_wait3A_706, %dma_wait3A_707] : memref<256x128xf32, #tpu.memory_space<hbm>> -> memref<128x128xf32, #tpu.memory_space<hbm>>
      tpu.wait_dma2 semaphore(%arg17 : memref<!tpu.dma_semaphore, #tpu.memory_space<semaphore_mem>>) src(%dma_wait3A_708 : memref<128x128xf32, #tpu.memory_space<hbm>>) dst(%arg10 : memref<128x128xf32, #tpu.memory_space<vmem>>)
      %rem3A_709 = arith.constant 2 : i32
      %rem3A_710 = arith.remsi %add3A_702, %rem3A_709 : i32
      %dma_start3A_711 = arith.constant 0 : i32
      %dma_start3A_712 = tpu.memref_slice %arg9[%rem3A_710, %dma_start3A_711] : memref<2x128xi32, #tpu.memory_space<vmem>> -> memref<1x128xi32, #tpu.memory_space<vmem>>
      %dma_start3A_713 = tpu.memref_squeeze %dma_start3A_712 : memref<1x128xi32, #tpu.memory_space<vmem>> -> memref<128xi32, #tpu.memory_space<vmem>>
      %dma_start3A_714 = arith.constant 0 : i32
      %dma_start3A_715 = arith.constant 0 : i32
      %dma_start3A_716 = tpu.memref_slice %arg7[%dma_start3A_714, %dma_start3A_715] : memref<4096x128xf32, #tpu.memory_space<vmem_shared>> -> memref<4096x128xf32, #tpu.memory_space<vmem_shared>>
      tpu.enqueue_indirect_dma source(%arg12 : memref<128x128xf32, #tpu.memory_space<vmem>>) target(%dma_start3A_716 : memref<4096x128xf32, #tpu.memory_space<vmem_shared>>) offsets(%dma_start3A_713 : memref<128xi32, #tpu.memory_space<vmem>>) semaphore(%arg22 : memref<!tpu.dma_semaphore, #tpu.memory_space<semaphore_mem>>) {add = true}
      %add3A_717 = arith.constant 5 : i32
      %add3A_718 = arith.addi %add3A_702, %add3A_717 : i32
      %sub3A_719 = arith.constant 1 : i32
      %sub3A_720 = arith.subi %add3A_718, %sub3A_719 : i32
      %rem3A_721 = arith.constant 2 : i32
      %rem3A_722 = arith.remsi %sub3A_720, %rem3A_721 : i32
      %mul3A_723 = arith.constant 50 : i32
      %mul3A_724 = arith.muli %rem3A_722, %mul3A_723 : i32
      %jit3A_725 = arith.constant 2 : i32
      %div3A_726 = arith.divsi %sub3A_720, %jit3A_725 : i32
      %sign3A_727 = arith.constant 0 : i32
      %sign3A_728 = arith.cmpi sgt, %sub3A_720, %sign3A_727 : i32
      %sign3A_729 = arith.extui %sign3A_728 : i1 to i32
      %sign3A_730 = arith.constant 0 : i32
      %sign3A_731 = arith.cmpi slt, %sub3A_720, %sign3A_730 : i32
      %sign3A_732 = arith.extui %sign3A_731 : i1 to i32
      %sign3A_733 = arith.subi %sign3A_729, %sign3A_732 : i32
      %sign3A_734 = arith.constant 0 : i32
      %sign3A_735 = arith.cmpi sgt, %jit3A_725, %sign3A_734 : i32
      %sign3A_736 = arith.extui %sign3A_735 : i1 to i32
      %sign3A_737 = arith.constant 0 : i32
      %sign3A_738 = arith.cmpi slt, %jit3A_725, %sign3A_737 : i32
      %sign3A_739 = arith.extui %sign3A_738 : i1 to i32
      %sign3A_740 = arith.subi %sign3A_736, %sign3A_739 : i32
      %ne3A_741 = arith.cmpi ne, %sign3A_733, %sign3A_740 : i32
      %rem3A_742 = arith.remsi %sub3A_720, %jit3A_725 : i32
      %ne3A_743 = arith.constant 0 : i32
      %ne3A_744 = arith.cmpi ne, %rem3A_742, %ne3A_743 : i32
      %and3A_745 = arith.andi %ne3A_741, %ne3A_744 : i1
      %sub3A_746 = arith.constant 1 : i32
      %sub3A_747 = arith.subi %div3A_726, %sub3A_746 : i32
      %select_n3A_748 = arith.select %and3A_745, %sub3A_747, %div3A_726 : i32
      %add3A_749 = arith.addi %mul3A_724, %select_n3A_748 : i32
      %lt3A_750 = arith.constant 19 : i32
      %lt3A_751 = arith.cmpi slt, %scan3A_592, %lt3A_750 : i32
      %convert_element_type3A_752 = arith.extui %lt3A_751 : i1 to i32
      %cond3A_753 = arith.constant 0 : i32
      %cond3A_754 = arith.cmpi ne, %convert_element_type3A_752, %cond3A_753 : i32
      scf.if %cond3A_754 {
        %dma_wait3A_867 = arith.constant 0 : i32
        %dma_wait3A_868 = arith.constant 0 : i32
        %dma_wait3A_869 = tpu.memref_slice %arg3[%dma_wait3A_867, %dma_wait3A_868] : memref<256x128xf32, #tpu.memory_space<hbm>> -> memref<128x128xf32, #tpu.memory_space<hbm>>
        %dma_wait3A_870 = arith.constant 0 : i32
        %dma_wait3A_871 = arith.constant 0 : i32
        %dma_wait3A_872 = tpu.memref_slice %arg3[%dma_wait3A_870, %dma_wait3A_871] : memref<256x128xf32, #tpu.memory_space<hbm>> -> memref<128x128xf32, #tpu.memory_space<hbm>>
        tpu.wait_dma2 semaphore(%arg21 : memref<!tpu.dma_semaphore, #tpu.memory_space<semaphore_mem>>) src(%dma_wait3A_872 : memref<128x128xf32, #tpu.memory_space<hbm>>) dst(%arg10 : memref<128x128xf32, #tpu.memory_space<vmem>>)
        %dma_start3A_873 = arith.constant 0 : i32
        %dma_start3A_874 = tpu.memref_slice %arg8[%add3A_749, %dma_start3A_873] : memref<100x128xi32, #tpu.memory_space<vmem>> -> memref<1x128xi32, #tpu.memory_space<vmem>>
        %dma_start3A_875 = tpu.memref_squeeze %dma_start3A_874 : memref<1x128xi32, #tpu.memory_space<vmem>> -> memref<128xi32, #tpu.memory_space<vmem>>
        %dma_start3A_876 = arith.constant 0 : i32
        %dma_start3A_877 = arith.constant 0 : i32
        %dma_start3A_878 = tpu.memref_slice %arg5[%dma_start3A_876, %dma_start3A_877] : memref<400000x128xf32, #tpu.memory_space<hbm>> -> memref<400000x128xf32, #tpu.memory_space<hbm>>
        tpu.enqueue_indirect_dma source(%dma_start3A_878 : memref<400000x128xf32, #tpu.memory_space<hbm>>) target(%arg11 : memref<128x128xf32, #tpu.memory_space<vmem>>) offsets(%dma_start3A_875 : memref<128xi32, #tpu.memory_space<vmem>>) semaphore(%arg16 : memref<!tpu.dma_semaphore, #tpu.memory_space<semaphore_mem>>)
      } else {
      }
      %mul3A_755 = arith.constant 5 : i32
      %mul3A_756 = arith.muli %mul3A_755, %scan3A_592 : i32
      %add3A_757 = arith.constant 3 : i32
      %add3A_758 = arith.addi %mul3A_756, %add3A_757 : i32
      %dma_wait3A_759 = arith.constant 0 : i32
      %dma_wait3A_760 = arith.constant 0 : i32
      %dma_wait3A_761 = tpu.memref_slice %arg3[%dma_wait3A_759, %dma_wait3A_760] : memref<256x128xf32, #tpu.memory_space<hbm>> -> memref<128x128xf32, #tpu.memory_space<hbm>>
      %dma_wait3A_762 = arith.constant 0 : i32
      %dma_wait3A_763 = arith.constant 0 : i32
      %dma_wait3A_764 = tpu.memref_slice %arg3[%dma_wait3A_762, %dma_wait3A_763] : memref<256x128xf32, #tpu.memory_space<hbm>> -> memref<128x128xf32, #tpu.memory_space<hbm>>
      tpu.wait_dma2 semaphore(%arg18 : memref<!tpu.dma_semaphore, #tpu.memory_space<semaphore_mem>>) src(%dma_wait3A_764 : memref<128x128xf32, #tpu.memory_space<hbm>>) dst(%arg10 : memref<128x128xf32, #tpu.memory_space<vmem>>)
      %rem3A_765 = arith.constant 2 : i32
      %rem3A_766 = arith.remsi %add3A_758, %rem3A_765 : i32
      %dma_start3A_767 = arith.constant 0 : i32
      %dma_start3A_768 = tpu.memref_slice %arg9[%rem3A_766, %dma_start3A_767] : memref<2x128xi32, #tpu.memory_space<vmem>> -> memref<1x128xi32, #tpu.memory_space<vmem>>
      %dma_start3A_769 = tpu.memref_squeeze %dma_start3A_768 : memref<1x128xi32, #tpu.memory_space<vmem>> -> memref<128xi32, #tpu.memory_space<vmem>>
      %dma_start3A_770 = arith.constant 0 : i32
      %dma_start3A_771 = arith.constant 0 : i32
      %dma_start3A_772 = tpu.memref_slice %arg7[%dma_start3A_770, %dma_start3A_771] : memref<4096x128xf32, #tpu.memory_space<vmem_shared>> -> memref<4096x128xf32, #tpu.memory_space<vmem_shared>>
      tpu.enqueue_indirect_dma source(%arg13 : memref<128x128xf32, #tpu.memory_space<vmem>>) target(%dma_start3A_772 : memref<4096x128xf32, #tpu.memory_space<vmem_shared>>) offsets(%dma_start3A_769 : memref<128xi32, #tpu.memory_space<vmem>>) semaphore(%arg23 : memref<!tpu.dma_semaphore, #tpu.memory_space<semaphore_mem>>) {add = true}
      %add3A_773 = arith.constant 5 : i32
      %add3A_774 = arith.addi %add3A_758, %add3A_773 : i32
      %sub3A_775 = arith.constant 1 : i32
      %sub3A_776 = arith.subi %add3A_774, %sub3A_775 : i32
      %rem3A_777 = arith.constant 2 : i32
      %rem3A_778 = arith.remsi %sub3A_776, %rem3A_777 : i32
      %mul3A_779 = arith.constant 50 : i32
      %mul3A_780 = arith.muli %rem3A_778, %mul3A_779 : i32
      %jit3A_781 = arith.constant 2 : i32
      %div3A_782 = arith.divsi %sub3A_776, %jit3A_781 : i32
      %sign3A_783 = arith.constant 0 : i32
      %sign3A_784 = arith.cmpi sgt, %sub3A_776, %sign3A_783 : i32
      %sign3A_785 = arith.extui %sign3A_784 : i1 to i32
      %sign3A_786 = arith.constant 0 : i32
      %sign3A_787 = arith.cmpi slt, %sub3A_776, %sign3A_786 : i32
      %sign3A_788 = arith.extui %sign3A_787 : i1 to i32
      %sign3A_789 = arith.subi %sign3A_785, %sign3A_788 : i32
      %sign3A_790 = arith.constant 0 : i32
      %sign3A_791 = arith.cmpi sgt, %jit3A_781, %sign3A_790 : i32
      %sign3A_792 = arith.extui %sign3A_791 : i1 to i32
      %sign3A_793 = arith.constant 0 : i32
      %sign3A_794 = arith.cmpi slt, %jit3A_781, %sign3A_793 : i32
      %sign3A_795 = arith.extui %sign3A_794 : i1 to i32
      %sign3A_796 = arith.subi %sign3A_792, %sign3A_795 : i32
      %ne3A_797 = arith.cmpi ne, %sign3A_789, %sign3A_796 : i32
      %rem3A_798 = arith.remsi %sub3A_776, %jit3A_781 : i32
      %ne3A_799 = arith.constant 0 : i32
      %ne3A_800 = arith.cmpi ne, %rem3A_798, %ne3A_799 : i32
      %and3A_801 = arith.andi %ne3A_797, %ne3A_800 : i1
      %sub3A_802 = arith.constant 1 : i32
      %sub3A_803 = arith.subi %div3A_782, %sub3A_802 : i32
      %select_n3A_804 = arith.select %and3A_801, %sub3A_803, %div3A_782 : i32
      %add3A_805 = arith.addi %mul3A_780, %select_n3A_804 : i32
      %lt3A_806 = arith.constant 19 : i32
      %lt3A_807 = arith.cmpi slt, %scan3A_592, %lt3A_806 : i32
      %convert_element_type3A_808 = arith.extui %lt3A_807 : i1 to i32
      %cond3A_809 = arith.constant 0 : i32
      %cond3A_810 = arith.cmpi ne, %convert_element_type3A_808, %cond3A_809 : i32
      scf.if %cond3A_810 {
        %dma_wait3A_867 = arith.constant 0 : i32
        %dma_wait3A_868 = arith.constant 0 : i32
        %dma_wait3A_869 = tpu.memref_slice %arg3[%dma_wait3A_867, %dma_wait3A_868] : memref<256x128xf32, #tpu.memory_space<hbm>> -> memref<128x128xf32, #tpu.memory_space<hbm>>
        %dma_wait3A_870 = arith.constant 0 : i32
        %dma_wait3A_871 = arith.constant 0 : i32
        %dma_wait3A_872 = tpu.memref_slice %arg3[%dma_wait3A_870, %dma_wait3A_871] : memref<256x128xf32, #tpu.memory_space<hbm>> -> memref<128x128xf32, #tpu.memory_space<hbm>>
        tpu.wait_dma2 semaphore(%arg22 : memref<!tpu.dma_semaphore, #tpu.memory_space<semaphore_mem>>) src(%dma_wait3A_872 : memref<128x128xf32, #tpu.memory_space<hbm>>) dst(%arg10 : memref<128x128xf32, #tpu.memory_space<vmem>>)
        %dma_start3A_873 = arith.constant 0 : i32
        %dma_start3A_874 = tpu.memref_slice %arg8[%add3A_805, %dma_start3A_873] : memref<100x128xi32, #tpu.memory_space<vmem>> -> memref<1x128xi32, #tpu.memory_space<vmem>>
        %dma_start3A_875 = tpu.memref_squeeze %dma_start3A_874 : memref<1x128xi32, #tpu.memory_space<vmem>> -> memref<128xi32, #tpu.memory_space<vmem>>
        %dma_start3A_876 = arith.constant 0 : i32
        %dma_start3A_877 = arith.constant 0 : i32
        %dma_start3A_878 = tpu.memref_slice %arg5[%dma_start3A_876, %dma_start3A_877] : memref<400000x128xf32, #tpu.memory_space<hbm>> -> memref<400000x128xf32, #tpu.memory_space<hbm>>
        tpu.enqueue_indirect_dma source(%dma_start3A_878 : memref<400000x128xf32, #tpu.memory_space<hbm>>) target(%arg12 : memref<128x128xf32, #tpu.memory_space<vmem>>) offsets(%dma_start3A_875 : memref<128xi32, #tpu.memory_space<vmem>>) semaphore(%arg17 : memref<!tpu.dma_semaphore, #tpu.memory_space<semaphore_mem>>)
      } else {
      }
      %mul3A_811 = arith.constant 5 : i32
      %mul3A_812 = arith.muli %mul3A_811, %scan3A_592 : i32
      %add3A_813 = arith.constant 4 : i32
      %add3A_814 = arith.addi %mul3A_812, %add3A_813 : i32
      %dma_wait3A_815 = arith.constant 0 : i32
      %dma_wait3A_816 = arith.constant 0 : i32
      %dma_wait3A_817 = tpu.memref_slice %arg3[%dma_wait3A_815, %dma_wait3A_816] : memref<256x128xf32, #tpu.memory_space<hbm>> -> memref<128x128xf32, #tpu.memory_space<hbm>>
      %dma_wait3A_818 = arith.constant 0 : i32
      %dma_wait3A_819 = arith.constant 0 : i32
      %dma_wait3A_820 = tpu.memref_slice %arg3[%dma_wait3A_818, %dma_wait3A_819] : memref<256x128xf32, #tpu.memory_space<hbm>> -> memref<128x128xf32, #tpu.memory_space<hbm>>
      tpu.wait_dma2 semaphore(%arg19 : memref<!tpu.dma_semaphore, #tpu.memory_space<semaphore_mem>>) src(%dma_wait3A_820 : memref<128x128xf32, #tpu.memory_space<hbm>>) dst(%arg10 : memref<128x128xf32, #tpu.memory_space<vmem>>)
      %rem3A_821 = arith.constant 2 : i32
      %rem3A_822 = arith.remsi %add3A_814, %rem3A_821 : i32
      %dma_start3A_823 = arith.constant 0 : i32
      %dma_start3A_824 = tpu.memref_slice %arg9[%rem3A_822, %dma_start3A_823] : memref<2x128xi32, #tpu.memory_space<vmem>> -> memref<1x128xi32, #tpu.memory_space<vmem>>
      %dma_start3A_825 = tpu.memref_squeeze %dma_start3A_824 : memref<1x128xi32, #tpu.memory_space<vmem>> -> memref<128xi32, #tpu.memory_space<vmem>>
      %dma_start3A_826 = arith.constant 0 : i32
      %dma_start3A_827 = arith.constant 0 : i32
      %dma_start3A_828 = tpu.memref_slice %arg7[%dma_start3A_826, %dma_start3A_827] : memref<4096x128xf32, #tpu.memory_space<vmem_shared>> -> memref<4096x128xf32, #tpu.memory_space<vmem_shared>>
      tpu.enqueue_indirect_dma source(%arg14 : memref<128x128xf32, #tpu.memory_space<vmem>>) target(%dma_start3A_828 : memref<4096x128xf32, #tpu.memory_space<vmem_shared>>) offsets(%dma_start3A_825 : memref<128xi32, #tpu.memory_space<vmem>>) semaphore(%arg24 : memref<!tpu.dma_semaphore, #tpu.memory_space<semaphore_mem>>) {add = true}
      %add3A_829 = arith.constant 5 : i32
      %add3A_830 = arith.addi %add3A_814, %add3A_829 : i32
      %sub3A_831 = arith.constant 1 : i32
      %sub3A_832 = arith.subi %add3A_830, %sub3A_831 : i32
      %rem3A_833 = arith.constant 2 : i32
      %rem3A_834 = arith.remsi %sub3A_832, %rem3A_833 : i32
      %mul3A_835 = arith.constant 50 : i32
      %mul3A_836 = arith.muli %rem3A_834, %mul3A_835 : i32
      %jit3A_837 = arith.constant 2 : i32
      %div3A_838 = arith.divsi %sub3A_832, %jit3A_837 : i32
      %sign3A_839 = arith.constant 0 : i32
      %sign3A_840 = arith.cmpi sgt, %sub3A_832, %sign3A_839 : i32
      %sign3A_841 = arith.extui %sign3A_840 : i1 to i32
      %sign3A_842 = arith.constant 0 : i32
      %sign3A_843 = arith.cmpi slt, %sub3A_832, %sign3A_842 : i32
      %sign3A_844 = arith.extui %sign3A_843 : i1 to i32
      %sign3A_845 = arith.subi %sign3A_841, %sign3A_844 : i32
      %sign3A_846 = arith.constant 0 : i32
      %sign3A_847 = arith.cmpi sgt, %jit3A_837, %sign3A_846 : i32
      %sign3A_848 = arith.extui %sign3A_847 : i1 to i32
      %sign3A_849 = arith.constant 0 : i32
      %sign3A_850 = arith.cmpi slt, %jit3A_837, %sign3A_849 : i32
      %sign3A_851 = arith.extui %sign3A_850 : i1 to i32
      %sign3A_852 = arith.subi %sign3A_848, %sign3A_851 : i32
      %ne3A_853 = arith.cmpi ne, %sign3A_845, %sign3A_852 : i32
      %rem3A_854 = arith.remsi %sub3A_832, %jit3A_837 : i32
      %ne3A_855 = arith.constant 0 : i32
      %ne3A_856 = arith.cmpi ne, %rem3A_854, %ne3A_855 : i32
      %and3A_857 = arith.andi %ne3A_853, %ne3A_856 : i1
      %sub3A_858 = arith.constant 1 : i32
      %sub3A_859 = arith.subi %div3A_838, %sub3A_858 : i32
      %select_n3A_860 = arith.select %and3A_857, %sub3A_859, %div3A_838 : i32
      %add3A_861 = arith.addi %mul3A_836, %select_n3A_860 : i32
      %lt3A_862 = arith.constant 19 : i32
      %lt3A_863 = arith.cmpi slt, %scan3A_592, %lt3A_862 : i32
      %convert_element_type3A_864 = arith.extui %lt3A_863 : i1 to i32
      %cond3A_865 = arith.constant 0 : i32
      %cond3A_866 = arith.cmpi ne, %convert_element_type3A_864, %cond3A_865 : i32
      scf.if %cond3A_866 {
        %dma_wait3A_867 = arith.constant 0 : i32
        %dma_wait3A_868 = arith.constant 0 : i32
        %dma_wait3A_869 = tpu.memref_slice %arg3[%dma_wait3A_867, %dma_wait3A_868] : memref<256x128xf32, #tpu.memory_space<hbm>> -> memref<128x128xf32, #tpu.memory_space<hbm>>
        %dma_wait3A_870 = arith.constant 0 : i32
        %dma_wait3A_871 = arith.constant 0 : i32
        %dma_wait3A_872 = tpu.memref_slice %arg3[%dma_wait3A_870, %dma_wait3A_871] : memref<256x128xf32, #tpu.memory_space<hbm>> -> memref<128x128xf32, #tpu.memory_space<hbm>>
        tpu.wait_dma2 semaphore(%arg23 : memref<!tpu.dma_semaphore, #tpu.memory_space<semaphore_mem>>) src(%dma_wait3A_872 : memref<128x128xf32, #tpu.memory_space<hbm>>) dst(%arg10 : memref<128x128xf32, #tpu.memory_space<vmem>>)
        %dma_start3A_873 = arith.constant 0 : i32
        %dma_start3A_874 = tpu.memref_slice %arg8[%add3A_861, %dma_start3A_873] : memref<100x128xi32, #tpu.memory_space<vmem>> -> memref<1x128xi32, #tpu.memory_space<vmem>>
        %dma_start3A_875 = tpu.memref_squeeze %dma_start3A_874 : memref<1x128xi32, #tpu.memory_space<vmem>> -> memref<128xi32, #tpu.memory_space<vmem>>
        %dma_start3A_876 = arith.constant 0 : i32
        %dma_start3A_877 = arith.constant 0 : i32
        %dma_start3A_878 = tpu.memref_slice %arg5[%dma_start3A_876, %dma_start3A_877] : memref<400000x128xf32, #tpu.memory_space<hbm>> -> memref<400000x128xf32, #tpu.memory_space<hbm>>
        tpu.enqueue_indirect_dma source(%dma_start3A_878 : memref<400000x128xf32, #tpu.memory_space<hbm>>) target(%arg13 : memref<128x128xf32, #tpu.memory_space<vmem>>) offsets(%dma_start3A_875 : memref<128xi32, #tpu.memory_space<vmem>>) semaphore(%arg18 : memref<!tpu.dma_semaphore, #tpu.memory_space<semaphore_mem>>)
      } else {
      }
    }
    %scan3A_413 = arith.constant 20 : i32
    %dma_wait3A_414 = arith.constant 0 : i32
    %dma_wait3A_415 = arith.constant 0 : i32
    %dma_wait3A_416 = tpu.memref_slice %arg3[%dma_wait3A_414, %dma_wait3A_415] : memref<256x128xf32, #tpu.memory_space<hbm>> -> memref<128x128xf32, #tpu.memory_space<hbm>>
    %dma_wait3A_417 = arith.constant 0 : i32
    %dma_wait3A_418 = arith.constant 0 : i32
    %dma_wait3A_419 = tpu.memref_slice %arg3[%dma_wait3A_417, %dma_wait3A_418] : memref<256x128xf32, #tpu.memory_space<hbm>> -> memref<128x128xf32, #tpu.memory_space<hbm>>
    tpu.wait_dma2 semaphore(%arg20 : memref<!tpu.dma_semaphore, #tpu.memory_space<semaphore_mem>>) src(%dma_wait3A_419 : memref<128x128xf32, #tpu.memory_space<hbm>>) dst(%arg10 : memref<128x128xf32, #tpu.memory_space<vmem>>)
    %dma_wait3A_420 = arith.constant 0 : i32
    %dma_wait3A_421 = arith.constant 0 : i32
    %dma_wait3A_422 = tpu.memref_slice %arg3[%dma_wait3A_420, %dma_wait3A_421] : memref<256x128xf32, #tpu.memory_space<hbm>> -> memref<128x128xf32, #tpu.memory_space<hbm>>
    %dma_wait3A_423 = arith.constant 0 : i32
    %dma_wait3A_424 = arith.constant 0 : i32
    %dma_wait3A_425 = tpu.memref_slice %arg3[%dma_wait3A_423, %dma_wait3A_424] : memref<256x128xf32, #tpu.memory_space<hbm>> -> memref<128x128xf32, #tpu.memory_space<hbm>>
    tpu.wait_dma2 semaphore(%arg21 : memref<!tpu.dma_semaphore, #tpu.memory_space<semaphore_mem>>) src(%dma_wait3A_425 : memref<128x128xf32, #tpu.memory_space<hbm>>) dst(%arg10 : memref<128x128xf32, #tpu.memory_space<vmem>>)
    %dma_wait3A_426 = arith.constant 0 : i32
    %dma_wait3A_427 = arith.constant 0 : i32
    %dma_wait3A_428 = tpu.memref_slice %arg3[%dma_wait3A_426, %dma_wait3A_427] : memref<256x128xf32, #tpu.memory_space<hbm>> -> memref<128x128xf32, #tpu.memory_space<hbm>>
    %dma_wait3A_429 = arith.constant 0 : i32
    %dma_wait3A_430 = arith.constant 0 : i32
    %dma_wait3A_431 = tpu.memref_slice %arg3[%dma_wait3A_429, %dma_wait3A_430] : memref<256x128xf32, #tpu.memory_space<hbm>> -> memref<128x128xf32, #tpu.memory_space<hbm>>
    tpu.wait_dma2 semaphore(%arg22 : memref<!tpu.dma_semaphore, #tpu.memory_space<semaphore_mem>>) src(%dma_wait3A_431 : memref<128x128xf32, #tpu.memory_space<hbm>>) dst(%arg10 : memref<128x128xf32, #tpu.memory_space<vmem>>)
    %dma_wait3A_432 = arith.constant 0 : i32
    %dma_wait3A_433 = arith.constant 0 : i32
    %dma_wait3A_434 = tpu.memref_slice %arg3[%dma_wait3A_432, %dma_wait3A_433] : memref<256x128xf32, #tpu.memory_space<hbm>> -> memref<128x128xf32, #tpu.memory_space<hbm>>
    %dma_wait3A_435 = arith.constant 0 : i32
    %dma_wait3A_436 = arith.constant 0 : i32
    %dma_wait3A_437 = tpu.memref_slice %arg3[%dma_wait3A_435, %dma_wait3A_436] : memref<256x128xf32, #tpu.memory_space<hbm>> -> memref<128x128xf32, #tpu.memory_space<hbm>>
    tpu.wait_dma2 semaphore(%arg23 : memref<!tpu.dma_semaphore, #tpu.memory_space<semaphore_mem>>) src(%dma_wait3A_437 : memref<128x128xf32, #tpu.memory_space<hbm>>) dst(%arg10 : memref<128x128xf32, #tpu.memory_space<vmem>>)
    %dma_wait3A_438 = arith.constant 0 : i32
    %dma_wait3A_439 = arith.constant 0 : i32
    %dma_wait3A_440 = tpu.memref_slice %arg3[%dma_wait3A_438, %dma_wait3A_439] : memref<256x128xf32, #tpu.memory_space<hbm>> -> memref<128x128xf32, #tpu.memory_space<hbm>>
    %dma_wait3A_441 = arith.constant 0 : i32
    %dma_wait3A_442 = arith.constant 0 : i32
    %dma_wait3A_443 = tpu.memref_slice %arg3[%dma_wait3A_441, %dma_wait3A_442] : memref<256x128xf32, #tpu.memory_space<hbm>> -> memref<128x128xf32, #tpu.memory_space<hbm>>
    tpu.wait_dma2 semaphore(%arg24 : memref<!tpu.dma_semaphore, #tpu.memory_space<semaphore_mem>>) src(%dma_wait3A_443 : memref<128x128xf32, #tpu.memory_space<hbm>>) dst(%arg10 : memref<128x128xf32, #tpu.memory_space<vmem>>)
    %add3A_444 = arith.constant 100 : i32
    %add3A_445 = arith.addi %mul3A_303, %add3A_444 : i32
    "tpu.region"() ({
      %run_scoped3A = tpu.sem_alloc : memref<!tpu.dma_semaphore, #tpu.memory_space<semaphore_mem>>
      %dma_start3A_592 = arith.constant 0 : i32
      %dma_start3A_593 = arith.constant 0 : i32
      %dma_start3A_594 = tpu.memref_slice %arg8[%dma_start3A_592, %dma_start3A_593] : memref<100x128xi32, #tpu.memory_space<vmem>> -> memref<50x128xi32, #tpu.memory_space<vmem>>
      %dma_start3A_595 = arith.constant 0 : i32
      %dma_start3A_596 = tpu.memref_slice %arg2[%add3A_445, %dma_start3A_595] : memref<25600x128xi32, #tpu.memory_space<hbm>> -> memref<50x128xi32, #tpu.memory_space<hbm>>
      %dma_start3A_597 = arith.constant 0 : i32
      %dma_start3A_598 = arith.constant 0 : i32
      %dma_start3A_599 = tpu.memref_slice %arg8[%dma_start3A_597, %dma_start3A_598] : memref<100x128xi32, #tpu.memory_space<vmem>> -> memref<50x128xi32, #tpu.memory_space<vmem>>
      %dma_start3A_600 = arith.constant 0 : i32
      %dma_start3A_601 = tpu.memref_slice %arg2[%add3A_445, %dma_start3A_600] : memref<25600x128xi32, #tpu.memory_space<hbm>> -> memref<50x128xi32, #tpu.memory_space<hbm>>
      tpu.enqueue_dma source(%dma_start3A_601 : memref<50x128xi32, #tpu.memory_space<hbm>>) target(%dma_start3A_599 : memref<50x128xi32, #tpu.memory_space<vmem>>) target_semaphore(%run_scoped3A : memref<!tpu.dma_semaphore, #tpu.memory_space<semaphore_mem>>)
      %dma_wait3A_602 = arith.constant 0 : i32
      %dma_wait3A_603 = arith.constant 0 : i32
      %dma_wait3A_604 = tpu.memref_slice %arg8[%dma_wait3A_602, %dma_wait3A_603] : memref<100x128xi32, #tpu.memory_space<vmem>> -> memref<50x128xi32, #tpu.memory_space<vmem>>
      %dma_wait3A_605 = arith.constant 0 : i32
      %dma_wait3A_606 = tpu.memref_slice %arg2[%add3A_445, %dma_wait3A_605] : memref<25600x128xi32, #tpu.memory_space<hbm>> -> memref<50x128xi32, #tpu.memory_space<hbm>>
      %dma_wait3A_607 = arith.constant 0 : i32
      %dma_wait3A_608 = arith.constant 0 : i32
      %dma_wait3A_609 = tpu.memref_slice %arg8[%dma_wait3A_607, %dma_wait3A_608] : memref<100x128xi32, #tpu.memory_space<vmem>> -> memref<50x128xi32, #tpu.memory_space<vmem>>
      %dma_wait3A_610 = arith.constant 0 : i32
      %dma_wait3A_611 = tpu.memref_slice %arg2[%add3A_445, %dma_wait3A_610] : memref<25600x128xi32, #tpu.memory_space<hbm>> -> memref<50x128xi32, #tpu.memory_space<hbm>>
      tpu.wait_dma2 semaphore(%run_scoped3A : memref<!tpu.dma_semaphore, #tpu.memory_space<semaphore_mem>>) src(%dma_wait3A_611 : memref<50x128xi32, #tpu.memory_space<hbm>>) dst(%dma_wait3A_609 : memref<50x128xi32, #tpu.memory_space<vmem>>)
      tpu.yield
    }) : () -> ()
    %add3A_446 = arith.constant 200 : i32
    %add3A_447 = arith.addi %mul3A_303, %add3A_446 : i32
    %add3A_448 = arith.constant 100 : i32
    %add3A_449 = arith.addi %add3A_447, %add3A_448 : i32
    "tpu.region"() ({
      %run_scoped3A = tpu.sem_alloc : memref<!tpu.dma_semaphore, #tpu.memory_space<semaphore_mem>>
      %dma_start3A_592 = arith.constant 50 : i32
      %dma_start3A_593 = arith.constant 0 : i32
      %dma_start3A_594 = tpu.memref_slice %arg8[%dma_start3A_592, %dma_start3A_593] : memref<100x128xi32, #tpu.memory_space<vmem>> -> memref<50x128xi32, #tpu.memory_space<vmem>>
      %dma_start3A_595 = arith.constant 0 : i32
      %dma_start3A_596 = tpu.memref_slice %arg2[%add3A_449, %dma_start3A_595] : memref<25600x128xi32, #tpu.memory_space<hbm>> -> memref<50x128xi32, #tpu.memory_space<hbm>>
      %dma_start3A_597 = arith.constant 50 : i32
      %dma_start3A_598 = arith.constant 0 : i32
      %dma_start3A_599 = tpu.memref_slice %arg8[%dma_start3A_597, %dma_start3A_598] : memref<100x128xi32, #tpu.memory_space<vmem>> -> memref<50x128xi32, #tpu.memory_space<vmem>>
      %dma_start3A_600 = arith.constant 0 : i32
      %dma_start3A_601 = tpu.memref_slice %arg2[%add3A_449, %dma_start3A_600] : memref<25600x128xi32, #tpu.memory_space<hbm>> -> memref<50x128xi32, #tpu.memory_space<hbm>>
      tpu.enqueue_dma source(%dma_start3A_601 : memref<50x128xi32, #tpu.memory_space<hbm>>) target(%dma_start3A_599 : memref<50x128xi32, #tpu.memory_space<vmem>>) target_semaphore(%run_scoped3A : memref<!tpu.dma_semaphore, #tpu.memory_space<semaphore_mem>>)
      %dma_wait3A_602 = arith.constant 50 : i32
      %dma_wait3A_603 = arith.constant 0 : i32
      %dma_wait3A_604 = tpu.memref_slice %arg8[%dma_wait3A_602, %dma_wait3A_603] : memref<100x128xi32, #tpu.memory_space<vmem>> -> memref<50x128xi32, #tpu.memory_space<vmem>>
      %dma_wait3A_605 = arith.constant 0 : i32
      %dma_wait3A_606 = tpu.memref_slice %arg2[%add3A_449, %dma_wait3A_605] : memref<25600x128xi32, #tpu.memory_space<hbm>> -> memref<50x128xi32, #tpu.memory_space<hbm>>
      %dma_wait3A_607 = arith.constant 50 : i32
      %dma_wait3A_608 = arith.constant 0 : i32
      %dma_wait3A_609 = tpu.memref_slice %arg8[%dma_wait3A_607, %dma_wait3A_608] : memref<100x128xi32, #tpu.memory_space<vmem>> -> memref<50x128xi32, #tpu.memory_space<vmem>>
      %dma_wait3A_610 = arith.constant 0 : i32
      %dma_wait3A_611 = tpu.memref_slice %arg2[%add3A_449, %dma_wait3A_610] : memref<25600x128xi32, #tpu.memory_space<hbm>> -> memref<50x128xi32, #tpu.memory_space<hbm>>
      tpu.wait_dma2 semaphore(%run_scoped3A : memref<!tpu.dma_semaphore, #tpu.memory_space<semaphore_mem>>) src(%dma_wait3A_611 : memref<50x128xi32, #tpu.memory_space<hbm>>) dst(%dma_wait3A_609 : memref<50x128xi32, #tpu.memory_space<vmem>>)
      tpu.yield
    }) : () -> ()
    %dma_start3A_450 = arith.constant 0 : i32
    %dma_start3A_451 = arith.constant 0 : i32
    %dma_start3A_452 = tpu.memref_slice %arg8[%dma_start3A_450, %dma_start3A_451] : memref<100x128xi32, #tpu.memory_space<vmem>> -> memref<1x128xi32, #tpu.memory_space<vmem>>
    %dma_start3A_453 = tpu.memref_squeeze %dma_start3A_452 : memref<1x128xi32, #tpu.memory_space<vmem>> -> memref<128xi32, #tpu.memory_space<vmem>>
    %dma_start3A_454 = arith.constant 0 : i32
    %dma_start3A_455 = arith.constant 0 : i32
    %dma_start3A_456 = tpu.memref_slice %arg5[%dma_start3A_454, %dma_start3A_455] : memref<400000x128xf32, #tpu.memory_space<hbm>> -> memref<400000x128xf32, #tpu.memory_space<hbm>>
    tpu.enqueue_indirect_dma source(%dma_start3A_456 : memref<400000x128xf32, #tpu.memory_space<hbm>>) target(%arg10 : memref<128x128xf32, #tpu.memory_space<vmem>>) offsets(%dma_start3A_453 : memref<128xi32, #tpu.memory_space<vmem>>) semaphore(%arg15 : memref<!tpu.dma_semaphore, #tpu.memory_space<semaphore_mem>>)
    %dma_start3A_457 = arith.constant 50 : i32
    %dma_start3A_458 = arith.constant 0 : i32
    %dma_start3A_459 = tpu.memref_slice %arg8[%dma_start3A_457, %dma_start3A_458] : memref<100x128xi32, #tpu.memory_space<vmem>> -> memref<1x128xi32, #tpu.memory_space<vmem>>
    %dma_start3A_460 = tpu.memref_squeeze %dma_start3A_459 : memref<1x128xi32, #tpu.memory_space<vmem>> -> memref<128xi32, #tpu.memory_space<vmem>>
    %dma_start3A_461 = arith.constant 0 : i32
    %dma_start3A_462 = arith.constant 0 : i32
    %dma_start3A_463 = tpu.memref_slice %arg5[%dma_start3A_461, %dma_start3A_462] : memref<400000x128xf32, #tpu.memory_space<hbm>> -> memref<400000x128xf32, #tpu.memory_space<hbm>>
    tpu.enqueue_indirect_dma source(%dma_start3A_463 : memref<400000x128xf32, #tpu.memory_space<hbm>>) target(%arg11 : memref<128x128xf32, #tpu.memory_space<vmem>>) offsets(%dma_start3A_460 : memref<128xi32, #tpu.memory_space<vmem>>) semaphore(%arg16 : memref<!tpu.dma_semaphore, #tpu.memory_space<semaphore_mem>>)
    %dma_start3A_464 = arith.constant 1 : i32
    %dma_start3A_465 = arith.constant 0 : i32
    %dma_start3A_466 = tpu.memref_slice %arg8[%dma_start3A_464, %dma_start3A_465] : memref<100x128xi32, #tpu.memory_space<vmem>> -> memref<1x128xi32, #tpu.memory_space<vmem>>
    %dma_start3A_467 = tpu.memref_squeeze %dma_start3A_466 : memref<1x128xi32, #tpu.memory_space<vmem>> -> memref<128xi32, #tpu.memory_space<vmem>>
    %dma_start3A_468 = arith.constant 0 : i32
    %dma_start3A_469 = arith.constant 0 : i32
    %dma_start3A_470 = tpu.memref_slice %arg5[%dma_start3A_468, %dma_start3A_469] : memref<400000x128xf32, #tpu.memory_space<hbm>> -> memref<400000x128xf32, #tpu.memory_space<hbm>>
    tpu.enqueue_indirect_dma source(%dma_start3A_470 : memref<400000x128xf32, #tpu.memory_space<hbm>>) target(%arg12 : memref<128x128xf32, #tpu.memory_space<vmem>>) offsets(%dma_start3A_467 : memref<128xi32, #tpu.memory_space<vmem>>) semaphore(%arg17 : memref<!tpu.dma_semaphore, #tpu.memory_space<semaphore_mem>>)
    %dma_start3A_471 = arith.constant 51 : i32
    %dma_start3A_472 = arith.constant 0 : i32
    %dma_start3A_473 = tpu.memref_slice %arg8[%dma_start3A_471, %dma_start3A_472] : memref<100x128xi32, #tpu.memory_space<vmem>> -> memref<1x128xi32, #tpu.memory_space<vmem>>
    %dma_start3A_474 = tpu.memref_squeeze %dma_start3A_473 : memref<1x128xi32, #tpu.memory_space<vmem>> -> memref<128xi32, #tpu.memory_space<vmem>>
    %dma_start3A_475 = arith.constant 0 : i32
    %dma_start3A_476 = arith.constant 0 : i32
    %dma_start3A_477 = tpu.memref_slice %arg5[%dma_start3A_475, %dma_start3A_476] : memref<400000x128xf32, #tpu.memory_space<hbm>> -> memref<400000x128xf32, #tpu.memory_space<hbm>>
    tpu.enqueue_indirect_dma source(%dma_start3A_477 : memref<400000x128xf32, #tpu.memory_space<hbm>>) target(%arg13 : memref<128x128xf32, #tpu.memory_space<vmem>>) offsets(%dma_start3A_474 : memref<128xi32, #tpu.memory_space<vmem>>) semaphore(%arg18 : memref<!tpu.dma_semaphore, #tpu.memory_space<semaphore_mem>>)
    %scan3A_478 = arith.constant 0 : i32
    %scan3A_479 = arith.constant 0 : i32
    %scan3A_480 = arith.constant 20 : i32
    %scan3A_481 = arith.addi %scan3A_479, %scan3A_480 : i32
    %scan3A_482 = arith.constant 1 : i32
    scf.for %scan3A_592 = %scan3A_479 to %scan3A_481 step %scan3A_482  : i32 {
      %mul3A_593 = arith.constant 5 : i32
      %mul3A_594 = arith.muli %mul3A_593, %scan3A_592 : i32
      %add3A_595 = arith.constant 0 : i32
      %add3A_596 = arith.addi %mul3A_594, %add3A_595 : i32
      %dma_wait3A_597 = arith.constant 0 : i32
      %dma_wait3A_598 = arith.constant 0 : i32
      %dma_wait3A_599 = tpu.memref_slice %arg3[%dma_wait3A_597, %dma_wait3A_598] : memref<256x128xf32, #tpu.memory_space<hbm>> -> memref<128x128xf32, #tpu.memory_space<hbm>>
      %dma_wait3A_600 = arith.constant 0 : i32
      %dma_wait3A_601 = arith.constant 0 : i32
      %dma_wait3A_602 = tpu.memref_slice %arg3[%dma_wait3A_600, %dma_wait3A_601] : memref<256x128xf32, #tpu.memory_space<hbm>> -> memref<128x128xf32, #tpu.memory_space<hbm>>
      tpu.wait_dma2 semaphore(%arg15 : memref<!tpu.dma_semaphore, #tpu.memory_space<semaphore_mem>>) src(%dma_wait3A_602 : memref<128x128xf32, #tpu.memory_space<hbm>>) dst(%arg10 : memref<128x128xf32, #tpu.memory_space<vmem>>)
      %rem3A = arith.constant 2 : i32
      %rem3A_603 = arith.remsi %add3A_596, %rem3A : i32
      %dma_start3A_604 = arith.constant 0 : i32
      %dma_start3A_605 = tpu.memref_slice %arg9[%rem3A_603, %dma_start3A_604] : memref<2x128xi32, #tpu.memory_space<vmem>> -> memref<1x128xi32, #tpu.memory_space<vmem>>
      %dma_start3A_606 = tpu.memref_squeeze %dma_start3A_605 : memref<1x128xi32, #tpu.memory_space<vmem>> -> memref<128xi32, #tpu.memory_space<vmem>>
      %dma_start3A_607 = arith.constant 0 : i32
      %dma_start3A_608 = arith.constant 0 : i32
      %dma_start3A_609 = tpu.memref_slice %arg7[%dma_start3A_607, %dma_start3A_608] : memref<4096x128xf32, #tpu.memory_space<vmem_shared>> -> memref<4096x128xf32, #tpu.memory_space<vmem_shared>>
      tpu.enqueue_indirect_dma source(%arg10 : memref<128x128xf32, #tpu.memory_space<vmem>>) target(%dma_start3A_609 : memref<4096x128xf32, #tpu.memory_space<vmem_shared>>) offsets(%dma_start3A_606 : memref<128xi32, #tpu.memory_space<vmem>>) semaphore(%arg20 : memref<!tpu.dma_semaphore, #tpu.memory_space<semaphore_mem>>) {add = true}
      %add3A_610 = arith.constant 5 : i32
      %add3A_611 = arith.addi %add3A_596, %add3A_610 : i32
      %sub3A = arith.constant 1 : i32
      %sub3A_612 = arith.subi %add3A_611, %sub3A : i32
      %rem3A_613 = arith.constant 2 : i32
      %rem3A_614 = arith.remsi %sub3A_612, %rem3A_613 : i32
      %mul3A_615 = arith.constant 50 : i32
      %mul3A_616 = arith.muli %rem3A_614, %mul3A_615 : i32
      %jit3A = arith.constant 2 : i32
      %div3A = arith.divsi %sub3A_612, %jit3A : i32
      %sign3A = arith.constant 0 : i32
      %sign3A_617 = arith.cmpi sgt, %sub3A_612, %sign3A : i32
      %sign3A_618 = arith.extui %sign3A_617 : i1 to i32
      %sign3A_619 = arith.constant 0 : i32
      %sign3A_620 = arith.cmpi slt, %sub3A_612, %sign3A_619 : i32
      %sign3A_621 = arith.extui %sign3A_620 : i1 to i32
      %sign3A_622 = arith.subi %sign3A_618, %sign3A_621 : i32
      %sign3A_623 = arith.constant 0 : i32
      %sign3A_624 = arith.cmpi sgt, %jit3A, %sign3A_623 : i32
      %sign3A_625 = arith.extui %sign3A_624 : i1 to i32
      %sign3A_626 = arith.constant 0 : i32
      %sign3A_627 = arith.cmpi slt, %jit3A, %sign3A_626 : i32
      %sign3A_628 = arith.extui %sign3A_627 : i1 to i32
      %sign3A_629 = arith.subi %sign3A_625, %sign3A_628 : i32
      %ne3A = arith.cmpi ne, %sign3A_622, %sign3A_629 : i32
      %rem3A_630 = arith.remsi %sub3A_612, %jit3A : i32
      %ne3A_631 = arith.constant 0 : i32
      %ne3A_632 = arith.cmpi ne, %rem3A_630, %ne3A_631 : i32
      %and3A = arith.andi %ne3A, %ne3A_632 : i1
      %sub3A_633 = arith.constant 1 : i32
      %sub3A_634 = arith.subi %div3A, %sub3A_633 : i32
      %select_n3A = arith.select %and3A, %sub3A_634, %div3A : i32
      %add3A_635 = arith.addi %mul3A_616, %select_n3A : i32
      %gt3A = arith.constant 0 : i32
      %gt3A_636 = arith.cmpi sgt, %scan3A_592, %gt3A : i32
      %convert_element_type3A = arith.extui %gt3A_636 : i1 to i32
      %cond3A = arith.constant 0 : i32
      %cond3A_637 = arith.cmpi ne, %convert_element_type3A, %cond3A : i32
      scf.if %cond3A_637 {
        %dma_wait3A_867 = arith.constant 0 : i32
        %dma_wait3A_868 = arith.constant 0 : i32
        %dma_wait3A_869 = tpu.memref_slice %arg3[%dma_wait3A_867, %dma_wait3A_868] : memref<256x128xf32, #tpu.memory_space<hbm>> -> memref<128x128xf32, #tpu.memory_space<hbm>>
        %dma_wait3A_870 = arith.constant 0 : i32
        %dma_wait3A_871 = arith.constant 0 : i32
        %dma_wait3A_872 = tpu.memref_slice %arg3[%dma_wait3A_870, %dma_wait3A_871] : memref<256x128xf32, #tpu.memory_space<hbm>> -> memref<128x128xf32, #tpu.memory_space<hbm>>
        tpu.wait_dma2 semaphore(%arg24 : memref<!tpu.dma_semaphore, #tpu.memory_space<semaphore_mem>>) src(%dma_wait3A_872 : memref<128x128xf32, #tpu.memory_space<hbm>>) dst(%arg10 : memref<128x128xf32, #tpu.memory_space<vmem>>)
      } else {
      }
      %dma_start3A_638 = arith.constant 0 : i32
      %dma_start3A_639 = tpu.memref_slice %arg8[%add3A_635, %dma_start3A_638] : memref<100x128xi32, #tpu.memory_space<vmem>> -> memref<1x128xi32, #tpu.memory_space<vmem>>
      %dma_start3A_640 = tpu.memref_squeeze %dma_start3A_639 : memref<1x128xi32, #tpu.memory_space<vmem>> -> memref<128xi32, #tpu.memory_space<vmem>>
      %dma_start3A_641 = arith.constant 0 : i32
      %dma_start3A_642 = arith.constant 0 : i32
      %dma_start3A_643 = tpu.memref_slice %arg5[%dma_start3A_641, %dma_start3A_642] : memref<400000x128xf32, #tpu.memory_space<hbm>> -> memref<400000x128xf32, #tpu.memory_space<hbm>>
      tpu.enqueue_indirect_dma source(%dma_start3A_643 : memref<400000x128xf32, #tpu.memory_space<hbm>>) target(%arg14 : memref<128x128xf32, #tpu.memory_space<vmem>>) offsets(%dma_start3A_640 : memref<128xi32, #tpu.memory_space<vmem>>) semaphore(%arg19 : memref<!tpu.dma_semaphore, #tpu.memory_space<semaphore_mem>>)
      %mul3A_644 = arith.constant 5 : i32
      %mul3A_645 = arith.muli %mul3A_644, %scan3A_592 : i32
      %add3A_646 = arith.constant 1 : i32
      %add3A_647 = arith.addi %mul3A_645, %add3A_646 : i32
      %dma_wait3A_648 = arith.constant 0 : i32
      %dma_wait3A_649 = arith.constant 0 : i32
      %dma_wait3A_650 = tpu.memref_slice %arg3[%dma_wait3A_648, %dma_wait3A_649] : memref<256x128xf32, #tpu.memory_space<hbm>> -> memref<128x128xf32, #tpu.memory_space<hbm>>
      %dma_wait3A_651 = arith.constant 0 : i32
      %dma_wait3A_652 = arith.constant 0 : i32
      %dma_wait3A_653 = tpu.memref_slice %arg3[%dma_wait3A_651, %dma_wait3A_652] : memref<256x128xf32, #tpu.memory_space<hbm>> -> memref<128x128xf32, #tpu.memory_space<hbm>>
      tpu.wait_dma2 semaphore(%arg16 : memref<!tpu.dma_semaphore, #tpu.memory_space<semaphore_mem>>) src(%dma_wait3A_653 : memref<128x128xf32, #tpu.memory_space<hbm>>) dst(%arg10 : memref<128x128xf32, #tpu.memory_space<vmem>>)
      %rem3A_654 = arith.constant 2 : i32
      %rem3A_655 = arith.remsi %add3A_647, %rem3A_654 : i32
      %dma_start3A_656 = arith.constant 0 : i32
      %dma_start3A_657 = tpu.memref_slice %arg9[%rem3A_655, %dma_start3A_656] : memref<2x128xi32, #tpu.memory_space<vmem>> -> memref<1x128xi32, #tpu.memory_space<vmem>>
      %dma_start3A_658 = tpu.memref_squeeze %dma_start3A_657 : memref<1x128xi32, #tpu.memory_space<vmem>> -> memref<128xi32, #tpu.memory_space<vmem>>
      %dma_start3A_659 = arith.constant 0 : i32
      %dma_start3A_660 = arith.constant 0 : i32
      %dma_start3A_661 = tpu.memref_slice %arg7[%dma_start3A_659, %dma_start3A_660] : memref<4096x128xf32, #tpu.memory_space<vmem_shared>> -> memref<4096x128xf32, #tpu.memory_space<vmem_shared>>
      tpu.enqueue_indirect_dma source(%arg11 : memref<128x128xf32, #tpu.memory_space<vmem>>) target(%dma_start3A_661 : memref<4096x128xf32, #tpu.memory_space<vmem_shared>>) offsets(%dma_start3A_658 : memref<128xi32, #tpu.memory_space<vmem>>) semaphore(%arg21 : memref<!tpu.dma_semaphore, #tpu.memory_space<semaphore_mem>>) {add = true}
      %add3A_662 = arith.constant 5 : i32
      %add3A_663 = arith.addi %add3A_647, %add3A_662 : i32
      %sub3A_664 = arith.constant 1 : i32
      %sub3A_665 = arith.subi %add3A_663, %sub3A_664 : i32
      %rem3A_666 = arith.constant 2 : i32
      %rem3A_667 = arith.remsi %sub3A_665, %rem3A_666 : i32
      %mul3A_668 = arith.constant 50 : i32
      %mul3A_669 = arith.muli %rem3A_667, %mul3A_668 : i32
      %jit3A_670 = arith.constant 2 : i32
      %div3A_671 = arith.divsi %sub3A_665, %jit3A_670 : i32
      %sign3A_672 = arith.constant 0 : i32
      %sign3A_673 = arith.cmpi sgt, %sub3A_665, %sign3A_672 : i32
      %sign3A_674 = arith.extui %sign3A_673 : i1 to i32
      %sign3A_675 = arith.constant 0 : i32
      %sign3A_676 = arith.cmpi slt, %sub3A_665, %sign3A_675 : i32
      %sign3A_677 = arith.extui %sign3A_676 : i1 to i32
      %sign3A_678 = arith.subi %sign3A_674, %sign3A_677 : i32
      %sign3A_679 = arith.constant 0 : i32
      %sign3A_680 = arith.cmpi sgt, %jit3A_670, %sign3A_679 : i32
      %sign3A_681 = arith.extui %sign3A_680 : i1 to i32
      %sign3A_682 = arith.constant 0 : i32
      %sign3A_683 = arith.cmpi slt, %jit3A_670, %sign3A_682 : i32
      %sign3A_684 = arith.extui %sign3A_683 : i1 to i32
      %sign3A_685 = arith.subi %sign3A_681, %sign3A_684 : i32
      %ne3A_686 = arith.cmpi ne, %sign3A_678, %sign3A_685 : i32
      %rem3A_687 = arith.remsi %sub3A_665, %jit3A_670 : i32
      %ne3A_688 = arith.constant 0 : i32
      %ne3A_689 = arith.cmpi ne, %rem3A_687, %ne3A_688 : i32
      %and3A_690 = arith.andi %ne3A_686, %ne3A_689 : i1
      %sub3A_691 = arith.constant 1 : i32
      %sub3A_692 = arith.subi %div3A_671, %sub3A_691 : i32
      %select_n3A_693 = arith.select %and3A_690, %sub3A_692, %div3A_671 : i32
      %add3A_694 = arith.addi %mul3A_669, %select_n3A_693 : i32
      %lt3A = arith.constant 19 : i32
      %lt3A_695 = arith.cmpi slt, %scan3A_592, %lt3A : i32
      %convert_element_type3A_696 = arith.extui %lt3A_695 : i1 to i32
      %cond3A_697 = arith.constant 0 : i32
      %cond3A_698 = arith.cmpi ne, %convert_element_type3A_696, %cond3A_697 : i32
      scf.if %cond3A_698 {
        %dma_wait3A_867 = arith.constant 0 : i32
        %dma_wait3A_868 = arith.constant 0 : i32
        %dma_wait3A_869 = tpu.memref_slice %arg3[%dma_wait3A_867, %dma_wait3A_868] : memref<256x128xf32, #tpu.memory_space<hbm>> -> memref<128x128xf32, #tpu.memory_space<hbm>>
        %dma_wait3A_870 = arith.constant 0 : i32
        %dma_wait3A_871 = arith.constant 0 : i32
        %dma_wait3A_872 = tpu.memref_slice %arg3[%dma_wait3A_870, %dma_wait3A_871] : memref<256x128xf32, #tpu.memory_space<hbm>> -> memref<128x128xf32, #tpu.memory_space<hbm>>
        tpu.wait_dma2 semaphore(%arg20 : memref<!tpu.dma_semaphore, #tpu.memory_space<semaphore_mem>>) src(%dma_wait3A_872 : memref<128x128xf32, #tpu.memory_space<hbm>>) dst(%arg10 : memref<128x128xf32, #tpu.memory_space<vmem>>)
        %dma_start3A_873 = arith.constant 0 : i32
        %dma_start3A_874 = tpu.memref_slice %arg8[%add3A_694, %dma_start3A_873] : memref<100x128xi32, #tpu.memory_space<vmem>> -> memref<1x128xi32, #tpu.memory_space<vmem>>
        %dma_start3A_875 = tpu.memref_squeeze %dma_start3A_874 : memref<1x128xi32, #tpu.memory_space<vmem>> -> memref<128xi32, #tpu.memory_space<vmem>>
        %dma_start3A_876 = arith.constant 0 : i32
        %dma_start3A_877 = arith.constant 0 : i32
        %dma_start3A_878 = tpu.memref_slice %arg5[%dma_start3A_876, %dma_start3A_877] : memref<400000x128xf32, #tpu.memory_space<hbm>> -> memref<400000x128xf32, #tpu.memory_space<hbm>>
        tpu.enqueue_indirect_dma source(%dma_start3A_878 : memref<400000x128xf32, #tpu.memory_space<hbm>>) target(%arg10 : memref<128x128xf32, #tpu.memory_space<vmem>>) offsets(%dma_start3A_875 : memref<128xi32, #tpu.memory_space<vmem>>) semaphore(%arg15 : memref<!tpu.dma_semaphore, #tpu.memory_space<semaphore_mem>>)
      } else {
      }
      %mul3A_699 = arith.constant 5 : i32
      %mul3A_700 = arith.muli %mul3A_699, %scan3A_592 : i32
      %add3A_701 = arith.constant 2 : i32
      %add3A_702 = arith.addi %mul3A_700, %add3A_701 : i32
      %dma_wait3A_703 = arith.constant 0 : i32
      %dma_wait3A_704 = arith.constant 0 : i32
      %dma_wait3A_705 = tpu.memref_slice %arg3[%dma_wait3A_703, %dma_wait3A_704] : memref<256x128xf32, #tpu.memory_space<hbm>> -> memref<128x128xf32, #tpu.memory_space<hbm>>
      %dma_wait3A_706 = arith.constant 0 : i32
      %dma_wait3A_707 = arith.constant 0 : i32
      %dma_wait3A_708 = tpu.memref_slice %arg3[%dma_wait3A_706, %dma_wait3A_707] : memref<256x128xf32, #tpu.memory_space<hbm>> -> memref<128x128xf32, #tpu.memory_space<hbm>>
      tpu.wait_dma2 semaphore(%arg17 : memref<!tpu.dma_semaphore, #tpu.memory_space<semaphore_mem>>) src(%dma_wait3A_708 : memref<128x128xf32, #tpu.memory_space<hbm>>) dst(%arg10 : memref<128x128xf32, #tpu.memory_space<vmem>>)
      %rem3A_709 = arith.constant 2 : i32
      %rem3A_710 = arith.remsi %add3A_702, %rem3A_709 : i32
      %dma_start3A_711 = arith.constant 0 : i32
      %dma_start3A_712 = tpu.memref_slice %arg9[%rem3A_710, %dma_start3A_711] : memref<2x128xi32, #tpu.memory_space<vmem>> -> memref<1x128xi32, #tpu.memory_space<vmem>>
      %dma_start3A_713 = tpu.memref_squeeze %dma_start3A_712 : memref<1x128xi32, #tpu.memory_space<vmem>> -> memref<128xi32, #tpu.memory_space<vmem>>
      %dma_start3A_714 = arith.constant 0 : i32
      %dma_start3A_715 = arith.constant 0 : i32
      %dma_start3A_716 = tpu.memref_slice %arg7[%dma_start3A_714, %dma_start3A_715] : memref<4096x128xf32, #tpu.memory_space<vmem_shared>> -> memref<4096x128xf32, #tpu.memory_space<vmem_shared>>
      tpu.enqueue_indirect_dma source(%arg12 : memref<128x128xf32, #tpu.memory_space<vmem>>) target(%dma_start3A_716 : memref<4096x128xf32, #tpu.memory_space<vmem_shared>>) offsets(%dma_start3A_713 : memref<128xi32, #tpu.memory_space<vmem>>) semaphore(%arg22 : memref<!tpu.dma_semaphore, #tpu.memory_space<semaphore_mem>>) {add = true}
      %add3A_717 = arith.constant 5 : i32
      %add3A_718 = arith.addi %add3A_702, %add3A_717 : i32
      %sub3A_719 = arith.constant 1 : i32
      %sub3A_720 = arith.subi %add3A_718, %sub3A_719 : i32
      %rem3A_721 = arith.constant 2 : i32
      %rem3A_722 = arith.remsi %sub3A_720, %rem3A_721 : i32
      %mul3A_723 = arith.constant 50 : i32
      %mul3A_724 = arith.muli %rem3A_722, %mul3A_723 : i32
      %jit3A_725 = arith.constant 2 : i32
      %div3A_726 = arith.divsi %sub3A_720, %jit3A_725 : i32
      %sign3A_727 = arith.constant 0 : i32
      %sign3A_728 = arith.cmpi sgt, %sub3A_720, %sign3A_727 : i32
      %sign3A_729 = arith.extui %sign3A_728 : i1 to i32
      %sign3A_730 = arith.constant 0 : i32
      %sign3A_731 = arith.cmpi slt, %sub3A_720, %sign3A_730 : i32
      %sign3A_732 = arith.extui %sign3A_731 : i1 to i32
      %sign3A_733 = arith.subi %sign3A_729, %sign3A_732 : i32
      %sign3A_734 = arith.constant 0 : i32
      %sign3A_735 = arith.cmpi sgt, %jit3A_725, %sign3A_734 : i32
      %sign3A_736 = arith.extui %sign3A_735 : i1 to i32
      %sign3A_737 = arith.constant 0 : i32
      %sign3A_738 = arith.cmpi slt, %jit3A_725, %sign3A_737 : i32
      %sign3A_739 = arith.extui %sign3A_738 : i1 to i32
      %sign3A_740 = arith.subi %sign3A_736, %sign3A_739 : i32
      %ne3A_741 = arith.cmpi ne, %sign3A_733, %sign3A_740 : i32
      %rem3A_742 = arith.remsi %sub3A_720, %jit3A_725 : i32
      %ne3A_743 = arith.constant 0 : i32
      %ne3A_744 = arith.cmpi ne, %rem3A_742, %ne3A_743 : i32
      %and3A_745 = arith.andi %ne3A_741, %ne3A_744 : i1
      %sub3A_746 = arith.constant 1 : i32
      %sub3A_747 = arith.subi %div3A_726, %sub3A_746 : i32
      %select_n3A_748 = arith.select %and3A_745, %sub3A_747, %div3A_726 : i32
      %add3A_749 = arith.addi %mul3A_724, %select_n3A_748 : i32
      %lt3A_750 = arith.constant 19 : i32
      %lt3A_751 = arith.cmpi slt, %scan3A_592, %lt3A_750 : i32
      %convert_element_type3A_752 = arith.extui %lt3A_751 : i1 to i32
      %cond3A_753 = arith.constant 0 : i32
      %cond3A_754 = arith.cmpi ne, %convert_element_type3A_752, %cond3A_753 : i32
      scf.if %cond3A_754 {
        %dma_wait3A_867 = arith.constant 0 : i32
        %dma_wait3A_868 = arith.constant 0 : i32
        %dma_wait3A_869 = tpu.memref_slice %arg3[%dma_wait3A_867, %dma_wait3A_868] : memref<256x128xf32, #tpu.memory_space<hbm>> -> memref<128x128xf32, #tpu.memory_space<hbm>>
        %dma_wait3A_870 = arith.constant 0 : i32
        %dma_wait3A_871 = arith.constant 0 : i32
        %dma_wait3A_872 = tpu.memref_slice %arg3[%dma_wait3A_870, %dma_wait3A_871] : memref<256x128xf32, #tpu.memory_space<hbm>> -> memref<128x128xf32, #tpu.memory_space<hbm>>
        tpu.wait_dma2 semaphore(%arg21 : memref<!tpu.dma_semaphore, #tpu.memory_space<semaphore_mem>>) src(%dma_wait3A_872 : memref<128x128xf32, #tpu.memory_space<hbm>>) dst(%arg10 : memref<128x128xf32, #tpu.memory_space<vmem>>)
        %dma_start3A_873 = arith.constant 0 : i32
        %dma_start3A_874 = tpu.memref_slice %arg8[%add3A_749, %dma_start3A_873] : memref<100x128xi32, #tpu.memory_space<vmem>> -> memref<1x128xi32, #tpu.memory_space<vmem>>
        %dma_start3A_875 = tpu.memref_squeeze %dma_start3A_874 : memref<1x128xi32, #tpu.memory_space<vmem>> -> memref<128xi32, #tpu.memory_space<vmem>>
        %dma_start3A_876 = arith.constant 0 : i32
        %dma_start3A_877 = arith.constant 0 : i32
        %dma_start3A_878 = tpu.memref_slice %arg5[%dma_start3A_876, %dma_start3A_877] : memref<400000x128xf32, #tpu.memory_space<hbm>> -> memref<400000x128xf32, #tpu.memory_space<hbm>>
        tpu.enqueue_indirect_dma source(%dma_start3A_878 : memref<400000x128xf32, #tpu.memory_space<hbm>>) target(%arg11 : memref<128x128xf32, #tpu.memory_space<vmem>>) offsets(%dma_start3A_875 : memref<128xi32, #tpu.memory_space<vmem>>) semaphore(%arg16 : memref<!tpu.dma_semaphore, #tpu.memory_space<semaphore_mem>>)
      } else {
      }
      %mul3A_755 = arith.constant 5 : i32
      %mul3A_756 = arith.muli %mul3A_755, %scan3A_592 : i32
      %add3A_757 = arith.constant 3 : i32
      %add3A_758 = arith.addi %mul3A_756, %add3A_757 : i32
      %dma_wait3A_759 = arith.constant 0 : i32
      %dma_wait3A_760 = arith.constant 0 : i32
      %dma_wait3A_761 = tpu.memref_slice %arg3[%dma_wait3A_759, %dma_wait3A_760] : memref<256x128xf32, #tpu.memory_space<hbm>> -> memref<128x128xf32, #tpu.memory_space<hbm>>
      %dma_wait3A_762 = arith.constant 0 : i32
      %dma_wait3A_763 = arith.constant 0 : i32
      %dma_wait3A_764 = tpu.memref_slice %arg3[%dma_wait3A_762, %dma_wait3A_763] : memref<256x128xf32, #tpu.memory_space<hbm>> -> memref<128x128xf32, #tpu.memory_space<hbm>>
      tpu.wait_dma2 semaphore(%arg18 : memref<!tpu.dma_semaphore, #tpu.memory_space<semaphore_mem>>) src(%dma_wait3A_764 : memref<128x128xf32, #tpu.memory_space<hbm>>) dst(%arg10 : memref<128x128xf32, #tpu.memory_space<vmem>>)
      %rem3A_765 = arith.constant 2 : i32
      %rem3A_766 = arith.remsi %add3A_758, %rem3A_765 : i32
      %dma_start3A_767 = arith.constant 0 : i32
      %dma_start3A_768 = tpu.memref_slice %arg9[%rem3A_766, %dma_start3A_767] : memref<2x128xi32, #tpu.memory_space<vmem>> -> memref<1x128xi32, #tpu.memory_space<vmem>>
      %dma_start3A_769 = tpu.memref_squeeze %dma_start3A_768 : memref<1x128xi32, #tpu.memory_space<vmem>> -> memref<128xi32, #tpu.memory_space<vmem>>
      %dma_start3A_770 = arith.constant 0 : i32
      %dma_start3A_771 = arith.constant 0 : i32
      %dma_start3A_772 = tpu.memref_slice %arg7[%dma_start3A_770, %dma_start3A_771] : memref<4096x128xf32, #tpu.memory_space<vmem_shared>> -> memref<4096x128xf32, #tpu.memory_space<vmem_shared>>
      tpu.enqueue_indirect_dma source(%arg13 : memref<128x128xf32, #tpu.memory_space<vmem>>) target(%dma_start3A_772 : memref<4096x128xf32, #tpu.memory_space<vmem_shared>>) offsets(%dma_start3A_769 : memref<128xi32, #tpu.memory_space<vmem>>) semaphore(%arg23 : memref<!tpu.dma_semaphore, #tpu.memory_space<semaphore_mem>>) {add = true}
      %add3A_773 = arith.constant 5 : i32
      %add3A_774 = arith.addi %add3A_758, %add3A_773 : i32
      %sub3A_775 = arith.constant 1 : i32
      %sub3A_776 = arith.subi %add3A_774, %sub3A_775 : i32
      %rem3A_777 = arith.constant 2 : i32
      %rem3A_778 = arith.remsi %sub3A_776, %rem3A_777 : i32
      %mul3A_779 = arith.constant 50 : i32
      %mul3A_780 = arith.muli %rem3A_778, %mul3A_779 : i32
      %jit3A_781 = arith.constant 2 : i32
      %div3A_782 = arith.divsi %sub3A_776, %jit3A_781 : i32
      %sign3A_783 = arith.constant 0 : i32
      %sign3A_784 = arith.cmpi sgt, %sub3A_776, %sign3A_783 : i32
      %sign3A_785 = arith.extui %sign3A_784 : i1 to i32
      %sign3A_786 = arith.constant 0 : i32
      %sign3A_787 = arith.cmpi slt, %sub3A_776, %sign3A_786 : i32
      %sign3A_788 = arith.extui %sign3A_787 : i1 to i32
      %sign3A_789 = arith.subi %sign3A_785, %sign3A_788 : i32
      %sign3A_790 = arith.constant 0 : i32
      %sign3A_791 = arith.cmpi sgt, %jit3A_781, %sign3A_790 : i32
      %sign3A_792 = arith.extui %sign3A_791 : i1 to i32
      %sign3A_793 = arith.constant 0 : i32
      %sign3A_794 = arith.cmpi slt, %jit3A_781, %sign3A_793 : i32
      %sign3A_795 = arith.extui %sign3A_794 : i1 to i32
      %sign3A_796 = arith.subi %sign3A_792, %sign3A_795 : i32
      %ne3A_797 = arith.cmpi ne, %sign3A_789, %sign3A_796 : i32
      %rem3A_798 = arith.remsi %sub3A_776, %jit3A_781 : i32
      %ne3A_799 = arith.constant 0 : i32
      %ne3A_800 = arith.cmpi ne, %rem3A_798, %ne3A_799 : i32
      %and3A_801 = arith.andi %ne3A_797, %ne3A_800 : i1
      %sub3A_802 = arith.constant 1 : i32
      %sub3A_803 = arith.subi %div3A_782, %sub3A_802 : i32
      %select_n3A_804 = arith.select %and3A_801, %sub3A_803, %div3A_782 : i32
      %add3A_805 = arith.addi %mul3A_780, %select_n3A_804 : i32
      %lt3A_806 = arith.constant 19 : i32
      %lt3A_807 = arith.cmpi slt, %scan3A_592, %lt3A_806 : i32
      %convert_element_type3A_808 = arith.extui %lt3A_807 : i1 to i32
      %cond3A_809 = arith.constant 0 : i32
      %cond3A_810 = arith.cmpi ne, %convert_element_type3A_808, %cond3A_809 : i32
      scf.if %cond3A_810 {
        %dma_wait3A_867 = arith.constant 0 : i32
        %dma_wait3A_868 = arith.constant 0 : i32
        %dma_wait3A_869 = tpu.memref_slice %arg3[%dma_wait3A_867, %dma_wait3A_868] : memref<256x128xf32, #tpu.memory_space<hbm>> -> memref<128x128xf32, #tpu.memory_space<hbm>>
        %dma_wait3A_870 = arith.constant 0 : i32
        %dma_wait3A_871 = arith.constant 0 : i32
        %dma_wait3A_872 = tpu.memref_slice %arg3[%dma_wait3A_870, %dma_wait3A_871] : memref<256x128xf32, #tpu.memory_space<hbm>> -> memref<128x128xf32, #tpu.memory_space<hbm>>
        tpu.wait_dma2 semaphore(%arg22 : memref<!tpu.dma_semaphore, #tpu.memory_space<semaphore_mem>>) src(%dma_wait3A_872 : memref<128x128xf32, #tpu.memory_space<hbm>>) dst(%arg10 : memref<128x128xf32, #tpu.memory_space<vmem>>)
        %dma_start3A_873 = arith.constant 0 : i32
        %dma_start3A_874 = tpu.memref_slice %arg8[%add3A_805, %dma_start3A_873] : memref<100x128xi32, #tpu.memory_space<vmem>> -> memref<1x128xi32, #tpu.memory_space<vmem>>
        %dma_start3A_875 = tpu.memref_squeeze %dma_start3A_874 : memref<1x128xi32, #tpu.memory_space<vmem>> -> memref<128xi32, #tpu.memory_space<vmem>>
        %dma_start3A_876 = arith.constant 0 : i32
        %dma_start3A_877 = arith.constant 0 : i32
        %dma_start3A_878 = tpu.memref_slice %arg5[%dma_start3A_876, %dma_start3A_877] : memref<400000x128xf32, #tpu.memory_space<hbm>> -> memref<400000x128xf32, #tpu.memory_space<hbm>>
        tpu.enqueue_indirect_dma source(%dma_start3A_878 : memref<400000x128xf32, #tpu.memory_space<hbm>>) target(%arg12 : memref<128x128xf32, #tpu.memory_space<vmem>>) offsets(%dma_start3A_875 : memref<128xi32, #tpu.memory_space<vmem>>) semaphore(%arg17 : memref<!tpu.dma_semaphore, #tpu.memory_space<semaphore_mem>>)
      } else {
      }
      %mul3A_811 = arith.constant 5 : i32
      %mul3A_812 = arith.muli %mul3A_811, %scan3A_592 : i32
      %add3A_813 = arith.constant 4 : i32
      %add3A_814 = arith.addi %mul3A_812, %add3A_813 : i32
      %dma_wait3A_815 = arith.constant 0 : i32
      %dma_wait3A_816 = arith.constant 0 : i32
      %dma_wait3A_817 = tpu.memref_slice %arg3[%dma_wait3A_815, %dma_wait3A_816] : memref<256x128xf32, #tpu.memory_space<hbm>> -> memref<128x128xf32, #tpu.memory_space<hbm>>
      %dma_wait3A_818 = arith.constant 0 : i32
      %dma_wait3A_819 = arith.constant 0 : i32
      %dma_wait3A_820 = tpu.memref_slice %arg3[%dma_wait3A_818, %dma_wait3A_819] : memref<256x128xf32, #tpu.memory_space<hbm>> -> memref<128x128xf32, #tpu.memory_space<hbm>>
      tpu.wait_dma2 semaphore(%arg19 : memref<!tpu.dma_semaphore, #tpu.memory_space<semaphore_mem>>) src(%dma_wait3A_820 : memref<128x128xf32, #tpu.memory_space<hbm>>) dst(%arg10 : memref<128x128xf32, #tpu.memory_space<vmem>>)
      %rem3A_821 = arith.constant 2 : i32
      %rem3A_822 = arith.remsi %add3A_814, %rem3A_821 : i32
      %dma_start3A_823 = arith.constant 0 : i32
      %dma_start3A_824 = tpu.memref_slice %arg9[%rem3A_822, %dma_start3A_823] : memref<2x128xi32, #tpu.memory_space<vmem>> -> memref<1x128xi32, #tpu.memory_space<vmem>>
      %dma_start3A_825 = tpu.memref_squeeze %dma_start3A_824 : memref<1x128xi32, #tpu.memory_space<vmem>> -> memref<128xi32, #tpu.memory_space<vmem>>
      %dma_start3A_826 = arith.constant 0 : i32
      %dma_start3A_827 = arith.constant 0 : i32
      %dma_start3A_828 = tpu.memref_slice %arg7[%dma_start3A_826, %dma_start3A_827] : memref<4096x128xf32, #tpu.memory_space<vmem_shared>> -> memref<4096x128xf32, #tpu.memory_space<vmem_shared>>
      tpu.enqueue_indirect_dma source(%arg14 : memref<128x128xf32, #tpu.memory_space<vmem>>) target(%dma_start3A_828 : memref<4096x128xf32, #tpu.memory_space<vmem_shared>>) offsets(%dma_start3A_825 : memref<128xi32, #tpu.memory_space<vmem>>) semaphore(%arg24 : memref<!tpu.dma_semaphore, #tpu.memory_space<semaphore_mem>>) {add = true}
      %add3A_829 = arith.constant 5 : i32
      %add3A_830 = arith.addi %add3A_814, %add3A_829 : i32
      %sub3A_831 = arith.constant 1 : i32
      %sub3A_832 = arith.subi %add3A_830, %sub3A_831 : i32
      %rem3A_833 = arith.constant 2 : i32
      %rem3A_834 = arith.remsi %sub3A_832, %rem3A_833 : i32
      %mul3A_835 = arith.constant 50 : i32
      %mul3A_836 = arith.muli %rem3A_834, %mul3A_835 : i32
      %jit3A_837 = arith.constant 2 : i32
      %div3A_838 = arith.divsi %sub3A_832, %jit3A_837 : i32
      %sign3A_839 = arith.constant 0 : i32
      %sign3A_840 = arith.cmpi sgt, %sub3A_832, %sign3A_839 : i32
      %sign3A_841 = arith.extui %sign3A_840 : i1 to i32
      %sign3A_842 = arith.constant 0 : i32
      %sign3A_843 = arith.cmpi slt, %sub3A_832, %sign3A_842 : i32
      %sign3A_844 = arith.extui %sign3A_843 : i1 to i32
      %sign3A_845 = arith.subi %sign3A_841, %sign3A_844 : i32
      %sign3A_846 = arith.constant 0 : i32
      %sign3A_847 = arith.cmpi sgt, %jit3A_837, %sign3A_846 : i32
      %sign3A_848 = arith.extui %sign3A_847 : i1 to i32
      %sign3A_849 = arith.constant 0 : i32
      %sign3A_850 = arith.cmpi slt, %jit3A_837, %sign3A_849 : i32
      %sign3A_851 = arith.extui %sign3A_850 : i1 to i32
      %sign3A_852 = arith.subi %sign3A_848, %sign3A_851 : i32
      %ne3A_853 = arith.cmpi ne, %sign3A_845, %sign3A_852 : i32
      %rem3A_854 = arith.remsi %sub3A_832, %jit3A_837 : i32
      %ne3A_855 = arith.constant 0 : i32
      %ne3A_856 = arith.cmpi ne, %rem3A_854, %ne3A_855 : i32
      %and3A_857 = arith.andi %ne3A_853, %ne3A_856 : i1
      %sub3A_858 = arith.constant 1 : i32
      %sub3A_859 = arith.subi %div3A_838, %sub3A_858 : i32
      %select_n3A_860 = arith.select %and3A_857, %sub3A_859, %div3A_838 : i32
      %add3A_861 = arith.addi %mul3A_836, %select_n3A_860 : i32
      %lt3A_862 = arith.constant 19 : i32
      %lt3A_863 = arith.cmpi slt, %scan3A_592, %lt3A_862 : i32
      %convert_element_type3A_864 = arith.extui %lt3A_863 : i1 to i32
      %cond3A_865 = arith.constant 0 : i32
      %cond3A_866 = arith.cmpi ne, %convert_element_type3A_864, %cond3A_865 : i32
      scf.if %cond3A_866 {
        %dma_wait3A_867 = arith.constant 0 : i32
        %dma_wait3A_868 = arith.constant 0 : i32
        %dma_wait3A_869 = tpu.memref_slice %arg3[%dma_wait3A_867, %dma_wait3A_868] : memref<256x128xf32, #tpu.memory_space<hbm>> -> memref<128x128xf32, #tpu.memory_space<hbm>>
        %dma_wait3A_870 = arith.constant 0 : i32
        %dma_wait3A_871 = arith.constant 0 : i32
        %dma_wait3A_872 = tpu.memref_slice %arg3[%dma_wait3A_870, %dma_wait3A_871] : memref<256x128xf32, #tpu.memory_space<hbm>> -> memref<128x128xf32, #tpu.memory_space<hbm>>
        tpu.wait_dma2 semaphore(%arg23 : memref<!tpu.dma_semaphore, #tpu.memory_space<semaphore_mem>>) src(%dma_wait3A_872 : memref<128x128xf32, #tpu.memory_space<hbm>>) dst(%arg10 : memref<128x128xf32, #tpu.memory_space<vmem>>)
        %dma_start3A_873 = arith.constant 0 : i32
        %dma_start3A_874 = tpu.memref_slice %arg8[%add3A_861, %dma_start3A_873] : memref<100x128xi32, #tpu.memory_space<vmem>> -> memref<1x128xi32, #tpu.memory_space<vmem>>
        %dma_start3A_875 = tpu.memref_squeeze %dma_start3A_874 : memref<1x128xi32, #tpu.memory_space<vmem>> -> memref<128xi32, #tpu.memory_space<vmem>>
        %dma_start3A_876 = arith.constant 0 : i32
        %dma_start3A_877 = arith.constant 0 : i32
        %dma_start3A_878 = tpu.memref_slice %arg5[%dma_start3A_876, %dma_start3A_877] : memref<400000x128xf32, #tpu.memory_space<hbm>> -> memref<400000x128xf32, #tpu.memory_space<hbm>>
        tpu.enqueue_indirect_dma source(%dma_start3A_878 : memref<400000x128xf32, #tpu.memory_space<hbm>>) target(%arg13 : memref<128x128xf32, #tpu.memory_space<vmem>>) offsets(%dma_start3A_875 : memref<128xi32, #tpu.memory_space<vmem>>) semaphore(%arg18 : memref<!tpu.dma_semaphore, #tpu.memory_space<semaphore_mem>>)
      } else {
      }
    }
    %scan3A_483 = arith.constant 20 : i32
    %dma_wait3A_484 = arith.constant 0 : i32
    %dma_wait3A_485 = arith.constant 0 : i32
    %dma_wait3A_486 = tpu.memref_slice %arg3[%dma_wait3A_484, %dma_wait3A_485] : memref<256x128xf32, #tpu.memory_space<hbm>> -> memref<128x128xf32, #tpu.memory_space<hbm>>
    %dma_wait3A_487 = arith.constant 0 : i32
    %dma_wait3A_488 = arith.constant 0 : i32
    %dma_wait3A_489 = tpu.memref_slice %arg3[%dma_wait3A_487, %dma_wait3A_488] : memref<256x128xf32, #tpu.memory_space<hbm>> -> memref<128x128xf32, #tpu.memory_space<hbm>>
    tpu.wait_dma2 semaphore(%arg20 : memref<!tpu.dma_semaphore, #tpu.memory_space<semaphore_mem>>) src(%dma_wait3A_489 : memref<128x128xf32, #tpu.memory_space<hbm>>) dst(%arg10 : memref<128x128xf32, #tpu.memory_space<vmem>>)
    %dma_wait3A_490 = arith.constant 0 : i32
    %dma_wait3A_491 = arith.constant 0 : i32
    %dma_wait3A_492 = tpu.memref_slice %arg3[%dma_wait3A_490, %dma_wait3A_491] : memref<256x128xf32, #tpu.memory_space<hbm>> -> memref<128x128xf32, #tpu.memory_space<hbm>>
    %dma_wait3A_493 = arith.constant 0 : i32
    %dma_wait3A_494 = arith.constant 0 : i32
    %dma_wait3A_495 = tpu.memref_slice %arg3[%dma_wait3A_493, %dma_wait3A_494] : memref<256x128xf32, #tpu.memory_space<hbm>> -> memref<128x128xf32, #tpu.memory_space<hbm>>
    tpu.wait_dma2 semaphore(%arg21 : memref<!tpu.dma_semaphore, #tpu.memory_space<semaphore_mem>>) src(%dma_wait3A_495 : memref<128x128xf32, #tpu.memory_space<hbm>>) dst(%arg10 : memref<128x128xf32, #tpu.memory_space<vmem>>)
    %dma_wait3A_496 = arith.constant 0 : i32
    %dma_wait3A_497 = arith.constant 0 : i32
    %dma_wait3A_498 = tpu.memref_slice %arg3[%dma_wait3A_496, %dma_wait3A_497] : memref<256x128xf32, #tpu.memory_space<hbm>> -> memref<128x128xf32, #tpu.memory_space<hbm>>
    %dma_wait3A_499 = arith.constant 0 : i32
    %dma_wait3A_500 = arith.constant 0 : i32
    %dma_wait3A_501 = tpu.memref_slice %arg3[%dma_wait3A_499, %dma_wait3A_500] : memref<256x128xf32, #tpu.memory_space<hbm>> -> memref<128x128xf32, #tpu.memory_space<hbm>>
    tpu.wait_dma2 semaphore(%arg22 : memref<!tpu.dma_semaphore, #tpu.memory_space<semaphore_mem>>) src(%dma_wait3A_501 : memref<128x128xf32, #tpu.memory_space<hbm>>) dst(%arg10 : memref<128x128xf32, #tpu.memory_space<vmem>>)
    %dma_wait3A_502 = arith.constant 0 : i32
    %dma_wait3A_503 = arith.constant 0 : i32
    %dma_wait3A_504 = tpu.memref_slice %arg3[%dma_wait3A_502, %dma_wait3A_503] : memref<256x128xf32, #tpu.memory_space<hbm>> -> memref<128x128xf32, #tpu.memory_space<hbm>>
    %dma_wait3A_505 = arith.constant 0 : i32
    %dma_wait3A_506 = arith.constant 0 : i32
    %dma_wait3A_507 = tpu.memref_slice %arg3[%dma_wait3A_505, %dma_wait3A_506] : memref<256x128xf32, #tpu.memory_space<hbm>> -> memref<128x128xf32, #tpu.memory_space<hbm>>
    tpu.wait_dma2 semaphore(%arg23 : memref<!tpu.dma_semaphore, #tpu.memory_space<semaphore_mem>>) src(%dma_wait3A_507 : memref<128x128xf32, #tpu.memory_space<hbm>>) dst(%arg10 : memref<128x128xf32, #tpu.memory_space<vmem>>)
    %dma_wait3A_508 = arith.constant 0 : i32
    %dma_wait3A_509 = arith.constant 0 : i32
    %dma_wait3A_510 = tpu.memref_slice %arg3[%dma_wait3A_508, %dma_wait3A_509] : memref<256x128xf32, #tpu.memory_space<hbm>> -> memref<128x128xf32, #tpu.memory_space<hbm>>
    %dma_wait3A_511 = arith.constant 0 : i32
    %dma_wait3A_512 = arith.constant 0 : i32
    %dma_wait3A_513 = tpu.memref_slice %arg3[%dma_wait3A_511, %dma_wait3A_512] : memref<256x128xf32, #tpu.memory_space<hbm>> -> memref<128x128xf32, #tpu.memory_space<hbm>>
    tpu.wait_dma2 semaphore(%arg24 : memref<!tpu.dma_semaphore, #tpu.memory_space<semaphore_mem>>) src(%dma_wait3A_513 : memref<128x128xf32, #tpu.memory_space<hbm>>) dst(%arg10 : memref<128x128xf32, #tpu.memory_space<vmem>>)
    %add3A_514 = arith.constant 150 : i32
    %add3A_515 = arith.addi %mul3A_303, %add3A_514 : i32
    "tpu.region"() ({
      %run_scoped3A = tpu.sem_alloc : memref<!tpu.dma_semaphore, #tpu.memory_space<semaphore_mem>>
      %dma_start3A_592 = arith.constant 0 : i32
      %dma_start3A_593 = arith.constant 0 : i32
      %dma_start3A_594 = tpu.memref_slice %arg8[%dma_start3A_592, %dma_start3A_593] : memref<100x128xi32, #tpu.memory_space<vmem>> -> memref<50x128xi32, #tpu.memory_space<vmem>>
      %dma_start3A_595 = arith.constant 0 : i32
      %dma_start3A_596 = tpu.memref_slice %arg2[%add3A_515, %dma_start3A_595] : memref<25600x128xi32, #tpu.memory_space<hbm>> -> memref<50x128xi32, #tpu.memory_space<hbm>>
      %dma_start3A_597 = arith.constant 0 : i32
      %dma_start3A_598 = arith.constant 0 : i32
      %dma_start3A_599 = tpu.memref_slice %arg8[%dma_start3A_597, %dma_start3A_598] : memref<100x128xi32, #tpu.memory_space<vmem>> -> memref<50x128xi32, #tpu.memory_space<vmem>>
      %dma_start3A_600 = arith.constant 0 : i32
      %dma_start3A_601 = tpu.memref_slice %arg2[%add3A_515, %dma_start3A_600] : memref<25600x128xi32, #tpu.memory_space<hbm>> -> memref<50x128xi32, #tpu.memory_space<hbm>>
      tpu.enqueue_dma source(%dma_start3A_601 : memref<50x128xi32, #tpu.memory_space<hbm>>) target(%dma_start3A_599 : memref<50x128xi32, #tpu.memory_space<vmem>>) target_semaphore(%run_scoped3A : memref<!tpu.dma_semaphore, #tpu.memory_space<semaphore_mem>>)
      %dma_wait3A_602 = arith.constant 0 : i32
      %dma_wait3A_603 = arith.constant 0 : i32
      %dma_wait3A_604 = tpu.memref_slice %arg8[%dma_wait3A_602, %dma_wait3A_603] : memref<100x128xi32, #tpu.memory_space<vmem>> -> memref<50x128xi32, #tpu.memory_space<vmem>>
      %dma_wait3A_605 = arith.constant 0 : i32
      %dma_wait3A_606 = tpu.memref_slice %arg2[%add3A_515, %dma_wait3A_605] : memref<25600x128xi32, #tpu.memory_space<hbm>> -> memref<50x128xi32, #tpu.memory_space<hbm>>
      %dma_wait3A_607 = arith.constant 0 : i32
      %dma_wait3A_608 = arith.constant 0 : i32
      %dma_wait3A_609 = tpu.memref_slice %arg8[%dma_wait3A_607, %dma_wait3A_608] : memref<100x128xi32, #tpu.memory_space<vmem>> -> memref<50x128xi32, #tpu.memory_space<vmem>>
      %dma_wait3A_610 = arith.constant 0 : i32
      %dma_wait3A_611 = tpu.memref_slice %arg2[%add3A_515, %dma_wait3A_610] : memref<25600x128xi32, #tpu.memory_space<hbm>> -> memref<50x128xi32, #tpu.memory_space<hbm>>
      tpu.wait_dma2 semaphore(%run_scoped3A : memref<!tpu.dma_semaphore, #tpu.memory_space<semaphore_mem>>) src(%dma_wait3A_611 : memref<50x128xi32, #tpu.memory_space<hbm>>) dst(%dma_wait3A_609 : memref<50x128xi32, #tpu.memory_space<vmem>>)
      tpu.yield
    }) : () -> ()
    %add3A_516 = arith.constant 200 : i32
    %add3A_517 = arith.addi %mul3A_303, %add3A_516 : i32
    %add3A_518 = arith.constant 150 : i32
    %add3A_519 = arith.addi %add3A_517, %add3A_518 : i32
    "tpu.region"() ({
      %run_scoped3A = tpu.sem_alloc : memref<!tpu.dma_semaphore, #tpu.memory_space<semaphore_mem>>
      %dma_start3A_592 = arith.constant 50 : i32
      %dma_start3A_593 = arith.constant 0 : i32
      %dma_start3A_594 = tpu.memref_slice %arg8[%dma_start3A_592, %dma_start3A_593] : memref<100x128xi32, #tpu.memory_space<vmem>> -> memref<50x128xi32, #tpu.memory_space<vmem>>
      %dma_start3A_595 = arith.constant 0 : i32
      %dma_start3A_596 = tpu.memref_slice %arg2[%add3A_519, %dma_start3A_595] : memref<25600x128xi32, #tpu.memory_space<hbm>> -> memref<50x128xi32, #tpu.memory_space<hbm>>
      %dma_start3A_597 = arith.constant 50 : i32
      %dma_start3A_598 = arith.constant 0 : i32
      %dma_start3A_599 = tpu.memref_slice %arg8[%dma_start3A_597, %dma_start3A_598] : memref<100x128xi32, #tpu.memory_space<vmem>> -> memref<50x128xi32, #tpu.memory_space<vmem>>
      %dma_start3A_600 = arith.constant 0 : i32
      %dma_start3A_601 = tpu.memref_slice %arg2[%add3A_519, %dma_start3A_600] : memref<25600x128xi32, #tpu.memory_space<hbm>> -> memref<50x128xi32, #tpu.memory_space<hbm>>
      tpu.enqueue_dma source(%dma_start3A_601 : memref<50x128xi32, #tpu.memory_space<hbm>>) target(%dma_start3A_599 : memref<50x128xi32, #tpu.memory_space<vmem>>) target_semaphore(%run_scoped3A : memref<!tpu.dma_semaphore, #tpu.memory_space<semaphore_mem>>)
      %dma_wait3A_602 = arith.constant 50 : i32
      %dma_wait3A_603 = arith.constant 0 : i32
      %dma_wait3A_604 = tpu.memref_slice %arg8[%dma_wait3A_602, %dma_wait3A_603] : memref<100x128xi32, #tpu.memory_space<vmem>> -> memref<50x128xi32, #tpu.memory_space<vmem>>
      %dma_wait3A_605 = arith.constant 0 : i32
      %dma_wait3A_606 = tpu.memref_slice %arg2[%add3A_519, %dma_wait3A_605] : memref<25600x128xi32, #tpu.memory_space<hbm>> -> memref<50x128xi32, #tpu.memory_space<hbm>>
      %dma_wait3A_607 = arith.constant 50 : i32
      %dma_wait3A_608 = arith.constant 0 : i32
      %dma_wait3A_609 = tpu.memref_slice %arg8[%dma_wait3A_607, %dma_wait3A_608] : memref<100x128xi32, #tpu.memory_space<vmem>> -> memref<50x128xi32, #tpu.memory_space<vmem>>
      %dma_wait3A_610 = arith.constant 0 : i32
      %dma_wait3A_611 = tpu.memref_slice %arg2[%add3A_519, %dma_wait3A_610] : memref<25600x128xi32, #tpu.memory_space<hbm>> -> memref<50x128xi32, #tpu.memory_space<hbm>>
      tpu.wait_dma2 semaphore(%run_scoped3A : memref<!tpu.dma_semaphore, #tpu.memory_space<semaphore_mem>>) src(%dma_wait3A_611 : memref<50x128xi32, #tpu.memory_space<hbm>>) dst(%dma_wait3A_609 : memref<50x128xi32, #tpu.memory_space<vmem>>)
      tpu.yield
    }) : () -> ()
    %dma_start3A_520 = arith.constant 0 : i32
    %dma_start3A_521 = arith.constant 0 : i32
    %dma_start3A_522 = tpu.memref_slice %arg8[%dma_start3A_520, %dma_start3A_521] : memref<100x128xi32, #tpu.memory_space<vmem>> -> memref<1x128xi32, #tpu.memory_space<vmem>>
    %dma_start3A_523 = tpu.memref_squeeze %dma_start3A_522 : memref<1x128xi32, #tpu.memory_space<vmem>> -> memref<128xi32, #tpu.memory_space<vmem>>
    %dma_start3A_524 = arith.constant 0 : i32
    %dma_start3A_525 = arith.constant 0 : i32
    %dma_start3A_526 = tpu.memref_slice %arg5[%dma_start3A_524, %dma_start3A_525] : memref<400000x128xf32, #tpu.memory_space<hbm>> -> memref<400000x128xf32, #tpu.memory_space<hbm>>
    tpu.enqueue_indirect_dma source(%dma_start3A_526 : memref<400000x128xf32, #tpu.memory_space<hbm>>) target(%arg10 : memref<128x128xf32, #tpu.memory_space<vmem>>) offsets(%dma_start3A_523 : memref<128xi32, #tpu.memory_space<vmem>>) semaphore(%arg15 : memref<!tpu.dma_semaphore, #tpu.memory_space<semaphore_mem>>)
    %dma_start3A_527 = arith.constant 50 : i32
    %dma_start3A_528 = arith.constant 0 : i32
    %dma_start3A_529 = tpu.memref_slice %arg8[%dma_start3A_527, %dma_start3A_528] : memref<100x128xi32, #tpu.memory_space<vmem>> -> memref<1x128xi32, #tpu.memory_space<vmem>>
    %dma_start3A_530 = tpu.memref_squeeze %dma_start3A_529 : memref<1x128xi32, #tpu.memory_space<vmem>> -> memref<128xi32, #tpu.memory_space<vmem>>
    %dma_start3A_531 = arith.constant 0 : i32
    %dma_start3A_532 = arith.constant 0 : i32
    %dma_start3A_533 = tpu.memref_slice %arg5[%dma_start3A_531, %dma_start3A_532] : memref<400000x128xf32, #tpu.memory_space<hbm>> -> memref<400000x128xf32, #tpu.memory_space<hbm>>
    tpu.enqueue_indirect_dma source(%dma_start3A_533 : memref<400000x128xf32, #tpu.memory_space<hbm>>) target(%arg11 : memref<128x128xf32, #tpu.memory_space<vmem>>) offsets(%dma_start3A_530 : memref<128xi32, #tpu.memory_space<vmem>>) semaphore(%arg16 : memref<!tpu.dma_semaphore, #tpu.memory_space<semaphore_mem>>)
    %dma_start3A_534 = arith.constant 1 : i32
    %dma_start3A_535 = arith.constant 0 : i32
    %dma_start3A_536 = tpu.memref_slice %arg8[%dma_start3A_534, %dma_start3A_535] : memref<100x128xi32, #tpu.memory_space<vmem>> -> memref<1x128xi32, #tpu.memory_space<vmem>>
    %dma_start3A_537 = tpu.memref_squeeze %dma_start3A_536 : memref<1x128xi32, #tpu.memory_space<vmem>> -> memref<128xi32, #tpu.memory_space<vmem>>
    %dma_start3A_538 = arith.constant 0 : i32
    %dma_start3A_539 = arith.constant 0 : i32
    %dma_start3A_540 = tpu.memref_slice %arg5[%dma_start3A_538, %dma_start3A_539] : memref<400000x128xf32, #tpu.memory_space<hbm>> -> memref<400000x128xf32, #tpu.memory_space<hbm>>
    tpu.enqueue_indirect_dma source(%dma_start3A_540 : memref<400000x128xf32, #tpu.memory_space<hbm>>) target(%arg12 : memref<128x128xf32, #tpu.memory_space<vmem>>) offsets(%dma_start3A_537 : memref<128xi32, #tpu.memory_space<vmem>>) semaphore(%arg17 : memref<!tpu.dma_semaphore, #tpu.memory_space<semaphore_mem>>)
    %dma_start3A_541 = arith.constant 51 : i32
    %dma_start3A_542 = arith.constant 0 : i32
    %dma_start3A_543 = tpu.memref_slice %arg8[%dma_start3A_541, %dma_start3A_542] : memref<100x128xi32, #tpu.memory_space<vmem>> -> memref<1x128xi32, #tpu.memory_space<vmem>>
    %dma_start3A_544 = tpu.memref_squeeze %dma_start3A_543 : memref<1x128xi32, #tpu.memory_space<vmem>> -> memref<128xi32, #tpu.memory_space<vmem>>
    %dma_start3A_545 = arith.constant 0 : i32
    %dma_start3A_546 = arith.constant 0 : i32
    %dma_start3A_547 = tpu.memref_slice %arg5[%dma_start3A_545, %dma_start3A_546] : memref<400000x128xf32, #tpu.memory_space<hbm>> -> memref<400000x128xf32, #tpu.memory_space<hbm>>
    tpu.enqueue_indirect_dma source(%dma_start3A_547 : memref<400000x128xf32, #tpu.memory_space<hbm>>) target(%arg13 : memref<128x128xf32, #tpu.memory_space<vmem>>) offsets(%dma_start3A_544 : memref<128xi32, #tpu.memory_space<vmem>>) semaphore(%arg18 : memref<!tpu.dma_semaphore, #tpu.memory_space<semaphore_mem>>)
    %scan3A_548 = arith.constant 0 : i32
    %scan3A_549 = arith.constant 0 : i32
    %scan3A_550 = arith.constant 20 : i32
    %scan3A_551 = arith.addi %scan3A_549, %scan3A_550 : i32
    %scan3A_552 = arith.constant 1 : i32
    scf.for %scan3A_592 = %scan3A_549 to %scan3A_551 step %scan3A_552  : i32 {
      %mul3A_593 = arith.constant 5 : i32
      %mul3A_594 = arith.muli %mul3A_593, %scan3A_592 : i32
      %add3A_595 = arith.constant 0 : i32
      %add3A_596 = arith.addi %mul3A_594, %add3A_595 : i32
      %dma_wait3A_597 = arith.constant 0 : i32
      %dma_wait3A_598 = arith.constant 0 : i32
      %dma_wait3A_599 = tpu.memref_slice %arg3[%dma_wait3A_597, %dma_wait3A_598] : memref<256x128xf32, #tpu.memory_space<hbm>> -> memref<128x128xf32, #tpu.memory_space<hbm>>
      %dma_wait3A_600 = arith.constant 0 : i32
      %dma_wait3A_601 = arith.constant 0 : i32
      %dma_wait3A_602 = tpu.memref_slice %arg3[%dma_wait3A_600, %dma_wait3A_601] : memref<256x128xf32, #tpu.memory_space<hbm>> -> memref<128x128xf32, #tpu.memory_space<hbm>>
      tpu.wait_dma2 semaphore(%arg15 : memref<!tpu.dma_semaphore, #tpu.memory_space<semaphore_mem>>) src(%dma_wait3A_602 : memref<128x128xf32, #tpu.memory_space<hbm>>) dst(%arg10 : memref<128x128xf32, #tpu.memory_space<vmem>>)
      %rem3A = arith.constant 2 : i32
      %rem3A_603 = arith.remsi %add3A_596, %rem3A : i32
      %dma_start3A_604 = arith.constant 0 : i32
      %dma_start3A_605 = tpu.memref_slice %arg9[%rem3A_603, %dma_start3A_604] : memref<2x128xi32, #tpu.memory_space<vmem>> -> memref<1x128xi32, #tpu.memory_space<vmem>>
      %dma_start3A_606 = tpu.memref_squeeze %dma_start3A_605 : memref<1x128xi32, #tpu.memory_space<vmem>> -> memref<128xi32, #tpu.memory_space<vmem>>
      %dma_start3A_607 = arith.constant 0 : i32
      %dma_start3A_608 = arith.constant 0 : i32
      %dma_start3A_609 = tpu.memref_slice %arg7[%dma_start3A_607, %dma_start3A_608] : memref<4096x128xf32, #tpu.memory_space<vmem_shared>> -> memref<4096x128xf32, #tpu.memory_space<vmem_shared>>
      tpu.enqueue_indirect_dma source(%arg10 : memref<128x128xf32, #tpu.memory_space<vmem>>) target(%dma_start3A_609 : memref<4096x128xf32, #tpu.memory_space<vmem_shared>>) offsets(%dma_start3A_606 : memref<128xi32, #tpu.memory_space<vmem>>) semaphore(%arg20 : memref<!tpu.dma_semaphore, #tpu.memory_space<semaphore_mem>>) {add = true}
      %add3A_610 = arith.constant 5 : i32
      %add3A_611 = arith.addi %add3A_596, %add3A_610 : i32
      %sub3A = arith.constant 1 : i32
      %sub3A_612 = arith.subi %add3A_611, %sub3A : i32
      %rem3A_613 = arith.constant 2 : i32
      %rem3A_614 = arith.remsi %sub3A_612, %rem3A_613 : i32
      %mul3A_615 = arith.constant 50 : i32
      %mul3A_616 = arith.muli %rem3A_614, %mul3A_615 : i32
      %jit3A = arith.constant 2 : i32
      %div3A = arith.divsi %sub3A_612, %jit3A : i32
      %sign3A = arith.constant 0 : i32
      %sign3A_617 = arith.cmpi sgt, %sub3A_612, %sign3A : i32
      %sign3A_618 = arith.extui %sign3A_617 : i1 to i32
      %sign3A_619 = arith.constant 0 : i32
      %sign3A_620 = arith.cmpi slt, %sub3A_612, %sign3A_619 : i32
      %sign3A_621 = arith.extui %sign3A_620 : i1 to i32
      %sign3A_622 = arith.subi %sign3A_618, %sign3A_621 : i32
      %sign3A_623 = arith.constant 0 : i32
      %sign3A_624 = arith.cmpi sgt, %jit3A, %sign3A_623 : i32
      %sign3A_625 = arith.extui %sign3A_624 : i1 to i32
      %sign3A_626 = arith.constant 0 : i32
      %sign3A_627 = arith.cmpi slt, %jit3A, %sign3A_626 : i32
      %sign3A_628 = arith.extui %sign3A_627 : i1 to i32
      %sign3A_629 = arith.subi %sign3A_625, %sign3A_628 : i32
      %ne3A = arith.cmpi ne, %sign3A_622, %sign3A_629 : i32
      %rem3A_630 = arith.remsi %sub3A_612, %jit3A : i32
      %ne3A_631 = arith.constant 0 : i32
      %ne3A_632 = arith.cmpi ne, %rem3A_630, %ne3A_631 : i32
      %and3A = arith.andi %ne3A, %ne3A_632 : i1
      %sub3A_633 = arith.constant 1 : i32
      %sub3A_634 = arith.subi %div3A, %sub3A_633 : i32
      %select_n3A = arith.select %and3A, %sub3A_634, %div3A : i32
      %add3A_635 = arith.addi %mul3A_616, %select_n3A : i32
      %gt3A = arith.constant 0 : i32
      %gt3A_636 = arith.cmpi sgt, %scan3A_592, %gt3A : i32
      %convert_element_type3A = arith.extui %gt3A_636 : i1 to i32
      %cond3A = arith.constant 0 : i32
      %cond3A_637 = arith.cmpi ne, %convert_element_type3A, %cond3A : i32
      scf.if %cond3A_637 {
        %dma_wait3A_867 = arith.constant 0 : i32
        %dma_wait3A_868 = arith.constant 0 : i32
        %dma_wait3A_869 = tpu.memref_slice %arg3[%dma_wait3A_867, %dma_wait3A_868] : memref<256x128xf32, #tpu.memory_space<hbm>> -> memref<128x128xf32, #tpu.memory_space<hbm>>
        %dma_wait3A_870 = arith.constant 0 : i32
        %dma_wait3A_871 = arith.constant 0 : i32
        %dma_wait3A_872 = tpu.memref_slice %arg3[%dma_wait3A_870, %dma_wait3A_871] : memref<256x128xf32, #tpu.memory_space<hbm>> -> memref<128x128xf32, #tpu.memory_space<hbm>>
        tpu.wait_dma2 semaphore(%arg24 : memref<!tpu.dma_semaphore, #tpu.memory_space<semaphore_mem>>) src(%dma_wait3A_872 : memref<128x128xf32, #tpu.memory_space<hbm>>) dst(%arg10 : memref<128x128xf32, #tpu.memory_space<vmem>>)
      } else {
      }
      %dma_start3A_638 = arith.constant 0 : i32
      %dma_start3A_639 = tpu.memref_slice %arg8[%add3A_635, %dma_start3A_638] : memref<100x128xi32, #tpu.memory_space<vmem>> -> memref<1x128xi32, #tpu.memory_space<vmem>>
      %dma_start3A_640 = tpu.memref_squeeze %dma_start3A_639 : memref<1x128xi32, #tpu.memory_space<vmem>> -> memref<128xi32, #tpu.memory_space<vmem>>
      %dma_start3A_641 = arith.constant 0 : i32
      %dma_start3A_642 = arith.constant 0 : i32
      %dma_start3A_643 = tpu.memref_slice %arg5[%dma_start3A_641, %dma_start3A_642] : memref<400000x128xf32, #tpu.memory_space<hbm>> -> memref<400000x128xf32, #tpu.memory_space<hbm>>
      tpu.enqueue_indirect_dma source(%dma_start3A_643 : memref<400000x128xf32, #tpu.memory_space<hbm>>) target(%arg14 : memref<128x128xf32, #tpu.memory_space<vmem>>) offsets(%dma_start3A_640 : memref<128xi32, #tpu.memory_space<vmem>>) semaphore(%arg19 : memref<!tpu.dma_semaphore, #tpu.memory_space<semaphore_mem>>)
      %mul3A_644 = arith.constant 5 : i32
      %mul3A_645 = arith.muli %mul3A_644, %scan3A_592 : i32
      %add3A_646 = arith.constant 1 : i32
      %add3A_647 = arith.addi %mul3A_645, %add3A_646 : i32
      %dma_wait3A_648 = arith.constant 0 : i32
      %dma_wait3A_649 = arith.constant 0 : i32
      %dma_wait3A_650 = tpu.memref_slice %arg3[%dma_wait3A_648, %dma_wait3A_649] : memref<256x128xf32, #tpu.memory_space<hbm>> -> memref<128x128xf32, #tpu.memory_space<hbm>>
      %dma_wait3A_651 = arith.constant 0 : i32
      %dma_wait3A_652 = arith.constant 0 : i32
      %dma_wait3A_653 = tpu.memref_slice %arg3[%dma_wait3A_651, %dma_wait3A_652] : memref<256x128xf32, #tpu.memory_space<hbm>> -> memref<128x128xf32, #tpu.memory_space<hbm>>
      tpu.wait_dma2 semaphore(%arg16 : memref<!tpu.dma_semaphore, #tpu.memory_space<semaphore_mem>>) src(%dma_wait3A_653 : memref<128x128xf32, #tpu.memory_space<hbm>>) dst(%arg10 : memref<128x128xf32, #tpu.memory_space<vmem>>)
      %rem3A_654 = arith.constant 2 : i32
      %rem3A_655 = arith.remsi %add3A_647, %rem3A_654 : i32
      %dma_start3A_656 = arith.constant 0 : i32
      %dma_start3A_657 = tpu.memref_slice %arg9[%rem3A_655, %dma_start3A_656] : memref<2x128xi32, #tpu.memory_space<vmem>> -> memref<1x128xi32, #tpu.memory_space<vmem>>
      %dma_start3A_658 = tpu.memref_squeeze %dma_start3A_657 : memref<1x128xi32, #tpu.memory_space<vmem>> -> memref<128xi32, #tpu.memory_space<vmem>>
      %dma_start3A_659 = arith.constant 0 : i32
      %dma_start3A_660 = arith.constant 0 : i32
      %dma_start3A_661 = tpu.memref_slice %arg7[%dma_start3A_659, %dma_start3A_660] : memref<4096x128xf32, #tpu.memory_space<vmem_shared>> -> memref<4096x128xf32, #tpu.memory_space<vmem_shared>>
      tpu.enqueue_indirect_dma source(%arg11 : memref<128x128xf32, #tpu.memory_space<vmem>>) target(%dma_start3A_661 : memref<4096x128xf32, #tpu.memory_space<vmem_shared>>) offsets(%dma_start3A_658 : memref<128xi32, #tpu.memory_space<vmem>>) semaphore(%arg21 : memref<!tpu.dma_semaphore, #tpu.memory_space<semaphore_mem>>) {add = true}
      %add3A_662 = arith.constant 5 : i32
      %add3A_663 = arith.addi %add3A_647, %add3A_662 : i32
      %sub3A_664 = arith.constant 1 : i32
      %sub3A_665 = arith.subi %add3A_663, %sub3A_664 : i32
      %rem3A_666 = arith.constant 2 : i32
      %rem3A_667 = arith.remsi %sub3A_665, %rem3A_666 : i32
      %mul3A_668 = arith.constant 50 : i32
      %mul3A_669 = arith.muli %rem3A_667, %mul3A_668 : i32
      %jit3A_670 = arith.constant 2 : i32
      %div3A_671 = arith.divsi %sub3A_665, %jit3A_670 : i32
      %sign3A_672 = arith.constant 0 : i32
      %sign3A_673 = arith.cmpi sgt, %sub3A_665, %sign3A_672 : i32
      %sign3A_674 = arith.extui %sign3A_673 : i1 to i32
      %sign3A_675 = arith.constant 0 : i32
      %sign3A_676 = arith.cmpi slt, %sub3A_665, %sign3A_675 : i32
      %sign3A_677 = arith.extui %sign3A_676 : i1 to i32
      %sign3A_678 = arith.subi %sign3A_674, %sign3A_677 : i32
      %sign3A_679 = arith.constant 0 : i32
      %sign3A_680 = arith.cmpi sgt, %jit3A_670, %sign3A_679 : i32
      %sign3A_681 = arith.extui %sign3A_680 : i1 to i32
      %sign3A_682 = arith.constant 0 : i32
      %sign3A_683 = arith.cmpi slt, %jit3A_670, %sign3A_682 : i32
      %sign3A_684 = arith.extui %sign3A_683 : i1 to i32
      %sign3A_685 = arith.subi %sign3A_681, %sign3A_684 : i32
      %ne3A_686 = arith.cmpi ne, %sign3A_678, %sign3A_685 : i32
      %rem3A_687 = arith.remsi %sub3A_665, %jit3A_670 : i32
      %ne3A_688 = arith.constant 0 : i32
      %ne3A_689 = arith.cmpi ne, %rem3A_687, %ne3A_688 : i32
      %and3A_690 = arith.andi %ne3A_686, %ne3A_689 : i1
      %sub3A_691 = arith.constant 1 : i32
      %sub3A_692 = arith.subi %div3A_671, %sub3A_691 : i32
      %select_n3A_693 = arith.select %and3A_690, %sub3A_692, %div3A_671 : i32
      %add3A_694 = arith.addi %mul3A_669, %select_n3A_693 : i32
      %lt3A = arith.constant 19 : i32
      %lt3A_695 = arith.cmpi slt, %scan3A_592, %lt3A : i32
      %convert_element_type3A_696 = arith.extui %lt3A_695 : i1 to i32
      %cond3A_697 = arith.constant 0 : i32
      %cond3A_698 = arith.cmpi ne, %convert_element_type3A_696, %cond3A_697 : i32
      scf.if %cond3A_698 {
        %dma_wait3A_867 = arith.constant 0 : i32
        %dma_wait3A_868 = arith.constant 0 : i32
        %dma_wait3A_869 = tpu.memref_slice %arg3[%dma_wait3A_867, %dma_wait3A_868] : memref<256x128xf32, #tpu.memory_space<hbm>> -> memref<128x128xf32, #tpu.memory_space<hbm>>
        %dma_wait3A_870 = arith.constant 0 : i32
        %dma_wait3A_871 = arith.constant 0 : i32
        %dma_wait3A_872 = tpu.memref_slice %arg3[%dma_wait3A_870, %dma_wait3A_871] : memref<256x128xf32, #tpu.memory_space<hbm>> -> memref<128x128xf32, #tpu.memory_space<hbm>>
        tpu.wait_dma2 semaphore(%arg20 : memref<!tpu.dma_semaphore, #tpu.memory_space<semaphore_mem>>) src(%dma_wait3A_872 : memref<128x128xf32, #tpu.memory_space<hbm>>) dst(%arg10 : memref<128x128xf32, #tpu.memory_space<vmem>>)
        %dma_start3A_873 = arith.constant 0 : i32
        %dma_start3A_874 = tpu.memref_slice %arg8[%add3A_694, %dma_start3A_873] : memref<100x128xi32, #tpu.memory_space<vmem>> -> memref<1x128xi32, #tpu.memory_space<vmem>>
        %dma_start3A_875 = tpu.memref_squeeze %dma_start3A_874 : memref<1x128xi32, #tpu.memory_space<vmem>> -> memref<128xi32, #tpu.memory_space<vmem>>
        %dma_start3A_876 = arith.constant 0 : i32
        %dma_start3A_877 = arith.constant 0 : i32
        %dma_start3A_878 = tpu.memref_slice %arg5[%dma_start3A_876, %dma_start3A_877] : memref<400000x128xf32, #tpu.memory_space<hbm>> -> memref<400000x128xf32, #tpu.memory_space<hbm>>
        tpu.enqueue_indirect_dma source(%dma_start3A_878 : memref<400000x128xf32, #tpu.memory_space<hbm>>) target(%arg10 : memref<128x128xf32, #tpu.memory_space<vmem>>) offsets(%dma_start3A_875 : memref<128xi32, #tpu.memory_space<vmem>>) semaphore(%arg15 : memref<!tpu.dma_semaphore, #tpu.memory_space<semaphore_mem>>)
      } else {
      }
      %mul3A_699 = arith.constant 5 : i32
      %mul3A_700 = arith.muli %mul3A_699, %scan3A_592 : i32
      %add3A_701 = arith.constant 2 : i32
      %add3A_702 = arith.addi %mul3A_700, %add3A_701 : i32
      %dma_wait3A_703 = arith.constant 0 : i32
      %dma_wait3A_704 = arith.constant 0 : i32
      %dma_wait3A_705 = tpu.memref_slice %arg3[%dma_wait3A_703, %dma_wait3A_704] : memref<256x128xf32, #tpu.memory_space<hbm>> -> memref<128x128xf32, #tpu.memory_space<hbm>>
      %dma_wait3A_706 = arith.constant 0 : i32
      %dma_wait3A_707 = arith.constant 0 : i32
      %dma_wait3A_708 = tpu.memref_slice %arg3[%dma_wait3A_706, %dma_wait3A_707] : memref<256x128xf32, #tpu.memory_space<hbm>> -> memref<128x128xf32, #tpu.memory_space<hbm>>
      tpu.wait_dma2 semaphore(%arg17 : memref<!tpu.dma_semaphore, #tpu.memory_space<semaphore_mem>>) src(%dma_wait3A_708 : memref<128x128xf32, #tpu.memory_space<hbm>>) dst(%arg10 : memref<128x128xf32, #tpu.memory_space<vmem>>)
      %rem3A_709 = arith.constant 2 : i32
      %rem3A_710 = arith.remsi %add3A_702, %rem3A_709 : i32
      %dma_start3A_711 = arith.constant 0 : i32
      %dma_start3A_712 = tpu.memref_slice %arg9[%rem3A_710, %dma_start3A_711] : memref<2x128xi32, #tpu.memory_space<vmem>> -> memref<1x128xi32, #tpu.memory_space<vmem>>
      %dma_start3A_713 = tpu.memref_squeeze %dma_start3A_712 : memref<1x128xi32, #tpu.memory_space<vmem>> -> memref<128xi32, #tpu.memory_space<vmem>>
      %dma_start3A_714 = arith.constant 0 : i32
      %dma_start3A_715 = arith.constant 0 : i32
      %dma_start3A_716 = tpu.memref_slice %arg7[%dma_start3A_714, %dma_start3A_715] : memref<4096x128xf32, #tpu.memory_space<vmem_shared>> -> memref<4096x128xf32, #tpu.memory_space<vmem_shared>>
      tpu.enqueue_indirect_dma source(%arg12 : memref<128x128xf32, #tpu.memory_space<vmem>>) target(%dma_start3A_716 : memref<4096x128xf32, #tpu.memory_space<vmem_shared>>) offsets(%dma_start3A_713 : memref<128xi32, #tpu.memory_space<vmem>>) semaphore(%arg22 : memref<!tpu.dma_semaphore, #tpu.memory_space<semaphore_mem>>) {add = true}
      %add3A_717 = arith.constant 5 : i32
      %add3A_718 = arith.addi %add3A_702, %add3A_717 : i32
      %sub3A_719 = arith.constant 1 : i32
      %sub3A_720 = arith.subi %add3A_718, %sub3A_719 : i32
      %rem3A_721 = arith.constant 2 : i32
      %rem3A_722 = arith.remsi %sub3A_720, %rem3A_721 : i32
      %mul3A_723 = arith.constant 50 : i32
      %mul3A_724 = arith.muli %rem3A_722, %mul3A_723 : i32
      %jit3A_725 = arith.constant 2 : i32
      %div3A_726 = arith.divsi %sub3A_720, %jit3A_725 : i32
      %sign3A_727 = arith.constant 0 : i32
      %sign3A_728 = arith.cmpi sgt, %sub3A_720, %sign3A_727 : i32
      %sign3A_729 = arith.extui %sign3A_728 : i1 to i32
      %sign3A_730 = arith.constant 0 : i32
      %sign3A_731 = arith.cmpi slt, %sub3A_720, %sign3A_730 : i32
      %sign3A_732 = arith.extui %sign3A_731 : i1 to i32
      %sign3A_733 = arith.subi %sign3A_729, %sign3A_732 : i32
      %sign3A_734 = arith.constant 0 : i32
      %sign3A_735 = arith.cmpi sgt, %jit3A_725, %sign3A_734 : i32
      %sign3A_736 = arith.extui %sign3A_735 : i1 to i32
      %sign3A_737 = arith.constant 0 : i32
      %sign3A_738 = arith.cmpi slt, %jit3A_725, %sign3A_737 : i32
      %sign3A_739 = arith.extui %sign3A_738 : i1 to i32
      %sign3A_740 = arith.subi %sign3A_736, %sign3A_739 : i32
      %ne3A_741 = arith.cmpi ne, %sign3A_733, %sign3A_740 : i32
      %rem3A_742 = arith.remsi %sub3A_720, %jit3A_725 : i32
      %ne3A_743 = arith.constant 0 : i32
      %ne3A_744 = arith.cmpi ne, %rem3A_742, %ne3A_743 : i32
      %and3A_745 = arith.andi %ne3A_741, %ne3A_744 : i1
      %sub3A_746 = arith.constant 1 : i32
      %sub3A_747 = arith.subi %div3A_726, %sub3A_746 : i32
      %select_n3A_748 = arith.select %and3A_745, %sub3A_747, %div3A_726 : i32
      %add3A_749 = arith.addi %mul3A_724, %select_n3A_748 : i32
      %lt3A_750 = arith.constant 19 : i32
      %lt3A_751 = arith.cmpi slt, %scan3A_592, %lt3A_750 : i32
      %convert_element_type3A_752 = arith.extui %lt3A_751 : i1 to i32
      %cond3A_753 = arith.constant 0 : i32
      %cond3A_754 = arith.cmpi ne, %convert_element_type3A_752, %cond3A_753 : i32
      scf.if %cond3A_754 {
        %dma_wait3A_867 = arith.constant 0 : i32
        %dma_wait3A_868 = arith.constant 0 : i32
        %dma_wait3A_869 = tpu.memref_slice %arg3[%dma_wait3A_867, %dma_wait3A_868] : memref<256x128xf32, #tpu.memory_space<hbm>> -> memref<128x128xf32, #tpu.memory_space<hbm>>
        %dma_wait3A_870 = arith.constant 0 : i32
        %dma_wait3A_871 = arith.constant 0 : i32
        %dma_wait3A_872 = tpu.memref_slice %arg3[%dma_wait3A_870, %dma_wait3A_871] : memref<256x128xf32, #tpu.memory_space<hbm>> -> memref<128x128xf32, #tpu.memory_space<hbm>>
        tpu.wait_dma2 semaphore(%arg21 : memref<!tpu.dma_semaphore, #tpu.memory_space<semaphore_mem>>) src(%dma_wait3A_872 : memref<128x128xf32, #tpu.memory_space<hbm>>) dst(%arg10 : memref<128x128xf32, #tpu.memory_space<vmem>>)
        %dma_start3A_873 = arith.constant 0 : i32
        %dma_start3A_874 = tpu.memref_slice %arg8[%add3A_749, %dma_start3A_873] : memref<100x128xi32, #tpu.memory_space<vmem>> -> memref<1x128xi32, #tpu.memory_space<vmem>>
        %dma_start3A_875 = tpu.memref_squeeze %dma_start3A_874 : memref<1x128xi32, #tpu.memory_space<vmem>> -> memref<128xi32, #tpu.memory_space<vmem>>
        %dma_start3A_876 = arith.constant 0 : i32
        %dma_start3A_877 = arith.constant 0 : i32
        %dma_start3A_878 = tpu.memref_slice %arg5[%dma_start3A_876, %dma_start3A_877] : memref<400000x128xf32, #tpu.memory_space<hbm>> -> memref<400000x128xf32, #tpu.memory_space<hbm>>
        tpu.enqueue_indirect_dma source(%dma_start3A_878 : memref<400000x128xf32, #tpu.memory_space<hbm>>) target(%arg11 : memref<128x128xf32, #tpu.memory_space<vmem>>) offsets(%dma_start3A_875 : memref<128xi32, #tpu.memory_space<vmem>>) semaphore(%arg16 : memref<!tpu.dma_semaphore, #tpu.memory_space<semaphore_mem>>)
      } else {
      }
      %mul3A_755 = arith.constant 5 : i32
      %mul3A_756 = arith.muli %mul3A_755, %scan3A_592 : i32
      %add3A_757 = arith.constant 3 : i32
      %add3A_758 = arith.addi %mul3A_756, %add3A_757 : i32
      %dma_wait3A_759 = arith.constant 0 : i32
      %dma_wait3A_760 = arith.constant 0 : i32
      %dma_wait3A_761 = tpu.memref_slice %arg3[%dma_wait3A_759, %dma_wait3A_760] : memref<256x128xf32, #tpu.memory_space<hbm>> -> memref<128x128xf32, #tpu.memory_space<hbm>>
      %dma_wait3A_762 = arith.constant 0 : i32
      %dma_wait3A_763 = arith.constant 0 : i32
      %dma_wait3A_764 = tpu.memref_slice %arg3[%dma_wait3A_762, %dma_wait3A_763] : memref<256x128xf32, #tpu.memory_space<hbm>> -> memref<128x128xf32, #tpu.memory_space<hbm>>
      tpu.wait_dma2 semaphore(%arg18 : memref<!tpu.dma_semaphore, #tpu.memory_space<semaphore_mem>>) src(%dma_wait3A_764 : memref<128x128xf32, #tpu.memory_space<hbm>>) dst(%arg10 : memref<128x128xf32, #tpu.memory_space<vmem>>)
      %rem3A_765 = arith.constant 2 : i32
      %rem3A_766 = arith.remsi %add3A_758, %rem3A_765 : i32
      %dma_start3A_767 = arith.constant 0 : i32
      %dma_start3A_768 = tpu.memref_slice %arg9[%rem3A_766, %dma_start3A_767] : memref<2x128xi32, #tpu.memory_space<vmem>> -> memref<1x128xi32, #tpu.memory_space<vmem>>
      %dma_start3A_769 = tpu.memref_squeeze %dma_start3A_768 : memref<1x128xi32, #tpu.memory_space<vmem>> -> memref<128xi32, #tpu.memory_space<vmem>>
      %dma_start3A_770 = arith.constant 0 : i32
      %dma_start3A_771 = arith.constant 0 : i32
      %dma_start3A_772 = tpu.memref_slice %arg7[%dma_start3A_770, %dma_start3A_771] : memref<4096x128xf32, #tpu.memory_space<vmem_shared>> -> memref<4096x128xf32, #tpu.memory_space<vmem_shared>>
      tpu.enqueue_indirect_dma source(%arg13 : memref<128x128xf32, #tpu.memory_space<vmem>>) target(%dma_start3A_772 : memref<4096x128xf32, #tpu.memory_space<vmem_shared>>) offsets(%dma_start3A_769 : memref<128xi32, #tpu.memory_space<vmem>>) semaphore(%arg23 : memref<!tpu.dma_semaphore, #tpu.memory_space<semaphore_mem>>) {add = true}
      %add3A_773 = arith.constant 5 : i32
      %add3A_774 = arith.addi %add3A_758, %add3A_773 : i32
      %sub3A_775 = arith.constant 1 : i32
      %sub3A_776 = arith.subi %add3A_774, %sub3A_775 : i32
      %rem3A_777 = arith.constant 2 : i32
      %rem3A_778 = arith.remsi %sub3A_776, %rem3A_777 : i32
      %mul3A_779 = arith.constant 50 : i32
      %mul3A_780 = arith.muli %rem3A_778, %mul3A_779 : i32
      %jit3A_781 = arith.constant 2 : i32
      %div3A_782 = arith.divsi %sub3A_776, %jit3A_781 : i32
      %sign3A_783 = arith.constant 0 : i32
      %sign3A_784 = arith.cmpi sgt, %sub3A_776, %sign3A_783 : i32
      %sign3A_785 = arith.extui %sign3A_784 : i1 to i32
      %sign3A_786 = arith.constant 0 : i32
      %sign3A_787 = arith.cmpi slt, %sub3A_776, %sign3A_786 : i32
      %sign3A_788 = arith.extui %sign3A_787 : i1 to i32
      %sign3A_789 = arith.subi %sign3A_785, %sign3A_788 : i32
      %sign3A_790 = arith.constant 0 : i32
      %sign3A_791 = arith.cmpi sgt, %jit3A_781, %sign3A_790 : i32
      %sign3A_792 = arith.extui %sign3A_791 : i1 to i32
      %sign3A_793 = arith.constant 0 : i32
      %sign3A_794 = arith.cmpi slt, %jit3A_781, %sign3A_793 : i32
      %sign3A_795 = arith.extui %sign3A_794 : i1 to i32
      %sign3A_796 = arith.subi %sign3A_792, %sign3A_795 : i32
      %ne3A_797 = arith.cmpi ne, %sign3A_789, %sign3A_796 : i32
      %rem3A_798 = arith.remsi %sub3A_776, %jit3A_781 : i32
      %ne3A_799 = arith.constant 0 : i32
      %ne3A_800 = arith.cmpi ne, %rem3A_798, %ne3A_799 : i32
      %and3A_801 = arith.andi %ne3A_797, %ne3A_800 : i1
      %sub3A_802 = arith.constant 1 : i32
      %sub3A_803 = arith.subi %div3A_782, %sub3A_802 : i32
      %select_n3A_804 = arith.select %and3A_801, %sub3A_803, %div3A_782 : i32
      %add3A_805 = arith.addi %mul3A_780, %select_n3A_804 : i32
      %lt3A_806 = arith.constant 19 : i32
      %lt3A_807 = arith.cmpi slt, %scan3A_592, %lt3A_806 : i32
      %convert_element_type3A_808 = arith.extui %lt3A_807 : i1 to i32
      %cond3A_809 = arith.constant 0 : i32
      %cond3A_810 = arith.cmpi ne, %convert_element_type3A_808, %cond3A_809 : i32
      scf.if %cond3A_810 {
        %dma_wait3A_867 = arith.constant 0 : i32
        %dma_wait3A_868 = arith.constant 0 : i32
        %dma_wait3A_869 = tpu.memref_slice %arg3[%dma_wait3A_867, %dma_wait3A_868] : memref<256x128xf32, #tpu.memory_space<hbm>> -> memref<128x128xf32, #tpu.memory_space<hbm>>
        %dma_wait3A_870 = arith.constant 0 : i32
        %dma_wait3A_871 = arith.constant 0 : i32
        %dma_wait3A_872 = tpu.memref_slice %arg3[%dma_wait3A_870, %dma_wait3A_871] : memref<256x128xf32, #tpu.memory_space<hbm>> -> memref<128x128xf32, #tpu.memory_space<hbm>>
        tpu.wait_dma2 semaphore(%arg22 : memref<!tpu.dma_semaphore, #tpu.memory_space<semaphore_mem>>) src(%dma_wait3A_872 : memref<128x128xf32, #tpu.memory_space<hbm>>) dst(%arg10 : memref<128x128xf32, #tpu.memory_space<vmem>>)
        %dma_start3A_873 = arith.constant 0 : i32
        %dma_start3A_874 = tpu.memref_slice %arg8[%add3A_805, %dma_start3A_873] : memref<100x128xi32, #tpu.memory_space<vmem>> -> memref<1x128xi32, #tpu.memory_space<vmem>>
        %dma_start3A_875 = tpu.memref_squeeze %dma_start3A_874 : memref<1x128xi32, #tpu.memory_space<vmem>> -> memref<128xi32, #tpu.memory_space<vmem>>
        %dma_start3A_876 = arith.constant 0 : i32
        %dma_start3A_877 = arith.constant 0 : i32
        %dma_start3A_878 = tpu.memref_slice %arg5[%dma_start3A_876, %dma_start3A_877] : memref<400000x128xf32, #tpu.memory_space<hbm>> -> memref<400000x128xf32, #tpu.memory_space<hbm>>
        tpu.enqueue_indirect_dma source(%dma_start3A_878 : memref<400000x128xf32, #tpu.memory_space<hbm>>) target(%arg12 : memref<128x128xf32, #tpu.memory_space<vmem>>) offsets(%dma_start3A_875 : memref<128xi32, #tpu.memory_space<vmem>>) semaphore(%arg17 : memref<!tpu.dma_semaphore, #tpu.memory_space<semaphore_mem>>)
      } else {
      }
      %mul3A_811 = arith.constant 5 : i32
      %mul3A_812 = arith.muli %mul3A_811, %scan3A_592 : i32
      %add3A_813 = arith.constant 4 : i32
      %add3A_814 = arith.addi %mul3A_812, %add3A_813 : i32
      %dma_wait3A_815 = arith.constant 0 : i32
      %dma_wait3A_816 = arith.constant 0 : i32
      %dma_wait3A_817 = tpu.memref_slice %arg3[%dma_wait3A_815, %dma_wait3A_816] : memref<256x128xf32, #tpu.memory_space<hbm>> -> memref<128x128xf32, #tpu.memory_space<hbm>>
      %dma_wait3A_818 = arith.constant 0 : i32
      %dma_wait3A_819 = arith.constant 0 : i32
      %dma_wait3A_820 = tpu.memref_slice %arg3[%dma_wait3A_818, %dma_wait3A_819] : memref<256x128xf32, #tpu.memory_space<hbm>> -> memref<128x128xf32, #tpu.memory_space<hbm>>
      tpu.wait_dma2 semaphore(%arg19 : memref<!tpu.dma_semaphore, #tpu.memory_space<semaphore_mem>>) src(%dma_wait3A_820 : memref<128x128xf32, #tpu.memory_space<hbm>>) dst(%arg10 : memref<128x128xf32, #tpu.memory_space<vmem>>)
      %rem3A_821 = arith.constant 2 : i32
      %rem3A_822 = arith.remsi %add3A_814, %rem3A_821 : i32
      %dma_start3A_823 = arith.constant 0 : i32
      %dma_start3A_824 = tpu.memref_slice %arg9[%rem3A_822, %dma_start3A_823] : memref<2x128xi32, #tpu.memory_space<vmem>> -> memref<1x128xi32, #tpu.memory_space<vmem>>
      %dma_start3A_825 = tpu.memref_squeeze %dma_start3A_824 : memref<1x128xi32, #tpu.memory_space<vmem>> -> memref<128xi32, #tpu.memory_space<vmem>>
      %dma_start3A_826 = arith.constant 0 : i32
      %dma_start3A_827 = arith.constant 0 : i32
      %dma_start3A_828 = tpu.memref_slice %arg7[%dma_start3A_826, %dma_start3A_827] : memref<4096x128xf32, #tpu.memory_space<vmem_shared>> -> memref<4096x128xf32, #tpu.memory_space<vmem_shared>>
      tpu.enqueue_indirect_dma source(%arg14 : memref<128x128xf32, #tpu.memory_space<vmem>>) target(%dma_start3A_828 : memref<4096x128xf32, #tpu.memory_space<vmem_shared>>) offsets(%dma_start3A_825 : memref<128xi32, #tpu.memory_space<vmem>>) semaphore(%arg24 : memref<!tpu.dma_semaphore, #tpu.memory_space<semaphore_mem>>) {add = true}
      %add3A_829 = arith.constant 5 : i32
      %add3A_830 = arith.addi %add3A_814, %add3A_829 : i32
      %sub3A_831 = arith.constant 1 : i32
      %sub3A_832 = arith.subi %add3A_830, %sub3A_831 : i32
      %rem3A_833 = arith.constant 2 : i32
      %rem3A_834 = arith.remsi %sub3A_832, %rem3A_833 : i32
      %mul3A_835 = arith.constant 50 : i32
      %mul3A_836 = arith.muli %rem3A_834, %mul3A_835 : i32
      %jit3A_837 = arith.constant 2 : i32
      %div3A_838 = arith.divsi %sub3A_832, %jit3A_837 : i32
      %sign3A_839 = arith.constant 0 : i32
      %sign3A_840 = arith.cmpi sgt, %sub3A_832, %sign3A_839 : i32
      %sign3A_841 = arith.extui %sign3A_840 : i1 to i32
      %sign3A_842 = arith.constant 0 : i32
      %sign3A_843 = arith.cmpi slt, %sub3A_832, %sign3A_842 : i32
      %sign3A_844 = arith.extui %sign3A_843 : i1 to i32
      %sign3A_845 = arith.subi %sign3A_841, %sign3A_844 : i32
      %sign3A_846 = arith.constant 0 : i32
      %sign3A_847 = arith.cmpi sgt, %jit3A_837, %sign3A_846 : i32
      %sign3A_848 = arith.extui %sign3A_847 : i1 to i32
      %sign3A_849 = arith.constant 0 : i32
      %sign3A_850 = arith.cmpi slt, %jit3A_837, %sign3A_849 : i32
      %sign3A_851 = arith.extui %sign3A_850 : i1 to i32
      %sign3A_852 = arith.subi %sign3A_848, %sign3A_851 : i32
      %ne3A_853 = arith.cmpi ne, %sign3A_845, %sign3A_852 : i32
      %rem3A_854 = arith.remsi %sub3A_832, %jit3A_837 : i32
      %ne3A_855 = arith.constant 0 : i32
      %ne3A_856 = arith.cmpi ne, %rem3A_854, %ne3A_855 : i32
      %and3A_857 = arith.andi %ne3A_853, %ne3A_856 : i1
      %sub3A_858 = arith.constant 1 : i32
      %sub3A_859 = arith.subi %div3A_838, %sub3A_858 : i32
      %select_n3A_860 = arith.select %and3A_857, %sub3A_859, %div3A_838 : i32
      %add3A_861 = arith.addi %mul3A_836, %select_n3A_860 : i32
      %lt3A_862 = arith.constant 19 : i32
      %lt3A_863 = arith.cmpi slt, %scan3A_592, %lt3A_862 : i32
      %convert_element_type3A_864 = arith.extui %lt3A_863 : i1 to i32
      %cond3A_865 = arith.constant 0 : i32
      %cond3A_866 = arith.cmpi ne, %convert_element_type3A_864, %cond3A_865 : i32
      scf.if %cond3A_866 {
        %dma_wait3A_867 = arith.constant 0 : i32
        %dma_wait3A_868 = arith.constant 0 : i32
        %dma_wait3A_869 = tpu.memref_slice %arg3[%dma_wait3A_867, %dma_wait3A_868] : memref<256x128xf32, #tpu.memory_space<hbm>> -> memref<128x128xf32, #tpu.memory_space<hbm>>
        %dma_wait3A_870 = arith.constant 0 : i32
        %dma_wait3A_871 = arith.constant 0 : i32
        %dma_wait3A_872 = tpu.memref_slice %arg3[%dma_wait3A_870, %dma_wait3A_871] : memref<256x128xf32, #tpu.memory_space<hbm>> -> memref<128x128xf32, #tpu.memory_space<hbm>>
        tpu.wait_dma2 semaphore(%arg23 : memref<!tpu.dma_semaphore, #tpu.memory_space<semaphore_mem>>) src(%dma_wait3A_872 : memref<128x128xf32, #tpu.memory_space<hbm>>) dst(%arg10 : memref<128x128xf32, #tpu.memory_space<vmem>>)
        %dma_start3A_873 = arith.constant 0 : i32
        %dma_start3A_874 = tpu.memref_slice %arg8[%add3A_861, %dma_start3A_873] : memref<100x128xi32, #tpu.memory_space<vmem>> -> memref<1x128xi32, #tpu.memory_space<vmem>>
        %dma_start3A_875 = tpu.memref_squeeze %dma_start3A_874 : memref<1x128xi32, #tpu.memory_space<vmem>> -> memref<128xi32, #tpu.memory_space<vmem>>
        %dma_start3A_876 = arith.constant 0 : i32
        %dma_start3A_877 = arith.constant 0 : i32
        %dma_start3A_878 = tpu.memref_slice %arg5[%dma_start3A_876, %dma_start3A_877] : memref<400000x128xf32, #tpu.memory_space<hbm>> -> memref<400000x128xf32, #tpu.memory_space<hbm>>
        tpu.enqueue_indirect_dma source(%dma_start3A_878 : memref<400000x128xf32, #tpu.memory_space<hbm>>) target(%arg13 : memref<128x128xf32, #tpu.memory_space<vmem>>) offsets(%dma_start3A_875 : memref<128xi32, #tpu.memory_space<vmem>>) semaphore(%arg18 : memref<!tpu.dma_semaphore, #tpu.memory_space<semaphore_mem>>)
      } else {
      }
    }
    %scan3A_553 = arith.constant 20 : i32
    %dma_wait3A_554 = arith.constant 0 : i32
    %dma_wait3A_555 = arith.constant 0 : i32
    %dma_wait3A_556 = tpu.memref_slice %arg3[%dma_wait3A_554, %dma_wait3A_555] : memref<256x128xf32, #tpu.memory_space<hbm>> -> memref<128x128xf32, #tpu.memory_space<hbm>>
    %dma_wait3A_557 = arith.constant 0 : i32
    %dma_wait3A_558 = arith.constant 0 : i32
    %dma_wait3A_559 = tpu.memref_slice %arg3[%dma_wait3A_557, %dma_wait3A_558] : memref<256x128xf32, #tpu.memory_space<hbm>> -> memref<128x128xf32, #tpu.memory_space<hbm>>
    tpu.wait_dma2 semaphore(%arg20 : memref<!tpu.dma_semaphore, #tpu.memory_space<semaphore_mem>>) src(%dma_wait3A_559 : memref<128x128xf32, #tpu.memory_space<hbm>>) dst(%arg10 : memref<128x128xf32, #tpu.memory_space<vmem>>)
    %dma_wait3A_560 = arith.constant 0 : i32
    %dma_wait3A_561 = arith.constant 0 : i32
    %dma_wait3A_562 = tpu.memref_slice %arg3[%dma_wait3A_560, %dma_wait3A_561] : memref<256x128xf32, #tpu.memory_space<hbm>> -> memref<128x128xf32, #tpu.memory_space<hbm>>
    %dma_wait3A_563 = arith.constant 0 : i32
    %dma_wait3A_564 = arith.constant 0 : i32
    %dma_wait3A_565 = tpu.memref_slice %arg3[%dma_wait3A_563, %dma_wait3A_564] : memref<256x128xf32, #tpu.memory_space<hbm>> -> memref<128x128xf32, #tpu.memory_space<hbm>>
    tpu.wait_dma2 semaphore(%arg21 : memref<!tpu.dma_semaphore, #tpu.memory_space<semaphore_mem>>) src(%dma_wait3A_565 : memref<128x128xf32, #tpu.memory_space<hbm>>) dst(%arg10 : memref<128x128xf32, #tpu.memory_space<vmem>>)
    %dma_wait3A_566 = arith.constant 0 : i32
    %dma_wait3A_567 = arith.constant 0 : i32
    %dma_wait3A_568 = tpu.memref_slice %arg3[%dma_wait3A_566, %dma_wait3A_567] : memref<256x128xf32, #tpu.memory_space<hbm>> -> memref<128x128xf32, #tpu.memory_space<hbm>>
    %dma_wait3A_569 = arith.constant 0 : i32
    %dma_wait3A_570 = arith.constant 0 : i32
    %dma_wait3A_571 = tpu.memref_slice %arg3[%dma_wait3A_569, %dma_wait3A_570] : memref<256x128xf32, #tpu.memory_space<hbm>> -> memref<128x128xf32, #tpu.memory_space<hbm>>
    tpu.wait_dma2 semaphore(%arg22 : memref<!tpu.dma_semaphore, #tpu.memory_space<semaphore_mem>>) src(%dma_wait3A_571 : memref<128x128xf32, #tpu.memory_space<hbm>>) dst(%arg10 : memref<128x128xf32, #tpu.memory_space<vmem>>)
    %dma_wait3A_572 = arith.constant 0 : i32
    %dma_wait3A_573 = arith.constant 0 : i32
    %dma_wait3A_574 = tpu.memref_slice %arg3[%dma_wait3A_572, %dma_wait3A_573] : memref<256x128xf32, #tpu.memory_space<hbm>> -> memref<128x128xf32, #tpu.memory_space<hbm>>
    %dma_wait3A_575 = arith.constant 0 : i32
    %dma_wait3A_576 = arith.constant 0 : i32
    %dma_wait3A_577 = tpu.memref_slice %arg3[%dma_wait3A_575, %dma_wait3A_576] : memref<256x128xf32, #tpu.memory_space<hbm>> -> memref<128x128xf32, #tpu.memory_space<hbm>>
    tpu.wait_dma2 semaphore(%arg23 : memref<!tpu.dma_semaphore, #tpu.memory_space<semaphore_mem>>) src(%dma_wait3A_577 : memref<128x128xf32, #tpu.memory_space<hbm>>) dst(%arg10 : memref<128x128xf32, #tpu.memory_space<vmem>>)
    %dma_wait3A_578 = arith.constant 0 : i32
    %dma_wait3A_579 = arith.constant 0 : i32
    %dma_wait3A_580 = tpu.memref_slice %arg3[%dma_wait3A_578, %dma_wait3A_579] : memref<256x128xf32, #tpu.memory_space<hbm>> -> memref<128x128xf32, #tpu.memory_space<hbm>>
    %dma_wait3A_581 = arith.constant 0 : i32
    %dma_wait3A_582 = arith.constant 0 : i32
    %dma_wait3A_583 = tpu.memref_slice %arg3[%dma_wait3A_581, %dma_wait3A_582] : memref<256x128xf32, #tpu.memory_space<hbm>> -> memref<128x128xf32, #tpu.memory_space<hbm>>
    tpu.wait_dma2 semaphore(%arg24 : memref<!tpu.dma_semaphore, #tpu.memory_space<semaphore_mem>>) src(%dma_wait3A_583 : memref<128x128xf32, #tpu.memory_space<hbm>>) dst(%arg10 : memref<128x128xf32, #tpu.memory_space<vmem>>)
    %mul3A_584 = arith.constant 256 : i32
    %mul3A_585 = arith.muli %arg1, %mul3A_584 : i32
    %mul3A_586 = arith.constant 4 : i32
    %mul3A_587 = arith.muli %add3A, %mul3A_586 : i32
    %mul3A_588 = arith.constant 128 : i32
    %mul3A_589 = arith.muli %mul3A_587, %mul3A_588 : i32
    %add3A_590 = arith.constant 256 : i32
    %add3A_591 = arith.addi %mul3A_589, %add3A_590 : i32
    "tpu.region"() ({
      %run_scoped3A = tpu.sem_alloc : memref<!tpu.dma_semaphore, #tpu.memory_space<semaphore_mem>>
      %dma_start3A_592 = arith.constant 0 : i32
      %dma_start3A_593 = tpu.memref_slice %arg6[%add3A_591, %dma_start3A_592] : memref<16384x128xf32, #tpu.memory_space<hbm>> -> memref<256x128xf32, #tpu.memory_space<hbm>>
      %dma_start3A_594 = arith.constant 0 : i32
      %dma_start3A_595 = tpu.memref_slice %arg7[%mul3A_585, %dma_start3A_594] : memref<4096x128xf32, #tpu.memory_space<vmem_shared>> -> memref<256x128xf32, #tpu.memory_space<vmem_shared>>
      tpu.enqueue_dma source(%dma_start3A_595 : memref<256x128xf32, #tpu.memory_space<vmem_shared>>) target(%dma_start3A_593 : memref<256x128xf32, #tpu.memory_space<hbm>>) target_semaphore(%run_scoped3A : memref<!tpu.dma_semaphore, #tpu.memory_space<semaphore_mem>>)
      %dma_wait3A_596 = arith.constant 0 : i32
      %dma_wait3A_597 = tpu.memref_slice %arg6[%add3A_591, %dma_wait3A_596] : memref<16384x128xf32, #tpu.memory_space<hbm>> -> memref<256x128xf32, #tpu.memory_space<hbm>>
      %dma_wait3A_598 = arith.constant 0 : i32
      %dma_wait3A_599 = tpu.memref_slice %arg7[%mul3A_585, %dma_wait3A_598] : memref<4096x128xf32, #tpu.memory_space<vmem_shared>> -> memref<256x128xf32, #tpu.memory_space<vmem_shared>>
      tpu.wait_dma2 semaphore(%run_scoped3A : memref<!tpu.dma_semaphore, #tpu.memory_space<semaphore_mem>>) src(%dma_wait3A_599 : memref<256x128xf32, #tpu.memory_space<vmem_shared>>) dst(%dma_wait3A_597 : memref<256x128xf32, #tpu.memory_space<hbm>>)
      tpu.yield
    }) : () -> ()
    return
  }
}

module attributes {stable_mosaic.version = 14 : i64} {
  func.func @_mlp_body(%arg0: i32, %arg1: memref<2048x128xf32, #tpu.memory_space<vmem>>, %arg2: memref<128x128xf32, #tpu.memory_space<vmem>>, %arg3: memref<1x128xf32, #tpu.memory_space<vmem>>, %arg4: memref<128x4xf32, #tpu.memory_space<vmem>>, %arg5: memref<1x4xf32, #tpu.memory_space<vmem>>, %arg6: memref<2048x4xf32, #tpu.memory_space<vmem>>) attributes {dimension_semantics = [#tpu.dimension_semantics<arbitrary>], iteration_bounds = array<i64: 8>, scalar_prefetch = 0 : i64, scratch_operands = 0 : i64, tpu.core_type = #tpu.core_type<tc>, window_params = [{transform_indices = @transform_0, window_bounds = array<i64: 2048, 128>}, {pipeline_mode = #tpu.pipeline_mode<synchronous>, transform_indices = @transform_1, window_bounds = array<i64: 128, 128>}, {pipeline_mode = #tpu.pipeline_mode<synchronous>, transform_indices = @transform_2, window_bounds = array<i64: 1, 128>}, {pipeline_mode = #tpu.pipeline_mode<synchronous>, transform_indices = @transform_3, window_bounds = array<i64: 128, 4>}, {pipeline_mode = #tpu.pipeline_mode<synchronous>, transform_indices = @transform_4, window_bounds = array<i64: 1, 4>}, {transform_indices = @transform_5, window_bounds = array<i64: 2048, 4>}]} {
    %get3A = arith.constant 0 : index
    %get3A_0 = arith.constant 0 : index
    %get3A_1 = vector.load %arg1[%get3A, %get3A_0] : memref<2048x128xf32, #tpu.memory_space<vmem>>, vector<2048x128xf32>
    %mul3A = arith.constant 5.000000e-03 : f32
    %mul3A_2 = vector.broadcast %mul3A : f32 to vector<2048x128xf32>
    %mul3A_3 = arith.mulf %get3A_1, %mul3A_2 : vector<2048x128xf32>
    %get3A_4 = arith.constant 0 : index
    %get3A_5 = arith.constant 0 : index
    %get3A_6 = vector.load %arg2[%get3A_4, %get3A_5] : memref<128x128xf32, #tpu.memory_space<vmem>>, vector<128x128xf32>
    %dot_general3A = arith.constant dense<0.000000e+00> : vector<2048x128xf32>
    %dot_general3A_7 = tpu.matmul %mul3A_3, %get3A_6, %dot_general3A {dimension_numbers = #tpu.dot_dimension_numbers<[1], [0], [0], [1], [0, 0, 1, 1], [], []>, precision = #tpu.contract_precision<fp32>, transpose_lhs_hint = false} : vector<2048x128xf32>, vector<128x128xf32>, vector<2048x128xf32> -> vector<2048x128xf32>
    %get3A_8 = arith.constant 0 : index
    %get3A_9 = arith.constant 0 : index
    %get3A_10 = vector.load %arg3[%get3A_8, %get3A_9] : memref<1x128xf32, #tpu.memory_space<vmem>>, vector<1x128xf32>
    %add3A = vector.broadcast %get3A_10 : vector<1x128xf32> to vector<2048x128xf32>
    %add3A_11 = arith.addf %dot_general3A_7, %add3A : vector<2048x128xf32>
    %max3A = arith.constant 0.000000e+00 : f32
    %max3A_12 = vector.broadcast %max3A : f32 to vector<2048x128xf32>
    %max3A_13 = arith.maximumf %add3A_11, %max3A_12 : vector<2048x128xf32>
    %get3A_14 = arith.constant 0 : index
    %get3A_15 = arith.constant 0 : index
    %get3A_16 = vector.load %arg4[%get3A_14, %get3A_15] : memref<128x4xf32, #tpu.memory_space<vmem>>, vector<128x4xf32>
    %dot_general3A_17 = arith.constant dense<0.000000e+00> : vector<2048x4xf32>
    %dot_general3A_18 = tpu.matmul %max3A_13, %get3A_16, %dot_general3A_17 {dimension_numbers = #tpu.dot_dimension_numbers<[1], [0], [0], [1], [0, 0, 1, 1], [], []>, precision = #tpu.contract_precision<fp32>, transpose_lhs_hint = false} : vector<2048x128xf32>, vector<128x4xf32>, vector<2048x4xf32> -> vector<2048x4xf32>
    %get3A_19 = arith.constant 0 : index
    %get3A_20 = arith.constant 0 : index
    %get3A_21 = vector.load %arg5[%get3A_19, %get3A_20] : memref<1x4xf32, #tpu.memory_space<vmem>>, vector<1x4xf32>
    %add3A_22 = vector.broadcast %get3A_21 : vector<1x4xf32> to vector<2048x4xf32>
    %add3A_23 = arith.addf %dot_general3A_18, %add3A_22 : vector<2048x4xf32>
    %swap3A = arith.constant 0 : index
    %swap3A_24 = arith.constant 0 : index
    %swap3A_25 = vector.load %arg6[%swap3A, %swap3A_24] : memref<2048x4xf32, #tpu.memory_space<vmem>>, vector<2048x4xf32>
    tpu.vector_store %arg6[%swap3A, %swap3A_24], %add3A_23 {strides = array<i32>} : memref<2048x4xf32, #tpu.memory_space<vmem>>, vector<2048x4xf32>,
    return
  }
  func.func @transform_0(%arg0: i32) -> (i32, i32) {
    %c0_i32 = arith.constant 0 : i32
    %c0_i32_0 = arith.constant 0 : i32
    return %arg0, %c0_i32 : i32, i32
  }
  func.func @transform_1(%arg0: i32) -> (i32, i32) {
    %c0_i32 = arith.constant 0 : i32
    %c0_i32_0 = arith.constant 0 : i32
    %c0_i32_1 = arith.constant 0 : i32
    return %c0_i32, %c0_i32_0 : i32, i32
  }
  func.func @transform_2(%arg0: i32) -> (i32, i32) {
    %c0_i32 = arith.constant 0 : i32
    %c0_i32_0 = arith.constant 0 : i32
    %c0_i32_1 = arith.constant 0 : i32
    return %c0_i32, %c0_i32_0 : i32, i32
  }
  func.func @transform_3(%arg0: i32) -> (i32, i32) {
    %c0_i32 = arith.constant 0 : i32
    %c0_i32_0 = arith.constant 0 : i32
    %c0_i32_1 = arith.constant 0 : i32
    return %c0_i32, %c0_i32_0 : i32, i32
  }
  func.func @transform_4(%arg0: i32) -> (i32, i32) {
    %c0_i32 = arith.constant 0 : i32
    %c0_i32_0 = arith.constant 0 : i32
    %c0_i32_1 = arith.constant 0 : i32
    return %c0_i32, %c0_i32_0 : i32, i32
  }
  func.func @transform_5(%arg0: i32) -> (i32, i32) {
    %c0_i32 = arith.constant 0 : i32
    %c0_i32_0 = arith.constant 0 : i32
    return %arg0, %c0_i32 : i32, i32
  }
}

</mosaic_0001>

<sc_bundles>
// kernel: kernel.4.cloned.1.call-start
scs
__scs_entry_jumppad:
0x0: {  	(pc) =	sbr.rel $0x88, $3  }
0x1: {  	(tag) =	ssettag $0x0;
	lr =	simm.s32 $0x1  }
0x2: {  	[smem:$0x3F9B] =	sst lr;
	_ =	strace $0xD0000000  }
0x3: {  	_ = 	snop  }
0x4: {  	_ = 	snop  }
0x5: {  	_ = 	snop  }
0x6: {  	_ = 	snop  }
0x7: {  	_ = 	snop  }
__scs_overlays_trampoline_lowered:
0x8: {  	[smem:$0x3FAA] =	sst s0  }
0x9: {  	[smem:$0x3FAB] =	sst s1  }
0xa: {  	[smem:$0x3FAC] =	sst s2  }
0xb: {  	[smem:$0x3FAD] =	sst s3  }
0xc: {  	[smem:$0x3FAE] =	sst s4  }
0xd: {  	[smem:$0x3FAF] =	sst s5  }
0xe: {  	[smem:$0x3FB0] =	sst s6  }
0xf: {  	[smem:$0x3FB1] =	sst s7  }
0x10: {  	[smem:$0x3FB2] =	sst s8  }
0x11: {  	[smem:$0x3FB3] =	sst s9;
	s0 =	simm.s32 @!p0 $0x0  }
0x12: {  	s1 =	sld [smem:$0x3F99];
	s0 =	simm.s32 @p0 $0x1  }
0x13: {  	[smem:$0x3FB4] =	sst s0;
	s0 =	simm.s32 @!p1 $0x0  }
0x14: {  	s2 =	sld [smem:$0x3F98];
	s0 =	simm.s32 @p1 $0x1  }
0x15: {  	[smem:$0x3FB5] =	sst s0;
	s0 =	simm.s32 @!p2 $0x0  }
0x16: {  	s3 =	sld [smem:$0x3FDB];
	s0 =	simm.s32 @p2 $0x1  }
0x17: {  	s4 =	simm.s32 $0x1BF5;
	[smem:$0x3FB7] =	sst s0  }
0x18: {  	s0 =	sld [smem:$0x3F9A];
	_ =	swait.ge [sflag:s4], $0x0  }
0x19: {  	s7 =	sld [smem:$0x3F9B]  }
0x1a: {  	s8 =	sadd.s32 $0xFFFFE003, lr  }
0x1b: {  	s9 =	sadd.s32 $0xFFFFFEF7, lr;
	s5 =	simm.s32 $0xFFFFFFFF;
	p2 =	slt.u32 s8, $0xFFFFF086  }
0x1c: {  	p1 =	slt.u32 s9, $0xF7A;
	s5 =	simm.s32 @!p2 $0x0  }
0x1d: {  	s5 =	simm.s32 @p1 $0x1;
	p0 =	seq.s32 s7, s2  }
0x1e: {  	s7 =	smul.u32 @!p0 $0xF7A, s2;
	p2 =	seq.s32 @!p0 s5, $0x0  }
0x1f: {  	s9 =	smul.u32 $0xF7A, s1;
	s8 =	simm.s32 @!p0 $0x1BF5;
	p2 =	por !p2, p0  }
0x20: {  	[sflag:s8] =	ssyncset.s32 @!p0 $0xFFFFF086;
	s6 =	sadd.s32 @!p0 s3, s7;
	s7 =	simm.s32 @!p0 $0x108  }
0x21: {  	s3 =	sadd.s32 s3, s9;
	s6 =	sadd.s32 @!p0 $0x88, s6;
	s7 =	simm.s32 @p2 $0x1082  }
0x22: {  	[simem:s7], [sflag:s8] =	dma.local @!p0 [hbm:s6], $0xF7A  }
0x23: {  	s9 =	sor.u32 $0xD0000000, s2;
	s6 =	simm.s32 $0x108;
	_ =	swait.ge @!p0 [sflag:s8], $0x0  }
0x24: {  	s3 =	sadd.s32 $0x88, s3;
	s6 =	simm.s32 @!p1 $0x1082;
	[sflag:s4] =	ssyncset.s32 $0xFFFFF086  }
0x25: {  	[simem:s6], [sflag:s4] =	dma.local [hbm:s3], $0xF7A  }
0x26: {  	[smem:$0x3F9B] =	sst s1;
	(tag) =	ssettag s2;
	_ =	strace s9  }
0x27: {  	s1 =	sld [smem:$0x3FAB]  }
0x28: {  	s2 =	sld [smem:$0x3FAC]  }
0x29: {  	s4 =	sld [smem:$0x3FAE]  }
0x2a: {  	p0 =	seq.s32 s5, $0x0;
	s5 =	sld [smem:$0x3FAF]  }
0x2b: {  	s6 =	sld [smem:$0x3FB0]  }
0x2c: {  	s7 =	sld [smem:$0x3FB1]  }
0x2d: {  	s3 =	simm.s32 $0x108;
	s8 =	sld [smem:$0x3FB2]  }
0x2e: {  	s3 =	simm.s32 @!p0 $0x1082;
	s9 =	sld [smem:$0x3FB3]  }
0x2f: {  	lr =	sadd.s32 s0, s3;
	s0 =	sld [smem:$0x3FAA]  }
0x30: {  	s3 =	sld [smem:$0x3FAD]  }
0x31: {  	[smem:$0x3FB6] =	sst s10  }
0x32: {  	s10 =	sld [smem:$0x3FB4];
	_ =	sdelay $0x3  }
0x33: {  	p0 =	seq.s32 s10, $0x1;
	s10 =	sld [smem:$0x3FB6];
	_ =	sdelay $0x3  }
0x34: {  	[smem:$0x3FB6] =	sst s10  }
0x35: {  	s10 =	sld [smem:$0x3FB5];
	_ =	sdelay $0x3  }
0x36: {  	p1 =	seq.s32 s10, $0x1;
	s10 =	sld [smem:$0x3FB6];
	_ =	sdelay $0x3  }
0x37: {  	[smem:$0x3FB6] =	sst s10  }
0x38: {  	s10 =	sld [smem:$0x3FB7]  }
0x39: {  	_ = 	snop;
	(pc) =	sbr.ind lr, $3  }
0x3a: {  	_ = 	snop  }
0x3b: {  	_ = 	snop  }
0x3c: {  	p2 =	seq.s32 s10, $0x1;
	s10 =	sld [smem:$0x3FB6]  }
0x3d: {  	_ =	shalt  }
0x3e: {  	_ =	shalt  }
0x3f: {  	_ =	shalt  }
0x40: {  	_ =	shalt  }
0x41: {  	_ =	shalt  }
0x42: {  	_ =	shalt  }
0x43: {  	_ =	shalt  }
0x44: {  	_ =	shalt  }
0x45: {  	_ =	shalt  }
0x46: {  	_ =	shalt  }
0x47: {  	_ =	shalt  }
0x48: {  	_ =	shalt  }
0x49: {  	_ =	shalt  }
0x4a: {  	_ =	shalt  }
0x4b: {  	_ =	shalt  }
0x4c: {  	_ =	shalt  }
0x4d: {  	_ =	shalt  }
0x4e: {  	_ =	shalt  }
0x4f: {  	_ =	shalt  }
0x50: {  	_ =	shalt  }
0x51: {  	_ =	shalt  }
0x52: {  	_ =	shalt  }
0x53: {  	_ =	shalt  }
0x54: {  	_ =	shalt  }
0x55: {  	_ =	shalt  }
0x56: {  	_ =	shalt  }
0x57: {  	_ =	shalt  }
0x58: {  	_ =	shalt  }
0x59: {  	_ =	shalt  }
0x5a: {  	_ =	shalt  }
0x5b: {  	_ =	shalt  }
0x5c: {  	_ =	shalt  }
0x5d: {  	_ =	shalt  }
0x5e: {  	_ =	shalt  }
0x5f: {  	_ =	shalt  }
0x60: {  	_ =	shalt  }
0x61: {  	_ =	shalt  }
0x62: {  	_ =	shalt  }
0x63: {  	_ =	shalt  }
0x64: {  	_ =	shalt  }
0x65: {  	_ =	shalt  }
0x66: {  	_ =	shalt  }
0x67: {  	_ =	shalt  }
0x68: {  	_ =	shalt  }
0x69: {  	_ =	shalt  }
0x6a: {  	_ =	shalt  }
0x6b: {  	_ =	shalt  }
0x6c: {  	_ =	shalt  }
0x6d: {  	_ =	shalt  }
0x6e: {  	_ =	shalt  }
0x6f: {  	_ =	shalt  }
0x70: {  	_ =	shalt  }
0x71: {  	_ =	shalt  }
0x72: {  	_ =	shalt  }
0x73: {  	_ =	shalt  }
0x74: {  	_ =	shalt  }
0x75: {  	_ =	shalt  }
0x76: {  	_ =	shalt  }
0x77: {  	_ =	shalt  }
0x78: {  	_ =	shalt  }
0x79: {  	_ =	shalt  }
0x7a: {  	_ =	shalt  }
0x7b: {  	_ =	shalt  }
0x7c: {  	_ =	shalt  }
0x7d: {  	_ =	shalt  }
0x7e: {  	_ =	shalt  }
0x7f: {  	_ =	shalt  }
0x80: {  	_ =	shalt  }
0x81: {  	_ =	shalt  }
0x82: {  	_ =	shalt  }
0x83: {  	_ =	shalt  }
0x84: {  	_ =	shalt  }
0x85: {  	_ =	shalt  }
0x86: {  	_ =	shalt  }
0x87: {  	_ =	shalt  }
.Lfunc_end0:
.L_simem_size_0:
called_computation_lowered:
.L_overlay_start_0:
0x88: {  	s2 =	sld [smem:$0x3FD9]  }
0x89: {  	s3 =	sld [smem:$0x3FFE];
	_ =	sdelay $0x1  }
0x8a: {  	s1 =	srdreg.scid  }
0x8b: {  	s0 =	sand.u32 $0x1, s1  }
0x8c: {  	s17 =	sshll.u32 s0, $0xA;
	s2 =	sadd.s32 s3, s2  }
0x8d: {  	s2 =	sadd.s32 s2, s17  }
0x8e: {  	[smem:$0x3FC2] =	sst s2  }
0x8f: {  	_ = 	snop  }
0x90: {  	s2 =	sld [smem:$0x3FD0];
	(tm) =	ssettm $0x1  }
0x91: {  	s18 =	sld [smem:$0x3FFB];
	_ =	sdelay $0x3  }
0x92: {  	_ =	strace s18  }
0x93: {  	s3 =	sld [smem:$0x3FFC];
	_ =	sdelay $0x3  }
0x94: {  	_ =	strace s3  }
0x95: {  	s3 =	sld [smem:$0x3FFD];
	_ =	sdelay $0x3  }
0x96: {  	_ =	strace s3  }
0x97: {  	_ =	strace $0x8FFFFFFF  }
0x98: {  	s19 =	sld [smem:$0x3FDB];
	_ =	sdelay $0x1  }
0x99: {  	s4 =	simm.s32 $_scs_section_size  }
0x9a: {  	s5 =	simm.s32 $_size__tile_overlayer_lowered;
	s6 =	simm.s32 $_tile_overlayer_lowered  }
0x9b: {  	s22 =	simm.s32 $0x1BFF;
	s21 =	sshll.u32 s6, $0x1;
	s3 =	sadd.s32 s4, s19  }
0x9c: {  	s7 =	simm.s32 $0x0;
	s20 =	sshll.u32 s5, $0x1;
	s5 =	sadd.s32 s21, s3  }
0x9d: {  	[timem:s7], [sflag:s22] =	dma.local [hbm:s5], s20  }
0x9e: {  	_ =	swait.ge [sflag:s22], s20  }
0x9f: {  	s4 =	ssub.s32 $0x0, s20;
	[sflag:s22] =	ssyncset.done $0x0  }
0xa0: {  	[sflag:s22] =	ssyncadd.s32 s4;
	_ =	sdelay $0x1  }
0xa1: {  	s23 =	simm.s32 $0x1B8B  }
0xa2: {  	_ =	swait.ge [sflag:s23], $0x1  }
0xa3: {  	[sflag:s23] =	ssyncset.done $0x0  }
0xa4: {  	s25 =	simm.s32 $0x1B8E;
	s24 =	sld [smem:$0x3FFE];
	[sflag:s23] =	ssyncadd.s32 $0xFFFFFFFF  }
0xa5: {  	s26 =	simm.s32 $execute0_lowered;
	[smem:$0x3FD2] =	sst s25  }
0xa6: {  	s5 =	sshll.u32 s26, $0x1;
	_ =	strace $0x80000046;
	[dreg:$0x1] =	wrdreg $0xFFFFFFFF  }
0xa7: {  	s28 =	simm.s32 $_size_execute0_lowered;
	s3 =	sadd.s32 s3, s5;
	[dreg:$0x0] =	wrdreg $0x0  }
0xa8: {  	s5 =	sshll.u32 s28, $0x1;
	[dreg:$0x2] =	wrdreg s3  }
0xa9: {  	[dreg:$0x3] =	wrdreg s5  }
0xaa: {  	[dreg:$0x4] =	wrdreg $0xC0  }
0xab: {  	_ =	task [dreg:s7], $0x5FFFF  }
0xac: {  	[dreg:$0x1] =	wrdreg $0xFFFFFFFF  }
0xad: {  	[dreg:$0x0] =	wrdreg $0x60  }
0xae: {  	[dreg:$0x2] =	wrdreg s24  }
0xaf: {  	[dreg:$0x3] =	wrdreg s2  }
0xb0: {  	[dreg:$0x4] =	wrdreg $0x0  }
0xb1: {  	[dreg:$0x5] =	wrdreg $0x9  }
0xb2: {  	_ =	task.clear_ibuf [dreg:s7], $0x6FFFF;
	_ =	strace $0x90000046  }
0xb3: {  	s29 =	simm.s32 $0x9;
	_ =	strace $0x80000048  }
0xb4: {  	_ =	swait.ge [sflag:s29], $0x1  }
0xb5: {  	[sflag:s29] =	ssyncadd.s32 $0xFFFFFFFF  }
0xb6: {  	_ =	strace $0x90000048  }
0xb7: {  	_ =	sfence  }
0xb8: {  	s30 =	sld [smem:$0x0];
	_ =	sdelay $0x2  }
0xb9: {  	s31 =	sshll.u32 s1, $0xD;
	s1 =	sshrl.u32 s1, $0x2  }
0xba: {  	s3 =	sand.u32 $0x4000, s31;
	s1 =	sadd.s32 s1, s30  }
0xbb: {  	s0 =	sor.u32 s3, s0;
	s1 =	sshll.u32 s1, $0x11  }
0xbc: {  	s0 =	sor.u32 s1, s0  }
0xbd: {  	s0 =	sadd.s32 $0x8F2B, s0  }
0xbe: {  	[sflag:s0] =	ssyncadd.remote.s32 $0x1  }
0xbf: {  	_ =	sfence.sel $0xFFFF  }
0xc0: {  	[dreg:$0x0] =	wrdreg $0xFFFFFFFF;
	(pc) =	sbr.abs _section_cstart, $3  }
0xc1: {  	[dreg:$0x1] =	wrdreg $0xFFFFFFFF  }
0xc2: {  	_ =	task.clear_ibuf [dreg:s7], $0x2FFFF;
	_ =	strace $0x9FFFFFFF  }
0xc3: {  	(tm) =	ssettm $0x7FFFFFFF  }
tec
execute0_lowered:
.L_overlay_start_1:
0x0: {  	(tag) =	ssettag $0x1  }
0x1: {  	s0 =	rddreg [dreg:$0x0]  }
0x2: {  	s2 =	rddreg [dreg:$0x2]  }
0x3: {  	s1 =	srdreg.scid;
	s5 =	simm.s32 $0x0;
	s4 =	stileid.u32  }
0x4: {  	s1 =	sand.u32 $0x1, s1;
	[smem:$0x7FF] =	sst s5;
	s6 =	sadd.s32 $0x61BA00, s0  }
0x5: {  	s5 =	sadd.s32 $0x67FA00, s0;
	s3 =	sshll.u32 s1, $0x4;
	s1 =	ssub.s32 $0x2, s1  }
0x6: {  	s25 =	sshll.u32 s4, $0xF;
	s3 =	sor.u32 s4, s3;
	s9 =	sshrl.u32 s1, $0x1  }
0x7: {  	s24 =	sshll.u32 s3, $0x5;
	s8 =	sshll.u32 s3, $0xD;
	s1 =	ssub.s32 s1, s9  }
0x8: {  	s7 =	sadd.s32 s24, s0;
	s0 =	sadd.s32 s8, s0;
	s8 =	sadd.s32 s25, s2  }
0x9: {  	_ =	strace $0x80000047;
	s25 =	smax.u32 s1, $0x1;
	[dreg:$0x5] =	wrdreg s8  }
0xa: {  	s10 =	smul.u32 $0x19000, s3;
	s7 =	sadd.s32 $0x1200, s7;
	[dreg:$0x17] =	wrdreg s25  }
0xb: {  	s3 =	smul.u32 $0x3200, s3;
	s17 =	sadd.s32 $0x1600, s0;
	[dreg:$0x4] =	wrdreg s7  }
0xc: {  	s0 =	sadd.s32 $0x2600, s0;
	[dreg:$0xe] =	wrdreg s17  }
0xd: {  	s26 =	sshrl.u32 s10, $0x3;
	s3 =	sadd.s32 s6, s3;
	[dreg:$0x16] =	wrdreg s0  }
0xe: {  	s9 =	sadd.s32 s6, s26;
	[dreg:$0x6] =	wrdreg s3;
	s26 =	sadd.s32 $0x1900, s3  }
0xf: {  	s10 =	sadd.s32 $0xC80, s9;
	[dreg:$0x18] =	wrdreg s26  }
0x10: {  	s11 =	sadd.s32 $0x320, s9;
	[dreg:$0x7] =	wrdreg s10  }
0x11: {  	s12 =	sadd.s32 $0xFA0, s9;
	[dreg:$0x8] =	wrdreg s11  }
0x12: {  	s13 =	sadd.s32 $0x640, s9;
	[dreg:$0x9] =	wrdreg s12  }
0x13: {  	s14 =	sadd.s32 $0x12C0, s9;
	[dreg:$0xa] =	wrdreg s13  }
0x14: {  	s29 =	simm.s32 $0xB;
	s15 =	sadd.s32 $0x960, s9;
	[dreg:$0xb] =	wrdreg s14  }
0x15: {  	s30 =	simm.s32 $0x8000;
	s16 =	sadd.s32 $0x15E0, s9;
	[dreg:$0xc] =	wrdreg s15  }
0x16: {  	s31 =	simm.s32 $0x9900;
	s18 =	sadd.s32 $0x2580, s9;
	[dreg:$0xd] =	wrdreg s16  }
0x17: {  	s28 =	simm.s32 $0xB300;
	s19 =	sadd.s32 $0x1C20, s9;
	[dreg:$0xf] =	wrdreg s18  }
0x18: {  	s0 =	simm.s32 $0x80;
	s20 =	sadd.s32 $0x28A0, s9;
	[dreg:$0x10] =	wrdreg s19  }
0x19: {  	s3 =	simm.s32 $0xF300;
	s21 =	sadd.s32 $0x1F40, s9;
	[dreg:$0x11] =	wrdreg s20  }
0x1a: {  	s6 =	simm.s32 $0x13300;
	s22 =	sadd.s32 $0x2BC0, s9;
	[dreg:$0x12] =	wrdreg s21  }
0x1b: {  	s17 =	simm.s32 $0x7;
	s23 =	sadd.s32 $0x2260, s9;
	[dreg:$0x13] =	wrdreg s22  }
.Ltmp0:
0x1c: {  	s24 =	sadd.s32 $0x2EE0, s9;
	[dreg:$0x14] =	wrdreg s23;
	(pc) =	sbr.rel .LBB2_1-.Ltmp0, $4  }
0x1d: {  	s9 =	simm.s32 $0x17300;
	[dreg:$0x15] =	wrdreg s24;
	s10 =	simm.s32 $0x1  }
0x1e: {  	s11 =	simm.s32 $0x1B300;
	s12 =	simm.s32 $0x2;
	s13 =	simm.s32 $0x4  }
0x1f: {  	s14 =	simm.s32 $0x5;
	s16 =	simm.s32 $0x6;
	s18 =	simm.s32 $0x8  }
0x20: {  	s19 =	simm.s32 $0x9;
	s20 =	simm.s32 $0xA;
	s21 =	simm.s32 $0x0  }
.LBB2_25:
0x21: {  	_ =	swait.ge [sflag:s14], $0x4000  }
0x22: {  	[sflag:s14] =	ssyncset.done $0x0  }
0x23: {  	s1 =	simm.s32 $0xB280;
	[sflag:s14] =	ssyncadd.s32 $0xFFFFC000  }
0x24: {  	[spmem:s2] =	stream.indirect.scatter.add.f32 [tilespmem:s11], [sflag:$0xA], $0x80, s1, s0, $0xb8;
	[tilespmem:$0x1F300] =	vst v63  }
0x25: {  	_ =	swait.ge [sflag:s16], $0x4000  }
0x26: {  	[sflag:s16] =	ssyncset.done $0x0  }
0x27: {  	[sflag:s16] =	ssyncadd.s32 $0xFFFFC000  }
0x28: {  	_ =	swait.ge [sflag:s17], $0x4000  }
0x29: {  	[sflag:s17] =	ssyncset.done $0x0  }
0x2a: {  	[sflag:s17] =	ssyncadd.s32 $0xFFFFC000  }
0x2b: {  	_ =	swait.ge [sflag:s18], $0x4000  }
0x2c: {  	[sflag:s18] =	ssyncset.done $0x0  }
0x2d: {  	[sflag:s18] =	ssyncadd.s32 $0xFFFFC000  }
0x2e: {  	_ =	swait.ge [sflag:s19], $0x4000  }
0x2f: {  	[sflag:s19] =	ssyncset.done $0x0  }
0x30: {  	[sflag:s19] =	ssyncadd.s32 $0xFFFFC000  }
0x31: {  	_ =	swait.ge [sflag:s20], $0x4000  }
0x32: {  	[sflag:s20] =	ssyncset.done $0x0  }
0x33: {  	s25 =	rddreg [dreg:$0x16];
	[sflag:s20] =	ssyncadd.s32 $0xFFFFC000  }
0x34: {  	[hbm:s25], [sflag:s22] =	dma.local [spmem:s23], $0x1000  }
0x35: {  	_ =	swait.ge [sflag:s29], $0x1000  }
0x36: {  	s21 =	sadd.s32 $0x1, s21;
	s26 =	rddreg [dreg:$0x17]  }
0x37: {  	p0 =	sne.s32 s21, s26  }
.Ltmp1:
0x38: {  	_ = 	snop;
	(pc) =	sbr.rel @!p0 .LBB2_26-.Ltmp1, $3  }
0x39: {  	_ =	sdelay $0x1  }
0x3a: {  	[sflag:s29] =	ssyncset.done $0x0  }
0x3b: {  	[sflag:s29] =	ssyncadd.s32 $0xFFFFF000  }
.LBB2_1:
0x3c: {  	s4 =	simm.s32 $0x0;
	s1 =	rddreg [dreg:$0x4];
	s7 =	simm.s32 $0xB200  }
0x3d: {  	[tilespmem:s7], [sflag:$0xB] =	stream.linear.gather [hbm4b:s1+s4], $0x100, $0x38;
	[tilespmem:$0x1F300] =	vst v63  }
0x3e: {  	_ =	swait.ge [sflag:s29], $0x100  }
0x3f: {  	s26 =	stileid.u32;
	[sflag:s29] =	ssyncset.done $0x0  }
0x40: {  	s22 =	sshll.u32 s26, $0x6;
	s7 =	rddreg [dreg:$0x5];
	[sflag:s29] =	ssyncadd.s32 $0xFFFFFF00  }
0x41: {  	s22 =	sor.u32 $0x1C0B, s22;
	s23 =	sshrl.u32 s7, $0x3;
	s8 =	rddreg [dreg:$0x1]  }
0x42: {  	[spmem:s23], [sflag:s22] =	dma.local [hbm:s8], $0x1000  }
0x43: {  	_ =	swait.ge [sflag:s29], $0x1000  }
0x44: {  	[sflag:s29] =	ssyncset.done $0x0  }
0x45: {  	s15 =	rddreg [dreg:$0x6];
	[sflag:s29] =	ssyncadd.s32 $0xFFFFF000  }
0x46: {  	[tilespmem:s30], [sflag:$0xB] =	stream.linear.gather [hbm4b:s15+s4], $0x1900, $0x38;
	[tilespmem:$0x1F300] =	vst v63  }
0x47: {  	_ =	swait.ge [sflag:s29], $0x1900  }
0x48: {  	[sflag:s29] =	ssyncset.done $0x0  }
0x49: {  	s24 =	rddreg [dreg:$0x7];
	[sflag:s29] =	ssyncadd.s32 $0xFFFFE700  }
0x4a: {  	[tilespmem:s31], [sflag:$0xB] =	stream.linear.gather [hbm4b:s24+s4], $0x1900, $0x38;
	[tilespmem:$0x1F300] =	vst v63  }
0x4b: {  	_ =	swait.ge [sflag:s29], $0x1900  }
0x4c: {  	[sflag:s29] =	ssyncset.done $0x0  }
0x4d: {  	[sflag:s29] =	ssyncadd.s32 $0xFFFFE700  }
0x4e: {  	[tilespmem:s28], [sflag:$0x1] =	stream.indirect.gather [hbm4b:s5+s0], $0x80, s30, s0, $0xb8;
	[tilespmem:$0x1F300] =	vst v63  }
0x4f: {  	_ = 	snop  }
0x50: {  	[tilespmem:s3], [sflag:$0x2] =	stream.indirect.gather [hbm4b:s5+s0], $0x80, s31, s0, $0xb8;
	[tilespmem:$0x1F300] =	vst v63  }
0x51: {  	s25 =	simm.s32 $0x8080  }
0x52: {  	[tilespmem:s6], [sflag:$0x3] =	stream.indirect.gather [hbm4b:s5+s0], $0x80, s25, s0, $0xb8;
	[tilespmem:$0x1F300] =	vst v63  }
0x53: {  	s26 =	simm.s32 $0x9980;
	s24 =	simm.s32 $0x0;
	s25 =	simm.s32 $0x0  }
0x54: {  	[tilespmem:s9], [sflag:$0x4] =	stream.indirect.gather [hbm4b:s5+s0], $0x80, s26, s0, $0xb8;
	[tilespmem:$0x1F300] =	vst v63  }
.LBB2_2:
0x55: {  	_ =	swait.ge [sflag:s10], $0x4000;
	s8 =	sand.u32 $0x200, s24  }
0x56: {  	s1 =	sadd.s32 $0x4, s25;
	p0 =	seq.s32 s25, $0x0;
	s26 =	sshrl.u32 s8, $0x2  }
0x57: {  	[sflag:s10] =	ssyncset.done $0x0;
	s4 =	sor.u32 $0xB200, s26;
	s26 =	sand.u32 $0x1, s25  }
0x58: {  	s1 =	sshrl.u32 s1, $0x1;
	[sflag:s10] =	ssyncadd.s32 $0xFFFFC000;
	s7 =	smul.u32 $0x32, s26  }
0x59: {  	[spmem:s2] =	stream.indirect.scatter.add.f32 [tilespmem:s28], [sflag:$0x6], $0x80, s4, s0, $0xb8;
	[tilespmem:$0x1F300] =	vst v63  }
0x5a: {  	s1 =	sadd.s32 s1, s7;
	s7 =	simm.s32 @!p0 $0xA  }
0x5b: {  	_ =	swait.ge @!p0 [sflag:s7], $0x4000;
	s1 =	sshll.u32 s1, $0x7  }
0x5c: {  	[sflag:s7] =	ssyncset.done @!p0 $0x0;
	s1 =	sand.u32 $0x3FFFFF80, s1  }
0x5d: {  	[sflag:s7] =	ssyncadd.s32 @!p0 $0xFFFFC000;
	s1 =	sadd.s32 $0x8000, s1  }
0x5e: {  	[tilespmem:s11], [sflag:$0x5] =	stream.indirect.gather [hbm4b:s5+s0], $0x80, s1, s0, $0xb8;
	[tilespmem:$0x1F300] =	vst v63  }
0x5f: {  	s15 =	sxor.u32 $0x200, s8;
	_ =	swait.ge [sflag:s12], $0x4000  }
0x60: {  	p0 =	seq.s32 s25, $0x5F;
	s1 =	sshrl.u32 s15, $0x2;
	[sflag:s12] =	ssyncset.done $0x0  }
0x61: {  	s7 =	simm.s32 @p0 $0x3;
	s1 =	sor.u32 $0xB200, s1;
	[sflag:s12] =	ssyncadd.s32 $0xFFFFC000  }
0x62: {  	[spmem:s2] =	stream.indirect.scatter.add.f32 [tilespmem:s3], [sflag:$0x7], $0x80, s1, s0, $0xb8;
	[tilespmem:$0x1F300] =	vst v63  }
0x63: {  	_ =	swait.ge @p0 [sflag:s7], $0x4000  }
0x64: {  	[sflag:s7] =	ssyncset.done @p0 $0x0  }
0x65: {  	s8 =	simm.s32 @p0 $0x13300;
	[sflag:s7] =	ssyncadd.s32 @p0 $0xFFFFC000;
	s7 =	simm.s32 @p0 $0x80  }
0x66: {  	[spmem:s2] =	stream.indirect.scatter.add.f32 @p0 [tilespmem:s8], [sflag:$0x8], $0x80, s4, s7, $0xb8;
	[tilespmem:$0x1F300] =	vst v63  }
0x67: {  	s7 =	sadd.s32 @!p0 $0x5, s25  }
0x68: {  	s8 =	sand.u32 @!p0 $0x1, s7  }
0x69: {  	p1 =	seq.s32 @!p0 s8, $0x1  }
0x6a: {  	s8 =	simm.s32 @!p0 $0x32;
	p1 =	por !p1, p0  }
0x6b: {  	s15 =	simm.s32 @!p0 $0x6;
	s7 =	sshrl.u32 @!p0 s7, $0x1;
	s8 =	simm.s32 @p1 $0x0  }
0x6c: {  	_ =	swait.ge @!p0 [sflag:s15], $0x4000;
	s7 =	sadd.s32 @!p0 s7, s8  }
0x6d: {  	[sflag:s15] =	ssyncset.done @!p0 $0x0;
	s7 =	sshll.u32 @!p0 s7, $0x7  }
0x6e: {  	[sflag:s15] =	ssyncadd.s32 @!p0 $0xFFFFC000;
	s7 =	sand.u32 @!p0 $0x3FFFFF80, s7  }
0x6f: {  	s15 =	simm.s32 @!p0 $0xB300;
	s8 =	simm.s32 @!p0 $0x80;
	s7 =	sadd.s32 @!p0 $0x8000, s7  }
0x70: {  	[tilespmem:s15], [sflag:$0x1] =	stream.indirect.gather @!p0 [hbm4b:s5+s8], $0x80, s7, s8, $0xb8;
	[tilespmem:$0x1F300] =	vst v63  }
0x71: {  	s7 =	simm.s32 @!p0 $0x3  }
0x72: {  	_ =	swait.ge @!p0 [sflag:s7], $0x4000  }
0x73: {  	[sflag:s7] =	ssyncset.done @!p0 $0x0  }
0x74: {  	[sflag:s7] =	ssyncadd.s32 @!p0 $0xFFFFC000;
	s7 =	simm.s32 @!p0 $0x13300  }
0x75: {  	[spmem:s2] =	stream.indirect.scatter.add.f32 @!p0 [tilespmem:s7], [sflag:$0x8], $0x80, s4, s8, $0xb8;
	[tilespmem:$0x1F300] =	vst v63  }
0x76: {  	s4 =	sand.u32 @!p0 $0x1, s25  }
0x77: {  	p1 =	seq.s32 @!p0 s4, $0x1  }
0x78: {  	s7 =	sadd.s32 @!p0 $0x6, s25;
	s4 =	simm.s32 @!p0 $0x32;
	p1 =	por !p1, p0  }
0x79: {  	s7 =	sshrl.u32 @!p0 s7, $0x1;
	s4 =	simm.s32 @p1 $0x0  }
0x7a: {  	s4 =	sadd.s32 @!p0 s7, s4;
	s7 =	simm.s32 @!p0 $0x7  }
0x7b: {  	_ =	swait.ge @!p0 [sflag:s7], $0x4000;
	s4 =	sshll.u32 @!p0 s4, $0x7  }
0x7c: {  	[sflag:s7] =	ssyncset.done @!p0 $0x0;
	s4 =	sand.u32 @!p0 $0x3FFFFF80, s4  }
0x7d: {  	[sflag:s7] =	ssyncadd.s32 @!p0 $0xFFFFC000;
	s4 =	sadd.s32 @!p0 $0x8000, s4;
	s7 =	simm.s32 @!p0 $0xF300  }
0x7e: {  	[tilespmem:s7], [sflag:$0x2] =	stream.indirect.gather @!p0 [hbm4b:s5+s8], $0x80, s4, s8, $0xb8;
	[tilespmem:$0x1F300] =	vst v63  }
.Ltmp2:
0x7f: {  	_ = 	snop;
	(pc) =	sbr.rel @p0 .LBB2_4-.Ltmp2, $4  }
0x80: {  	_ =	swait.ge [sflag:s13], $0x4000  }
0x81: {  	[sflag:s13] =	ssyncset.done $0x0  }
0x82: {  	[sflag:s13] =	ssyncadd.s32 $0xFFFFC000  }
0x83: {  	[spmem:s2] =	stream.indirect.scatter.add.f32 [tilespmem:s9], [sflag:$0x9], $0x80, s1, s0, $0xb8;
	[tilespmem:$0x1F300] =	vst v63  }
0x84: {  	s1 =	sadd.s32 $0x7, s25  }
0x85: {  	s4 =	sand.u32 $0x1, s1  }
0x86: {  	p0 =	seq.s32 s4, $0x1;
	s4 =	simm.s32 $0x32  }
0x87: {  	s1 =	sshrl.u32 s1, $0x1;
	s4 =	simm.s32 @!p0 $0x0  }
0x88: {  	s1 =	sadd.s32 s1, s4  }
0x89: {  	_ =	swait.ge [sflag:s18], $0x4000;
	s1 =	sshll.u32 s1, $0x7  }
0x8a: {  	[sflag:s18] =	ssyncset.done $0x0;
	s1 =	sand.u32 $0x3FFFFF80, s1  }
0x8b: {  	[sflag:s18] =	ssyncadd.s32 $0xFFFFC000;
	s1 =	sadd.s32 $0x8000, s1  }
0x8c: {  	[tilespmem:s6], [sflag:$0x3] =	stream.indirect.gather [hbm4b:s5+s0], $0x80, s1, s0, $0xb8;
	[tilespmem:$0x1F300] =	vst v63  }
0x8d: {  	s8 =	sshll.u32 s26, $0x7;
	_ =	swait.ge [sflag:s14], $0x4000  }
0x8e: {  	s15 =	sadd.s32 $0x8, s25;
	p0 =	seq.s32 s26, $0x1;
	[sflag:s14] =	ssyncset.done $0x0  }
0x8f: {  	s4 =	simm.s32 $0x32;
	s1 =	sor.u32 $0xB200, s8;
	[sflag:s14] =	ssyncadd.s32 $0xFFFFC000  }
0x90: {  	[spmem:s2] =	stream.indirect.scatter.add.f32 [tilespmem:s11], [sflag:$0xA], $0x80, s1, s0, $0xb8;
	[tilespmem:$0x1F300] =	vst v63  }
0x91: {  	s4 =	simm.s32 @!p0 $0x0;
	s1 =	sshrl.u32 s15, $0x1  }
.Ltmp3:
0x92: {  	s1 =	sadd.s32 s1, s4;
	(pc) =	sbr.rel .LBB2_2-.Ltmp3, $4  }
0x93: {  	_ =	swait.ge [sflag:s19], $0x4000;
	s1 =	sshll.u32 s1, $0x7  }
0x94: {  	s25 =	sadd.s32 $0x5, s25;
	[sflag:s19] =	ssyncset.done $0x0;
	s1 =	sand.u32 $0x3FFFFF80, s1  }
0x95: {  	s24 =	sadd.s32 $0x200, s24;
	[sflag:s19] =	ssyncadd.s32 $0xFFFFC000;
	s1 =	sadd.s32 $0x8000, s1  }
0x96: {  	[tilespmem:s9], [sflag:$0x4] =	stream.indirect.gather [hbm4b:s5+s0], $0x80, s1, s0, $0xb8;
	[tilespmem:$0x1F300] =	vst v63  }
.LBB2_4:
0x97: {  	_ =	swait.ge [sflag:s14], $0x4000  }
0x98: {  	[sflag:s14] =	ssyncset.done $0x0  }
0x99: {  	s1 =	simm.s32 $0xB280;
	[sflag:s14] =	ssyncadd.s32 $0xFFFFC000  }
0x9a: {  	[spmem:s2] =	stream.indirect.scatter.add.f32 [tilespmem:s11], [sflag:$0xA], $0x80, s1, s0, $0xb8;
	[tilespmem:$0x1F300] =	vst v63  }
0x9b: {  	_ =	swait.ge [sflag:s16], $0x4000  }
0x9c: {  	[sflag:s16] =	ssyncset.done $0x0  }
0x9d: {  	[sflag:s16] =	ssyncadd.s32 $0xFFFFC000  }
0x9e: {  	_ =	swait.ge [sflag:s17], $0x4000  }
0x9f: {  	[sflag:s17] =	ssyncset.done $0x0  }
0xa0: {  	[sflag:s17] =	ssyncadd.s32 $0xFFFFC000  }
0xa1: {  	_ =	swait.ge [sflag:s18], $0x4000  }
0xa2: {  	[sflag:s18] =	ssyncset.done $0x0  }
0xa3: {  	[sflag:s18] =	ssyncadd.s32 $0xFFFFC000  }
0xa4: {  	_ =	swait.ge [sflag:s19], $0x4000  }
0xa5: {  	[sflag:s19] =	ssyncset.done $0x0  }
0xa6: {  	[sflag:s19] =	ssyncadd.s32 $0xFFFFC000  }
0xa7: {  	_ =	swait.ge [sflag:s20], $0x4000  }
0xa8: {  	[sflag:s20] =	ssyncset.done $0x0  }
0xa9: {  	s24 =	simm.s32 $0x0;
	s8 =	rddreg [dreg:$0x8];
	[sflag:s20] =	ssyncadd.s32 $0xFFFFC000  }
0xaa: {  	[tilespmem:s30], [sflag:$0xB] =	stream.linear.gather [hbm4b:s8+s24], $0x1900, $0x38;
	[tilespmem:$0x1F300] =	vst v63  }
0xab: {  	_ =	swait.ge [sflag:s29], $0x1900  }
0xac: {  	[sflag:s29] =	ssyncset.done $0x0  }
0xad: {  	s15 =	rddreg [dreg:$0x9];
	[sflag:s29] =	ssyncadd.s32 $0xFFFFE700  }
0xae: {  	[tilespmem:s31], [sflag:$0xB] =	stream.linear.gather [hbm4b:s15+s24], $0x1900, $0x38;
	[tilespmem:$0x1F300] =	vst v63  }
0xaf: {  	_ =	swait.ge [sflag:s29], $0x1900  }
0xb0: {  	[sflag:s29] =	ssyncset.done $0x0  }
0xb1: {  	[sflag:s29] =	ssyncadd.s32 $0xFFFFE700  }
0xb2: {  	[tilespmem:s28], [sflag:$0x1] =	stream.indirect.gather [hbm4b:s5+s0], $0x80, s30, s0, $0xb8;
	[tilespmem:$0x1F300] =	vst v63  }
0xb3: {  	_ = 	snop  }
0xb4: {  	[tilespmem:s3], [sflag:$0x2] =	stream.indirect.gather [hbm4b:s5+s0], $0x80, s31, s0, $0xb8;
	[tilespmem:$0x1F300] =	vst v63  }
0xb5: {  	s25 =	simm.s32 $0x8080  }
0xb6: {  	[tilespmem:s6], [sflag:$0x3] =	stream.indirect.gather [hbm4b:s5+s0], $0x80, s25, s0, $0xb8;
	[tilespmem:$0x1F300] =	vst v63  }
0xb7: {  	s26 =	simm.s32 $0x9980;
	s25 =	simm.s32 $0x0  }
0xb8: {  	[tilespmem:s9], [sflag:$0x4] =	stream.indirect.gather [hbm4b:s5+s0], $0x80, s26, s0, $0xb8;
	[tilespmem:$0x1F300] =	vst v63  }
.LBB2_5:
0xb9: {  	_ =	swait.ge [sflag:s10], $0x4000;
	s1 =	sand.u32 $0x200, s24  }
0xba: {  	s26 =	sand.u32 $0x1, s25;
	s7 =	sadd.s32 $0x4, s25;
	p0 =	seq.s32 s25, $0x0  }
0xbb: {  	[sflag:s10] =	ssyncset.done $0x0;
	s4 =	sshrl.u32 s1, $0x2;
	s8 =	smul.u32 $0x32, s26  }
0xbc: {  	s7 =	sshrl.u32 s7, $0x1;
	[sflag:s10] =	ssyncadd.s32 $0xFFFFC000;
	s4 =	sor.u32 $0xB200, s4  }
0xbd: {  	[spmem:s2] =	stream.indirect.scatter.add.f32 [tilespmem:s28], [sflag:$0x6], $0x80, s4, s0, $0xb8;
	[tilespmem:$0x1F300] =	vst v63  }
0xbe: {  	s7 =	sadd.s32 s7, s8;
	s8 =	simm.s32 @!p0 $0xA  }
0xbf: {  	_ =	swait.ge @!p0 [sflag:s8], $0x4000;
	s7 =	sshll.u32 s7, $0x7  }
0xc0: {  	[sflag:s8] =	ssyncset.done @!p0 $0x0;
	s7 =	sand.u32 $0x3FFFFF80, s7  }
0xc1: {  	[sflag:s8] =	ssyncadd.s32 @!p0 $0xFFFFC000;
	s7 =	sadd.s32 $0x8000, s7  }
0xc2: {  	[tilespmem:s11], [sflag:$0x5] =	stream.indirect.gather [hbm4b:s5+s0], $0x80, s7, s0, $0xb8;
	[tilespmem:$0x1F300] =	vst v63  }
0xc3: {  	s1 =	sxor.u32 $0x200, s1;
	_ =	swait.ge [sflag:s12], $0x4000  }
0xc4: {  	s1 =	sshrl.u32 s1, $0x2;
	p0 =	seq.s32 s25, $0x5F;
	[sflag:s12] =	ssyncset.done $0x0  }
0xc5: {  	s1 =	sor.u32 $0xB200, s1;
	s7 =	simm.s32 @p0 $0x3;
	[sflag:s12] =	ssyncadd.s32 $0xFFFFC000  }
0xc6: {  	[spmem:s2] =	stream.indirect.scatter.add.f32 [tilespmem:s3], [sflag:$0x7], $0x80, s1, s0, $0xb8;
	[tilespmem:$0x1F300] =	vst v63  }
0xc7: {  	_ =	swait.ge @p0 [sflag:s7], $0x4000  }
0xc8: {  	[sflag:s7] =	ssyncset.done @p0 $0x0  }
0xc9: {  	s8 =	simm.s32 @p0 $0x13300;
	[sflag:s7] =	ssyncadd.s32 @p0 $0xFFFFC000;
	s7 =	simm.s32 @p0 $0x80  }
0xca: {  	[spmem:s2] =	stream.indirect.scatter.add.f32 @p0 [tilespmem:s8], [sflag:$0x8], $0x80, s4, s7, $0xb8;
	[tilespmem:$0x1F300] =	vst v63  }
0xcb: {  	s7 =	sadd.s32 @!p0 $0x5, s25  }
0xcc: {  	s8 =	sand.u32 @!p0 $0x1, s7  }
0xcd: {  	p1 =	seq.s32 @!p0 s8, $0x1  }
0xce: {  	s8 =	simm.s32 @!p0 $0x32;
	p1 =	por !p1, p0  }
0xcf: {  	s15 =	simm.s32 @!p0 $0x6;
	s7 =	sshrl.u32 @!p0 s7, $0x1;
	s8 =	simm.s32 @p1 $0x0  }
0xd0: {  	_ =	swait.ge @!p0 [sflag:s15], $0x4000;
	s7 =	sadd.s32 @!p0 s7, s8  }
0xd1: {  	[sflag:s15] =	ssyncset.done @!p0 $0x0;
	s7 =	sshll.u32 @!p0 s7, $0x7  }
0xd2: {  	[sflag:s15] =	ssyncadd.s32 @!p0 $0xFFFFC000;
	s7 =	sand.u32 @!p0 $0x3FFFFF80, s7  }
0xd3: {  	s15 =	simm.s32 @!p0 $0xB300;
	s8 =	simm.s32 @!p0 $0x80;
	s7 =	sadd.s32 @!p0 $0x8000, s7  }
0xd4: {  	[tilespmem:s15], [sflag:$0x1] =	stream.indirect.gather @!p0 [hbm4b:s5+s8], $0x80, s7, s8, $0xb8;
	[tilespmem:$0x1F300] =	vst v63  }
0xd5: {  	s7 =	simm.s32 @!p0 $0x3  }
0xd6: {  	_ =	swait.ge @!p0 [sflag:s7], $0x4000  }
0xd7: {  	[sflag:s7] =	ssyncset.done @!p0 $0x0  }
0xd8: {  	[sflag:s7] =	ssyncadd.s32 @!p0 $0xFFFFC000;
	s7 =	simm.s32 @!p0 $0x13300  }
0xd9: {  	[spmem:s2] =	stream.indirect.scatter.add.f32 @!p0 [tilespmem:s7], [sflag:$0x8], $0x80, s4, s8, $0xb8;
	[tilespmem:$0x1F300] =	vst v63  }
0xda: {  	s4 =	sand.u32 @!p0 $0x1, s25  }
0xdb: {  	p1 =	seq.s32 @!p0 s4, $0x1  }
0xdc: {  	s7 =	sadd.s32 @!p0 $0x6, s25;
	s4 =	simm.s32 @!p0 $0x32;
	p1 =	por !p1, p0  }
0xdd: {  	s7 =	sshrl.u32 @!p0 s7, $0x1;
	s4 =	simm.s32 @p1 $0x0  }
0xde: {  	s4 =	sadd.s32 @!p0 s7, s4;
	s7 =	simm.s32 @!p0 $0x7  }
0xdf: {  	_ =	swait.ge @!p0 [sflag:s7], $0x4000;
	s4 =	sshll.u32 @!p0 s4, $0x7  }
0xe0: {  	[sflag:s7] =	ssyncset.done @!p0 $0x0;
	s4 =	sand.u32 @!p0 $0x3FFFFF80, s4  }
0xe1: {  	[sflag:s7] =	ssyncadd.s32 @!p0 $0xFFFFC000;
	s4 =	sadd.s32 @!p0 $0x8000, s4;
	s7 =	simm.s32 @!p0 $0xF300  }
0xe2: {  	[tilespmem:s7], [sflag:$0x2] =	stream.indirect.gather @!p0 [hbm4b:s5+s8], $0x80, s4, s8, $0xb8;
	[tilespmem:$0x1F300] =	vst v63  }
.Ltmp4:
0xe3: {  	_ = 	snop;
	(pc) =	sbr.rel @p0 .LBB2_7-.Ltmp4, $4  }
0xe4: {  	_ =	swait.ge [sflag:s13], $0x4000  }
0xe5: {  	[sflag:s13] =	ssyncset.done $0x0  }
0xe6: {  	[sflag:s13] =	ssyncadd.s32 $0xFFFFC000  }
0xe7: {  	[spmem:s2] =	stream.indirect.scatter.add.f32 [tilespmem:s9], [sflag:$0x9], $0x80, s1, s0, $0xb8;
	[tilespmem:$0x1F300] =	vst v63  }
0xe8: {  	s1 =	sadd.s32 $0x7, s25  }
0xe9: {  	s4 =	sand.u32 $0x1, s1  }
0xea: {  	p0 =	seq.s32 s4, $0x1;
	s4 =	simm.s32 $0x32  }
0xeb: {  	s1 =	sshrl.u32 s1, $0x1;
	s4 =	simm.s32 @!p0 $0x0  }
0xec: {  	s1 =	sadd.s32 s1, s4  }
0xed: {  	_ =	swait.ge [sflag:s18], $0x4000;
	s1 =	sshll.u32 s1, $0x7  }
0xee: {  	[sflag:s18] =	ssyncset.done $0x0;
	s1 =	sand.u32 $0x3FFFFF80, s1  }
0xef: {  	[sflag:s18] =	ssyncadd.s32 $0xFFFFC000;
	s1 =	sadd.s32 $0x8000, s1  }
0xf0: {  	[tilespmem:s6], [sflag:$0x3] =	stream.indirect.gather [hbm4b:s5+s0], $0x80, s1, s0, $0xb8;
	[tilespmem:$0x1F300] =	vst v63  }
0xf1: {  	s8 =	sshll.u32 s26, $0x7;
	_ =	swait.ge [sflag:s14], $0x4000  }
0xf2: {  	s15 =	sadd.s32 $0x8, s25;
	p0 =	seq.s32 s26, $0x1;
	[sflag:s14] =	ssyncset.done $0x0  }
0xf3: {  	s4 =	simm.s32 $0x32;
	s1 =	sor.u32 $0xB200, s8;
	[sflag:s14] =	ssyncadd.s32 $0xFFFFC000  }
0xf4: {  	[spmem:s2] =	stream.indirect.scatter.add.f32 [tilespmem:s11], [sflag:$0xA], $0x80, s1, s0, $0xb8;
	[tilespmem:$0x1F300] =	vst v63  }
0xf5: {  	s4 =	simm.s32 @!p0 $0x0;
	s1 =	sshrl.u32 s15, $0x1  }
.Ltmp5:
0xf6: {  	s1 =	sadd.s32 s1, s4;
	(pc) =	sbr.rel .LBB2_5-.Ltmp5, $4  }
0xf7: {  	_ =	swait.ge [sflag:s19], $0x4000;
	s1 =	sshll.u32 s1, $0x7  }
0xf8: {  	s25 =	sadd.s32 $0x5, s25;
	[sflag:s19] =	ssyncset.done $0x0;
	s1 =	sand.u32 $0x3FFFFF80, s1  }
0xf9: {  	s24 =	sadd.s32 $0x200, s24;
	[sflag:s19] =	ssyncadd.s32 $0xFFFFC000;
	s1 =	sadd.s32 $0x8000, s1  }
0xfa: {  	[tilespmem:s9], [sflag:$0x4] =	stream.indirect.gather [hbm4b:s5+s0], $0x80, s1, s0, $0xb8;
	[tilespmem:$0x1F300] =	vst v63  }
.LBB2_7:
0xfb: {  	_ =	swait.ge [sflag:s14], $0x4000  }
0xfc: {  	[sflag:s14] =	ssyncset.done $0x0  }
0xfd: {  	s1 =	simm.s32 $0xB280;
	[sflag:s14] =	ssyncadd.s32 $0xFFFFC000  }
0xfe: {  	[spmem:s2] =	stream.indirect.scatter.add.f32 [tilespmem:s11], [sflag:$0xA], $0x80, s1, s0, $0xb8;
	[tilespmem:$0x1F300] =	vst v63  }
0xff: {  	_ =	swait.ge [sflag:s16], $0x4000  }
0x100: {  	[sflag:s16] =	ssyncset.done $0x0  }
0x101: {  	[sflag:s16] =	ssyncadd.s32 $0xFFFFC000  }
0x102: {  	_ =	swait.ge [sflag:s17], $0x4000  }
0x103: {  	[sflag:s17] =	ssyncset.done $0x0  }
0x104: {  	[sflag:s17] =	ssyncadd.s32 $0xFFFFC000  }
0x105: {  	_ =	swait.ge [sflag:s18], $0x4000  }
0x106: {  	[sflag:s18] =	ssyncset.done $0x0  }
0x107: {  	[sflag:s18] =	ssyncadd.s32 $0xFFFFC000  }
0x108: {  	_ =	swait.ge [sflag:s19], $0x4000  }
0x109: {  	[sflag:s19] =	ssyncset.done $0x0  }
0x10a: {  	[sflag:s19] =	ssyncadd.s32 $0xFFFFC000  }
0x10b: {  	_ =	swait.ge [sflag:s20], $0x4000  }
0x10c: {  	[sflag:s20] =	ssyncset.done $0x0  }
0x10d: {  	s24 =	simm.s32 $0x0;
	s8 =	rddreg [dreg:$0xa];
	[sflag:s20] =	ssyncadd.s32 $0xFFFFC000  }
0x10e: {  	[tilespmem:s30], [sflag:$0xB] =	stream.linear.gather [hbm4b:s8+s24], $0x1900, $0x38;
	[tilespmem:$0x1F300] =	vst v63  }
0x10f: {  	_ =	swait.ge [sflag:s29], $0x1900  }
0x110: {  	[sflag:s29] =	ssyncset.done $0x0  }
0x111: {  	s15 =	rddreg [dreg:$0xb];
	[sflag:s29] =	ssyncadd.s32 $0xFFFFE700  }
0x112: {  	[tilespmem:s31], [sflag:$0xB] =	stream.linear.gather [hbm4b:s15+s24], $0x1900, $0x38;
	[tilespmem:$0x1F300] =	vst v63  }
0x113: {  	_ =	swait.ge [sflag:s29], $0x1900  }
0x114: {  	[sflag:s29] =	ssyncset.done $0x0  }
0x115: {  	[sflag:s29] =	ssyncadd.s32 $0xFFFFE700  }
0x116: {  	[tilespmem:s28], [sflag:$0x1] =	stream.indirect.gather [hbm4b:s5+s0], $0x80, s30, s0, $0xb8;
	[tilespmem:$0x1F300] =	vst v63  }
0x117: {  	_ = 	snop  }
0x118: {  	[tilespmem:s3], [sflag:$0x2] =	stream.indirect.gather [hbm4b:s5+s0], $0x80, s31, s0, $0xb8;
	[tilespmem:$0x1F300] =	vst v63  }
0x119: {  	s25 =	simm.s32 $0x8080  }
0x11a: {  	[tilespmem:s6], [sflag:$0x3] =	stream.indirect.gather [hbm4b:s5+s0], $0x80, s25, s0, $0xb8;
	[tilespmem:$0x1F300] =	vst v63  }
0x11b: {  	s26 =	simm.s32 $0x9980;
	s25 =	simm.s32 $0x0  }
0x11c: {  	[tilespmem:s9], [sflag:$0x4] =	stream.indirect.gather [hbm4b:s5+s0], $0x80, s26, s0, $0xb8;
	[tilespmem:$0x1F300] =	vst v63  }
.LBB2_8:
0x11d: {  	_ =	swait.ge [sflag:s10], $0x4000;
	s1 =	sand.u32 $0x200, s24  }
0x11e: {  	s26 =	sand.u32 $0x1, s25;
	s7 =	sadd.s32 $0x4, s25;
	p0 =	seq.s32 s25, $0x0  }
0x11f: {  	[sflag:s10] =	ssyncset.done $0x0;
	s4 =	sshrl.u32 s1, $0x2;
	s8 =	smul.u32 $0x32, s26  }
0x120: {  	s7 =	sshrl.u32 s7, $0x1;
	[sflag:s10] =	ssyncadd.s32 $0xFFFFC000;
	s4 =	sor.u32 $0xB200, s4  }
0x121: {  	[spmem:s2] =	stream.indirect.scatter.add.f32 [tilespmem:s28], [sflag:$0x6], $0x80, s4, s0, $0xb8;
	[tilespmem:$0x1F300] =	vst v63  }
0x122: {  	s7 =	sadd.s32 s7, s8;
	s8 =	simm.s32 @!p0 $0xA  }
0x123: {  	_ =	swait.ge @!p0 [sflag:s8], $0x4000;
	s7 =	sshll.u32 s7, $0x7  }
0x124: {  	[sflag:s8] =	ssyncset.done @!p0 $0x0;
	s7 =	sand.u32 $0x3FFFFF80, s7  }
0x125: {  	[sflag:s8] =	ssyncadd.s32 @!p0 $0xFFFFC000;
	s7 =	sadd.s32 $0x8000, s7  }
0x126: {  	[tilespmem:s11], [sflag:$0x5] =	stream.indirect.gather [hbm4b:s5+s0], $0x80, s7, s0, $0xb8;
	[tilespmem:$0x1F300] =	vst v63  }
0x127: {  	s1 =	sxor.u32 $0x200, s1;
	_ =	swait.ge [sflag:s12], $0x4000  }
0x128: {  	s1 =	sshrl.u32 s1, $0x2;
	p0 =	seq.s32 s25, $0x5F;
	[sflag:s12] =	ssyncset.done $0x0  }
0x129: {  	s1 =	sor.u32 $0xB200, s1;
	s7 =	simm.s32 @p0 $0x3;
	[sflag:s12] =	ssyncadd.s32 $0xFFFFC000  }
0x12a: {  	[spmem:s2] =	stream.indirect.scatter.add.f32 [tilespmem:s3], [sflag:$0x7], $0x80, s1, s0, $0xb8;
	[tilespmem:$0x1F300] =	vst v63  }
0x12b: {  	_ =	swait.ge @p0 [sflag:s7], $0x4000  }
0x12c: {  	[sflag:s7] =	ssyncset.done @p0 $0x0  }
0x12d: {  	s8 =	simm.s32 @p0 $0x13300;
	[sflag:s7] =	ssyncadd.s32 @p0 $0xFFFFC000;
	s7 =	simm.s32 @p0 $0x80  }
0x12e: {  	[spmem:s2] =	stream.indirect.scatter.add.f32 @p0 [tilespmem:s8], [sflag:$0x8], $0x80, s4, s7, $0xb8;
	[tilespmem:$0x1F300] =	vst v63  }
0x12f: {  	s7 =	sadd.s32 @!p0 $0x5, s25  }
0x130: {  	s8 =	sand.u32 @!p0 $0x1, s7  }
0x131: {  	p1 =	seq.s32 @!p0 s8, $0x1  }
0x132: {  	s8 =	simm.s32 @!p0 $0x32;
	p1 =	por !p1, p0  }
0x133: {  	s15 =	simm.s32 @!p0 $0x6;
	s7 =	sshrl.u32 @!p0 s7, $0x1;
	s8 =	simm.s32 @p1 $0x0  }
0x134: {  	_ =	swait.ge @!p0 [sflag:s15], $0x4000;
	s7 =	sadd.s32 @!p0 s7, s8  }
0x135: {  	[sflag:s15] =	ssyncset.done @!p0 $0x0;
	s7 =	sshll.u32 @!p0 s7, $0x7  }
0x136: {  	[sflag:s15] =	ssyncadd.s32 @!p0 $0xFFFFC000;
	s7 =	sand.u32 @!p0 $0x3FFFFF80, s7  }
0x137: {  	s15 =	simm.s32 @!p0 $0xB300;
	s8 =	simm.s32 @!p0 $0x80;
	s7 =	sadd.s32 @!p0 $0x8000, s7  }
0x138: {  	[tilespmem:s15], [sflag:$0x1] =	stream.indirect.gather @!p0 [hbm4b:s5+s8], $0x80, s7, s8, $0xb8;
	[tilespmem:$0x1F300] =	vst v63  }
0x139: {  	s7 =	simm.s32 @!p0 $0x3  }
0x13a: {  	_ =	swait.ge @!p0 [sflag:s7], $0x4000  }
0x13b: {  	[sflag:s7] =	ssyncset.done @!p0 $0x0  }
0x13c: {  	[sflag:s7] =	ssyncadd.s32 @!p0 $0xFFFFC000;
	s7 =	simm.s32 @!p0 $0x13300  }
0x13d: {  	[spmem:s2] =	stream.indirect.scatter.add.f32 @!p0 [tilespmem:s7], [sflag:$0x8], $0x80, s4, s8, $0xb8;
	[tilespmem:$0x1F300] =	vst v63  }
0x13e: {  	s4 =	sand.u32 @!p0 $0x1, s25  }
0x13f: {  	p1 =	seq.s32 @!p0 s4, $0x1  }
0x140: {  	s7 =	sadd.s32 @!p0 $0x6, s25;
	s4 =	simm.s32 @!p0 $0x32;
	p1 =	por !p1, p0  }
0x141: {  	s7 =	sshrl.u32 @!p0 s7, $0x1;
	s4 =	simm.s32 @p1 $0x0  }
0x142: {  	s4 =	sadd.s32 @!p0 s7, s4;
	s7 =	simm.s32 @!p0 $0x7  }
0x143: {  	_ =	swait.ge @!p0 [sflag:s7], $0x4000;
	s4 =	sshll.u32 @!p0 s4, $0x7  }
0x144: {  	[sflag:s7] =	ssyncset.done @!p0 $0x0;
	s4 =	sand.u32 @!p0 $0x3FFFFF80, s4  }
0x145: {  	[sflag:s7] =	ssyncadd.s32 @!p0 $0xFFFFC000;
	s4 =	sadd.s32 @!p0 $0x8000, s4;
	s7 =	simm.s32 @!p0 $0xF300  }
0x146: {  	[tilespmem:s7], [sflag:$0x2] =	stream.indirect.gather @!p0 [hbm4b:s5+s8], $0x80, s4, s8, $0xb8;
	[tilespmem:$0x1F300] =	vst v63  }
.Ltmp6:
0x147: {  	_ = 	snop;
	(pc) =	sbr.rel @p0 .LBB2_10-.Ltmp6, $4  }
0x148: {  	_ =	swait.ge [sflag:s13], $0x4000  }
0x149: {  	[sflag:s13] =	ssyncset.done $0x0  }
0x14a: {  	[sflag:s13] =	ssyncadd.s32 $0xFFFFC000  }
0x14b: {  	[spmem:s2] =	stream.indirect.scatter.add.f32 [tilespmem:s9], [sflag:$0x9], $0x80, s1, s0, $0xb8;
	[tilespmem:$0x1F300] =	vst v63  }
0x14c: {  	s1 =	sadd.s32 $0x7, s25  }
0x14d: {  	s4 =	sand.u32 $0x1, s1  }
0x14e: {  	p0 =	seq.s32 s4, $0x1;
	s4 =	simm.s32 $0x32  }
0x14f: {  	s1 =	sshrl.u32 s1, $0x1;
	s4 =	simm.s32 @!p0 $0x0  }
0x150: {  	s1 =	sadd.s32 s1, s4  }
0x151: {  	_ =	swait.ge [sflag:s18], $0x4000;
	s1 =	sshll.u32 s1, $0x7  }
0x152: {  	[sflag:s18] =	ssyncset.done $0x0;
	s1 =	sand.u32 $0x3FFFFF80, s1  }
0x153: {  	[sflag:s18] =	ssyncadd.s32 $0xFFFFC000;
	s1 =	sadd.s32 $0x8000, s1  }
0x154: {  	[tilespmem:s6], [sflag:$0x3] =	stream.indirect.gather [hbm4b:s5+s0], $0x80, s1, s0, $0xb8;
	[tilespmem:$0x1F300] =	vst v63  }
0x155: {  	s8 =	sshll.u32 s26, $0x7;
	_ =	swait.ge [sflag:s14], $0x4000  }
0x156: {  	s15 =	sadd.s32 $0x8, s25;
	p0 =	seq.s32 s26, $0x1;
	[sflag:s14] =	ssyncset.done $0x0  }
0x157: {  	s4 =	simm.s32 $0x32;
	s1 =	sor.u32 $0xB200, s8;
	[sflag:s14] =	ssyncadd.s32 $0xFFFFC000  }
0x158: {  	[spmem:s2] =	stream.indirect.scatter.add.f32 [tilespmem:s11], [sflag:$0xA], $0x80, s1, s0, $0xb8;
	[tilespmem:$0x1F300] =	vst v63  }
0x159: {  	s4 =	simm.s32 @!p0 $0x0;
	s1 =	sshrl.u32 s15, $0x1  }
.Ltmp7:
0x15a: {  	s1 =	sadd.s32 s1, s4;
	(pc) =	sbr.rel .LBB2_8-.Ltmp7, $4  }
0x15b: {  	_ =	swait.ge [sflag:s19], $0x4000;
	s1 =	sshll.u32 s1, $0x7  }
0x15c: {  	s25 =	sadd.s32 $0x5, s25;
	[sflag:s19] =	ssyncset.done $0x0;
	s1 =	sand.u32 $0x3FFFFF80, s1  }
0x15d: {  	s24 =	sadd.s32 $0x200, s24;
	[sflag:s19] =	ssyncadd.s32 $0xFFFFC000;
	s1 =	sadd.s32 $0x8000, s1  }
0x15e: {  	[tilespmem:s9], [sflag:$0x4] =	stream.indirect.gather [hbm4b:s5+s0], $0x80, s1, s0, $0xb8;
	[tilespmem:$0x1F300] =	vst v63  }
.LBB2_10:
0x15f: {  	_ =	swait.ge [sflag:s14], $0x4000  }
0x160: {  	[sflag:s14] =	ssyncset.done $0x0  }
0x161: {  	s1 =	simm.s32 $0xB280;
	[sflag:s14] =	ssyncadd.s32 $0xFFFFC000  }
0x162: {  	[spmem:s2] =	stream.indirect.scatter.add.f32 [tilespmem:s11], [sflag:$0xA], $0x80, s1, s0, $0xb8;
	[tilespmem:$0x1F300] =	vst v63  }
0x163: {  	_ =	swait.ge [sflag:s16], $0x4000  }
0x164: {  	[sflag:s16] =	ssyncset.done $0x0  }
0x165: {  	[sflag:s16] =	ssyncadd.s32 $0xFFFFC000  }
0x166: {  	_ =	swait.ge [sflag:s17], $0x4000  }
0x167: {  	[sflag:s17] =	ssyncset.done $0x0  }
0x168: {  	[sflag:s17] =	ssyncadd.s32 $0xFFFFC000  }
0x169: {  	_ =	swait.ge [sflag:s18], $0x4000  }
0x16a: {  	[sflag:s18] =	ssyncset.done $0x0  }
0x16b: {  	[sflag:s18] =	ssyncadd.s32 $0xFFFFC000  }
0x16c: {  	_ =	swait.ge [sflag:s19], $0x4000  }
0x16d: {  	[sflag:s19] =	ssyncset.done $0x0  }
0x16e: {  	[sflag:s19] =	ssyncadd.s32 $0xFFFFC000  }
0x16f: {  	_ =	swait.ge [sflag:s20], $0x4000  }
0x170: {  	[sflag:s20] =	ssyncset.done $0x0  }
0x171: {  	s24 =	simm.s32 $0x0;
	s8 =	rddreg [dreg:$0xc];
	[sflag:s20] =	ssyncadd.s32 $0xFFFFC000  }
0x172: {  	[tilespmem:s30], [sflag:$0xB] =	stream.linear.gather [hbm4b:s8+s24], $0x1900, $0x38;
	[tilespmem:$0x1F300] =	vst v63  }
0x173: {  	_ =	swait.ge [sflag:s29], $0x1900  }
0x174: {  	[sflag:s29] =	ssyncset.done $0x0  }
0x175: {  	s15 =	rddreg [dreg:$0xd];
	[sflag:s29] =	ssyncadd.s32 $0xFFFFE700  }
0x176: {  	[tilespmem:s31], [sflag:$0xB] =	stream.linear.gather [hbm4b:s15+s24], $0x1900, $0x38;
	[tilespmem:$0x1F300] =	vst v63  }
0x177: {  	_ =	swait.ge [sflag:s29], $0x1900  }
0x178: {  	[sflag:s29] =	ssyncset.done $0x0  }
0x179: {  	[sflag:s29] =	ssyncadd.s32 $0xFFFFE700  }
0x17a: {  	[tilespmem:s28], [sflag:$0x1] =	stream.indirect.gather [hbm4b:s5+s0], $0x80, s30, s0, $0xb8;
	[tilespmem:$0x1F300] =	vst v63  }
0x17b: {  	_ = 	snop  }
0x17c: {  	[tilespmem:s3], [sflag:$0x2] =	stream.indirect.gather [hbm4b:s5+s0], $0x80, s31, s0, $0xb8;
	[tilespmem:$0x1F300] =	vst v63  }
0x17d: {  	s25 =	simm.s32 $0x8080  }
0x17e: {  	[tilespmem:s6], [sflag:$0x3] =	stream.indirect.gather [hbm4b:s5+s0], $0x80, s25, s0, $0xb8;
	[tilespmem:$0x1F300] =	vst v63  }
0x17f: {  	s26 =	simm.s32 $0x9980;
	s25 =	simm.s32 $0x0  }
0x180: {  	[tilespmem:s9], [sflag:$0x4] =	stream.indirect.gather [hbm4b:s5+s0], $0x80, s26, s0, $0xb8;
	[tilespmem:$0x1F300] =	vst v63  }
.LBB2_11:
0x181: {  	_ =	swait.ge [sflag:s10], $0x4000;
	s1 =	sand.u32 $0x200, s24  }
0x182: {  	s26 =	sand.u32 $0x1, s25;
	s7 =	sadd.s32 $0x4, s25;
	p0 =	seq.s32 s25, $0x0  }
0x183: {  	[sflag:s10] =	ssyncset.done $0x0;
	s4 =	sshrl.u32 s1, $0x2;
	s8 =	smul.u32 $0x32, s26  }
0x184: {  	s7 =	sshrl.u32 s7, $0x1;
	[sflag:s10] =	ssyncadd.s32 $0xFFFFC000;
	s4 =	sor.u32 $0xB200, s4  }
0x185: {  	[spmem:s2] =	stream.indirect.scatter.add.f32 [tilespmem:s28], [sflag:$0x6], $0x80, s4, s0, $0xb8;
	[tilespmem:$0x1F300] =	vst v63  }
0x186: {  	s7 =	sadd.s32 s7, s8;
	s8 =	simm.s32 @!p0 $0xA  }
0x187: {  	_ =	swait.ge @!p0 [sflag:s8], $0x4000;
	s7 =	sshll.u32 s7, $0x7  }
0x188: {  	[sflag:s8] =	ssyncset.done @!p0 $0x0;
	s7 =	sand.u32 $0x3FFFFF80, s7  }
0x189: {  	[sflag:s8] =	ssyncadd.s32 @!p0 $0xFFFFC000;
	s7 =	sadd.s32 $0x8000, s7  }
0x18a: {  	[tilespmem:s11], [sflag:$0x5] =	stream.indirect.gather [hbm4b:s5+s0], $0x80, s7, s0, $0xb8;
	[tilespmem:$0x1F300] =	vst v63  }
0x18b: {  	s1 =	sxor.u32 $0x200, s1;
	_ =	swait.ge [sflag:s12], $0x4000  }
0x18c: {  	s1 =	sshrl.u32 s1, $0x2;
	p0 =	seq.s32 s25, $0x5F;
	[sflag:s12] =	ssyncset.done $0x0  }
0x18d: {  	s1 =	sor.u32 $0xB200, s1;
	s7 =	simm.s32 @p0 $0x3;
	[sflag:s12] =	ssyncadd.s32 $0xFFFFC000  }
0x18e: {  	[spmem:s2] =	stream.indirect.scatter.add.f32 [tilespmem:s3], [sflag:$0x7], $0x80, s1, s0, $0xb8;
	[tilespmem:$0x1F300] =	vst v63  }
0x18f: {  	_ =	swait.ge @p0 [sflag:s7], $0x4000  }
0x190: {  	[sflag:s7] =	ssyncset.done @p0 $0x0  }
0x191: {  	s8 =	simm.s32 @p0 $0x13300;
	[sflag:s7] =	ssyncadd.s32 @p0 $0xFFFFC000;
	s7 =	simm.s32 @p0 $0x80  }
0x192: {  	[spmem:s2] =	stream.indirect.scatter.add.f32 @p0 [tilespmem:s8], [sflag:$0x8], $0x80, s4, s7, $0xb8;
	[tilespmem:$0x1F300] =	vst v63  }
0x193: {  	s7 =	sadd.s32 @!p0 $0x5, s25  }
0x194: {  	s8 =	sand.u32 @!p0 $0x1, s7  }
0x195: {  	p1 =	seq.s32 @!p0 s8, $0x1  }
0x196: {  	s8 =	simm.s32 @!p0 $0x32;
	p1 =	por !p1, p0  }
0x197: {  	s15 =	simm.s32 @!p0 $0x6;
	s7 =	sshrl.u32 @!p0 s7, $0x1;
	s8 =	simm.s32 @p1 $0x0  }
0x198: {  	_ =	swait.ge @!p0 [sflag:s15], $0x4000;
	s7 =	sadd.s32 @!p0 s7, s8  }
0x199: {  	[sflag:s15] =	ssyncset.done @!p0 $0x0;
	s7 =	sshll.u32 @!p0 s7, $0x7  }
0x19a: {  	[sflag:s15] =	ssyncadd.s32 @!p0 $0xFFFFC000;
	s7 =	sand.u32 @!p0 $0x3FFFFF80, s7  }
0x19b: {  	s15 =	simm.s32 @!p0 $0xB300;
	s8 =	simm.s32 @!p0 $0x80;
	s7 =	sadd.s32 @!p0 $0x8000, s7  }
0x19c: {  	[tilespmem:s15], [sflag:$0x1] =	stream.indirect.gather @!p0 [hbm4b:s5+s8], $0x80, s7, s8, $0xb8;
	[tilespmem:$0x1F300] =	vst v63  }
0x19d: {  	s7 =	simm.s32 @!p0 $0x3  }
0x19e: {  	_ =	swait.ge @!p0 [sflag:s7], $0x4000  }
0x19f: {  	[sflag:s7] =	ssyncset.done @!p0 $0x0  }
0x1a0: {  	[sflag:s7] =	ssyncadd.s32 @!p0 $0xFFFFC000;
	s7 =	simm.s32 @!p0 $0x13300  }
0x1a1: {  	[spmem:s2] =	stream.indirect.scatter.add.f32 @!p0 [tilespmem:s7], [sflag:$0x8], $0x80, s4, s8, $0xb8;
	[tilespmem:$0x1F300] =	vst v63  }
0x1a2: {  	s4 =	sand.u32 @!p0 $0x1, s25  }
0x1a3: {  	p1 =	seq.s32 @!p0 s4, $0x1  }
0x1a4: {  	s7 =	sadd.s32 @!p0 $0x6, s25;
	s4 =	simm.s32 @!p0 $0x32;
	p1 =	por !p1, p0  }
0x1a5: {  	s7 =	sshrl.u32 @!p0 s7, $0x1;
	s4 =	simm.s32 @p1 $0x0  }
0x1a6: {  	s4 =	sadd.s32 @!p0 s7, s4;
	s7 =	simm.s32 @!p0 $0x7  }
0x1a7: {  	_ =	swait.ge @!p0 [sflag:s7], $0x4000;
	s4 =	sshll.u32 @!p0 s4, $0x7  }
0x1a8: {  	[sflag:s7] =	ssyncset.done @!p0 $0x0;
	s4 =	sand.u32 @!p0 $0x3FFFFF80, s4  }
0x1a9: {  	[sflag:s7] =	ssyncadd.s32 @!p0 $0xFFFFC000;
	s4 =	sadd.s32 @!p0 $0x8000, s4;
	s7 =	simm.s32 @!p0 $0xF300  }
0x1aa: {  	[tilespmem:s7], [sflag:$0x2] =	stream.indirect.gather @!p0 [hbm4b:s5+s8], $0x80, s4, s8, $0xb8;
	[tilespmem:$0x1F300] =	vst v63  }
.Ltmp8:
0x1ab: {  	_ = 	snop;
	(pc) =	sbr.rel @p0 .LBB2_13-.Ltmp8, $4  }
0x1ac: {  	_ =	swait.ge [sflag:s13], $0x4000  }
0x1ad: {  	[sflag:s13] =	ssyncset.done $0x0  }
0x1ae: {  	[sflag:s13] =	ssyncadd.s32 $0xFFFFC000  }
0x1af: {  	[spmem:s2] =	stream.indirect.scatter.add.f32 [tilespmem:s9], [sflag:$0x9], $0x80, s1, s0, $0xb8;
	[tilespmem:$0x1F300] =	vst v63  }
0x1b0: {  	s1 =	sadd.s32 $0x7, s25  }
0x1b1: {  	s4 =	sand.u32 $0x1, s1  }
0x1b2: {  	p0 =	seq.s32 s4, $0x1;
	s4 =	simm.s32 $0x32  }
0x1b3: {  	s1 =	sshrl.u32 s1, $0x1;
	s4 =	simm.s32 @!p0 $0x0  }
0x1b4: {  	s1 =	sadd.s32 s1, s4  }
0x1b5: {  	_ =	swait.ge [sflag:s18], $0x4000;
	s1 =	sshll.u32 s1, $0x7  }
0x1b6: {  	[sflag:s18] =	ssyncset.done $0x0;
	s1 =	sand.u32 $0x3FFFFF80, s1  }
0x1b7: {  	[sflag:s18] =	ssyncadd.s32 $0xFFFFC000;
	s1 =	sadd.s32 $0x8000, s1  }
0x1b8: {  	[tilespmem:s6], [sflag:$0x3] =	stream.indirect.gather [hbm4b:s5+s0], $0x80, s1, s0, $0xb8;
	[tilespmem:$0x1F300] =	vst v63  }
0x1b9: {  	s8 =	sshll.u32 s26, $0x7;
	_ =	swait.ge [sflag:s14], $0x4000  }
0x1ba: {  	s15 =	sadd.s32 $0x8, s25;
	p0 =	seq.s32 s26, $0x1;
	[sflag:s14] =	ssyncset.done $0x0  }
0x1bb: {  	s4 =	simm.s32 $0x32;
	s1 =	sor.u32 $0xB200, s8;
	[sflag:s14] =	ssyncadd.s32 $0xFFFFC000  }
0x1bc: {  	[spmem:s2] =	stream.indirect.scatter.add.f32 [tilespmem:s11], [sflag:$0xA], $0x80, s1, s0, $0xb8;
	[tilespmem:$0x1F300] =	vst v63  }
0x1bd: {  	s4 =	simm.s32 @!p0 $0x0;
	s1 =	sshrl.u32 s15, $0x1  }
.Ltmp9:
0x1be: {  	s1 =	sadd.s32 s1, s4;
	(pc) =	sbr.rel .LBB2_11-.Ltmp9, $4  }
0x1bf: {  	_ =	swait.ge [sflag:s19], $0x4000;
	s1 =	sshll.u32 s1, $0x7  }
0x1c0: {  	s25 =	sadd.s32 $0x5, s25;
	[sflag:s19] =	ssyncset.done $0x0;
	s1 =	sand.u32 $0x3FFFFF80, s1  }
0x1c1: {  	s24 =	sadd.s32 $0x200, s24;
	[sflag:s19] =	ssyncadd.s32 $0xFFFFC000;
	s1 =	sadd.s32 $0x8000, s1  }
0x1c2: {  	[tilespmem:s9], [sflag:$0x4] =	stream.indirect.gather [hbm4b:s5+s0], $0x80, s1, s0, $0xb8;
	[tilespmem:$0x1F300] =	vst v63  }
.LBB2_13:
0x1c3: {  	_ =	swait.ge [sflag:s14], $0x4000  }
0x1c4: {  	[sflag:s14] =	ssyncset.done $0x0  }
0x1c5: {  	s1 =	simm.s32 $0xB280;
	[sflag:s14] =	ssyncadd.s32 $0xFFFFC000  }
0x1c6: {  	[spmem:s2] =	stream.indirect.scatter.add.f32 [tilespmem:s11], [sflag:$0xA], $0x80, s1, s0, $0xb8;
	[tilespmem:$0x1F300] =	vst v63  }
0x1c7: {  	_ =	swait.ge [sflag:s16], $0x4000  }
0x1c8: {  	[sflag:s16] =	ssyncset.done $0x0  }
0x1c9: {  	[sflag:s16] =	ssyncadd.s32 $0xFFFFC000  }
0x1ca: {  	_ =	swait.ge [sflag:s17], $0x4000  }
0x1cb: {  	[sflag:s17] =	ssyncset.done $0x0  }
0x1cc: {  	[sflag:s17] =	ssyncadd.s32 $0xFFFFC000  }
0x1cd: {  	_ =	swait.ge [sflag:s18], $0x4000  }
0x1ce: {  	[sflag:s18] =	ssyncset.done $0x0  }
0x1cf: {  	[sflag:s18] =	ssyncadd.s32 $0xFFFFC000  }
0x1d0: {  	_ =	swait.ge [sflag:s19], $0x4000  }
0x1d1: {  	[sflag:s19] =	ssyncset.done $0x0  }
0x1d2: {  	[sflag:s19] =	ssyncadd.s32 $0xFFFFC000  }
0x1d3: {  	_ =	swait.ge [sflag:s20], $0x4000  }
0x1d4: {  	[sflag:s20] =	ssyncset.done $0x0  }
0x1d5: {  	s4 =	rddreg [dreg:$0xe];
	[sflag:s20] =	ssyncadd.s32 $0xFFFFC000  }
0x1d6: {  	[hbm:s4], [sflag:s22] =	dma.local [spmem:s23], $0x1000  }
0x1d7: {  	_ =	swait.ge [sflag:s29], $0x1000  }
0x1d8: {  	[sflag:s29] =	ssyncset.done $0x0  }
0x1d9: {  	[sflag:s29] =	ssyncadd.s32 $0xFFFFF000  }
0x1da: {  	s7 =	rddreg [dreg:$0x1]  }
0x1db: {  	[spmem:s23], [sflag:s22] =	dma.local [hbm:s7], $0x1000  }
0x1dc: {  	_ =	swait.ge [sflag:s29], $0x1000  }
0x1dd: {  	[sflag:s29] =	ssyncset.done $0x0  }
0x1de: {  	s24 =	simm.s32 $0x0;
	s8 =	rddreg [dreg:$0x18];
	[sflag:s29] =	ssyncadd.s32 $0xFFFFF000  }
0x1df: {  	[tilespmem:s30], [sflag:$0xB] =	stream.linear.gather [hbm4b:s8+s24], $0x1900, $0x38;
	[tilespmem:$0x1F300] =	vst v63  }
0x1e0: {  	_ =	swait.ge [sflag:s29], $0x1900  }
0x1e1: {  	[sflag:s29] =	ssyncset.done $0x0  }
0x1e2: {  	s15 =	rddreg [dreg:$0xf];
	[sflag:s29] =	ssyncadd.s32 $0xFFFFE700  }
0x1e3: {  	[tilespmem:s31], [sflag:$0xB] =	stream.linear.gather [hbm4b:s15+s24], $0x1900, $0x38;
	[tilespmem:$0x1F300] =	vst v63  }
0x1e4: {  	_ =	swait.ge [sflag:s29], $0x1900  }
0x1e5: {  	[sflag:s29] =	ssyncset.done $0x0  }
0x1e6: {  	[sflag:s29] =	ssyncadd.s32 $0xFFFFE700  }
0x1e7: {  	[tilespmem:s28], [sflag:$0x1] =	stream.indirect.gather [hbm4b:s5+s0], $0x80, s30, s0, $0xb8;
	[tilespmem:$0x1F300] =	vst v63  }
0x1e8: {  	_ = 	snop  }
0x1e9: {  	[tilespmem:s3], [sflag:$0x2] =	stream.indirect.gather [hbm4b:s5+s0], $0x80, s31, s0, $0xb8;
	[tilespmem:$0x1F300] =	vst v63  }
0x1ea: {  	s25 =	simm.s32 $0x8080  }
0x1eb: {  	[tilespmem:s6], [sflag:$0x3] =	stream.indirect.gather [hbm4b:s5+s0], $0x80, s25, s0, $0xb8;
	[tilespmem:$0x1F300] =	vst v63  }
0x1ec: {  	s26 =	simm.s32 $0x9980;
	s25 =	simm.s32 $0x0  }
0x1ed: {  	[tilespmem:s9], [sflag:$0x4] =	stream.indirect.gather [hbm4b:s5+s0], $0x80, s26, s0, $0xb8;
	[tilespmem:$0x1F300] =	vst v63  }
.LBB2_14:
0x1ee: {  	_ =	swait.ge [sflag:s10], $0x4000;
	s1 =	sand.u32 $0x200, s24  }
0x1ef: {  	s26 =	sand.u32 $0x1, s25;
	s7 =	sadd.s32 $0x4, s25;
	p0 =	seq.s32 s25, $0x0  }
0x1f0: {  	[sflag:s10] =	ssyncset.done $0x0;
	s4 =	sshrl.u32 s1, $0x2;
	s8 =	smul.u32 $0x32, s26  }
0x1f1: {  	s7 =	sshrl.u32 s7, $0x1;
	[sflag:s10] =	ssyncadd.s32 $0xFFFFC000;
	s4 =	sor.u32 $0xB200, s4  }
0x1f2: {  	[spmem:s2] =	stream.indirect.scatter.add.f32 [tilespmem:s28], [sflag:$0x6], $0x80, s4, s0, $0xb8;
	[tilespmem:$0x1F300] =	vst v63  }
0x1f3: {  	s7 =	sadd.s32 s7, s8;
	s8 =	simm.s32 @!p0 $0xA  }
0x1f4: {  	_ =	swait.ge @!p0 [sflag:s8], $0x4000;
	s7 =	sshll.u32 s7, $0x7  }
0x1f5: {  	[sflag:s8] =	ssyncset.done @!p0 $0x0;
	s7 =	sand.u32 $0x3FFFFF80, s7  }
0x1f6: {  	[sflag:s8] =	ssyncadd.s32 @!p0 $0xFFFFC000;
	s7 =	sadd.s32 $0x8000, s7  }
0x1f7: {  	[tilespmem:s11], [sflag:$0x5] =	stream.indirect.gather [hbm4b:s5+s0], $0x80, s7, s0, $0xb8;
	[tilespmem:$0x1F300] =	vst v63  }
0x1f8: {  	s1 =	sxor.u32 $0x200, s1;
	_ =	swait.ge [sflag:s12], $0x4000  }
0x1f9: {  	s1 =	sshrl.u32 s1, $0x2;
	p0 =	seq.s32 s25, $0x5F;
	[sflag:s12] =	ssyncset.done $0x0  }
0x1fa: {  	s1 =	sor.u32 $0xB200, s1;
	s7 =	simm.s32 @p0 $0x3;
	[sflag:s12] =	ssyncadd.s32 $0xFFFFC000  }
0x1fb: {  	[spmem:s2] =	stream.indirect.scatter.add.f32 [tilespmem:s3], [sflag:$0x7], $0x80, s1, s0, $0xb8;
	[tilespmem:$0x1F300] =	vst v63  }
0x1fc: {  	_ =	swait.ge @p0 [sflag:s7], $0x4000  }
0x1fd: {  	[sflag:s7] =	ssyncset.done @p0 $0x0  }
0x1fe: {  	s8 =	simm.s32 @p0 $0x13300;
	[sflag:s7] =	ssyncadd.s32 @p0 $0xFFFFC000;
	s7 =	simm.s32 @p0 $0x80  }
0x1ff: {  	[spmem:s2] =	stream.indirect.scatter.add.f32 @p0 [tilespmem:s8], [sflag:$0x8], $0x80, s4, s7, $0xb8;
	[tilespmem:$0x1F300] =	vst v63  }
0x200: {  	s7 =	sadd.s32 @!p0 $0x5, s25  }
0x201: {  	s8 =	sand.u32 @!p0 $0x1, s7  }
0x202: {  	p1 =	seq.s32 @!p0 s8, $0x1  }
0x203: {  	s8 =	simm.s32 @!p0 $0x32;
	p1 =	por !p1, p0  }
0x204: {  	s15 =	simm.s32 @!p0 $0x6;
	s7 =	sshrl.u32 @!p0 s7, $0x1;
	s8 =	simm.s32 @p1 $0x0  }
0x205: {  	_ =	swait.ge @!p0 [sflag:s15], $0x4000;
	s7 =	sadd.s32 @!p0 s7, s8  }
0x206: {  	[sflag:s15] =	ssyncset.done @!p0 $0x0;
	s7 =	sshll.u32 @!p0 s7, $0x7  }
0x207: {  	[sflag:s15] =	ssyncadd.s32 @!p0 $0xFFFFC000;
	s7 =	sand.u32 @!p0 $0x3FFFFF80, s7  }
0x208: {  	s15 =	simm.s32 @!p0 $0xB300;
	s8 =	simm.s32 @!p0 $0x80;
	s7 =	sadd.s32 @!p0 $0x8000, s7  }
0x209: {  	[tilespmem:s15], [sflag:$0x1] =	stream.indirect.gather @!p0 [hbm4b:s5+s8], $0x80, s7, s8, $0xb8;
	[tilespmem:$0x1F300] =	vst v63  }
0x20a: {  	s7 =	simm.s32 @!p0 $0x3  }
0x20b: {  	_ =	swait.ge @!p0 [sflag:s7], $0x4000  }
0x20c: {  	[sflag:s7] =	ssyncset.done @!p0 $0x0  }
0x20d: {  	[sflag:s7] =	ssyncadd.s32 @!p0 $0xFFFFC000;
	s7 =	simm.s32 @!p0 $0x13300  }
0x20e: {  	[spmem:s2] =	stream.indirect.scatter.add.f32 @!p0 [tilespmem:s7], [sflag:$0x8], $0x80, s4, s8, $0xb8;
	[tilespmem:$0x1F300] =	vst v63  }
0x20f: {  	s4 =	sand.u32 @!p0 $0x1, s25  }
0x210: {  	p1 =	seq.s32 @!p0 s4, $0x1  }
0x211: {  	s7 =	sadd.s32 @!p0 $0x6, s25;
	s4 =	simm.s32 @!p0 $0x32;
	p1 =	por !p1, p0  }
0x212: {  	s7 =	sshrl.u32 @!p0 s7, $0x1;
	s4 =	simm.s32 @p1 $0x0  }
0x213: {  	s4 =	sadd.s32 @!p0 s7, s4;
	s7 =	simm.s32 @!p0 $0x7  }
0x214: {  	_ =	swait.ge @!p0 [sflag:s7], $0x4000;
	s4 =	sshll.u32 @!p0 s4, $0x7  }
0x215: {  	[sflag:s7] =	ssyncset.done @!p0 $0x0;
	s4 =	sand.u32 @!p0 $0x3FFFFF80, s4  }
0x216: {  	[sflag:s7] =	ssyncadd.s32 @!p0 $0xFFFFC000;
	s4 =	sadd.s32 @!p0 $0x8000, s4;
	s7 =	simm.s32 @!p0 $0xF300  }
0x217: {  	[tilespmem:s7], [sflag:$0x2] =	stream.indirect.gather @!p0 [hbm4b:s5+s8], $0x80, s4, s8, $0xb8;
	[tilespmem:$0x1F300] =	vst v63  }
.Ltmp10:
0x218: {  	_ = 	snop;
	(pc) =	sbr.rel @p0 .LBB2_16-.Ltmp10, $4  }
0x219: {  	_ =	swait.ge [sflag:s13], $0x4000  }
0x21a: {  	[sflag:s13] =	ssyncset.done $0x0  }
0x21b: {  	[sflag:s13] =	ssyncadd.s32 $0xFFFFC000  }
0x21c: {  	[spmem:s2] =	stream.indirect.scatter.add.f32 [tilespmem:s9], [sflag:$0x9], $0x80, s1, s0, $0xb8;
	[tilespmem:$0x1F300] =	vst v63  }
0x21d: {  	s1 =	sadd.s32 $0x7, s25  }
0x21e: {  	s4 =	sand.u32 $0x1, s1  }
0x21f: {  	p0 =	seq.s32 s4, $0x1;
	s4 =	simm.s32 $0x32  }
0x220: {  	s1 =	sshrl.u32 s1, $0x1;
	s4 =	simm.s32 @!p0 $0x0  }
0x221: {  	s1 =	sadd.s32 s1, s4  }
0x222: {  	_ =	swait.ge [sflag:s18], $0x4000;
	s1 =	sshll.u32 s1, $0x7  }
0x223: {  	[sflag:s18] =	ssyncset.done $0x0;
	s1 =	sand.u32 $0x3FFFFF80, s1  }
0x224: {  	[sflag:s18] =	ssyncadd.s32 $0xFFFFC000;
	s1 =	sadd.s32 $0x8000, s1  }
0x225: {  	[tilespmem:s6], [sflag:$0x3] =	stream.indirect.gather [hbm4b:s5+s0], $0x80, s1, s0, $0xb8;
	[tilespmem:$0x1F300] =	vst v63  }
0x226: {  	s8 =	sshll.u32 s26, $0x7;
	_ =	swait.ge [sflag:s14], $0x4000  }
0x227: {  	s15 =	sadd.s32 $0x8, s25;
	p0 =	seq.s32 s26, $0x1;
	[sflag:s14] =	ssyncset.done $0x0  }
0x228: {  	s4 =	simm.s32 $0x32;
	s1 =	sor.u32 $0xB200, s8;
	[sflag:s14] =	ssyncadd.s32 $0xFFFFC000  }
0x229: {  	[spmem:s2] =	stream.indirect.scatter.add.f32 [tilespmem:s11], [sflag:$0xA], $0x80, s1, s0, $0xb8;
	[tilespmem:$0x1F300] =	vst v63  }
0x22a: {  	s4 =	simm.s32 @!p0 $0x0;
	s1 =	sshrl.u32 s15, $0x1  }
.Ltmp11:
0x22b: {  	s1 =	sadd.s32 s1, s4;
	(pc) =	sbr.rel .LBB2_14-.Ltmp11, $4  }
0x22c: {  	_ =	swait.ge [sflag:s19], $0x4000;
	s1 =	sshll.u32 s1, $0x7  }
0x22d: {  	s25 =	sadd.s32 $0x5, s25;
	[sflag:s19] =	ssyncset.done $0x0;
	s1 =	sand.u32 $0x3FFFFF80, s1  }
0x22e: {  	s24 =	sadd.s32 $0x200, s24;
	[sflag:s19] =	ssyncadd.s32 $0xFFFFC000;
	s1 =	sadd.s32 $0x8000, s1  }
0x22f: {  	[tilespmem:s9], [sflag:$0x4] =	stream.indirect.gather [hbm4b:s5+s0], $0x80, s1, s0, $0xb8;
	[tilespmem:$0x1F300] =	vst v63  }
.LBB2_16:
0x230: {  	_ =	swait.ge [sflag:s14], $0x4000  }
0x231: {  	[sflag:s14] =	ssyncset.done $0x0  }
0x232: {  	s1 =	simm.s32 $0xB280;
	[sflag:s14] =	ssyncadd.s32 $0xFFFFC000  }
0x233: {  	[spmem:s2] =	stream.indirect.scatter.add.f32 [tilespmem:s11], [sflag:$0xA], $0x80, s1, s0, $0xb8;
	[tilespmem:$0x1F300] =	vst v63  }
0x234: {  	_ =	swait.ge [sflag:s16], $0x4000  }
0x235: {  	[sflag:s16] =	ssyncset.done $0x0  }
0x236: {  	[sflag:s16] =	ssyncadd.s32 $0xFFFFC000  }
0x237: {  	_ =	swait.ge [sflag:s17], $0x4000  }
0x238: {  	[sflag:s17] =	ssyncset.done $0x0  }
0x239: {  	[sflag:s17] =	ssyncadd.s32 $0xFFFFC000  }
0x23a: {  	_ =	swait.ge [sflag:s18], $0x4000  }
0x23b: {  	[sflag:s18] =	ssyncset.done $0x0  }
0x23c: {  	[sflag:s18] =	ssyncadd.s32 $0xFFFFC000  }
0x23d: {  	_ =	swait.ge [sflag:s19], $0x4000  }
0x23e: {  	[sflag:s19] =	ssyncset.done $0x0  }
0x23f: {  	[sflag:s19] =	ssyncadd.s32 $0xFFFFC000  }
0x240: {  	_ =	swait.ge [sflag:s20], $0x4000  }
0x241: {  	[sflag:s20] =	ssyncset.done $0x0  }
0x242: {  	s24 =	simm.s32 $0x0;
	s8 =	rddreg [dreg:$0x10];
	[sflag:s20] =	ssyncadd.s32 $0xFFFFC000  }
0x243: {  	[tilespmem:s30], [sflag:$0xB] =	stream.linear.gather [hbm4b:s8+s24], $0x1900, $0x38;
	[tilespmem:$0x1F300] =	vst v63  }
0x244: {  	_ =	swait.ge [sflag:s29], $0x1900  }
0x245: {  	[sflag:s29] =	ssyncset.done $0x0  }
0x246: {  	s15 =	rddreg [dreg:$0x11];
	[sflag:s29] =	ssyncadd.s32 $0xFFFFE700  }
0x247: {  	[tilespmem:s31], [sflag:$0xB] =	stream.linear.gather [hbm4b:s15+s24], $0x1900, $0x38;
	[tilespmem:$0x1F300] =	vst v63  }
0x248: {  	_ =	swait.ge [sflag:s29], $0x1900  }
0x249: {  	[sflag:s29] =	ssyncset.done $0x0  }
0x24a: {  	[sflag:s29] =	ssyncadd.s32 $0xFFFFE700  }
0x24b: {  	[tilespmem:s28], [sflag:$0x1] =	stream.indirect.gather [hbm4b:s5+s0], $0x80, s30, s0, $0xb8;
	[tilespmem:$0x1F300] =	vst v63  }
0x24c: {  	_ = 	snop  }
0x24d: {  	[tilespmem:s3], [sflag:$0x2] =	stream.indirect.gather [hbm4b:s5+s0], $0x80, s31, s0, $0xb8;
	[tilespmem:$0x1F300] =	vst v63  }
0x24e: {  	s25 =	simm.s32 $0x8080  }
0x24f: {  	[tilespmem:s6], [sflag:$0x3] =	stream.indirect.gather [hbm4b:s5+s0], $0x80, s25, s0, $0xb8;
	[tilespmem:$0x1F300] =	vst v63  }
0x250: {  	s26 =	simm.s32 $0x9980;
	s25 =	simm.s32 $0x0  }
0x251: {  	[tilespmem:s9], [sflag:$0x4] =	stream.indirect.gather [hbm4b:s5+s0], $0x80, s26, s0, $0xb8;
	[tilespmem:$0x1F300] =	vst v63  }
.LBB2_17:
0x252: {  	_ =	swait.ge [sflag:s10], $0x4000;
	s1 =	sand.u32 $0x200, s24  }
0x253: {  	s26 =	sand.u32 $0x1, s25;
	s7 =	sadd.s32 $0x4, s25;
	p0 =	seq.s32 s25, $0x0  }
0x254: {  	[sflag:s10] =	ssyncset.done $0x0;
	s4 =	sshrl.u32 s1, $0x2;
	s8 =	smul.u32 $0x32, s26  }
0x255: {  	s7 =	sshrl.u32 s7, $0x1;
	[sflag:s10] =	ssyncadd.s32 $0xFFFFC000;
	s4 =	sor.u32 $0xB200, s4  }
0x256: {  	[spmem:s2] =	stream.indirect.scatter.add.f32 [tilespmem:s28], [sflag:$0x6], $0x80, s4, s0, $0xb8;
	[tilespmem:$0x1F300] =	vst v63  }
0x257: {  	s7 =	sadd.s32 s7, s8;
	s8 =	simm.s32 @!p0 $0xA  }
0x258: {  	_ =	swait.ge @!p0 [sflag:s8], $0x4000;
	s7 =	sshll.u32 s7, $0x7  }
0x259: {  	[sflag:s8] =	ssyncset.done @!p0 $0x0;
	s7 =	sand.u32 $0x3FFFFF80, s7  }
0x25a: {  	[sflag:s8] =	ssyncadd.s32 @!p0 $0xFFFFC000;
	s7 =	sadd.s32 $0x8000, s7  }
0x25b: {  	[tilespmem:s11], [sflag:$0x5] =	stream.indirect.gather [hbm4b:s5+s0], $0x80, s7, s0, $0xb8;
	[tilespmem:$0x1F300] =	vst v63  }
0x25c: {  	s1 =	sxor.u32 $0x200, s1;
	_ =	swait.ge [sflag:s12], $0x4000  }
0x25d: {  	s1 =	sshrl.u32 s1, $0x2;
	p0 =	seq.s32 s25, $0x5F;
	[sflag:s12] =	ssyncset.done $0x0  }
0x25e: {  	s1 =	sor.u32 $0xB200, s1;
	s7 =	simm.s32 @p0 $0x3;
	[sflag:s12] =	ssyncadd.s32 $0xFFFFC000  }
0x25f: {  	[spmem:s2] =	stream.indirect.scatter.add.f32 [tilespmem:s3], [sflag:$0x7], $0x80, s1, s0, $0xb8;
	[tilespmem:$0x1F300] =	vst v63  }
0x260: {  	_ =	swait.ge @p0 [sflag:s7], $0x4000  }
0x261: {  	[sflag:s7] =	ssyncset.done @p0 $0x0  }
0x262: {  	s8 =	simm.s32 @p0 $0x13300;
	[sflag:s7] =	ssyncadd.s32 @p0 $0xFFFFC000;
	s7 =	simm.s32 @p0 $0x80  }
0x263: {  	[spmem:s2] =	stream.indirect.scatter.add.f32 @p0 [tilespmem:s8], [sflag:$0x8], $0x80, s4, s7, $0xb8;
	[tilespmem:$0x1F300] =	vst v63  }
0x264: {  	s7 =	sadd.s32 @!p0 $0x5, s25  }
0x265: {  	s8 =	sand.u32 @!p0 $0x1, s7  }
0x266: {  	p1 =	seq.s32 @!p0 s8, $0x1  }
0x267: {  	s8 =	simm.s32 @!p0 $0x32;
	p1 =	por !p1, p0  }
0x268: {  	s15 =	simm.s32 @!p0 $0x6;
	s7 =	sshrl.u32 @!p0 s7, $0x1;
	s8 =	simm.s32 @p1 $0x0  }
0x269: {  	_ =	swait.ge @!p0 [sflag:s15], $0x4000;
	s7 =	sadd.s32 @!p0 s7, s8  }
0x26a: {  	[sflag:s15] =	ssyncset.done @!p0 $0x0;
	s7 =	sshll.u32 @!p0 s7, $0x7  }
0x26b: {  	[sflag:s15] =	ssyncadd.s32 @!p0 $0xFFFFC000;
	s7 =	sand.u32 @!p0 $0x3FFFFF80, s7  }
0x26c: {  	s15 =	simm.s32 @!p0 $0xB300;
	s8 =	simm.s32 @!p0 $0x80;
	s7 =	sadd.s32 @!p0 $0x8000, s7  }
0x26d: {  	[tilespmem:s15], [sflag:$0x1] =	stream.indirect.gather @!p0 [hbm4b:s5+s8], $0x80, s7, s8, $0xb8;
	[tilespmem:$0x1F300] =	vst v63  }
0x26e: {  	s7 =	simm.s32 @!p0 $0x3  }
0x26f: {  	_ =	swait.ge @!p0 [sflag:s7], $0x4000  }
0x270: {  	[sflag:s7] =	ssyncset.done @!p0 $0x0  }
0x271: {  	[sflag:s7] =	ssyncadd.s32 @!p0 $0xFFFFC000;
	s7 =	simm.s32 @!p0 $0x13300  }
0x272: {  	[spmem:s2] =	stream.indirect.scatter.add.f32 @!p0 [tilespmem:s7], [sflag:$0x8], $0x80, s4, s8, $0xb8;
	[tilespmem:$0x1F300] =	vst v63  }
0x273: {  	s4 =	sand.u32 @!p0 $0x1, s25  }
0x274: {  	p1 =	seq.s32 @!p0 s4, $0x1  }
0x275: {  	s7 =	sadd.s32 @!p0 $0x6, s25;
	s4 =	simm.s32 @!p0 $0x32;
	p1 =	por !p1, p0  }
0x276: {  	s7 =	sshrl.u32 @!p0 s7, $0x1;
	s4 =	simm.s32 @p1 $0x0  }
0x277: {  	s4 =	sadd.s32 @!p0 s7, s4;
	s7 =	simm.s32 @!p0 $0x7  }
0x278: {  	_ =	swait.ge @!p0 [sflag:s7], $0x4000;
	s4 =	sshll.u32 @!p0 s4, $0x7  }
0x279: {  	[sflag:s7] =	ssyncset.done @!p0 $0x0;
	s4 =	sand.u32 @!p0 $0x3FFFFF80, s4  }
0x27a: {  	[sflag:s7] =	ssyncadd.s32 @!p0 $0xFFFFC000;
	s4 =	sadd.s32 @!p0 $0x8000, s4;
	s7 =	simm.s32 @!p0 $0xF300  }
0x27b: {  	[tilespmem:s7], [sflag:$0x2] =	stream.indirect.gather @!p0 [hbm4b:s5+s8], $0x80, s4, s8, $0xb8;
	[tilespmem:$0x1F300] =	vst v63  }
.Ltmp12:
0x27c: {  	_ = 	snop;
	(pc) =	sbr.rel @p0 .LBB2_19-.Ltmp12, $4  }
0x27d: {  	_ =	swait.ge [sflag:s13], $0x4000  }
0x27e: {  	[sflag:s13] =	ssyncset.done $0x0  }
0x27f: {  	[sflag:s13] =	ssyncadd.s32 $0xFFFFC000  }
0x280: {  	[spmem:s2] =	stream.indirect.scatter.add.f32 [tilespmem:s9], [sflag:$0x9], $0x80, s1, s0, $0xb8;
	[tilespmem:$0x1F300] =	vst v63  }
0x281: {  	s1 =	sadd.s32 $0x7, s25  }
0x282: {  	s4 =	sand.u32 $0x1, s1  }
0x283: {  	p0 =	seq.s32 s4, $0x1;
	s4 =	simm.s32 $0x32  }
0x284: {  	s1 =	sshrl.u32 s1, $0x1;
	s4 =	simm.s32 @!p0 $0x0  }
0x285: {  	s1 =	sadd.s32 s1, s4  }
0x286: {  	_ =	swait.ge [sflag:s18], $0x4000;
	s1 =	sshll.u32 s1, $0x7  }
0x287: {  	[sflag:s18] =	ssyncset.done $0x0;
	s1 =	sand.u32 $0x3FFFFF80, s1  }
0x288: {  	[sflag:s18] =	ssyncadd.s32 $0xFFFFC000;
	s1 =	sadd.s32 $0x8000, s1  }
0x289: {  	[tilespmem:s6], [sflag:$0x3] =	stream.indirect.gather [hbm4b:s5+s0], $0x80, s1, s0, $0xb8;
	[tilespmem:$0x1F300] =	vst v63  }
0x28a: {  	s8 =	sshll.u32 s26, $0x7;
	_ =	swait.ge [sflag:s14], $0x4000  }
0x28b: {  	s15 =	sadd.s32 $0x8, s25;
	p0 =	seq.s32 s26, $0x1;
	[sflag:s14] =	ssyncset.done $0x0  }
0x28c: {  	s4 =	simm.s32 $0x32;
	s1 =	sor.u32 $0xB200, s8;
	[sflag:s14] =	ssyncadd.s32 $0xFFFFC000  }
0x28d: {  	[spmem:s2] =	stream.indirect.scatter.add.f32 [tilespmem:s11], [sflag:$0xA], $0x80, s1, s0, $0xb8;
	[tilespmem:$0x1F300] =	vst v63  }
0x28e: {  	s4 =	simm.s32 @!p0 $0x0;
	s1 =	sshrl.u32 s15, $0x1  }
.Ltmp13:
0x28f: {  	s1 =	sadd.s32 s1, s4;
	(pc) =	sbr.rel .LBB2_17-.Ltmp13, $4  }
0x290: {  	_ =	swait.ge [sflag:s19], $0x4000;
	s1 =	sshll.u32 s1, $0x7  }
0x291: {  	s25 =	sadd.s32 $0x5, s25;
	[sflag:s19] =	ssyncset.done $0x0;
	s1 =	sand.u32 $0x3FFFFF80, s1  }
0x292: {  	s24 =	sadd.s32 $0x200, s24;
	[sflag:s19] =	ssyncadd.s32 $0xFFFFC000;
	s1 =	sadd.s32 $0x8000, s1  }
0x293: {  	[tilespmem:s9], [sflag:$0x4] =	stream.indirect.gather [hbm4b:s5+s0], $0x80, s1, s0, $0xb8;
	[tilespmem:$0x1F300] =	vst v63  }
.LBB2_19:
0x294: {  	_ =	swait.ge [sflag:s14], $0x4000  }
0x295: {  	[sflag:s14] =	ssyncset.done $0x0  }
0x296: {  	s1 =	simm.s32 $0xB280;
	[sflag:s14] =	ssyncadd.s32 $0xFFFFC000  }
0x297: {  	[spmem:s2] =	stream.indirect.scatter.add.f32 [tilespmem:s11], [sflag:$0xA], $0x80, s1, s0, $0xb8;
	[tilespmem:$0x1F300] =	vst v63  }
0x298: {  	_ =	swait.ge [sflag:s16], $0x4000  }
0x299: {  	[sflag:s16] =	ssyncset.done $0x0  }
0x29a: {  	[sflag:s16] =	ssyncadd.s32 $0xFFFFC000  }
0x29b: {  	_ =	swait.ge [sflag:s17], $0x4000  }
0x29c: {  	[sflag:s17] =	ssyncset.done $0x0  }
0x29d: {  	[sflag:s17] =	ssyncadd.s32 $0xFFFFC000  }
0x29e: {  	_ =	swait.ge [sflag:s18], $0x4000  }
0x29f: {  	[sflag:s18] =	ssyncset.done $0x0  }
0x2a0: {  	[sflag:s18] =	ssyncadd.s32 $0xFFFFC000  }
0x2a1: {  	_ =	swait.ge [sflag:s19], $0x4000  }
0x2a2: {  	[sflag:s19] =	ssyncset.done $0x0  }
0x2a3: {  	[sflag:s19] =	ssyncadd.s32 $0xFFFFC000  }
0x2a4: {  	_ =	swait.ge [sflag:s20], $0x4000  }
0x2a5: {  	[sflag:s20] =	ssyncset.done $0x0  }
0x2a6: {  	s24 =	simm.s32 $0x0;
	s8 =	rddreg [dreg:$0x12];
	[sflag:s20] =	ssyncadd.s32 $0xFFFFC000  }
0x2a7: {  	[tilespmem:s30], [sflag:$0xB] =	stream.linear.gather [hbm4b:s8+s24], $0x1900, $0x38;
	[tilespmem:$0x1F300] =	vst v63  }
0x2a8: {  	_ =	swait.ge [sflag:s29], $0x1900  }
0x2a9: {  	[sflag:s29] =	ssyncset.done $0x0  }
0x2aa: {  	s15 =	rddreg [dreg:$0x13];
	[sflag:s29] =	ssyncadd.s32 $0xFFFFE700  }
0x2ab: {  	[tilespmem:s31], [sflag:$0xB] =	stream.linear.gather [hbm4b:s15+s24], $0x1900, $0x38;
	[tilespmem:$0x1F300] =	vst v63  }
0x2ac: {  	_ =	swait.ge [sflag:s29], $0x1900  }
0x2ad: {  	[sflag:s29] =	ssyncset.done $0x0  }
0x2ae: {  	[sflag:s29] =	ssyncadd.s32 $0xFFFFE700  }
0x2af: {  	[tilespmem:s28], [sflag:$0x1] =	stream.indirect.gather [hbm4b:s5+s0], $0x80, s30, s0, $0xb8;
	[tilespmem:$0x1F300] =	vst v63  }
0x2b0: {  	_ = 	snop  }
0x2b1: {  	[tilespmem:s3], [sflag:$0x2] =	stream.indirect.gather [hbm4b:s5+s0], $0x80, s31, s0, $0xb8;
	[tilespmem:$0x1F300] =	vst v63  }
0x2b2: {  	s25 =	simm.s32 $0x8080  }
0x2b3: {  	[tilespmem:s6], [sflag:$0x3] =	stream.indirect.gather [hbm4b:s5+s0], $0x80, s25, s0, $0xb8;
	[tilespmem:$0x1F300] =	vst v63  }
0x2b4: {  	s26 =	simm.s32 $0x9980;
	s25 =	simm.s32 $0x0  }
0x2b5: {  	[tilespmem:s9], [sflag:$0x4] =	stream.indirect.gather [hbm4b:s5+s0], $0x80, s26, s0, $0xb8;
	[tilespmem:$0x1F300] =	vst v63  }
.LBB2_20:
0x2b6: {  	_ =	swait.ge [sflag:s10], $0x4000;
	s1 =	sand.u32 $0x200, s24  }
0x2b7: {  	s26 =	sand.u32 $0x1, s25;
	s7 =	sadd.s32 $0x4, s25;
	p0 =	seq.s32 s25, $0x0  }
0x2b8: {  	[sflag:s10] =	ssyncset.done $0x0;
	s4 =	sshrl.u32 s1, $0x2;
	s8 =	smul.u32 $0x32, s26  }
0x2b9: {  	s7 =	sshrl.u32 s7, $0x1;
	[sflag:s10] =	ssyncadd.s32 $0xFFFFC000;
	s4 =	sor.u32 $0xB200, s4  }
0x2ba: {  	[spmem:s2] =	stream.indirect.scatter.add.f32 [tilespmem:s28], [sflag:$0x6], $0x80, s4, s0, $0xb8;
	[tilespmem:$0x1F300] =	vst v63  }
0x2bb: {  	s7 =	sadd.s32 s7, s8;
	s8 =	simm.s32 @!p0 $0xA  }
0x2bc: {  	_ =	swait.ge @!p0 [sflag:s8], $0x4000;
	s7 =	sshll.u32 s7, $0x7  }
0x2bd: {  	[sflag:s8] =	ssyncset.done @!p0 $0x0;
	s7 =	sand.u32 $0x3FFFFF80, s7  }
0x2be: {  	[sflag:s8] =	ssyncadd.s32 @!p0 $0xFFFFC000;
	s7 =	sadd.s32 $0x8000, s7  }
0x2bf: {  	[tilespmem:s11], [sflag:$0x5] =	stream.indirect.gather [hbm4b:s5+s0], $0x80, s7, s0, $0xb8;
	[tilespmem:$0x1F300] =	vst v63  }
0x2c0: {  	s1 =	sxor.u32 $0x200, s1;
	_ =	swait.ge [sflag:s12], $0x4000  }
0x2c1: {  	s1 =	sshrl.u32 s1, $0x2;
	p0 =	seq.s32 s25, $0x5F;
	[sflag:s12] =	ssyncset.done $0x0  }
0x2c2: {  	s1 =	sor.u32 $0xB200, s1;
	s7 =	simm.s32 @p0 $0x3;
	[sflag:s12] =	ssyncadd.s32 $0xFFFFC000  }
0x2c3: {  	[spmem:s2] =	stream.indirect.scatter.add.f32 [tilespmem:s3], [sflag:$0x7], $0x80, s1, s0, $0xb8;
	[tilespmem:$0x1F300] =	vst v63  }
0x2c4: {  	_ =	swait.ge @p0 [sflag:s7], $0x4000  }
0x2c5: {  	[sflag:s7] =	ssyncset.done @p0 $0x0  }
0x2c6: {  	s8 =	simm.s32 @p0 $0x13300;
	[sflag:s7] =	ssyncadd.s32 @p0 $0xFFFFC000;
	s7 =	simm.s32 @p0 $0x80  }
0x2c7: {  	[spmem:s2] =	stream.indirect.scatter.add.f32 @p0 [tilespmem:s8], [sflag:$0x8], $0x80, s4, s7, $0xb8;
	[tilespmem:$0x1F300] =	vst v63  }
0x2c8: {  	s7 =	sadd.s32 @!p0 $0x5, s25  }
0x2c9: {  	s8 =	sand.u32 @!p0 $0x1, s7  }
0x2ca: {  	p1 =	seq.s32 @!p0 s8, $0x1  }
0x2cb: {  	s8 =	simm.s32 @!p0 $0x32;
	p1 =	por !p1, p0  }
0x2cc: {  	s15 =	simm.s32 @!p0 $0x6;
	s7 =	sshrl.u32 @!p0 s7, $0x1;
	s8 =	simm.s32 @p1 $0x0  }
0x2cd: {  	_ =	swait.ge @!p0 [sflag:s15], $0x4000;
	s7 =	sadd.s32 @!p0 s7, s8  }
0x2ce: {  	[sflag:s15] =	ssyncset.done @!p0 $0x0;
	s7 =	sshll.u32 @!p0 s7, $0x7  }
0x2cf: {  	[sflag:s15] =	ssyncadd.s32 @!p0 $0xFFFFC000;
	s7 =	sand.u32 @!p0 $0x3FFFFF80, s7  }
0x2d0: {  	s15 =	simm.s32 @!p0 $0xB300;
	s8 =	simm.s32 @!p0 $0x80;
	s7 =	sadd.s32 @!p0 $0x8000, s7  }
0x2d1: {  	[tilespmem:s15], [sflag:$0x1] =	stream.indirect.gather @!p0 [hbm4b:s5+s8], $0x80, s7, s8, $0xb8;
	[tilespmem:$0x1F300] =	vst v63  }
0x2d2: {  	s7 =	simm.s32 @!p0 $0x3  }
0x2d3: {  	_ =	swait.ge @!p0 [sflag:s7], $0x4000  }
0x2d4: {  	[sflag:s7] =	ssyncset.done @!p0 $0x0  }
0x2d5: {  	[sflag:s7] =	ssyncadd.s32 @!p0 $0xFFFFC000;
	s7 =	simm.s32 @!p0 $0x13300  }
0x2d6: {  	[spmem:s2] =	stream.indirect.scatter.add.f32 @!p0 [tilespmem:s7], [sflag:$0x8], $0x80, s4, s8, $0xb8;
	[tilespmem:$0x1F300] =	vst v63  }
0x2d7: {  	s4 =	sand.u32 @!p0 $0x1, s25  }
0x2d8: {  	p1 =	seq.s32 @!p0 s4, $0x1  }
0x2d9: {  	s7 =	sadd.s32 @!p0 $0x6, s25;
	s4 =	simm.s32 @!p0 $0x32;
	p1 =	por !p1, p0  }
0x2da: {  	s7 =	sshrl.u32 @!p0 s7, $0x1;
	s4 =	simm.s32 @p1 $0x0  }
0x2db: {  	s4 =	sadd.s32 @!p0 s7, s4;
	s7 =	simm.s32 @!p0 $0x7  }
0x2dc: {  	_ =	swait.ge @!p0 [sflag:s7], $0x4000;
	s4 =	sshll.u32 @!p0 s4, $0x7  }
0x2dd: {  	[sflag:s7] =	ssyncset.done @!p0 $0x0;
	s4 =	sand.u32 @!p0 $0x3FFFFF80, s4  }
0x2de: {  	[sflag:s7] =	ssyncadd.s32 @!p0 $0xFFFFC000;
	s4 =	sadd.s32 @!p0 $0x8000, s4;
	s7 =	simm.s32 @!p0 $0xF300  }
0x2df: {  	[tilespmem:s7], [sflag:$0x2] =	stream.indirect.gather @!p0 [hbm4b:s5+s8], $0x80, s4, s8, $0xb8;
	[tilespmem:$0x1F300] =	vst v63  }
.Ltmp14:
0x2e0: {  	_ = 	snop;
	(pc) =	sbr.rel @p0 .LBB2_22-.Ltmp14, $4  }
0x2e1: {  	_ =	swait.ge [sflag:s13], $0x4000  }
0x2e2: {  	[sflag:s13] =	ssyncset.done $0x0  }
0x2e3: {  	[sflag:s13] =	ssyncadd.s32 $0xFFFFC000  }
0x2e4: {  	[spmem:s2] =	stream.indirect.scatter.add.f32 [tilespmem:s9], [sflag:$0x9], $0x80, s1, s0, $0xb8;
	[tilespmem:$0x1F300] =	vst v63  }
0x2e5: {  	s1 =	sadd.s32 $0x7, s25  }
0x2e6: {  	s4 =	sand.u32 $0x1, s1  }
0x2e7: {  	p0 =	seq.s32 s4, $0x1;
	s4 =	simm.s32 $0x32  }
0x2e8: {  	s1 =	sshrl.u32 s1, $0x1;
	s4 =	simm.s32 @!p0 $0x0  }
0x2e9: {  	s1 =	sadd.s32 s1, s4  }
0x2ea: {  	_ =	swait.ge [sflag:s18], $0x4000;
	s1 =	sshll.u32 s1, $0x7  }
0x2eb: {  	[sflag:s18] =	ssyncset.done $0x0;
	s1 =	sand.u32 $0x3FFFFF80, s1  }
0x2ec: {  	[sflag:s18] =	ssyncadd.s32 $0xFFFFC000;
	s1 =	sadd.s32 $0x8000, s1  }
0x2ed: {  	[tilespmem:s6], [sflag:$0x3] =	stream.indirect.gather [hbm4b:s5+s0], $0x80, s1, s0, $0xb8;
	[tilespmem:$0x1F300] =	vst v63  }
0x2ee: {  	s8 =	sshll.u32 s26, $0x7;
	_ =	swait.ge [sflag:s14], $0x4000  }
0x2ef: {  	s15 =	sadd.s32 $0x8, s25;
	p0 =	seq.s32 s26, $0x1;
	[sflag:s14] =	ssyncset.done $0x0  }
0x2f0: {  	s4 =	simm.s32 $0x32;
	s1 =	sor.u32 $0xB200, s8;
	[sflag:s14] =	ssyncadd.s32 $0xFFFFC000  }
0x2f1: {  	[spmem:s2] =	stream.indirect.scatter.add.f32 [tilespmem:s11], [sflag:$0xA], $0x80, s1, s0, $0xb8;
	[tilespmem:$0x1F300] =	vst v63  }
0x2f2: {  	s4 =	simm.s32 @!p0 $0x0;
	s1 =	sshrl.u32 s15, $0x1  }
.Ltmp15:
0x2f3: {  	s1 =	sadd.s32 s1, s4;
	(pc) =	sbr.rel .LBB2_20-.Ltmp15, $4  }
0x2f4: {  	_ =	swait.ge [sflag:s19], $0x4000;
	s1 =	sshll.u32 s1, $0x7  }
0x2f5: {  	s25 =	sadd.s32 $0x5, s25;
	[sflag:s19] =	ssyncset.done $0x0;
	s1 =	sand.u32 $0x3FFFFF80, s1  }
0x2f6: {  	s24 =	sadd.s32 $0x200, s24;
	[sflag:s19] =	ssyncadd.s32 $0xFFFFC000;
	s1 =	sadd.s32 $0x8000, s1  }
0x2f7: {  	[tilespmem:s9], [sflag:$0x4] =	stream.indirect.gather [hbm4b:s5+s0], $0x80, s1, s0, $0xb8;
	[tilespmem:$0x1F300] =	vst v63  }
.LBB2_22:
0x2f8: {  	_ =	swait.ge [sflag:s14], $0x4000  }
0x2f9: {  	[sflag:s14] =	ssyncset.done $0x0  }
0x2fa: {  	s1 =	simm.s32 $0xB280;
	[sflag:s14] =	ssyncadd.s32 $0xFFFFC000  }
0x2fb: {  	[spmem:s2] =	stream.indirect.scatter.add.f32 [tilespmem:s11], [sflag:$0xA], $0x80, s1, s0, $0xb8;
	[tilespmem:$0x1F300] =	vst v63  }
0x2fc: {  	_ =	swait.ge [sflag:s16], $0x4000  }
0x2fd: {  	[sflag:s16] =	ssyncset.done $0x0  }
0x2fe: {  	[sflag:s16] =	ssyncadd.s32 $0xFFFFC000  }
0x2ff: {  	_ =	swait.ge [sflag:s17], $0x4000  }
0x300: {  	[sflag:s17] =	ssyncset.done $0x0  }
0x301: {  	[sflag:s17] =	ssyncadd.s32 $0xFFFFC000  }
0x302: {  	_ =	swait.ge [sflag:s18], $0x4000  }
0x303: {  	[sflag:s18] =	ssyncset.done $0x0  }
0x304: {  	[sflag:s18] =	ssyncadd.s32 $0xFFFFC000  }
0x305: {  	_ =	swait.ge [sflag:s19], $0x4000  }
0x306: {  	[sflag:s19] =	ssyncset.done $0x0  }
0x307: {  	[sflag:s19] =	ssyncadd.s32 $0xFFFFC000  }
0x308: {  	_ =	swait.ge [sflag:s20], $0x4000  }
0x309: {  	[sflag:s20] =	ssyncset.done $0x0  }
0x30a: {  	s24 =	simm.s32 $0x0;
	s8 =	rddreg [dreg:$0x14];
	[sflag:s20] =	ssyncadd.s32 $0xFFFFC000  }
0x30b: {  	[tilespmem:s30], [sflag:$0xB] =	stream.linear.gather [hbm4b:s8+s24], $0x1900, $0x38;
	[tilespmem:$0x1F300] =	vst v63  }
0x30c: {  	_ =	swait.ge [sflag:s29], $0x1900  }
0x30d: {  	[sflag:s29] =	ssyncset.done $0x0  }
0x30e: {  	s15 =	rddreg [dreg:$0x15];
	[sflag:s29] =	ssyncadd.s32 $0xFFFFE700  }
0x30f: {  	[tilespmem:s31], [sflag:$0xB] =	stream.linear.gather [hbm4b:s15+s24], $0x1900, $0x38;
	[tilespmem:$0x1F300] =	vst v63  }
0x310: {  	_ =	swait.ge [sflag:s29], $0x1900  }
0x311: {  	[sflag:s29] =	ssyncset.done $0x0  }
0x312: {  	[sflag:s29] =	ssyncadd.s32 $0xFFFFE700  }
0x313: {  	[tilespmem:s28], [sflag:$0x1] =	stream.indirect.gather [hbm4b:s5+s0], $0x80, s30, s0, $0xb8;
	[tilespmem:$0x1F300] =	vst v63  }
0x314: {  	_ = 	snop  }
0x315: {  	[tilespmem:s3], [sflag:$0x2] =	stream.indirect.gather [hbm4b:s5+s0], $0x80, s31, s0, $0xb8;
	[tilespmem:$0x1F300] =	vst v63  }
0x316: {  	s25 =	simm.s32 $0x8080  }
0x317: {  	[tilespmem:s6], [sflag:$0x3] =	stream.indirect.gather [hbm4b:s5+s0], $0x80, s25, s0, $0xb8;
	[tilespmem:$0x1F300] =	vst v63  }
0x318: {  	s26 =	simm.s32 $0x9980;
	s25 =	simm.s32 $0x0  }
0x319: {  	[tilespmem:s9], [sflag:$0x4] =	stream.indirect.gather [hbm4b:s5+s0], $0x80, s26, s0, $0xb8;
	[tilespmem:$0x1F300] =	vst v63  }
.LBB2_23:
0x31a: {  	_ =	swait.ge [sflag:s10], $0x4000;
	s1 =	sand.u32 $0x200, s24  }
0x31b: {  	s26 =	sand.u32 $0x1, s25;
	s7 =	sadd.s32 $0x4, s25;
	p0 =	seq.s32 s25, $0x0  }
0x31c: {  	[sflag:s10] =	ssyncset.done $0x0;
	s4 =	sshrl.u32 s1, $0x2;
	s8 =	smul.u32 $0x32, s26  }
0x31d: {  	s7 =	sshrl.u32 s7, $0x1;
	[sflag:s10] =	ssyncadd.s32 $0xFFFFC000;
	s4 =	sor.u32 $0xB200, s4  }
0x31e: {  	[spmem:s2] =	stream.indirect.scatter.add.f32 [tilespmem:s28], [sflag:$0x6], $0x80, s4, s0, $0xb8;
	[tilespmem:$0x1F300] =	vst v63  }
0x31f: {  	s7 =	sadd.s32 s7, s8;
	s8 =	simm.s32 @!p0 $0xA  }
0x320: {  	_ =	swait.ge @!p0 [sflag:s8], $0x4000;
	s7 =	sshll.u32 s7, $0x7  }
0x321: {  	[sflag:s8] =	ssyncset.done @!p0 $0x0;
	s7 =	sand.u32 $0x3FFFFF80, s7  }
0x322: {  	[sflag:s8] =	ssyncadd.s32 @!p0 $0xFFFFC000;
	s7 =	sadd.s32 $0x8000, s7  }
0x323: {  	[tilespmem:s11], [sflag:$0x5] =	stream.indirect.gather [hbm4b:s5+s0], $0x80, s7, s0, $0xb8;
	[tilespmem:$0x1F300] =	vst v63  }
0x324: {  	s1 =	sxor.u32 $0x200, s1;
	_ =	swait.ge [sflag:s12], $0x4000  }
0x325: {  	s1 =	sshrl.u32 s1, $0x2;
	p0 =	seq.s32 s25, $0x5F;
	[sflag:s12] =	ssyncset.done $0x0  }
0x326: {  	s1 =	sor.u32 $0xB200, s1;
	s7 =	simm.s32 @p0 $0x3;
	[sflag:s12] =	ssyncadd.s32 $0xFFFFC000  }
0x327: {  	[spmem:s2] =	stream.indirect.scatter.add.f32 [tilespmem:s3], [sflag:$0x7], $0x80, s1, s0, $0xb8;
	[tilespmem:$0x1F300] =	vst v63  }
0x328: {  	_ =	swait.ge @p0 [sflag:s7], $0x4000  }
0x329: {  	[sflag:s7] =	ssyncset.done @p0 $0x0  }
0x32a: {  	s8 =	simm.s32 @p0 $0x13300;
	[sflag:s7] =	ssyncadd.s32 @p0 $0xFFFFC000;
	s7 =	simm.s32 @p0 $0x80  }
0x32b: {  	[spmem:s2] =	stream.indirect.scatter.add.f32 @p0 [tilespmem:s8], [sflag:$0x8], $0x80, s4, s7, $0xb8;
	[tilespmem:$0x1F300] =	vst v63  }
0x32c: {  	s7 =	sadd.s32 @!p0 $0x5, s25  }
0x32d: {  	s8 =	sand.u32 @!p0 $0x1, s7  }
0x32e: {  	p1 =	seq.s32 @!p0 s8, $0x1  }
0x32f: {  	s8 =	simm.s32 @!p0 $0x32;
	p1 =	por !p1, p0  }
0x330: {  	s15 =	simm.s32 @!p0 $0x6;
	s7 =	sshrl.u32 @!p0 s7, $0x1;
	s8 =	simm.s32 @p1 $0x0  }
0x331: {  	_ =	swait.ge @!p0 [sflag:s15], $0x4000;
	s7 =	sadd.s32 @!p0 s7, s8  }
0x332: {  	[sflag:s15] =	ssyncset.done @!p0 $0x0;
	s7 =	sshll.u32 @!p0 s7, $0x7  }
0x333: {  	[sflag:s15] =	ssyncadd.s32 @!p0 $0xFFFFC000;
	s7 =	sand.u32 @!p0 $0x3FFFFF80, s7  }
0x334: {  	s15 =	simm.s32 @!p0 $0xB300;
	s8 =	simm.s32 @!p0 $0x80;
	s7 =	sadd.s32 @!p0 $0x8000, s7  }
0x335: {  	[tilespmem:s15], [sflag:$0x1] =	stream.indirect.gather @!p0 [hbm4b:s5+s8], $0x80, s7, s8, $0xb8;
	[tilespmem:$0x1F300] =	vst v63  }
0x336: {  	s7 =	simm.s32 @!p0 $0x3  }
0x337: {  	_ =	swait.ge @!p0 [sflag:s7], $0x4000  }
0x338: {  	[sflag:s7] =	ssyncset.done @!p0 $0x0  }
0x339: {  	[sflag:s7] =	ssyncadd.s32 @!p0 $0xFFFFC000;
	s7 =	simm.s32 @!p0 $0x13300  }
0x33a: {  	[spmem:s2] =	stream.indirect.scatter.add.f32 @!p0 [tilespmem:s7], [sflag:$0x8], $0x80, s4, s8, $0xb8;
	[tilespmem:$0x1F300] =	vst v63  }
0x33b: {  	s4 =	sand.u32 @!p0 $0x1, s25  }
0x33c: {  	p1 =	seq.s32 @!p0 s4, $0x1  }
0x33d: {  	s7 =	sadd.s32 @!p0 $0x6, s25;
	s4 =	simm.s32 @!p0 $0x32;
	p1 =	por !p1, p0  }
0x33e: {  	s7 =	sshrl.u32 @!p0 s7, $0x1;
	s4 =	simm.s32 @p1 $0x0  }
0x33f: {  	s4 =	sadd.s32 @!p0 s7, s4;
	s7 =	simm.s32 @!p0 $0x7  }
0x340: {  	_ =	swait.ge @!p0 [sflag:s7], $0x4000;
	s4 =	sshll.u32 @!p0 s4, $0x7  }
0x341: {  	[sflag:s7] =	ssyncset.done @!p0 $0x0;
	s4 =	sand.u32 @!p0 $0x3FFFFF80, s4  }
0x342: {  	[sflag:s7] =	ssyncadd.s32 @!p0 $0xFFFFC000;
	s4 =	sadd.s32 @!p0 $0x8000, s4;
	s7 =	simm.s32 @!p0 $0xF300  }
0x343: {  	[tilespmem:s7], [sflag:$0x2] =	stream.indirect.gather @!p0 [hbm4b:s5+s8], $0x80, s4, s8, $0xb8;
	[tilespmem:$0x1F300] =	vst v63  }
.Ltmp16:
0x344: {  	_ = 	snop;
	(pc) =	sbr.rel @p0 .LBB2_25-.Ltmp16, $4  }
0x345: {  	_ =	swait.ge [sflag:s13], $0x4000  }
0x346: {  	[sflag:s13] =	ssyncset.done $0x0  }
0x347: {  	[sflag:s13] =	ssyncadd.s32 $0xFFFFC000  }
0x348: {  	[spmem:s2] =	stream.indirect.scatter.add.f32 [tilespmem:s9], [sflag:$0x9], $0x80, s1, s0, $0xb8;
	[tilespmem:$0x1F300] =	vst v63  }
0x349: {  	s1 =	sadd.s32 $0x7, s25  }
0x34a: {  	s4 =	sand.u32 $0x1, s1  }
0x34b: {  	p0 =	seq.s32 s4, $0x1;
	s4 =	simm.s32 $0x32  }
0x34c: {  	s1 =	sshrl.u32 s1, $0x1;
	s4 =	simm.s32 @!p0 $0x0  }
0x34d: {  	s1 =	sadd.s32 s1, s4  }
0x34e: {  	_ =	swait.ge [sflag:s18], $0x4000;
	s1 =	sshll.u32 s1, $0x7  }
0x34f: {  	[sflag:s18] =	ssyncset.done $0x0;
	s1 =	sand.u32 $0x3FFFFF80, s1  }
0x350: {  	[sflag:s18] =	ssyncadd.s32 $0xFFFFC000;
	s1 =	sadd.s32 $0x8000, s1  }
0x351: {  	[tilespmem:s6], [sflag:$0x3] =	stream.indirect.gather [hbm4b:s5+s0], $0x80, s1, s0, $0xb8;
	[tilespmem:$0x1F300] =	vst v63  }
0x352: {  	s8 =	sshll.u32 s26, $0x7;
	_ =	swait.ge [sflag:s14], $0x4000  }
0x353: {  	s15 =	sadd.s32 $0x8, s25;
	p0 =	seq.s32 s26, $0x1;
	[sflag:s14] =	ssyncset.done $0x0  }
0x354: {  	s4 =	simm.s32 $0x32;
	s1 =	sor.u32 $0xB200, s8;
	[sflag:s14] =	ssyncadd.s32 $0xFFFFC000  }
0x355: {  	[spmem:s2] =	stream.indirect.scatter.add.f32 [tilespmem:s11], [sflag:$0xA], $0x80, s1, s0, $0xb8;
	[tilespmem:$0x1F300] =	vst v63  }
0x356: {  	s4 =	simm.s32 @!p0 $0x0;
	s1 =	sshrl.u32 s15, $0x1  }
.Ltmp17:
0x357: {  	s1 =	sadd.s32 s1, s4;
	(pc) =	sbr.rel .LBB2_23-.Ltmp17, $4  }
0x358: {  	_ =	swait.ge [sflag:s19], $0x4000;
	s1 =	sshll.u32 s1, $0x7  }
0x359: {  	s25 =	sadd.s32 $0x5, s25;
	[sflag:s19] =	ssyncset.done $0x0;
	s1 =	sand.u32 $0x3FFFFF80, s1  }
0x35a: {  	s24 =	sadd.s32 $0x200, s24;
	[sflag:s19] =	ssyncadd.s32 $0xFFFFC000;
	s1 =	sadd.s32 $0x8000, s1  }
0x35b: {  	[tilespmem:s9], [sflag:$0x4] =	stream.indirect.gather [hbm4b:s5+s0], $0x80, s1, s0, $0xb8;
	[tilespmem:$0x1F300] =	vst v63  }
.LBB2_26:
0x35c: {  	_ =	sfence.sel $0x180000  }
0x35d: {  	[bflag:$0x0] =	sbarrier.arrive $0xFFFF  }
0x35e: {  	_ =	strace $0x90000047  }
0x35f: {  	s0 =	stileid.u32;
	[bflag:$0x2] =	sbarrier.arrive $0xFFFF  }
0x360: {  	p0 =	sne.s32 s0, $0x0;
	s0 =	rddreg [dreg:$0x3]  }
0x361: {  	s0 =	sadd.s32 @!p0 $0x100000, s0  }
0x362: {  	[sflag:s0] =	ssyncadd.tile.s32 @!p0 $0x1;
	_ =	shalt  }
.Lfunc_end2:
_tile_overlayer_lowered:
.L_overlay_start_2:
0x363: {  	(tag) =	ssettag $0x2  }
0x364: {  	s0 =	rddreg [dreg:$0x0];
	s2 =	stileid.u32  }
0x365: {  	s1 =	rddreg [dreg:$0x1];
	p0 =	sne.s32 s2, $0x0  }
0x366: {  	s3 =	rddreg [dreg:$0x2];
	[bflag:$0x3] =	sbarrier.arrive $0xFFFF;
	s2 =	simm.s32 @!p0 $0x1C0B  }
0x367: {  	[timem:s3], [sflag:s2] =	dma.local @!p0 [hbm:s0], s1  }
0x368: {  	s0 =	simm.s32 @!p0 $0xB  }
0x369: {  	_ =	swait.ge @!p0 [sflag:s0], s1  }
0x36a: {  	s1 =	ssub.s32 @!p0 $0x0, s1;
	[sflag:s0] =	ssyncset.done @!p0 $0x0  }
0x36b: {  	[sflag:s0] =	ssyncadd.s32 @!p0 s1  }
0x36c: {  	[bflag:$0x3] =	sbarrier.arrive $0xFFFF  }
0x36d: {  	_ =	shalt  }

</sc_bundles>
